<compile_context>
chip_gen: v7x
topology: tpu7x:2x2x1
jax: 0.10.2.dev20260603
libtpu: 0.0.44.dev20260713+nightly
codegen_flags: <defaults>
</compile_context>

<pallas_src>
import jax
import jax.numpy as jnp
from jax import lax
from jax.experimental import pallas as pl
from jax.experimental.pallas import tpu as pltpu
from jax.experimental.pallas import tpu_sc as plsc

_NC = 2
_NS = 16
_NW = _NC * _NS

_BATCH = 16384
_B_PER_W = _BATCH // _NW
_CHUNK = 64
_NCHUNK = _B_PER_W // _CHUNK
_NBUF = 6
_LANES = 16

_NROWS = 100000
_FEATS_PER_W = 2
_FCHUNK = 4096
_NFCHUNK = _BATCH // _FCHUNK
_UNROLL = 16


def _fc_phase(c_t_hbm, idx_hbm, fc_t_hbm, wid):
    def body(row_buf, idx_all, out0, out1, rsem, osem):
        pltpu.async_copy(c_t_hbm.at[wid * _FEATS_PER_W], row_buf, rsem)
        pltpu.sync_copy(idx_hbm, idx_all)
        out_bufs = (out0, out1)
        for f in range(_FEATS_PER_W):
            d = wid * _FEATS_PER_W + f
            pltpu.make_async_copy(c_t_hbm.at[d], row_buf, rsem).wait()
            outs = [None, None]
            for c in range(_NFCHUNK):
                p = c % 2
                if outs[p] is not None:
                    outs[p].wait()

                def groups(g8, carry):
                    for u in range(_UNROLL):
                        off = g8 * (_UNROLL * _LANES) + u * _LANES
                        vec = idx_all[pl.ds(c * _FCHUNK + off, _LANES)]
                        vals = plsc.load_gather(row_buf, [vec])
                        out_bufs[p][pl.ds(off, _LANES)] = vals
                    return carry

                lax.fori_loop(0, _FCHUNK // (_LANES * _UNROLL), groups, 0)
                outs[p] = pltpu.async_copy(
                    out_bufs[p],
                    fc_t_hbm.at[d, pl.ds(c * _FCHUNK, _FCHUNK)], osem)
            if f + 1 < _FEATS_PER_W:
                pltpu.async_copy(c_t_hbm.at[d + 1], row_buf, rsem)
            outs[0].wait()
            outs[1].wait()

    pl.run_scoped(
        body,
        pltpu.VMEM((_NROWS,), jnp.float32),
        pltpu.VMEM((_BATCH,), jnp.int32),
        pltpu.VMEM((_FCHUNK,), jnp.float32),
        pltpu.VMEM((_FCHUNK,), jnp.float32),
        pltpu.SemaphoreType.DMA,
        pltpu.SemaphoreType.DMA,
    )


def _wide_phase(a_hbm, s_hbm, idx_hbm, fa_hbm, fs_hbm, wid):
    base = wid * _B_PER_W

    def body(idx_v, wide_bufs, gsem, osem):
        pltpu.sync_copy(idx_hbm.at[pl.ds(base, _B_PER_W)], idx_v)
        jobs = []
        for j in range(_NCHUNK):
            jobs.append((a_hbm, fa_hbm, j * _CHUNK))
            jobs.append((s_hbm, fs_hbm, j * _CHUNK))

        def start_gather(k, p):
            tbl, _, off = jobs[k]
            return pltpu.async_copy(
                tbl.at[idx_v.at[pl.ds(off, _CHUNK)]], wide_bufs.at[p], gsem)

        gathers = [None] * _NBUF
        outs = [None] * _NBUF
        for k in range(_NBUF):
            gathers[k] = start_gather(k, k)
        njobs = len(jobs)
        for k in range(njobs):
            p = k % _NBUF
            gathers[p].wait()
            _, out_hbm, off = jobs[k]
            outs[p] = pltpu.async_copy(
                wide_bufs.at[p], out_hbm.at[pl.ds(base + off, _CHUNK)], osem)
            if k + _NBUF < njobs:
                outs[p].wait()
                gathers[p] = start_gather(k + _NBUF, p)
                outs[p] = None
        for p in range(_NBUF):
            if outs[p] is not None:
                outs[p].wait()

    pl.run_scoped(
        body,
        pltpu.VMEM((_B_PER_W,), jnp.int32),
        pltpu.VMEM((_NBUF, _CHUNK, 256), jnp.float32),
        pltpu.SemaphoreType.DMA,
        pltpu.SemaphoreType.DMA,
    )


def _sc_gather(c_t_hbm, a_hbm, s_hbm, idx_hbm,
               fc_t_hbm, fa_hbm, fs_hbm):
    wid = lax.axis_index("s") * _NC + lax.axis_index("c")
    _fc_phase(c_t_hbm, idx_hbm, fc_t_hbm, wid)
    _wide_phase(a_hbm, s_hbm, idx_hbm, fa_hbm, fs_hbm, wid)


def _fclass_body(fct_ref, w_ref, b_ref, out_ref):
    out_ref[...] = lax.dot_general(
        w_ref[...], fct_ref[...],
        dimension_numbers=(((1,), (0,)), ((), ())),
        preferred_element_type=jnp.float32) + b_ref[...]


@jax.jit
def kernel(c_latent, a_latent, s_latent, W, b, sample_index):
    fa_dim = a_latent.shape[1]
    fs_dim = s_latent.shape[1]
    ncat = W.shape[0]
    idx = sample_index.astype(jnp.int32)
    c_t = c_latent.T

    mesh = plsc.VectorSubcoreMesh(core_axis_name="c", subcore_axis_name="s")
    sc_call = pl.kernel(
        _sc_gather,
        out_type=(
            jax.ShapeDtypeStruct((c_t.shape[0], _BATCH), jnp.float32),
            jax.ShapeDtypeStruct((_BATCH, fa_dim), jnp.float32),
            jax.ShapeDtypeStruct((_BATCH, fs_dim), jnp.float32),
        ),
        mesh=mesh,
        scratch_types=[],
        compiler_params=pltpu.CompilerParams(needs_layout_passes=False),
    )
    fc_t, fa, fs = sc_call(c_t, a_latent, s_latent, idx)

    fclass_t = pl.pallas_call(
        _fclass_body,
        out_shape=jax.ShapeDtypeStruct((ncat, _BATCH), jnp.float32),
    )(fc_t, W, b.reshape(ncat, 1))

    return (fc_t.T, fa, fs, fclass_t.T)

# --- scband reference (transcript-rebuilt; emitter-appended) ---
"""Pipeline reference for scband-latent-layer-6373731467954 (READ-ONLY COPY).

The authoritative reference and input builder live on the scoring server;
editing this copy changes nothing except your own understanding.
"""

import jax, jax.numpy as jnp
import numpy as np

NUM_SAMPLES = 100000
FC_DIM = 64
FA_DIM = 256
FS_DIM = 256
NUM_CATEGORY = 13
BATCH = 16384

def _xavier(key, shape):
    fan_in, fan_out = shape[0], shape[1]
    std = float(np.sqrt(2.0 / (fan_in + fan_out)))
    return jax.random.normal(key, shape, dtype=jnp.float32) * std

def setup_inputs(seed: int = 0) -> dict:
    key = jax.random.key(seed)
    k1, k2, k3, k4, k5 = jax.random.split(key, 5)
    c_latent = _xavier(k1, (NUM_SAMPLES, FC_DIM))
    a_latent = _xavier(k2, (NUM_SAMPLES, FA_DIM))
    s_latent = _xavier(k3, (NUM_SAMPLES, FS_DIM))
    W = jax.random.normal(k4, (NUM_CATEGORY, FC_DIM), dtype=jnp.float32) * 0.02
    b = jnp.zeros((NUM_CATEGORY,), dtype=jnp.float32)
    sample_index = jax.random.randint(k5, (BATCH,), 0, NUM_SAMPLES, dtype=jnp.int64 if jax.config.jax_enable_x64 else jnp.int32)
    return {"c_latent": c_latent, "a_latent": a_latent, "s_latent": s_latent, "W": W, "b": b, "sample_index": sample_index}

def reference(c_latent, a_latent, s_latent, W, b, sample_index):
    fc = jnp.take(c_latent, sample_index, axis=0)
    fa = jnp.take(a_latent, sample_index, axis=0)
    fs = jnp.take(s_latent, sample_index, axis=0)
    fclass = fc @ W.T + b
    return (fc, fa, fs, fclass)

if __name__ == "__main__":
    import jax
    _d = setup_inputs()
    print(jax.jit(kernel)(*tuple(_d.values())))

</pallas_src>

<mosaic_0001>
#map = affine_map<(d0, d1) -> (0, 0)>
#map1 = affine_map<(d0, d1) -> (0)>
module attributes {stable_mosaic.version = 14 : i64} {
  func.func @_sc_gather(%arg0: i32, %arg1: i32, %arg2: memref<64x100000xf32, #tpu.memory_space<hbm>>, %arg3: memref<100000x256xf32, #tpu.memory_space<hbm>>, %arg4: memref<100000x256xf32, #tpu.memory_space<hbm>>, %arg5: memref<16384xi32, #tpu.memory_space<hbm>>, %arg6: memref<64x16384xf32, #tpu.memory_space<hbm>>, %arg7: memref<16384x256xf32, #tpu.memory_space<hbm>>, %arg8: memref<16384x256xf32, #tpu.memory_space<hbm>>) attributes {dimension_semantics = [#tpu.dimension_semantics<core_parallel>, #tpu.dimension_semantics<subcore_parallel>], iteration_bounds = array<i64: 2, 16>, scalar_prefetch = 0 : i64, scratch_operands = 0 : i64, tpu.core_type = #tpu.core_type<sc_vector_subcore>, window_params = [{transform_indices = #map}, {transform_indices = #map}, {transform_indices = #map}, {transform_indices = #map1}, {transform_indices = #map}, {transform_indices = #map}, {transform_indices = #map}]} {
    %mul3A = arith.constant 2 : i32
    %mul3A_0 = arith.muli %arg1, %mul3A : i32
    %add3A = arith.addi %mul3A_0, %arg0 : i32
    "tpu.region"() ({
      %run_scoped3A = memref.alloca() : memref<100000xf32, #tpu.memory_space<vmem>>
      %run_scoped3A_3 = memref.alloca() : memref<16384xi32, #tpu.memory_space<vmem>>
      %run_scoped3A_4 = memref.alloca() : memref<4096xf32, #tpu.memory_space<vmem>>
      %run_scoped3A_5 = memref.alloca() : memref<4096xf32, #tpu.memory_space<vmem>>
      %run_scoped3A_6 = tpu.sem_alloc : memref<!tpu.dma_semaphore, #tpu.memory_space<semaphore_mem>>
      %run_scoped3A_7 = tpu.sem_alloc : memref<!tpu.dma_semaphore, #tpu.memory_space<semaphore_mem>>
      %mul3A_8 = arith.constant 2 : i32
      %mul3A_9 = arith.muli %add3A, %mul3A_8 : i32
      %dma_start3A = arith.constant 0 : i32
      %dma_start3A_10 = tpu.memref_slice %arg2[%mul3A_9, %dma_start3A] : memref<64x100000xf32, #tpu.memory_space<hbm>> -> memref<1x100000xf32, #tpu.memory_space<hbm>>
      %dma_start3A_11 = tpu.memref_squeeze %dma_start3A_10 : memref<1x100000xf32, #tpu.memory_space<hbm>> -> memref<100000xf32, #tpu.memory_space<hbm>>
      %dma_start3A_12 = arith.constant 0 : i32
      %dma_start3A_13 = tpu.memref_slice %arg2[%mul3A_9, %dma_start3A_12] : memref<64x100000xf32, #tpu.memory_space<hbm>> -> memref<1x100000xf32, #tpu.memory_space<hbm>>
      %dma_start3A_14 = tpu.memref_squeeze %dma_start3A_13 : memref<1x100000xf32, #tpu.memory_space<hbm>> -> memref<100000xf32, #tpu.memory_space<hbm>>
      tpu.enqueue_dma source(%dma_start3A_14 : memref<100000xf32, #tpu.memory_space<hbm>>) target(%run_scoped3A : memref<100000xf32, #tpu.memory_space<vmem>>) target_semaphore(%run_scoped3A_6 : memref<!tpu.dma_semaphore, #tpu.memory_space<semaphore_mem>>)
      "tpu.region"() ({
        %run_scoped3A_185 = tpu.sem_alloc : memref<!tpu.dma_semaphore, #tpu.memory_space<semaphore_mem>>
        tpu.enqueue_dma source(%arg5 : memref<16384xi32, #tpu.memory_space<hbm>>) target(%run_scoped3A_3 : memref<16384xi32, #tpu.memory_space<vmem>>) target_semaphore(%run_scoped3A_185 : memref<!tpu.dma_semaphore, #tpu.memory_space<semaphore_mem>>)
        tpu.wait_dma2 semaphore(%run_scoped3A_185 : memref<!tpu.dma_semaphore, #tpu.memory_space<semaphore_mem>>) src(%arg5 : memref<16384xi32, #tpu.memory_space<hbm>>) dst(%run_scoped3A_3 : memref<16384xi32, #tpu.memory_space<vmem>>)
        tpu.yield
      }) : () -> ()
      %mul3A_15 = arith.constant 2 : i32
      %mul3A_16 = arith.muli %add3A, %mul3A_15 : i32
      %add3A_17 = arith.constant 0 : i32
      %add3A_18 = arith.addi %mul3A_16, %add3A_17 : i32
      %dma_wait3A = arith.constant 0 : i32
      %dma_wait3A_19 = tpu.memref_slice %arg2[%add3A_18, %dma_wait3A] : memref<64x100000xf32, #tpu.memory_space<hbm>> -> memref<1x100000xf32, #tpu.memory_space<hbm>>
      %dma_wait3A_20 = tpu.memref_squeeze %dma_wait3A_19 : memref<1x100000xf32, #tpu.memory_space<hbm>> -> memref<100000xf32, #tpu.memory_space<hbm>>
      %dma_wait3A_21 = arith.constant 0 : i32
      %dma_wait3A_22 = tpu.memref_slice %arg2[%add3A_18, %dma_wait3A_21] : memref<64x100000xf32, #tpu.memory_space<hbm>> -> memref<1x100000xf32, #tpu.memory_space<hbm>>
      %dma_wait3A_23 = tpu.memref_squeeze %dma_wait3A_22 : memref<1x100000xf32, #tpu.memory_space<hbm>> -> memref<100000xf32, #tpu.memory_space<hbm>>
      tpu.wait_dma2 semaphore(%run_scoped3A_6 : memref<!tpu.dma_semaphore, #tpu.memory_space<semaphore_mem>>) src(%dma_wait3A_23 : memref<100000xf32, #tpu.memory_space<hbm>>) dst(%run_scoped3A : memref<100000xf32, #tpu.memory_space<vmem>>)
      %scan3A = arith.constant 0 : i32
      %scan3A_24 = arith.constant 0 : i32
      %scan3A_25 = arith.constant 16 : i32
      %scan3A_26 = arith.addi %scan3A_24, %scan3A_25 : i32
      %scan3A_27 = arith.constant 1 : i32
      scf.for %scan3A_185 = %scan3A_24 to %scan3A_26 step %scan3A_27  : i32 {
        %mul3A_186 = arith.constant 256 : i32
        %mul3A_187 = arith.muli %scan3A_185, %mul3A_186 : i32
        %add3A_188 = arith.constant 0 : i32
        %add3A_189 = arith.addi %mul3A_187, %add3A_188 : i32
        %add3A_190 = arith.constant 0 : i32
        %add3A_191 = arith.addi %add3A_190, %add3A_189 : i32
        %get3A = arith.index_cast %add3A_191 : i32 to index
        %get3A_192 = tpu.vector_load %run_scoped3A_3[%get3A] {strides = array<i32>} : memref<16384xi32, #tpu.memory_space<vmem>>, vector<16xi32>,
        %gather3A = tpu.vector_load_idx %run_scoped3A[%get3A_192] : memref<100000xf32, #tpu.memory_space<vmem>>[vector<16xi32>], vector<16xf32>,
        %swap3A = arith.index_cast %add3A_189 : i32 to index
        %swap3A_193 = tpu.vector_load %run_scoped3A_4[%swap3A] {strides = array<i32>} : memref<4096xf32, #tpu.memory_space<vmem>>, vector<16xf32>,
        tpu.vector_store %run_scoped3A_4[%swap3A], %gather3A {strides = array<i32>} : memref<4096xf32, #tpu.memory_space<vmem>>, vector<16xf32>,
        %mul3A_194 = arith.constant 256 : i32
        %mul3A_195 = arith.muli %scan3A_185, %mul3A_194 : i32
        %add3A_196 = arith.constant 16 : i32
        %add3A_197 = arith.addi %mul3A_195, %add3A_196 : i32
        %add3A_198 = arith.constant 0 : i32
        %add3A_199 = arith.addi %add3A_198, %add3A_197 : i32
        %get3A_200 = arith.index_cast %add3A_199 : i32 to index
        %get3A_201 = tpu.vector_load %run_scoped3A_3[%get3A_200] {strides = array<i32>} : memref<16384xi32, #tpu.memory_space<vmem>>, vector<16xi32>,
        %gather3A_202 = tpu.vector_load_idx %run_scoped3A[%get3A_201] : memref<100000xf32, #tpu.memory_space<vmem>>[vector<16xi32>], vector<16xf32>,
        %swap3A_203 = arith.index_cast %add3A_197 : i32 to index
        %swap3A_204 = tpu.vector_load %run_scoped3A_4[%swap3A_203] {strides = array<i32>} : memref<4096xf32, #tpu.memory_space<vmem>>, vector<16xf32>,
        tpu.vector_store %run_scoped3A_4[%swap3A_203], %gather3A_202 {strides = array<i32>} : memref<4096xf32, #tpu.memory_space<vmem>>, vector<16xf32>,
        %mul3A_205 = arith.constant 256 : i32
        %mul3A_206 = arith.muli %scan3A_185, %mul3A_205 : i32
        %add3A_207 = arith.constant 32 : i32
        %add3A_208 = arith.addi %mul3A_206, %add3A_207 : i32
        %add3A_209 = arith.constant 0 : i32
        %add3A_210 = arith.addi %add3A_209, %add3A_208 : i32
        %get3A_211 = arith.index_cast %add3A_210 : i32 to index
        %get3A_212 = tpu.vector_load %run_scoped3A_3[%get3A_211] {strides = array<i32>} : memref<16384xi32, #tpu.memory_space<vmem>>, vector<16xi32>,
        %gather3A_213 = tpu.vector_load_idx %run_scoped3A[%get3A_212] : memref<100000xf32, #tpu.memory_space<vmem>>[vector<16xi32>], vector<16xf32>,
        %swap3A_214 = arith.index_cast %add3A_208 : i32 to index
        %swap3A_215 = tpu.vector_load %run_scoped3A_4[%swap3A_214] {strides = array<i32>} : memref<4096xf32, #tpu.memory_space<vmem>>, vector<16xf32>,
        tpu.vector_store %run_scoped3A_4[%swap3A_214], %gather3A_213 {strides = array<i32>} : memref<4096xf32, #tpu.memory_space<vmem>>, vector<16xf32>,
        %mul3A_216 = arith.constant 256 : i32
        %mul3A_217 = arith.muli %scan3A_185, %mul3A_216 : i32
        %add3A_218 = arith.constant 48 : i32
        %add3A_219 = arith.addi %mul3A_217, %add3A_218 : i32
        %add3A_220 = arith.constant 0 : i32
        %add3A_221 = arith.addi %add3A_220, %add3A_219 : i32
        %get3A_222 = arith.index_cast %add3A_221 : i32 to index
        %get3A_223 = tpu.vector_load %run_scoped3A_3[%get3A_222] {strides = array<i32>} : memref<16384xi32, #tpu.memory_space<vmem>>, vector<16xi32>,
        %gather3A_224 = tpu.vector_load_idx %run_scoped3A[%get3A_223] : memref<100000xf32, #tpu.memory_space<vmem>>[vector<16xi32>], vector<16xf32>,
        %swap3A_225 = arith.index_cast %add3A_219 : i32 to index
        %swap3A_226 = tpu.vector_load %run_scoped3A_4[%swap3A_225] {strides = array<i32>} : memref<4096xf32, #tpu.memory_space<vmem>>, vector<16xf32>,
        tpu.vector_store %run_scoped3A_4[%swap3A_225], %gather3A_224 {strides = array<i32>} : memref<4096xf32, #tpu.memory_space<vmem>>, vector<16xf32>,
        %mul3A_227 = arith.constant 256 : i32
        %mul3A_228 = arith.muli %scan3A_185, %mul3A_227 : i32
        %add3A_229 = arith.constant 64 : i32
        %add3A_230 = arith.addi %mul3A_228, %add3A_229 : i32
        %add3A_231 = arith.constant 0 : i32
        %add3A_232 = arith.addi %add3A_231, %add3A_230 : i32
        %get3A_233 = arith.index_cast %add3A_232 : i32 to index
        %get3A_234 = tpu.vector_load %run_scoped3A_3[%get3A_233] {strides = array<i32>} : memref<16384xi32, #tpu.memory_space<vmem>>, vector<16xi32>,
        %gather3A_235 = tpu.vector_load_idx %run_scoped3A[%get3A_234] : memref<100000xf32, #tpu.memory_space<vmem>>[vector<16xi32>], vector<16xf32>,
        %swap3A_236 = arith.index_cast %add3A_230 : i32 to index
        %swap3A_237 = tpu.vector_load %run_scoped3A_4[%swap3A_236] {strides = array<i32>} : memref<4096xf32, #tpu.memory_space<vmem>>, vector<16xf32>,
        tpu.vector_store %run_scoped3A_4[%swap3A_236], %gather3A_235 {strides = array<i32>} : memref<4096xf32, #tpu.memory_space<vmem>>, vector<16xf32>,
        %mul3A_238 = arith.constant 256 : i32
        %mul3A_239 = arith.muli %scan3A_185, %mul3A_238 : i32
        %add3A_240 = arith.constant 80 : i32
        %add3A_241 = arith.addi %mul3A_239, %add3A_240 : i32
        %add3A_242 = arith.constant 0 : i32
        %add3A_243 = arith.addi %add3A_242, %add3A_241 : i32
        %get3A_244 = arith.index_cast %add3A_243 : i32 to index
        %get3A_245 = tpu.vector_load %run_scoped3A_3[%get3A_244] {strides = array<i32>} : memref<16384xi32, #tpu.memory_space<vmem>>, vector<16xi32>,
        %gather3A_246 = tpu.vector_load_idx %run_scoped3A[%get3A_245] : memref<100000xf32, #tpu.memory_space<vmem>>[vector<16xi32>], vector<16xf32>,
        %swap3A_247 = arith.index_cast %add3A_241 : i32 to index
        %swap3A_248 = tpu.vector_load %run_scoped3A_4[%swap3A_247] {strides = array<i32>} : memref<4096xf32, #tpu.memory_space<vmem>>, vector<16xf32>,
        tpu.vector_store %run_scoped3A_4[%swap3A_247], %gather3A_246 {strides = array<i32>} : memref<4096xf32, #tpu.memory_space<vmem>>, vector<16xf32>,
        %mul3A_249 = arith.constant 256 : i32
        %mul3A_250 = arith.muli %scan3A_185, %mul3A_249 : i32
        %add3A_251 = arith.constant 96 : i32
        %add3A_252 = arith.addi %mul3A_250, %add3A_251 : i32
        %add3A_253 = arith.constant 0 : i32
        %add3A_254 = arith.addi %add3A_253, %add3A_252 : i32
        %get3A_255 = arith.index_cast %add3A_254 : i32 to index
        %get3A_256 = tpu.vector_load %run_scoped3A_3[%get3A_255] {strides = array<i32>} : memref<16384xi32, #tpu.memory_space<vmem>>, vector<16xi32>,
        %gather3A_257 = tpu.vector_load_idx %run_scoped3A[%get3A_256] : memref<100000xf32, #tpu.memory_space<vmem>>[vector<16xi32>], vector<16xf32>,
        %swap3A_258 = arith.index_cast %add3A_252 : i32 to index
        %swap3A_259 = tpu.vector_load %run_scoped3A_4[%swap3A_258] {strides = array<i32>} : memref<4096xf32, #tpu.memory_space<vmem>>, vector<16xf32>,
        tpu.vector_store %run_scoped3A_4[%swap3A_258], %gather3A_257 {strides = array<i32>} : memref<4096xf32, #tpu.memory_space<vmem>>, vector<16xf32>,
        %mul3A_260 = arith.constant 256 : i32
        %mul3A_261 = arith.muli %scan3A_185, %mul3A_260 : i32
        %add3A_262 = arith.constant 112 : i32
        %add3A_263 = arith.addi %mul3A_261, %add3A_262 : i32
        %add3A_264 = arith.constant 0 : i32
        %add3A_265 = arith.addi %add3A_264, %add3A_263 : i32
        %get3A_266 = arith.index_cast %add3A_265 : i32 to index
        %get3A_267 = tpu.vector_load %run_scoped3A_3[%get3A_266] {strides = array<i32>} : memref<16384xi32, #tpu.memory_space<vmem>>, vector<16xi32>,
        %gather3A_268 = tpu.vector_load_idx %run_scoped3A[%get3A_267] : memref<100000xf32, #tpu.memory_space<vmem>>[vector<16xi32>], vector<16xf32>,
        %swap3A_269 = arith.index_cast %add3A_263 : i32 to index
        %swap3A_270 = tpu.vector_load %run_scoped3A_4[%swap3A_269] {strides = array<i32>} : memref<4096xf32, #tpu.memory_space<vmem>>, vector<16xf32>,
        tpu.vector_store %run_scoped3A_4[%swap3A_269], %gather3A_268 {strides = array<i32>} : memref<4096xf32, #tpu.memory_space<vmem>>, vector<16xf32>,
        %mul3A_271 = arith.constant 256 : i32
        %mul3A_272 = arith.muli %scan3A_185, %mul3A_271 : i32
        %add3A_273 = arith.constant 128 : i32
        %add3A_274 = arith.addi %mul3A_272, %add3A_273 : i32
        %add3A_275 = arith.constant 0 : i32
        %add3A_276 = arith.addi %add3A_275, %add3A_274 : i32
        %get3A_277 = arith.index_cast %add3A_276 : i32 to index
        %get3A_278 = tpu.vector_load %run_scoped3A_3[%get3A_277] {strides = array<i32>} : memref<16384xi32, #tpu.memory_space<vmem>>, vector<16xi32>,
        %gather3A_279 = tpu.vector_load_idx %run_scoped3A[%get3A_278] : memref<100000xf32, #tpu.memory_space<vmem>>[vector<16xi32>], vector<16xf32>,
        %swap3A_280 = arith.index_cast %add3A_274 : i32 to index
        %swap3A_281 = tpu.vector_load %run_scoped3A_4[%swap3A_280] {strides = array<i32>} : memref<4096xf32, #tpu.memory_space<vmem>>, vector<16xf32>,
        tpu.vector_store %run_scoped3A_4[%swap3A_280], %gather3A_279 {strides = array<i32>} : memref<4096xf32, #tpu.memory_space<vmem>>, vector<16xf32>,
        %mul3A_282 = arith.constant 256 : i32
        %mul3A_283 = arith.muli %scan3A_185, %mul3A_282 : i32
        %add3A_284 = arith.constant 144 : i32
        %add3A_285 = arith.addi %mul3A_283, %add3A_284 : i32
        %add3A_286 = arith.constant 0 : i32
        %add3A_287 = arith.addi %add3A_286, %add3A_285 : i32
        %get3A_288 = arith.index_cast %add3A_287 : i32 to index
        %get3A_289 = tpu.vector_load %run_scoped3A_3[%get3A_288] {strides = array<i32>} : memref<16384xi32, #tpu.memory_space<vmem>>, vector<16xi32>,
        %gather3A_290 = tpu.vector_load_idx %run_scoped3A[%get3A_289] : memref<100000xf32, #tpu.memory_space<vmem>>[vector<16xi32>], vector<16xf32>,
        %swap3A_291 = arith.index_cast %add3A_285 : i32 to index
        %swap3A_292 = tpu.vector_load %run_scoped3A_4[%swap3A_291] {strides = array<i32>} : memref<4096xf32, #tpu.memory_space<vmem>>, vector<16xf32>,
        tpu.vector_store %run_scoped3A_4[%swap3A_291], %gather3A_290 {strides = array<i32>} : memref<4096xf32, #tpu.memory_space<vmem>>, vector<16xf32>,
        %mul3A_293 = arith.constant 256 : i32
        %mul3A_294 = arith.muli %scan3A_185, %mul3A_293 : i32
        %add3A_295 = arith.constant 160 : i32
        %add3A_296 = arith.addi %mul3A_294, %add3A_295 : i32
        %add3A_297 = arith.constant 0 : i32
        %add3A_298 = arith.addi %add3A_297, %add3A_296 : i32
        %get3A_299 = arith.index_cast %add3A_298 : i32 to index
        %get3A_300 = tpu.vector_load %run_scoped3A_3[%get3A_299] {strides = array<i32>} : memref<16384xi32, #tpu.memory_space<vmem>>, vector<16xi32>,
        %gather3A_301 = tpu.vector_load_idx %run_scoped3A[%get3A_300] : memref<100000xf32, #tpu.memory_space<vmem>>[vector<16xi32>], vector<16xf32>,
        %swap3A_302 = arith.index_cast %add3A_296 : i32 to index
        %swap3A_303 = tpu.vector_load %run_scoped3A_4[%swap3A_302] {strides = array<i32>} : memref<4096xf32, #tpu.memory_space<vmem>>, vector<16xf32>,
        tpu.vector_store %run_scoped3A_4[%swap3A_302], %gather3A_301 {strides = array<i32>} : memref<4096xf32, #tpu.memory_space<vmem>>, vector<16xf32>,
        %mul3A_304 = arith.constant 256 : i32
        %mul3A_305 = arith.muli %scan3A_185, %mul3A_304 : i32
        %add3A_306 = arith.constant 176 : i32
        %add3A_307 = arith.addi %mul3A_305, %add3A_306 : i32
        %add3A_308 = arith.constant 0 : i32
        %add3A_309 = arith.addi %add3A_308, %add3A_307 : i32
        %get3A_310 = arith.index_cast %add3A_309 : i32 to index
        %get3A_311 = tpu.vector_load %run_scoped3A_3[%get3A_310] {strides = array<i32>} : memref<16384xi32, #tpu.memory_space<vmem>>, vector<16xi32>,
        %gather3A_312 = tpu.vector_load_idx %run_scoped3A[%get3A_311] : memref<100000xf32, #tpu.memory_space<vmem>>[vector<16xi32>], vector<16xf32>,
        %swap3A_313 = arith.index_cast %add3A_307 : i32 to index
        %swap3A_314 = tpu.vector_load %run_scoped3A_4[%swap3A_313] {strides = array<i32>} : memref<4096xf32, #tpu.memory_space<vmem>>, vector<16xf32>,
        tpu.vector_store %run_scoped3A_4[%swap3A_313], %gather3A_312 {strides = array<i32>} : memref<4096xf32, #tpu.memory_space<vmem>>, vector<16xf32>,
        %mul3A_315 = arith.constant 256 : i32
        %mul3A_316 = arith.muli %scan3A_185, %mul3A_315 : i32
        %add3A_317 = arith.constant 192 : i32
        %add3A_318 = arith.addi %mul3A_316, %add3A_317 : i32
        %add3A_319 = arith.constant 0 : i32
        %add3A_320 = arith.addi %add3A_319, %add3A_318 : i32
        %get3A_321 = arith.index_cast %add3A_320 : i32 to index
        %get3A_322 = tpu.vector_load %run_scoped3A_3[%get3A_321] {strides = array<i32>} : memref<16384xi32, #tpu.memory_space<vmem>>, vector<16xi32>,
        %gather3A_323 = tpu.vector_load_idx %run_scoped3A[%get3A_322] : memref<100000xf32, #tpu.memory_space<vmem>>[vector<16xi32>], vector<16xf32>,
        %swap3A_324 = arith.index_cast %add3A_318 : i32 to index
        %swap3A_325 = tpu.vector_load %run_scoped3A_4[%swap3A_324] {strides = array<i32>} : memref<4096xf32, #tpu.memory_space<vmem>>, vector<16xf32>,
        tpu.vector_store %run_scoped3A_4[%swap3A_324], %gather3A_323 {strides = array<i32>} : memref<4096xf32, #tpu.memory_space<vmem>>, vector<16xf32>,
        %mul3A_326 = arith.constant 256 : i32
        %mul3A_327 = arith.muli %scan3A_185, %mul3A_326 : i32
        %add3A_328 = arith.constant 208 : i32
        %add3A_329 = arith.addi %mul3A_327, %add3A_328 : i32
        %add3A_330 = arith.constant 0 : i32
        %add3A_331 = arith.addi %add3A_330, %add3A_329 : i32
        %get3A_332 = arith.index_cast %add3A_331 : i32 to index
        %get3A_333 = tpu.vector_load %run_scoped3A_3[%get3A_332] {strides = array<i32>} : memref<16384xi32, #tpu.memory_space<vmem>>, vector<16xi32>,
        %gather3A_334 = tpu.vector_load_idx %run_scoped3A[%get3A_333] : memref<100000xf32, #tpu.memory_space<vmem>>[vector<16xi32>], vector<16xf32>,
        %swap3A_335 = arith.index_cast %add3A_329 : i32 to index
        %swap3A_336 = tpu.vector_load %run_scoped3A_4[%swap3A_335] {strides = array<i32>} : memref<4096xf32, #tpu.memory_space<vmem>>, vector<16xf32>,
        tpu.vector_store %run_scoped3A_4[%swap3A_335], %gather3A_334 {strides = array<i32>} : memref<4096xf32, #tpu.memory_space<vmem>>, vector<16xf32>,
        %mul3A_337 = arith.constant 256 : i32
        %mul3A_338 = arith.muli %scan3A_185, %mul3A_337 : i32
        %add3A_339 = arith.constant 224 : i32
        %add3A_340 = arith.addi %mul3A_338, %add3A_339 : i32
        %add3A_341 = arith.constant 0 : i32
        %add3A_342 = arith.addi %add3A_341, %add3A_340 : i32
        %get3A_343 = arith.index_cast %add3A_342 : i32 to index
        %get3A_344 = tpu.vector_load %run_scoped3A_3[%get3A_343] {strides = array<i32>} : memref<16384xi32, #tpu.memory_space<vmem>>, vector<16xi32>,
        %gather3A_345 = tpu.vector_load_idx %run_scoped3A[%get3A_344] : memref<100000xf32, #tpu.memory_space<vmem>>[vector<16xi32>], vector<16xf32>,
        %swap3A_346 = arith.index_cast %add3A_340 : i32 to index
        %swap3A_347 = tpu.vector_load %run_scoped3A_4[%swap3A_346] {strides = array<i32>} : memref<4096xf32, #tpu.memory_space<vmem>>, vector<16xf32>,
        tpu.vector_store %run_scoped3A_4[%swap3A_346], %gather3A_345 {strides = array<i32>} : memref<4096xf32, #tpu.memory_space<vmem>>, vector<16xf32>,
        %mul3A_348 = arith.constant 256 : i32
        %mul3A_349 = arith.muli %scan3A_185, %mul3A_348 : i32
        %add3A_350 = arith.constant 240 : i32
        %add3A_351 = arith.addi %mul3A_349, %add3A_350 : i32
        %add3A_352 = arith.constant 0 : i32
        %add3A_353 = arith.addi %add3A_352, %add3A_351 : i32
        %get3A_354 = arith.index_cast %add3A_353 : i32 to index
        %get3A_355 = tpu.vector_load %run_scoped3A_3[%get3A_354] {strides = array<i32>} : memref<16384xi32, #tpu.memory_space<vmem>>, vector<16xi32>,
        %gather3A_356 = tpu.vector_load_idx %run_scoped3A[%get3A_355] : memref<100000xf32, #tpu.memory_space<vmem>>[vector<16xi32>], vector<16xf32>,
        %swap3A_357 = arith.index_cast %add3A_351 : i32 to index
        %swap3A_358 = tpu.vector_load %run_scoped3A_4[%swap3A_357] {strides = array<i32>} : memref<4096xf32, #tpu.memory_space<vmem>>, vector<16xf32>,
        tpu.vector_store %run_scoped3A_4[%swap3A_357], %gather3A_356 {strides = array<i32>} : memref<4096xf32, #tpu.memory_space<vmem>>, vector<16xf32>,
      }
      %scan3A_28 = arith.constant 16 : i32
      %dma_start3A_29 = arith.constant 0 : i32
      %dma_start3A_30 = tpu.memref_slice %arg6[%add3A_18, %dma_start3A_29] : memref<64x16384xf32, #tpu.memory_space<hbm>> -> memref<1x4096xf32, #tpu.memory_space<hbm>>
      %dma_start3A_31 = tpu.memref_squeeze %dma_start3A_30 : memref<1x4096xf32, #tpu.memory_space<hbm>> -> memref<4096xf32, #tpu.memory_space<hbm>>
      %dma_start3A_32 = arith.constant 0 : i32
      %dma_start3A_33 = tpu.memref_slice %arg6[%add3A_18, %dma_start3A_32] : memref<64x16384xf32, #tpu.memory_space<hbm>> -> memref<1x4096xf32, #tpu.memory_space<hbm>>
      %dma_start3A_34 = tpu.memref_squeeze %dma_start3A_33 : memref<1x4096xf32, #tpu.memory_space<hbm>> -> memref<4096xf32, #tpu.memory_space<hbm>>
      tpu.enqueue_dma source(%run_scoped3A_4 : memref<4096xf32, #tpu.memory_space<vmem>>) target(%dma_start3A_34 : memref<4096xf32, #tpu.memory_space<hbm>>) target_semaphore(%run_scoped3A_7 : memref<!tpu.dma_semaphore, #tpu.memory_space<semaphore_mem>>)
      %scan3A_35 = arith.constant 0 : i32
      %scan3A_36 = arith.constant 0 : i32
      %scan3A_37 = arith.constant 16 : i32
      %scan3A_38 = arith.addi %scan3A_36, %scan3A_37 : i32
      %scan3A_39 = arith.constant 1 : i32
      scf.for %scan3A_185 = %scan3A_36 to %scan3A_38 step %scan3A_39  : i32 {
        %mul3A_186 = arith.constant 256 : i32
        %mul3A_187 = arith.muli %scan3A_185, %mul3A_186 : i32
        %add3A_188 = arith.constant 0 : i32
        %add3A_189 = arith.addi %mul3A_187, %add3A_188 : i32
        %add3A_190 = arith.constant 4096 : i32
        %add3A_191 = arith.addi %add3A_190, %add3A_189 : i32
        %get3A = arith.index_cast %add3A_191 : i32 to index
        %get3A_192 = tpu.vector_load %run_scoped3A_3[%get3A] {strides = array<i32>} : memref<16384xi32, #tpu.memory_space<vmem>>, vector<16xi32>,
        %gather3A = tpu.vector_load_idx %run_scoped3A[%get3A_192] : memref<100000xf32, #tpu.memory_space<vmem>>[vector<16xi32>], vector<16xf32>,
        %swap3A = arith.index_cast %add3A_189 : i32 to index
        %swap3A_193 = tpu.vector_load %run_scoped3A_5[%swap3A] {strides = array<i32>} : memref<4096xf32, #tpu.memory_space<vmem>>, vector<16xf32>,
        tpu.vector_store %run_scoped3A_5[%swap3A], %gather3A {strides = array<i32>} : memref<4096xf32, #tpu.memory_space<vmem>>, vector<16xf32>,
        %mul3A_194 = arith.constant 256 : i32
        %mul3A_195 = arith.muli %scan3A_185, %mul3A_194 : i32
        %add3A_196 = arith.constant 16 : i32
        %add3A_197 = arith.addi %mul3A_195, %add3A_196 : i32
        %add3A_198 = arith.constant 4096 : i32
        %add3A_199 = arith.addi %add3A_198, %add3A_197 : i32
        %get3A_200 = arith.index_cast %add3A_199 : i32 to index
        %get3A_201 = tpu.vector_load %run_scoped3A_3[%get3A_200] {strides = array<i32>} : memref<16384xi32, #tpu.memory_space<vmem>>, vector<16xi32>,
        %gather3A_202 = tpu.vector_load_idx %run_scoped3A[%get3A_201] : memref<100000xf32, #tpu.memory_space<vmem>>[vector<16xi32>], vector<16xf32>,
        %swap3A_203 = arith.index_cast %add3A_197 : i32 to index
        %swap3A_204 = tpu.vector_load %run_scoped3A_5[%swap3A_203] {strides = array<i32>} : memref<4096xf32, #tpu.memory_space<vmem>>, vector<16xf32>,
        tpu.vector_store %run_scoped3A_5[%swap3A_203], %gather3A_202 {strides = array<i32>} : memref<4096xf32, #tpu.memory_space<vmem>>, vector<16xf32>,
        %mul3A_205 = arith.constant 256 : i32
        %mul3A_206 = arith.muli %scan3A_185, %mul3A_205 : i32
        %add3A_207 = arith.constant 32 : i32
        %add3A_208 = arith.addi %mul3A_206, %add3A_207 : i32
        %add3A_209 = arith.constant 4096 : i32
        %add3A_210 = arith.addi %add3A_209, %add3A_208 : i32
        %get3A_211 = arith.index_cast %add3A_210 : i32 to index
        %get3A_212 = tpu.vector_load %run_scoped3A_3[%get3A_211] {strides = array<i32>} : memref<16384xi32, #tpu.memory_space<vmem>>, vector<16xi32>,
        %gather3A_213 = tpu.vector_load_idx %run_scoped3A[%get3A_212] : memref<100000xf32, #tpu.memory_space<vmem>>[vector<16xi32>], vector<16xf32>,
        %swap3A_214 = arith.index_cast %add3A_208 : i32 to index
        %swap3A_215 = tpu.vector_load %run_scoped3A_5[%swap3A_214] {strides = array<i32>} : memref<4096xf32, #tpu.memory_space<vmem>>, vector<16xf32>,
        tpu.vector_store %run_scoped3A_5[%swap3A_214], %gather3A_213 {strides = array<i32>} : memref<4096xf32, #tpu.memory_space<vmem>>, vector<16xf32>,
        %mul3A_216 = arith.constant 256 : i32
        %mul3A_217 = arith.muli %scan3A_185, %mul3A_216 : i32
        %add3A_218 = arith.constant 48 : i32
        %add3A_219 = arith.addi %mul3A_217, %add3A_218 : i32
        %add3A_220 = arith.constant 4096 : i32
        %add3A_221 = arith.addi %add3A_220, %add3A_219 : i32
        %get3A_222 = arith.index_cast %add3A_221 : i32 to index
        %get3A_223 = tpu.vector_load %run_scoped3A_3[%get3A_222] {strides = array<i32>} : memref<16384xi32, #tpu.memory_space<vmem>>, vector<16xi32>,
        %gather3A_224 = tpu.vector_load_idx %run_scoped3A[%get3A_223] : memref<100000xf32, #tpu.memory_space<vmem>>[vector<16xi32>], vector<16xf32>,
        %swap3A_225 = arith.index_cast %add3A_219 : i32 to index
        %swap3A_226 = tpu.vector_load %run_scoped3A_5[%swap3A_225] {strides = array<i32>} : memref<4096xf32, #tpu.memory_space<vmem>>, vector<16xf32>,
        tpu.vector_store %run_scoped3A_5[%swap3A_225], %gather3A_224 {strides = array<i32>} : memref<4096xf32, #tpu.memory_space<vmem>>, vector<16xf32>,
        %mul3A_227 = arith.constant 256 : i32
        %mul3A_228 = arith.muli %scan3A_185, %mul3A_227 : i32
        %add3A_229 = arith.constant 64 : i32
        %add3A_230 = arith.addi %mul3A_228, %add3A_229 : i32
        %add3A_231 = arith.constant 4096 : i32
        %add3A_232 = arith.addi %add3A_231, %add3A_230 : i32
        %get3A_233 = arith.index_cast %add3A_232 : i32 to index
        %get3A_234 = tpu.vector_load %run_scoped3A_3[%get3A_233] {strides = array<i32>} : memref<16384xi32, #tpu.memory_space<vmem>>, vector<16xi32>,
        %gather3A_235 = tpu.vector_load_idx %run_scoped3A[%get3A_234] : memref<100000xf32, #tpu.memory_space<vmem>>[vector<16xi32>], vector<16xf32>,
        %swap3A_236 = arith.index_cast %add3A_230 : i32 to index
        %swap3A_237 = tpu.vector_load %run_scoped3A_5[%swap3A_236] {strides = array<i32>} : memref<4096xf32, #tpu.memory_space<vmem>>, vector<16xf32>,
        tpu.vector_store %run_scoped3A_5[%swap3A_236], %gather3A_235 {strides = array<i32>} : memref<4096xf32, #tpu.memory_space<vmem>>, vector<16xf32>,
        %mul3A_238 = arith.constant 256 : i32
        %mul3A_239 = arith.muli %scan3A_185, %mul3A_238 : i32
        %add3A_240 = arith.constant 80 : i32
        %add3A_241 = arith.addi %mul3A_239, %add3A_240 : i32
        %add3A_242 = arith.constant 4096 : i32
        %add3A_243 = arith.addi %add3A_242, %add3A_241 : i32
        %get3A_244 = arith.index_cast %add3A_243 : i32 to index
        %get3A_245 = tpu.vector_load %run_scoped3A_3[%get3A_244] {strides = array<i32>} : memref<16384xi32, #tpu.memory_space<vmem>>, vector<16xi32>,
        %gather3A_246 = tpu.vector_load_idx %run_scoped3A[%get3A_245] : memref<100000xf32, #tpu.memory_space<vmem>>[vector<16xi32>], vector<16xf32>,
        %swap3A_247 = arith.index_cast %add3A_241 : i32 to index
        %swap3A_248 = tpu.vector_load %run_scoped3A_5[%swap3A_247] {strides = array<i32>} : memref<4096xf32, #tpu.memory_space<vmem>>, vector<16xf32>,
        tpu.vector_store %run_scoped3A_5[%swap3A_247], %gather3A_246 {strides = array<i32>} : memref<4096xf32, #tpu.memory_space<vmem>>, vector<16xf32>,
        %mul3A_249 = arith.constant 256 : i32
        %mul3A_250 = arith.muli %scan3A_185, %mul3A_249 : i32
        %add3A_251 = arith.constant 96 : i32
        %add3A_252 = arith.addi %mul3A_250, %add3A_251 : i32
        %add3A_253 = arith.constant 4096 : i32
        %add3A_254 = arith.addi %add3A_253, %add3A_252 : i32
        %get3A_255 = arith.index_cast %add3A_254 : i32 to index
        %get3A_256 = tpu.vector_load %run_scoped3A_3[%get3A_255] {strides = array<i32>} : memref<16384xi32, #tpu.memory_space<vmem>>, vector<16xi32>,
        %gather3A_257 = tpu.vector_load_idx %run_scoped3A[%get3A_256] : memref<100000xf32, #tpu.memory_space<vmem>>[vector<16xi32>], vector<16xf32>,
        %swap3A_258 = arith.index_cast %add3A_252 : i32 to index
        %swap3A_259 = tpu.vector_load %run_scoped3A_5[%swap3A_258] {strides = array<i32>} : memref<4096xf32, #tpu.memory_space<vmem>>, vector<16xf32>,
        tpu.vector_store %run_scoped3A_5[%swap3A_258], %gather3A_257 {strides = array<i32>} : memref<4096xf32, #tpu.memory_space<vmem>>, vector<16xf32>,
        %mul3A_260 = arith.constant 256 : i32
        %mul3A_261 = arith.muli %scan3A_185, %mul3A_260 : i32
        %add3A_262 = arith.constant 112 : i32
        %add3A_263 = arith.addi %mul3A_261, %add3A_262 : i32
        %add3A_264 = arith.constant 4096 : i32
        %add3A_265 = arith.addi %add3A_264, %add3A_263 : i32
        %get3A_266 = arith.index_cast %add3A_265 : i32 to index
        %get3A_267 = tpu.vector_load %run_scoped3A_3[%get3A_266] {strides = array<i32>} : memref<16384xi32, #tpu.memory_space<vmem>>, vector<16xi32>,
        %gather3A_268 = tpu.vector_load_idx %run_scoped3A[%get3A_267] : memref<100000xf32, #tpu.memory_space<vmem>>[vector<16xi32>], vector<16xf32>,
        %swap3A_269 = arith.index_cast %add3A_263 : i32 to index
        %swap3A_270 = tpu.vector_load %run_scoped3A_5[%swap3A_269] {strides = array<i32>} : memref<4096xf32, #tpu.memory_space<vmem>>, vector<16xf32>,
        tpu.vector_store %run_scoped3A_5[%swap3A_269], %gather3A_268 {strides = array<i32>} : memref<4096xf32, #tpu.memory_space<vmem>>, vector<16xf32>,
        %mul3A_271 = arith.constant 256 : i32
        %mul3A_272 = arith.muli %scan3A_185, %mul3A_271 : i32
        %add3A_273 = arith.constant 128 : i32
        %add3A_274 = arith.addi %mul3A_272, %add3A_273 : i32
        %add3A_275 = arith.constant 4096 : i32
        %add3A_276 = arith.addi %add3A_275, %add3A_274 : i32
        %get3A_277 = arith.index_cast %add3A_276 : i32 to index
        %get3A_278 = tpu.vector_load %run_scoped3A_3[%get3A_277] {strides = array<i32>} : memref<16384xi32, #tpu.memory_space<vmem>>, vector<16xi32>,
        %gather3A_279 = tpu.vector_load_idx %run_scoped3A[%get3A_278] : memref<100000xf32, #tpu.memory_space<vmem>>[vector<16xi32>], vector<16xf32>,
        %swap3A_280 = arith.index_cast %add3A_274 : i32 to index
        %swap3A_281 = tpu.vector_load %run_scoped3A_5[%swap3A_280] {strides = array<i32>} : memref<4096xf32, #tpu.memory_space<vmem>>, vector<16xf32>,
        tpu.vector_store %run_scoped3A_5[%swap3A_280], %gather3A_279 {strides = array<i32>} : memref<4096xf32, #tpu.memory_space<vmem>>, vector<16xf32>,
        %mul3A_282 = arith.constant 256 : i32
        %mul3A_283 = arith.muli %scan3A_185, %mul3A_282 : i32
        %add3A_284 = arith.constant 144 : i32
        %add3A_285 = arith.addi %mul3A_283, %add3A_284 : i32
        %add3A_286 = arith.constant 4096 : i32
        %add3A_287 = arith.addi %add3A_286, %add3A_285 : i32
        %get3A_288 = arith.index_cast %add3A_287 : i32 to index
        %get3A_289 = tpu.vector_load %run_scoped3A_3[%get3A_288] {strides = array<i32>} : memref<16384xi32, #tpu.memory_space<vmem>>, vector<16xi32>,
        %gather3A_290 = tpu.vector_load_idx %run_scoped3A[%get3A_289] : memref<100000xf32, #tpu.memory_space<vmem>>[vector<16xi32>], vector<16xf32>,
        %swap3A_291 = arith.index_cast %add3A_285 : i32 to index
        %swap3A_292 = tpu.vector_load %run_scoped3A_5[%swap3A_291] {strides = array<i32>} : memref<4096xf32, #tpu.memory_space<vmem>>, vector<16xf32>,
        tpu.vector_store %run_scoped3A_5[%swap3A_291], %gather3A_290 {strides = array<i32>} : memref<4096xf32, #tpu.memory_space<vmem>>, vector<16xf32>,
        %mul3A_293 = arith.constant 256 : i32
        %mul3A_294 = arith.muli %scan3A_185, %mul3A_293 : i32
        %add3A_295 = arith.constant 160 : i32
        %add3A_296 = arith.addi %mul3A_294, %add3A_295 : i32
        %add3A_297 = arith.constant 4096 : i32
        %add3A_298 = arith.addi %add3A_297, %add3A_296 : i32
        %get3A_299 = arith.index_cast %add3A_298 : i32 to index
        %get3A_300 = tpu.vector_load %run_scoped3A_3[%get3A_299] {strides = array<i32>} : memref<16384xi32, #tpu.memory_space<vmem>>, vector<16xi32>,
        %gather3A_301 = tpu.vector_load_idx %run_scoped3A[%get3A_300] : memref<100000xf32, #tpu.memory_space<vmem>>[vector<16xi32>], vector<16xf32>,
        %swap3A_302 = arith.index_cast %add3A_296 : i32 to index
        %swap3A_303 = tpu.vector_load %run_scoped3A_5[%swap3A_302] {strides = array<i32>} : memref<4096xf32, #tpu.memory_space<vmem>>, vector<16xf32>,
        tpu.vector_store %run_scoped3A_5[%swap3A_302], %gather3A_301 {strides = array<i32>} : memref<4096xf32, #tpu.memory_space<vmem>>, vector<16xf32>,
        %mul3A_304 = arith.constant 256 : i32
        %mul3A_305 = arith.muli %scan3A_185, %mul3A_304 : i32
        %add3A_306 = arith.constant 176 : i32
        %add3A_307 = arith.addi %mul3A_305, %add3A_306 : i32
        %add3A_308 = arith.constant 4096 : i32
        %add3A_309 = arith.addi %add3A_308, %add3A_307 : i32
        %get3A_310 = arith.index_cast %add3A_309 : i32 to index
        %get3A_311 = tpu.vector_load %run_scoped3A_3[%get3A_310] {strides = array<i32>} : memref<16384xi32, #tpu.memory_space<vmem>>, vector<16xi32>,
        %gather3A_312 = tpu.vector_load_idx %run_scoped3A[%get3A_311] : memref<100000xf32, #tpu.memory_space<vmem>>[vector<16xi32>], vector<16xf32>,
        %swap3A_313 = arith.index_cast %add3A_307 : i32 to index
        %swap3A_314 = tpu.vector_load %run_scoped3A_5[%swap3A_313] {strides = array<i32>} : memref<4096xf32, #tpu.memory_space<vmem>>, vector<16xf32>,
        tpu.vector_store %run_scoped3A_5[%swap3A_313], %gather3A_312 {strides = array<i32>} : memref<4096xf32, #tpu.memory_space<vmem>>, vector<16xf32>,
        %mul3A_315 = arith.constant 256 : i32
        %mul3A_316 = arith.muli %scan3A_185, %mul3A_315 : i32
        %add3A_317 = arith.constant 192 : i32
        %add3A_318 = arith.addi %mul3A_316, %add3A_317 : i32
        %add3A_319 = arith.constant 4096 : i32
        %add3A_320 = arith.addi %add3A_319, %add3A_318 : i32
        %get3A_321 = arith.index_cast %add3A_320 : i32 to index
        %get3A_322 = tpu.vector_load %run_scoped3A_3[%get3A_321] {strides = array<i32>} : memref<16384xi32, #tpu.memory_space<vmem>>, vector<16xi32>,
        %gather3A_323 = tpu.vector_load_idx %run_scoped3A[%get3A_322] : memref<100000xf32, #tpu.memory_space<vmem>>[vector<16xi32>], vector<16xf32>,
        %swap3A_324 = arith.index_cast %add3A_318 : i32 to index
        %swap3A_325 = tpu.vector_load %run_scoped3A_5[%swap3A_324] {strides = array<i32>} : memref<4096xf32, #tpu.memory_space<vmem>>, vector<16xf32>,
        tpu.vector_store %run_scoped3A_5[%swap3A_324], %gather3A_323 {strides = array<i32>} : memref<4096xf32, #tpu.memory_space<vmem>>, vector<16xf32>,
        %mul3A_326 = arith.constant 256 : i32
        %mul3A_327 = arith.muli %scan3A_185, %mul3A_326 : i32
        %add3A_328 = arith.constant 208 : i32
        %add3A_329 = arith.addi %mul3A_327, %add3A_328 : i32
        %add3A_330 = arith.constant 4096 : i32
        %add3A_331 = arith.addi %add3A_330, %add3A_329 : i32
        %get3A_332 = arith.index_cast %add3A_331 : i32 to index
        %get3A_333 = tpu.vector_load %run_scoped3A_3[%get3A_332] {strides = array<i32>} : memref<16384xi32, #tpu.memory_space<vmem>>, vector<16xi32>,
        %gather3A_334 = tpu.vector_load_idx %run_scoped3A[%get3A_333] : memref<100000xf32, #tpu.memory_space<vmem>>[vector<16xi32>], vector<16xf32>,
        %swap3A_335 = arith.index_cast %add3A_329 : i32 to index
        %swap3A_336 = tpu.vector_load %run_scoped3A_5[%swap3A_335] {strides = array<i32>} : memref<4096xf32, #tpu.memory_space<vmem>>, vector<16xf32>,
        tpu.vector_store %run_scoped3A_5[%swap3A_335], %gather3A_334 {strides = array<i32>} : memref<4096xf32, #tpu.memory_space<vmem>>, vector<16xf32>,
        %mul3A_337 = arith.constant 256 : i32
        %mul3A_338 = arith.muli %scan3A_185, %mul3A_337 : i32
        %add3A_339 = arith.constant 224 : i32
        %add3A_340 = arith.addi %mul3A_338, %add3A_339 : i32
        %add3A_341 = arith.constant 4096 : i32
        %add3A_342 = arith.addi %add3A_341, %add3A_340 : i32
        %get3A_343 = arith.index_cast %add3A_342 : i32 to index
        %get3A_344 = tpu.vector_load %run_scoped3A_3[%get3A_343] {strides = array<i32>} : memref<16384xi32, #tpu.memory_space<vmem>>, vector<16xi32>,
        %gather3A_345 = tpu.vector_load_idx %run_scoped3A[%get3A_344] : memref<100000xf32, #tpu.memory_space<vmem>>[vector<16xi32>], vector<16xf32>,
        %swap3A_346 = arith.index_cast %add3A_340 : i32 to index
        %swap3A_347 = tpu.vector_load %run_scoped3A_5[%swap3A_346] {strides = array<i32>} : memref<4096xf32, #tpu.memory_space<vmem>>, vector<16xf32>,
        tpu.vector_store %run_scoped3A_5[%swap3A_346], %gather3A_345 {strides = array<i32>} : memref<4096xf32, #tpu.memory_space<vmem>>, vector<16xf32>,
        %mul3A_348 = arith.constant 256 : i32
        %mul3A_349 = arith.muli %scan3A_185, %mul3A_348 : i32
        %add3A_350 = arith.constant 240 : i32
        %add3A_351 = arith.addi %mul3A_349, %add3A_350 : i32
        %add3A_352 = arith.constant 4096 : i32
        %add3A_353 = arith.addi %add3A_352, %add3A_351 : i32
        %get3A_354 = arith.index_cast %add3A_353 : i32 to index
        %get3A_355 = tpu.vector_load %run_scoped3A_3[%get3A_354] {strides = array<i32>} : memref<16384xi32, #tpu.memory_space<vmem>>, vector<16xi32>,
        %gather3A_356 = tpu.vector_load_idx %run_scoped3A[%get3A_355] : memref<100000xf32, #tpu.memory_space<vmem>>[vector<16xi32>], vector<16xf32>,
        %swap3A_357 = arith.index_cast %add3A_351 : i32 to index
        %swap3A_358 = tpu.vector_load %run_scoped3A_5[%swap3A_357] {strides = array<i32>} : memref<4096xf32, #tpu.memory_space<vmem>>, vector<16xf32>,
        tpu.vector_store %run_scoped3A_5[%swap3A_357], %gather3A_356 {strides = array<i32>} : memref<4096xf32, #tpu.memory_space<vmem>>, vector<16xf32>,
      }
      %scan3A_40 = arith.constant 16 : i32
      %dma_start3A_41 = arith.constant 4096 : i32
      %dma_start3A_42 = tpu.memref_slice %arg6[%add3A_18, %dma_start3A_41] : memref<64x16384xf32, #tpu.memory_space<hbm>> -> memref<1x4096xf32, #tpu.memory_space<hbm>>
      %dma_start3A_43 = tpu.memref_squeeze %dma_start3A_42 : memref<1x4096xf32, #tpu.memory_space<hbm>> -> memref<4096xf32, #tpu.memory_space<hbm>>
      %dma_start3A_44 = arith.constant 4096 : i32
      %dma_start3A_45 = tpu.memref_slice %arg6[%add3A_18, %dma_start3A_44] : memref<64x16384xf32, #tpu.memory_space<hbm>> -> memref<1x4096xf32, #tpu.memory_space<hbm>>
      %dma_start3A_46 = tpu.memref_squeeze %dma_start3A_45 : memref<1x4096xf32, #tpu.memory_space<hbm>> -> memref<4096xf32, #tpu.memory_space<hbm>>
      tpu.enqueue_dma source(%run_scoped3A_5 : memref<4096xf32, #tpu.memory_space<vmem>>) target(%dma_start3A_46 : memref<4096xf32, #tpu.memory_space<hbm>>) target_semaphore(%run_scoped3A_7 : memref<!tpu.dma_semaphore, #tpu.memory_space<semaphore_mem>>)
      %dma_wait3A_47 = arith.constant 0 : i32
      %dma_wait3A_48 = tpu.memref_slice %arg6[%add3A_18, %dma_wait3A_47] : memref<64x16384xf32, #tpu.memory_space<hbm>> -> memref<1x4096xf32, #tpu.memory_space<hbm>>
      %dma_wait3A_49 = tpu.memref_squeeze %dma_wait3A_48 : memref<1x4096xf32, #tpu.memory_space<hbm>> -> memref<4096xf32, #tpu.memory_space<hbm>>
      %dma_wait3A_50 = arith.constant 0 : i32
      %dma_wait3A_51 = tpu.memref_slice %arg6[%add3A_18, %dma_wait3A_50] : memref<64x16384xf32, #tpu.memory_space<hbm>> -> memref<1x4096xf32, #tpu.memory_space<hbm>>
      %dma_wait3A_52 = tpu.memref_squeeze %dma_wait3A_51 : memref<1x4096xf32, #tpu.memory_space<hbm>> -> memref<4096xf32, #tpu.memory_space<hbm>>
      tpu.wait_dma2 semaphore(%run_scoped3A_7 : memref<!tpu.dma_semaphore, #tpu.memory_space<semaphore_mem>>) src(%run_scoped3A_4 : memref<4096xf32, #tpu.memory_space<vmem>>) dst(%dma_wait3A_52 : memref<4096xf32, #tpu.memory_space<hbm>>)
      %scan3A_53 = arith.constant 0 : i32
      %scan3A_54 = arith.constant 0 : i32
      %scan3A_55 = arith.constant 16 : i32
      %scan3A_56 = arith.addi %scan3A_54, %scan3A_55 : i32
      %scan3A_57 = arith.constant 1 : i32
      scf.for %scan3A_185 = %scan3A_54 to %scan3A_56 step %scan3A_57  : i32 {
        %mul3A_186 = arith.constant 256 : i32
        %mul3A_187 = arith.muli %scan3A_185, %mul3A_186 : i32
        %add3A_188 = arith.constant 0 : i32
        %add3A_189 = arith.addi %mul3A_187, %add3A_188 : i32
        %add3A_190 = arith.constant 8192 : i32
        %add3A_191 = arith.addi %add3A_190, %add3A_189 : i32
        %get3A = arith.index_cast %add3A_191 : i32 to index
        %get3A_192 = tpu.vector_load %run_scoped3A_3[%get3A] {strides = array<i32>} : memref<16384xi32, #tpu.memory_space<vmem>>, vector<16xi32>,
        %gather3A = tpu.vector_load_idx %run_scoped3A[%get3A_192] : memref<100000xf32, #tpu.memory_space<vmem>>[vector<16xi32>], vector<16xf32>,
        %swap3A = arith.index_cast %add3A_189 : i32 to index
        %swap3A_193 = tpu.vector_load %run_scoped3A_4[%swap3A] {strides = array<i32>} : memref<4096xf32, #tpu.memory_space<vmem>>, vector<16xf32>,
        tpu.vector_store %run_scoped3A_4[%swap3A], %gather3A {strides = array<i32>} : memref<4096xf32, #tpu.memory_space<vmem>>, vector<16xf32>,
        %mul3A_194 = arith.constant 256 : i32
        %mul3A_195 = arith.muli %scan3A_185, %mul3A_194 : i32
        %add3A_196 = arith.constant 16 : i32
        %add3A_197 = arith.addi %mul3A_195, %add3A_196 : i32
        %add3A_198 = arith.constant 8192 : i32
        %add3A_199 = arith.addi %add3A_198, %add3A_197 : i32
        %get3A_200 = arith.index_cast %add3A_199 : i32 to index
        %get3A_201 = tpu.vector_load %run_scoped3A_3[%get3A_200] {strides = array<i32>} : memref<16384xi32, #tpu.memory_space<vmem>>, vector<16xi32>,
        %gather3A_202 = tpu.vector_load_idx %run_scoped3A[%get3A_201] : memref<100000xf32, #tpu.memory_space<vmem>>[vector<16xi32>], vector<16xf32>,
        %swap3A_203 = arith.index_cast %add3A_197 : i32 to index
        %swap3A_204 = tpu.vector_load %run_scoped3A_4[%swap3A_203] {strides = array<i32>} : memref<4096xf32, #tpu.memory_space<vmem>>, vector<16xf32>,
        tpu.vector_store %run_scoped3A_4[%swap3A_203], %gather3A_202 {strides = array<i32>} : memref<4096xf32, #tpu.memory_space<vmem>>, vector<16xf32>,
        %mul3A_205 = arith.constant 256 : i32
        %mul3A_206 = arith.muli %scan3A_185, %mul3A_205 : i32
        %add3A_207 = arith.constant 32 : i32
        %add3A_208 = arith.addi %mul3A_206, %add3A_207 : i32
        %add3A_209 = arith.constant 8192 : i32
        %add3A_210 = arith.addi %add3A_209, %add3A_208 : i32
        %get3A_211 = arith.index_cast %add3A_210 : i32 to index
        %get3A_212 = tpu.vector_load %run_scoped3A_3[%get3A_211] {strides = array<i32>} : memref<16384xi32, #tpu.memory_space<vmem>>, vector<16xi32>,
        %gather3A_213 = tpu.vector_load_idx %run_scoped3A[%get3A_212] : memref<100000xf32, #tpu.memory_space<vmem>>[vector<16xi32>], vector<16xf32>,
        %swap3A_214 = arith.index_cast %add3A_208 : i32 to index
        %swap3A_215 = tpu.vector_load %run_scoped3A_4[%swap3A_214] {strides = array<i32>} : memref<4096xf32, #tpu.memory_space<vmem>>, vector<16xf32>,
        tpu.vector_store %run_scoped3A_4[%swap3A_214], %gather3A_213 {strides = array<i32>} : memref<4096xf32, #tpu.memory_space<vmem>>, vector<16xf32>,
        %mul3A_216 = arith.constant 256 : i32
        %mul3A_217 = arith.muli %scan3A_185, %mul3A_216 : i32
        %add3A_218 = arith.constant 48 : i32
        %add3A_219 = arith.addi %mul3A_217, %add3A_218 : i32
        %add3A_220 = arith.constant 8192 : i32
        %add3A_221 = arith.addi %add3A_220, %add3A_219 : i32
        %get3A_222 = arith.index_cast %add3A_221 : i32 to index
        %get3A_223 = tpu.vector_load %run_scoped3A_3[%get3A_222] {strides = array<i32>} : memref<16384xi32, #tpu.memory_space<vmem>>, vector<16xi32>,
        %gather3A_224 = tpu.vector_load_idx %run_scoped3A[%get3A_223] : memref<100000xf32, #tpu.memory_space<vmem>>[vector<16xi32>], vector<16xf32>,
        %swap3A_225 = arith.index_cast %add3A_219 : i32 to index
        %swap3A_226 = tpu.vector_load %run_scoped3A_4[%swap3A_225] {strides = array<i32>} : memref<4096xf32, #tpu.memory_space<vmem>>, vector<16xf32>,
        tpu.vector_store %run_scoped3A_4[%swap3A_225], %gather3A_224 {strides = array<i32>} : memref<4096xf32, #tpu.memory_space<vmem>>, vector<16xf32>,
        %mul3A_227 = arith.constant 256 : i32
        %mul3A_228 = arith.muli %scan3A_185, %mul3A_227 : i32
        %add3A_229 = arith.constant 64 : i32
        %add3A_230 = arith.addi %mul3A_228, %add3A_229 : i32
        %add3A_231 = arith.constant 8192 : i32
        %add3A_232 = arith.addi %add3A_231, %add3A_230 : i32
        %get3A_233 = arith.index_cast %add3A_232 : i32 to index
        %get3A_234 = tpu.vector_load %run_scoped3A_3[%get3A_233] {strides = array<i32>} : memref<16384xi32, #tpu.memory_space<vmem>>, vector<16xi32>,
        %gather3A_235 = tpu.vector_load_idx %run_scoped3A[%get3A_234] : memref<100000xf32, #tpu.memory_space<vmem>>[vector<16xi32>], vector<16xf32>,
        %swap3A_236 = arith.index_cast %add3A_230 : i32 to index
        %swap3A_237 = tpu.vector_load %run_scoped3A_4[%swap3A_236] {strides = array<i32>} : memref<4096xf32, #tpu.memory_space<vmem>>, vector<16xf32>,
        tpu.vector_store %run_scoped3A_4[%swap3A_236], %gather3A_235 {strides = array<i32>} : memref<4096xf32, #tpu.memory_space<vmem>>, vector<16xf32>,
        %mul3A_238 = arith.constant 256 : i32
        %mul3A_239 = arith.muli %scan3A_185, %mul3A_238 : i32
        %add3A_240 = arith.constant 80 : i32
        %add3A_241 = arith.addi %mul3A_239, %add3A_240 : i32
        %add3A_242 = arith.constant 8192 : i32
        %add3A_243 = arith.addi %add3A_242, %add3A_241 : i32
        %get3A_244 = arith.index_cast %add3A_243 : i32 to index
        %get3A_245 = tpu.vector_load %run_scoped3A_3[%get3A_244] {strides = array<i32>} : memref<16384xi32, #tpu.memory_space<vmem>>, vector<16xi32>,
        %gather3A_246 = tpu.vector_load_idx %run_scoped3A[%get3A_245] : memref<100000xf32, #tpu.memory_space<vmem>>[vector<16xi32>], vector<16xf32>,
        %swap3A_247 = arith.index_cast %add3A_241 : i32 to index
        %swap3A_248 = tpu.vector_load %run_scoped3A_4[%swap3A_247] {strides = array<i32>} : memref<4096xf32, #tpu.memory_space<vmem>>, vector<16xf32>,
        tpu.vector_store %run_scoped3A_4[%swap3A_247], %gather3A_246 {strides = array<i32>} : memref<4096xf32, #tpu.memory_space<vmem>>, vector<16xf32>,
        %mul3A_249 = arith.constant 256 : i32
        %mul3A_250 = arith.muli %scan3A_185, %mul3A_249 : i32
        %add3A_251 = arith.constant 96 : i32
        %add3A_252 = arith.addi %mul3A_250, %add3A_251 : i32
        %add3A_253 = arith.constant 8192 : i32
        %add3A_254 = arith.addi %add3A_253, %add3A_252 : i32
        %get3A_255 = arith.index_cast %add3A_254 : i32 to index
        %get3A_256 = tpu.vector_load %run_scoped3A_3[%get3A_255] {strides = array<i32>} : memref<16384xi32, #tpu.memory_space<vmem>>, vector<16xi32>,
        %gather3A_257 = tpu.vector_load_idx %run_scoped3A[%get3A_256] : memref<100000xf32, #tpu.memory_space<vmem>>[vector<16xi32>], vector<16xf32>,
        %swap3A_258 = arith.index_cast %add3A_252 : i32 to index
        %swap3A_259 = tpu.vector_load %run_scoped3A_4[%swap3A_258] {strides = array<i32>} : memref<4096xf32, #tpu.memory_space<vmem>>, vector<16xf32>,
        tpu.vector_store %run_scoped3A_4[%swap3A_258], %gather3A_257 {strides = array<i32>} : memref<4096xf32, #tpu.memory_space<vmem>>, vector<16xf32>,
        %mul3A_260 = arith.constant 256 : i32
        %mul3A_261 = arith.muli %scan3A_185, %mul3A_260 : i32
        %add3A_262 = arith.constant 112 : i32
        %add3A_263 = arith.addi %mul3A_261, %add3A_262 : i32
        %add3A_264 = arith.constant 8192 : i32
        %add3A_265 = arith.addi %add3A_264, %add3A_263 : i32
        %get3A_266 = arith.index_cast %add3A_265 : i32 to index
        %get3A_267 = tpu.vector_load %run_scoped3A_3[%get3A_266] {strides = array<i32>} : memref<16384xi32, #tpu.memory_space<vmem>>, vector<16xi32>,
        %gather3A_268 = tpu.vector_load_idx %run_scoped3A[%get3A_267] : memref<100000xf32, #tpu.memory_space<vmem>>[vector<16xi32>], vector<16xf32>,
        %swap3A_269 = arith.index_cast %add3A_263 : i32 to index
        %swap3A_270 = tpu.vector_load %run_scoped3A_4[%swap3A_269] {strides = array<i32>} : memref<4096xf32, #tpu.memory_space<vmem>>, vector<16xf32>,
        tpu.vector_store %run_scoped3A_4[%swap3A_269], %gather3A_268 {strides = array<i32>} : memref<4096xf32, #tpu.memory_space<vmem>>, vector<16xf32>,
        %mul3A_271 = arith.constant 256 : i32
        %mul3A_272 = arith.muli %scan3A_185, %mul3A_271 : i32
        %add3A_273 = arith.constant 128 : i32
        %add3A_274 = arith.addi %mul3A_272, %add3A_273 : i32
        %add3A_275 = arith.constant 8192 : i32
        %add3A_276 = arith.addi %add3A_275, %add3A_274 : i32
        %get3A_277 = arith.index_cast %add3A_276 : i32 to index
        %get3A_278 = tpu.vector_load %run_scoped3A_3[%get3A_277] {strides = array<i32>} : memref<16384xi32, #tpu.memory_space<vmem>>, vector<16xi32>,
        %gather3A_279 = tpu.vector_load_idx %run_scoped3A[%get3A_278] : memref<100000xf32, #tpu.memory_space<vmem>>[vector<16xi32>], vector<16xf32>,
        %swap3A_280 = arith.index_cast %add3A_274 : i32 to index
        %swap3A_281 = tpu.vector_load %run_scoped3A_4[%swap3A_280] {strides = array<i32>} : memref<4096xf32, #tpu.memory_space<vmem>>, vector<16xf32>,
        tpu.vector_store %run_scoped3A_4[%swap3A_280], %gather3A_279 {strides = array<i32>} : memref<4096xf32, #tpu.memory_space<vmem>>, vector<16xf32>,
        %mul3A_282 = arith.constant 256 : i32
        %mul3A_283 = arith.muli %scan3A_185, %mul3A_282 : i32
        %add3A_284 = arith.constant 144 : i32
        %add3A_285 = arith.addi %mul3A_283, %add3A_284 : i32
        %add3A_286 = arith.constant 8192 : i32
        %add3A_287 = arith.addi %add3A_286, %add3A_285 : i32
        %get3A_288 = arith.index_cast %add3A_287 : i32 to index
        %get3A_289 = tpu.vector_load %run_scoped3A_3[%get3A_288] {strides = array<i32>} : memref<16384xi32, #tpu.memory_space<vmem>>, vector<16xi32>,
        %gather3A_290 = tpu.vector_load_idx %run_scoped3A[%get3A_289] : memref<100000xf32, #tpu.memory_space<vmem>>[vector<16xi32>], vector<16xf32>,
        %swap3A_291 = arith.index_cast %add3A_285 : i32 to index
        %swap3A_292 = tpu.vector_load %run_scoped3A_4[%swap3A_291] {strides = array<i32>} : memref<4096xf32, #tpu.memory_space<vmem>>, vector<16xf32>,
        tpu.vector_store %run_scoped3A_4[%swap3A_291], %gather3A_290 {strides = array<i32>} : memref<4096xf32, #tpu.memory_space<vmem>>, vector<16xf32>,
        %mul3A_293 = arith.constant 256 : i32
        %mul3A_294 = arith.muli %scan3A_185, %mul3A_293 : i32
        %add3A_295 = arith.constant 160 : i32
        %add3A_296 = arith.addi %mul3A_294, %add3A_295 : i32
        %add3A_297 = arith.constant 8192 : i32
        %add3A_298 = arith.addi %add3A_297, %add3A_296 : i32
        %get3A_299 = arith.index_cast %add3A_298 : i32 to index
        %get3A_300 = tpu.vector_load %run_scoped3A_3[%get3A_299] {strides = array<i32>} : memref<16384xi32, #tpu.memory_space<vmem>>, vector<16xi32>,
        %gather3A_301 = tpu.vector_load_idx %run_scoped3A[%get3A_300] : memref<100000xf32, #tpu.memory_space<vmem>>[vector<16xi32>], vector<16xf32>,
        %swap3A_302 = arith.index_cast %add3A_296 : i32 to index
        %swap3A_303 = tpu.vector_load %run_scoped3A_4[%swap3A_302] {strides = array<i32>} : memref<4096xf32, #tpu.memory_space<vmem>>, vector<16xf32>,
        tpu.vector_store %run_scoped3A_4[%swap3A_302], %gather3A_301 {strides = array<i32>} : memref<4096xf32, #tpu.memory_space<vmem>>, vector<16xf32>,
        %mul3A_304 = arith.constant 256 : i32
        %mul3A_305 = arith.muli %scan3A_185, %mul3A_304 : i32
        %add3A_306 = arith.constant 176 : i32
        %add3A_307 = arith.addi %mul3A_305, %add3A_306 : i32
        %add3A_308 = arith.constant 8192 : i32
        %add3A_309 = arith.addi %add3A_308, %add3A_307 : i32
        %get3A_310 = arith.index_cast %add3A_309 : i32 to index
        %get3A_311 = tpu.vector_load %run_scoped3A_3[%get3A_310] {strides = array<i32>} : memref<16384xi32, #tpu.memory_space<vmem>>, vector<16xi32>,
        %gather3A_312 = tpu.vector_load_idx %run_scoped3A[%get3A_311] : memref<100000xf32, #tpu.memory_space<vmem>>[vector<16xi32>], vector<16xf32>,
        %swap3A_313 = arith.index_cast %add3A_307 : i32 to index
        %swap3A_314 = tpu.vector_load %run_scoped3A_4[%swap3A_313] {strides = array<i32>} : memref<4096xf32, #tpu.memory_space<vmem>>, vector<16xf32>,
        tpu.vector_store %run_scoped3A_4[%swap3A_313], %gather3A_312 {strides = array<i32>} : memref<4096xf32, #tpu.memory_space<vmem>>, vector<16xf32>,
        %mul3A_315 = arith.constant 256 : i32
        %mul3A_316 = arith.muli %scan3A_185, %mul3A_315 : i32
        %add3A_317 = arith.constant 192 : i32
        %add3A_318 = arith.addi %mul3A_316, %add3A_317 : i32
        %add3A_319 = arith.constant 8192 : i32
        %add3A_320 = arith.addi %add3A_319, %add3A_318 : i32
        %get3A_321 = arith.index_cast %add3A_320 : i32 to index
        %get3A_322 = tpu.vector_load %run_scoped3A_3[%get3A_321] {strides = array<i32>} : memref<16384xi32, #tpu.memory_space<vmem>>, vector<16xi32>,
        %gather3A_323 = tpu.vector_load_idx %run_scoped3A[%get3A_322] : memref<100000xf32, #tpu.memory_space<vmem>>[vector<16xi32>], vector<16xf32>,
        %swap3A_324 = arith.index_cast %add3A_318 : i32 to index
        %swap3A_325 = tpu.vector_load %run_scoped3A_4[%swap3A_324] {strides = array<i32>} : memref<4096xf32, #tpu.memory_space<vmem>>, vector<16xf32>,
        tpu.vector_store %run_scoped3A_4[%swap3A_324], %gather3A_323 {strides = array<i32>} : memref<4096xf32, #tpu.memory_space<vmem>>, vector<16xf32>,
        %mul3A_326 = arith.constant 256 : i32
        %mul3A_327 = arith.muli %scan3A_185, %mul3A_326 : i32
        %add3A_328 = arith.constant 208 : i32
        %add3A_329 = arith.addi %mul3A_327, %add3A_328 : i32
        %add3A_330 = arith.constant 8192 : i32
        %add3A_331 = arith.addi %add3A_330, %add3A_329 : i32
        %get3A_332 = arith.index_cast %add3A_331 : i32 to index
        %get3A_333 = tpu.vector_load %run_scoped3A_3[%get3A_332] {strides = array<i32>} : memref<16384xi32, #tpu.memory_space<vmem>>, vector<16xi32>,
        %gather3A_334 = tpu.vector_load_idx %run_scoped3A[%get3A_333] : memref<100000xf32, #tpu.memory_space<vmem>>[vector<16xi32>], vector<16xf32>,
        %swap3A_335 = arith.index_cast %add3A_329 : i32 to index
        %swap3A_336 = tpu.vector_load %run_scoped3A_4[%swap3A_335] {strides = array<i32>} : memref<4096xf32, #tpu.memory_space<vmem>>, vector<16xf32>,
        tpu.vector_store %run_scoped3A_4[%swap3A_335], %gather3A_334 {strides = array<i32>} : memref<4096xf32, #tpu.memory_space<vmem>>, vector<16xf32>,
        %mul3A_337 = arith.constant 256 : i32
        %mul3A_338 = arith.muli %scan3A_185, %mul3A_337 : i32
        %add3A_339 = arith.constant 224 : i32
        %add3A_340 = arith.addi %mul3A_338, %add3A_339 : i32
        %add3A_341 = arith.constant 8192 : i32
        %add3A_342 = arith.addi %add3A_341, %add3A_340 : i32
        %get3A_343 = arith.index_cast %add3A_342 : i32 to index
        %get3A_344 = tpu.vector_load %run_scoped3A_3[%get3A_343] {strides = array<i32>} : memref<16384xi32, #tpu.memory_space<vmem>>, vector<16xi32>,
        %gather3A_345 = tpu.vector_load_idx %run_scoped3A[%get3A_344] : memref<100000xf32, #tpu.memory_space<vmem>>[vector<16xi32>], vector<16xf32>,
        %swap3A_346 = arith.index_cast %add3A_340 : i32 to index
        %swap3A_347 = tpu.vector_load %run_scoped3A_4[%swap3A_346] {strides = array<i32>} : memref<4096xf32, #tpu.memory_space<vmem>>, vector<16xf32>,
        tpu.vector_store %run_scoped3A_4[%swap3A_346], %gather3A_345 {strides = array<i32>} : memref<4096xf32, #tpu.memory_space<vmem>>, vector<16xf32>,
        %mul3A_348 = arith.constant 256 : i32
        %mul3A_349 = arith.muli %scan3A_185, %mul3A_348 : i32
        %add3A_350 = arith.constant 240 : i32
        %add3A_351 = arith.addi %mul3A_349, %add3A_350 : i32
        %add3A_352 = arith.constant 8192 : i32
        %add3A_353 = arith.addi %add3A_352, %add3A_351 : i32
        %get3A_354 = arith.index_cast %add3A_353 : i32 to index
        %get3A_355 = tpu.vector_load %run_scoped3A_3[%get3A_354] {strides = array<i32>} : memref<16384xi32, #tpu.memory_space<vmem>>, vector<16xi32>,
        %gather3A_356 = tpu.vector_load_idx %run_scoped3A[%get3A_355] : memref<100000xf32, #tpu.memory_space<vmem>>[vector<16xi32>], vector<16xf32>,
        %swap3A_357 = arith.index_cast %add3A_351 : i32 to index
        %swap3A_358 = tpu.vector_load %run_scoped3A_4[%swap3A_357] {strides = array<i32>} : memref<4096xf32, #tpu.memory_space<vmem>>, vector<16xf32>,
        tpu.vector_store %run_scoped3A_4[%swap3A_357], %gather3A_356 {strides = array<i32>} : memref<4096xf32, #tpu.memory_space<vmem>>, vector<16xf32>,
      }
      %scan3A_58 = arith.constant 16 : i32
      %dma_start3A_59 = arith.constant 8192 : i32
      %dma_start3A_60 = tpu.memref_slice %arg6[%add3A_18, %dma_start3A_59] : memref<64x16384xf32, #tpu.memory_space<hbm>> -> memref<1x4096xf32, #tpu.memory_space<hbm>>
      %dma_start3A_61 = tpu.memref_squeeze %dma_start3A_60 : memref<1x4096xf32, #tpu.memory_space<hbm>> -> memref<4096xf32, #tpu.memory_space<hbm>>
      %dma_start3A_62 = arith.constant 8192 : i32
      %dma_start3A_63 = tpu.memref_slice %arg6[%add3A_18, %dma_start3A_62] : memref<64x16384xf32, #tpu.memory_space<hbm>> -> memref<1x4096xf32, #tpu.memory_space<hbm>>
      %dma_start3A_64 = tpu.memref_squeeze %dma_start3A_63 : memref<1x4096xf32, #tpu.memory_space<hbm>> -> memref<4096xf32, #tpu.memory_space<hbm>>
      tpu.enqueue_dma source(%run_scoped3A_4 : memref<4096xf32, #tpu.memory_space<vmem>>) target(%dma_start3A_64 : memref<4096xf32, #tpu.memory_space<hbm>>) target_semaphore(%run_scoped3A_7 : memref<!tpu.dma_semaphore, #tpu.memory_space<semaphore_mem>>)
      %dma_wait3A_65 = arith.constant 4096 : i32
      %dma_wait3A_66 = tpu.memref_slice %arg6[%add3A_18, %dma_wait3A_65] : memref<64x16384xf32, #tpu.memory_space<hbm>> -> memref<1x4096xf32, #tpu.memory_space<hbm>>
      %dma_wait3A_67 = tpu.memref_squeeze %dma_wait3A_66 : memref<1x4096xf32, #tpu.memory_space<hbm>> -> memref<4096xf32, #tpu.memory_space<hbm>>
      %dma_wait3A_68 = arith.constant 4096 : i32
      %dma_wait3A_69 = tpu.memref_slice %arg6[%add3A_18, %dma_wait3A_68] : memref<64x16384xf32, #tpu.memory_space<hbm>> -> memref<1x4096xf32, #tpu.memory_space<hbm>>
      %dma_wait3A_70 = tpu.memref_squeeze %dma_wait3A_69 : memref<1x4096xf32, #tpu.memory_space<hbm>> -> memref<4096xf32, #tpu.memory_space<hbm>>
      tpu.wait_dma2 semaphore(%run_scoped3A_7 : memref<!tpu.dma_semaphore, #tpu.memory_space<semaphore_mem>>) src(%run_scoped3A_5 : memref<4096xf32, #tpu.memory_space<vmem>>) dst(%dma_wait3A_70 : memref<4096xf32, #tpu.memory_space<hbm>>)
      %scan3A_71 = arith.constant 0 : i32
      %scan3A_72 = arith.constant 0 : i32
      %scan3A_73 = arith.constant 16 : i32
      %scan3A_74 = arith.addi %scan3A_72, %scan3A_73 : i32
      %scan3A_75 = arith.constant 1 : i32
      scf.for %scan3A_185 = %scan3A_72 to %scan3A_74 step %scan3A_75  : i32 {
        %mul3A_186 = arith.constant 256 : i32
        %mul3A_187 = arith.muli %scan3A_185, %mul3A_186 : i32
        %add3A_188 = arith.constant 0 : i32
        %add3A_189 = arith.addi %mul3A_187, %add3A_188 : i32
        %add3A_190 = arith.constant 12288 : i32
        %add3A_191 = arith.addi %add3A_190, %add3A_189 : i32
        %get3A = arith.index_cast %add3A_191 : i32 to index
        %get3A_192 = tpu.vector_load %run_scoped3A_3[%get3A] {strides = array<i32>} : memref<16384xi32, #tpu.memory_space<vmem>>, vector<16xi32>,
        %gather3A = tpu.vector_load_idx %run_scoped3A[%get3A_192] : memref<100000xf32, #tpu.memory_space<vmem>>[vector<16xi32>], vector<16xf32>,
        %swap3A = arith.index_cast %add3A_189 : i32 to index
        %swap3A_193 = tpu.vector_load %run_scoped3A_5[%swap3A] {strides = array<i32>} : memref<4096xf32, #tpu.memory_space<vmem>>, vector<16xf32>,
        tpu.vector_store %run_scoped3A_5[%swap3A], %gather3A {strides = array<i32>} : memref<4096xf32, #tpu.memory_space<vmem>>, vector<16xf32>,
        %mul3A_194 = arith.constant 256 : i32
        %mul3A_195 = arith.muli %scan3A_185, %mul3A_194 : i32
        %add3A_196 = arith.constant 16 : i32
        %add3A_197 = arith.addi %mul3A_195, %add3A_196 : i32
        %add3A_198 = arith.constant 12288 : i32
        %add3A_199 = arith.addi %add3A_198, %add3A_197 : i32
        %get3A_200 = arith.index_cast %add3A_199 : i32 to index
        %get3A_201 = tpu.vector_load %run_scoped3A_3[%get3A_200] {strides = array<i32>} : memref<16384xi32, #tpu.memory_space<vmem>>, vector<16xi32>,
        %gather3A_202 = tpu.vector_load_idx %run_scoped3A[%get3A_201] : memref<100000xf32, #tpu.memory_space<vmem>>[vector<16xi32>], vector<16xf32>,
        %swap3A_203 = arith.index_cast %add3A_197 : i32 to index
        %swap3A_204 = tpu.vector_load %run_scoped3A_5[%swap3A_203] {strides = array<i32>} : memref<4096xf32, #tpu.memory_space<vmem>>, vector<16xf32>,
        tpu.vector_store %run_scoped3A_5[%swap3A_203], %gather3A_202 {strides = array<i32>} : memref<4096xf32, #tpu.memory_space<vmem>>, vector<16xf32>,
        %mul3A_205 = arith.constant 256 : i32
        %mul3A_206 = arith.muli %scan3A_185, %mul3A_205 : i32
        %add3A_207 = arith.constant 32 : i32
        %add3A_208 = arith.addi %mul3A_206, %add3A_207 : i32
        %add3A_209 = arith.constant 12288 : i32
        %add3A_210 = arith.addi %add3A_209, %add3A_208 : i32
        %get3A_211 = arith.index_cast %add3A_210 : i32 to index
        %get3A_212 = tpu.vector_load %run_scoped3A_3[%get3A_211] {strides = array<i32>} : memref<16384xi32, #tpu.memory_space<vmem>>, vector<16xi32>,
        %gather3A_213 = tpu.vector_load_idx %run_scoped3A[%get3A_212] : memref<100000xf32, #tpu.memory_space<vmem>>[vector<16xi32>], vector<16xf32>,
        %swap3A_214 = arith.index_cast %add3A_208 : i32 to index
        %swap3A_215 = tpu.vector_load %run_scoped3A_5[%swap3A_214] {strides = array<i32>} : memref<4096xf32, #tpu.memory_space<vmem>>, vector<16xf32>,
        tpu.vector_store %run_scoped3A_5[%swap3A_214], %gather3A_213 {strides = array<i32>} : memref<4096xf32, #tpu.memory_space<vmem>>, vector<16xf32>,
        %mul3A_216 = arith.constant 256 : i32
        %mul3A_217 = arith.muli %scan3A_185, %mul3A_216 : i32
        %add3A_218 = arith.constant 48 : i32
        %add3A_219 = arith.addi %mul3A_217, %add3A_218 : i32
        %add3A_220 = arith.constant 12288 : i32
        %add3A_221 = arith.addi %add3A_220, %add3A_219 : i32
        %get3A_222 = arith.index_cast %add3A_221 : i32 to index
        %get3A_223 = tpu.vector_load %run_scoped3A_3[%get3A_222] {strides = array<i32>} : memref<16384xi32, #tpu.memory_space<vmem>>, vector<16xi32>,
        %gather3A_224 = tpu.vector_load_idx %run_scoped3A[%get3A_223] : memref<100000xf32, #tpu.memory_space<vmem>>[vector<16xi32>], vector<16xf32>,
        %swap3A_225 = arith.index_cast %add3A_219 : i32 to index
        %swap3A_226 = tpu.vector_load %run_scoped3A_5[%swap3A_225] {strides = array<i32>} : memref<4096xf32, #tpu.memory_space<vmem>>, vector<16xf32>,
        tpu.vector_store %run_scoped3A_5[%swap3A_225], %gather3A_224 {strides = array<i32>} : memref<4096xf32, #tpu.memory_space<vmem>>, vector<16xf32>,
        %mul3A_227 = arith.constant 256 : i32
        %mul3A_228 = arith.muli %scan3A_185, %mul3A_227 : i32
        %add3A_229 = arith.constant 64 : i32
        %add3A_230 = arith.addi %mul3A_228, %add3A_229 : i32
        %add3A_231 = arith.constant 12288 : i32
        %add3A_232 = arith.addi %add3A_231, %add3A_230 : i32
        %get3A_233 = arith.index_cast %add3A_232 : i32 to index
        %get3A_234 = tpu.vector_load %run_scoped3A_3[%get3A_233] {strides = array<i32>} : memref<16384xi32, #tpu.memory_space<vmem>>, vector<16xi32>,
        %gather3A_235 = tpu.vector_load_idx %run_scoped3A[%get3A_234] : memref<100000xf32, #tpu.memory_space<vmem>>[vector<16xi32>], vector<16xf32>,
        %swap3A_236 = arith.index_cast %add3A_230 : i32 to index
        %swap3A_237 = tpu.vector_load %run_scoped3A_5[%swap3A_236] {strides = array<i32>} : memref<4096xf32, #tpu.memory_space<vmem>>, vector<16xf32>,
        tpu.vector_store %run_scoped3A_5[%swap3A_236], %gather3A_235 {strides = array<i32>} : memref<4096xf32, #tpu.memory_space<vmem>>, vector<16xf32>,
        %mul3A_238 = arith.constant 256 : i32
        %mul3A_239 = arith.muli %scan3A_185, %mul3A_238 : i32
        %add3A_240 = arith.constant 80 : i32
        %add3A_241 = arith.addi %mul3A_239, %add3A_240 : i32
        %add3A_242 = arith.constant 12288 : i32
        %add3A_243 = arith.addi %add3A_242, %add3A_241 : i32
        %get3A_244 = arith.index_cast %add3A_243 : i32 to index
        %get3A_245 = tpu.vector_load %run_scoped3A_3[%get3A_244] {strides = array<i32>} : memref<16384xi32, #tpu.memory_space<vmem>>, vector<16xi32>,
        %gather3A_246 = tpu.vector_load_idx %run_scoped3A[%get3A_245] : memref<100000xf32, #tpu.memory_space<vmem>>[vector<16xi32>], vector<16xf32>,
        %swap3A_247 = arith.index_cast %add3A_241 : i32 to index
        %swap3A_248 = tpu.vector_load %run_scoped3A_5[%swap3A_247] {strides = array<i32>} : memref<4096xf32, #tpu.memory_space<vmem>>, vector<16xf32>,
        tpu.vector_store %run_scoped3A_5[%swap3A_247], %gather3A_246 {strides = array<i32>} : memref<4096xf32, #tpu.memory_space<vmem>>, vector<16xf32>,
        %mul3A_249 = arith.constant 256 : i32
        %mul3A_250 = arith.muli %scan3A_185, %mul3A_249 : i32
        %add3A_251 = arith.constant 96 : i32
        %add3A_252 = arith.addi %mul3A_250, %add3A_251 : i32
        %add3A_253 = arith.constant 12288 : i32
        %add3A_254 = arith.addi %add3A_253, %add3A_252 : i32
        %get3A_255 = arith.index_cast %add3A_254 : i32 to index
        %get3A_256 = tpu.vector_load %run_scoped3A_3[%get3A_255] {strides = array<i32>} : memref<16384xi32, #tpu.memory_space<vmem>>, vector<16xi32>,
        %gather3A_257 = tpu.vector_load_idx %run_scoped3A[%get3A_256] : memref<100000xf32, #tpu.memory_space<vmem>>[vector<16xi32>], vector<16xf32>,
        %swap3A_258 = arith.index_cast %add3A_252 : i32 to index
        %swap3A_259 = tpu.vector_load %run_scoped3A_5[%swap3A_258] {strides = array<i32>} : memref<4096xf32, #tpu.memory_space<vmem>>, vector<16xf32>,
        tpu.vector_store %run_scoped3A_5[%swap3A_258], %gather3A_257 {strides = array<i32>} : memref<4096xf32, #tpu.memory_space<vmem>>, vector<16xf32>,
        %mul3A_260 = arith.constant 256 : i32
        %mul3A_261 = arith.muli %scan3A_185, %mul3A_260 : i32
        %add3A_262 = arith.constant 112 : i32
        %add3A_263 = arith.addi %mul3A_261, %add3A_262 : i32
        %add3A_264 = arith.constant 12288 : i32
        %add3A_265 = arith.addi %add3A_264, %add3A_263 : i32
        %get3A_266 = arith.index_cast %add3A_265 : i32 to index
        %get3A_267 = tpu.vector_load %run_scoped3A_3[%get3A_266] {strides = array<i32>} : memref<16384xi32, #tpu.memory_space<vmem>>, vector<16xi32>,
        %gather3A_268 = tpu.vector_load_idx %run_scoped3A[%get3A_267] : memref<100000xf32, #tpu.memory_space<vmem>>[vector<16xi32>], vector<16xf32>,
        %swap3A_269 = arith.index_cast %add3A_263 : i32 to index
        %swap3A_270 = tpu.vector_load %run_scoped3A_5[%swap3A_269] {strides = array<i32>} : memref<4096xf32, #tpu.memory_space<vmem>>, vector<16xf32>,
        tpu.vector_store %run_scoped3A_5[%swap3A_269], %gather3A_268 {strides = array<i32>} : memref<4096xf32, #tpu.memory_space<vmem>>, vector<16xf32>,
        %mul3A_271 = arith.constant 256 : i32
        %mul3A_272 = arith.muli %scan3A_185, %mul3A_271 : i32
        %add3A_273 = arith.constant 128 : i32
        %add3A_274 = arith.addi %mul3A_272, %add3A_273 : i32
        %add3A_275 = arith.constant 12288 : i32
        %add3A_276 = arith.addi %add3A_275, %add3A_274 : i32
        %get3A_277 = arith.index_cast %add3A_276 : i32 to index
        %get3A_278 = tpu.vector_load %run_scoped3A_3[%get3A_277] {strides = array<i32>} : memref<16384xi32, #tpu.memory_space<vmem>>, vector<16xi32>,
        %gather3A_279 = tpu.vector_load_idx %run_scoped3A[%get3A_278] : memref<100000xf32, #tpu.memory_space<vmem>>[vector<16xi32>], vector<16xf32>,
        %swap3A_280 = arith.index_cast %add3A_274 : i32 to index
        %swap3A_281 = tpu.vector_load %run_scoped3A_5[%swap3A_280] {strides = array<i32>} : memref<4096xf32, #tpu.memory_space<vmem>>, vector<16xf32>,
        tpu.vector_store %run_scoped3A_5[%swap3A_280], %gather3A_279 {strides = array<i32>} : memref<4096xf32, #tpu.memory_space<vmem>>, vector<16xf32>,
        %mul3A_282 = arith.constant 256 : i32
        %mul3A_283 = arith.muli %scan3A_185, %mul3A_282 : i32
        %add3A_284 = arith.constant 144 : i32
        %add3A_285 = arith.addi %mul3A_283, %add3A_284 : i32
        %add3A_286 = arith.constant 12288 : i32
        %add3A_287 = arith.addi %add3A_286, %add3A_285 : i32
        %get3A_288 = arith.index_cast %add3A_287 : i32 to index
        %get3A_289 = tpu.vector_load %run_scoped3A_3[%get3A_288] {strides = array<i32>} : memref<16384xi32, #tpu.memory_space<vmem>>, vector<16xi32>,
        %gather3A_290 = tpu.vector_load_idx %run_scoped3A[%get3A_289] : memref<100000xf32, #tpu.memory_space<vmem>>[vector<16xi32>], vector<16xf32>,
        %swap3A_291 = arith.index_cast %add3A_285 : i32 to index
        %swap3A_292 = tpu.vector_load %run_scoped3A_5[%swap3A_291] {strides = array<i32>} : memref<4096xf32, #tpu.memory_space<vmem>>, vector<16xf32>,
        tpu.vector_store %run_scoped3A_5[%swap3A_291], %gather3A_290 {strides = array<i32>} : memref<4096xf32, #tpu.memory_space<vmem>>, vector<16xf32>,
        %mul3A_293 = arith.constant 256 : i32
        %mul3A_294 = arith.muli %scan3A_185, %mul3A_293 : i32
        %add3A_295 = arith.constant 160 : i32
        %add3A_296 = arith.addi %mul3A_294, %add3A_295 : i32
        %add3A_297 = arith.constant 12288 : i32
        %add3A_298 = arith.addi %add3A_297, %add3A_296 : i32
        %get3A_299 = arith.index_cast %add3A_298 : i32 to index
        %get3A_300 = tpu.vector_load %run_scoped3A_3[%get3A_299] {strides = array<i32>} : memref<16384xi32, #tpu.memory_space<vmem>>, vector<16xi32>,
        %gather3A_301 = tpu.vector_load_idx %run_scoped3A[%get3A_300] : memref<100000xf32, #tpu.memory_space<vmem>>[vector<16xi32>], vector<16xf32>,
        %swap3A_302 = arith.index_cast %add3A_296 : i32 to index
        %swap3A_303 = tpu.vector_load %run_scoped3A_5[%swap3A_302] {strides = array<i32>} : memref<4096xf32, #tpu.memory_space<vmem>>, vector<16xf32>,
        tpu.vector_store %run_scoped3A_5[%swap3A_302], %gather3A_301 {strides = array<i32>} : memref<4096xf32, #tpu.memory_space<vmem>>, vector<16xf32>,
        %mul3A_304 = arith.constant 256 : i32
        %mul3A_305 = arith.muli %scan3A_185, %mul3A_304 : i32
        %add3A_306 = arith.constant 176 : i32
        %add3A_307 = arith.addi %mul3A_305, %add3A_306 : i32
        %add3A_308 = arith.constant 12288 : i32
        %add3A_309 = arith.addi %add3A_308, %add3A_307 : i32
        %get3A_310 = arith.index_cast %add3A_309 : i32 to index
        %get3A_311 = tpu.vector_load %run_scoped3A_3[%get3A_310] {strides = array<i32>} : memref<16384xi32, #tpu.memory_space<vmem>>, vector<16xi32>,
        %gather3A_312 = tpu.vector_load_idx %run_scoped3A[%get3A_311] : memref<100000xf32, #tpu.memory_space<vmem>>[vector<16xi32>], vector<16xf32>,
        %swap3A_313 = arith.index_cast %add3A_307 : i32 to index
        %swap3A_314 = tpu.vector_load %run_scoped3A_5[%swap3A_313] {strides = array<i32>} : memref<4096xf32, #tpu.memory_space<vmem>>, vector<16xf32>,
        tpu.vector_store %run_scoped3A_5[%swap3A_313], %gather3A_312 {strides = array<i32>} : memref<4096xf32, #tpu.memory_space<vmem>>, vector<16xf32>,
        %mul3A_315 = arith.constant 256 : i32
        %mul3A_316 = arith.muli %scan3A_185, %mul3A_315 : i32
        %add3A_317 = arith.constant 192 : i32
        %add3A_318 = arith.addi %mul3A_316, %add3A_317 : i32
        %add3A_319 = arith.constant 12288 : i32
        %add3A_320 = arith.addi %add3A_319, %add3A_318 : i32
        %get3A_321 = arith.index_cast %add3A_320 : i32 to index
        %get3A_322 = tpu.vector_load %run_scoped3A_3[%get3A_321] {strides = array<i32>} : memref<16384xi32, #tpu.memory_space<vmem>>, vector<16xi32>,
        %gather3A_323 = tpu.vector_load_idx %run_scoped3A[%get3A_322] : memref<100000xf32, #tpu.memory_space<vmem>>[vector<16xi32>], vector<16xf32>,
        %swap3A_324 = arith.index_cast %add3A_318 : i32 to index
        %swap3A_325 = tpu.vector_load %run_scoped3A_5[%swap3A_324] {strides = array<i32>} : memref<4096xf32, #tpu.memory_space<vmem>>, vector<16xf32>,
        tpu.vector_store %run_scoped3A_5[%swap3A_324], %gather3A_323 {strides = array<i32>} : memref<4096xf32, #tpu.memory_space<vmem>>, vector<16xf32>,
        %mul3A_326 = arith.constant 256 : i32
        %mul3A_327 = arith.muli %scan3A_185, %mul3A_326 : i32
        %add3A_328 = arith.constant 208 : i32
        %add3A_329 = arith.addi %mul3A_327, %add3A_328 : i32
        %add3A_330 = arith.constant 12288 : i32
        %add3A_331 = arith.addi %add3A_330, %add3A_329 : i32
        %get3A_332 = arith.index_cast %add3A_331 : i32 to index
        %get3A_333 = tpu.vector_load %run_scoped3A_3[%get3A_332] {strides = array<i32>} : memref<16384xi32, #tpu.memory_space<vmem>>, vector<16xi32>,
        %gather3A_334 = tpu.vector_load_idx %run_scoped3A[%get3A_333] : memref<100000xf32, #tpu.memory_space<vmem>>[vector<16xi32>], vector<16xf32>,
        %swap3A_335 = arith.index_cast %add3A_329 : i32 to index
        %swap3A_336 = tpu.vector_load %run_scoped3A_5[%swap3A_335] {strides = array<i32>} : memref<4096xf32, #tpu.memory_space<vmem>>, vector<16xf32>,
        tpu.vector_store %run_scoped3A_5[%swap3A_335], %gather3A_334 {strides = array<i32>} : memref<4096xf32, #tpu.memory_space<vmem>>, vector<16xf32>,
        %mul3A_337 = arith.constant 256 : i32
        %mul3A_338 = arith.muli %scan3A_185, %mul3A_337 : i32
        %add3A_339 = arith.constant 224 : i32
        %add3A_340 = arith.addi %mul3A_338, %add3A_339 : i32
        %add3A_341 = arith.constant 12288 : i32
        %add3A_342 = arith.addi %add3A_341, %add3A_340 : i32
        %get3A_343 = arith.index_cast %add3A_342 : i32 to index
        %get3A_344 = tpu.vector_load %run_scoped3A_3[%get3A_343] {strides = array<i32>} : memref<16384xi32, #tpu.memory_space<vmem>>, vector<16xi32>,
        %gather3A_345 = tpu.vector_load_idx %run_scoped3A[%get3A_344] : memref<100000xf32, #tpu.memory_space<vmem>>[vector<16xi32>], vector<16xf32>,
        %swap3A_346 = arith.index_cast %add3A_340 : i32 to index
        %swap3A_347 = tpu.vector_load %run_scoped3A_5[%swap3A_346] {strides = array<i32>} : memref<4096xf32, #tpu.memory_space<vmem>>, vector<16xf32>,
        tpu.vector_store %run_scoped3A_5[%swap3A_346], %gather3A_345 {strides = array<i32>} : memref<4096xf32, #tpu.memory_space<vmem>>, vector<16xf32>,
        %mul3A_348 = arith.constant 256 : i32
        %mul3A_349 = arith.muli %scan3A_185, %mul3A_348 : i32
        %add3A_350 = arith.constant 240 : i32
        %add3A_351 = arith.addi %mul3A_349, %add3A_350 : i32
        %add3A_352 = arith.constant 12288 : i32
        %add3A_353 = arith.addi %add3A_352, %add3A_351 : i32
        %get3A_354 = arith.index_cast %add3A_353 : i32 to index
        %get3A_355 = tpu.vector_load %run_scoped3A_3[%get3A_354] {strides = array<i32>} : memref<16384xi32, #tpu.memory_space<vmem>>, vector<16xi32>,
        %gather3A_356 = tpu.vector_load_idx %run_scoped3A[%get3A_355] : memref<100000xf32, #tpu.memory_space<vmem>>[vector<16xi32>], vector<16xf32>,
        %swap3A_357 = arith.index_cast %add3A_351 : i32 to index
        %swap3A_358 = tpu.vector_load %run_scoped3A_5[%swap3A_357] {strides = array<i32>} : memref<4096xf32, #tpu.memory_space<vmem>>, vector<16xf32>,
        tpu.vector_store %run_scoped3A_5[%swap3A_357], %gather3A_356 {strides = array<i32>} : memref<4096xf32, #tpu.memory_space<vmem>>, vector<16xf32>,
      }
      %scan3A_76 = arith.constant 16 : i32
      %dma_start3A_77 = arith.constant 12288 : i32
      %dma_start3A_78 = tpu.memref_slice %arg6[%add3A_18, %dma_start3A_77] : memref<64x16384xf32, #tpu.memory_space<hbm>> -> memref<1x4096xf32, #tpu.memory_space<hbm>>
      %dma_start3A_79 = tpu.memref_squeeze %dma_start3A_78 : memref<1x4096xf32, #tpu.memory_space<hbm>> -> memref<4096xf32, #tpu.memory_space<hbm>>
      %dma_start3A_80 = arith.constant 12288 : i32
      %dma_start3A_81 = tpu.memref_slice %arg6[%add3A_18, %dma_start3A_80] : memref<64x16384xf32, #tpu.memory_space<hbm>> -> memref<1x4096xf32, #tpu.memory_space<hbm>>
      %dma_start3A_82 = tpu.memref_squeeze %dma_start3A_81 : memref<1x4096xf32, #tpu.memory_space<hbm>> -> memref<4096xf32, #tpu.memory_space<hbm>>
      tpu.enqueue_dma source(%run_scoped3A_5 : memref<4096xf32, #tpu.memory_space<vmem>>) target(%dma_start3A_82 : memref<4096xf32, #tpu.memory_space<hbm>>) target_semaphore(%run_scoped3A_7 : memref<!tpu.dma_semaphore, #tpu.memory_space<semaphore_mem>>)
      %add3A_83 = arith.constant 1 : i32
      %add3A_84 = arith.addi %add3A_18, %add3A_83 : i32
      %dma_start3A_85 = arith.constant 0 : i32
      %dma_start3A_86 = tpu.memref_slice %arg2[%add3A_84, %dma_start3A_85] : memref<64x100000xf32, #tpu.memory_space<hbm>> -> memref<1x100000xf32, #tpu.memory_space<hbm>>
      %dma_start3A_87 = tpu.memref_squeeze %dma_start3A_86 : memref<1x100000xf32, #tpu.memory_space<hbm>> -> memref<100000xf32, #tpu.memory_space<hbm>>
      %dma_start3A_88 = arith.constant 0 : i32
      %dma_start3A_89 = tpu.memref_slice %arg2[%add3A_84, %dma_start3A_88] : memref<64x100000xf32, #tpu.memory_space<hbm>> -> memref<1x100000xf32, #tpu.memory_space<hbm>>
      %dma_start3A_90 = tpu.memref_squeeze %dma_start3A_89 : memref<1x100000xf32, #tpu.memory_space<hbm>> -> memref<100000xf32, #tpu.memory_space<hbm>>
      tpu.enqueue_dma source(%dma_start3A_90 : memref<100000xf32, #tpu.memory_space<hbm>>) target(%run_scoped3A : memref<100000xf32, #tpu.memory_space<vmem>>) target_semaphore(%run_scoped3A_6 : memref<!tpu.dma_semaphore, #tpu.memory_space<semaphore_mem>>)
      %dma_wait3A_91 = arith.constant 8192 : i32
      %dma_wait3A_92 = tpu.memref_slice %arg6[%add3A_18, %dma_wait3A_91] : memref<64x16384xf32, #tpu.memory_space<hbm>> -> memref<1x4096xf32, #tpu.memory_space<hbm>>
      %dma_wait3A_93 = tpu.memref_squeeze %dma_wait3A_92 : memref<1x4096xf32, #tpu.memory_space<hbm>> -> memref<4096xf32, #tpu.memory_space<hbm>>
      %dma_wait3A_94 = arith.constant 8192 : i32
      %dma_wait3A_95 = tpu.memref_slice %arg6[%add3A_18, %dma_wait3A_94] : memref<64x16384xf32, #tpu.memory_space<hbm>> -> memref<1x4096xf32, #tpu.memory_space<hbm>>
      %dma_wait3A_96 = tpu.memref_squeeze %dma_wait3A_95 : memref<1x4096xf32, #tpu.memory_space<hbm>> -> memref<4096xf32, #tpu.memory_space<hbm>>
      tpu.wait_dma2 semaphore(%run_scoped3A_7 : memref<!tpu.dma_semaphore, #tpu.memory_space<semaphore_mem>>) src(%run_scoped3A_4 : memref<4096xf32, #tpu.memory_space<vmem>>) dst(%dma_wait3A_96 : memref<4096xf32, #tpu.memory_space<hbm>>)
      %dma_wait3A_97 = arith.constant 12288 : i32
      %dma_wait3A_98 = tpu.memref_slice %arg6[%add3A_18, %dma_wait3A_97] : memref<64x16384xf32, #tpu.memory_space<hbm>> -> memref<1x4096xf32, #tpu.memory_space<hbm>>
      %dma_wait3A_99 = tpu.memref_squeeze %dma_wait3A_98 : memref<1x4096xf32, #tpu.memory_space<hbm>> -> memref<4096xf32, #tpu.memory_space<hbm>>
      %dma_wait3A_100 = arith.constant 12288 : i32
      %dma_wait3A_101 = tpu.memref_slice %arg6[%add3A_18, %dma_wait3A_100] : memref<64x16384xf32, #tpu.memory_space<hbm>> -> memref<1x4096xf32, #tpu.memory_space<hbm>>
      %dma_wait3A_102 = tpu.memref_squeeze %dma_wait3A_101 : memref<1x4096xf32, #tpu.memory_space<hbm>> -> memref<4096xf32, #tpu.memory_space<hbm>>
      tpu.wait_dma2 semaphore(%run_scoped3A_7 : memref<!tpu.dma_semaphore, #tpu.memory_space<semaphore_mem>>) src(%run_scoped3A_5 : memref<4096xf32, #tpu.memory_space<vmem>>) dst(%dma_wait3A_102 : memref<4096xf32, #tpu.memory_space<hbm>>)
      %mul3A_103 = arith.constant 2 : i32
      %mul3A_104 = arith.muli %add3A, %mul3A_103 : i32
      %add3A_105 = arith.constant 1 : i32
      %add3A_106 = arith.addi %mul3A_104, %add3A_105 : i32
      %dma_wait3A_107 = arith.constant 0 : i32
      %dma_wait3A_108 = tpu.memref_slice %arg2[%add3A_106, %dma_wait3A_107] : memref<64x100000xf32, #tpu.memory_space<hbm>> -> memref<1x100000xf32, #tpu.memory_space<hbm>>
      %dma_wait3A_109 = tpu.memref_squeeze %dma_wait3A_108 : memref<1x100000xf32, #tpu.memory_space<hbm>> -> memref<100000xf32, #tpu.memory_space<hbm>>
      %dma_wait3A_110 = arith.constant 0 : i32
      %dma_wait3A_111 = tpu.memref_slice %arg2[%add3A_106, %dma_wait3A_110] : memref<64x100000xf32, #tpu.memory_space<hbm>> -> memref<1x100000xf32, #tpu.memory_space<hbm>>
      %dma_wait3A_112 = tpu.memref_squeeze %dma_wait3A_111 : memref<1x100000xf32, #tpu.memory_space<hbm>> -> memref<100000xf32, #tpu.memory_space<hbm>>
      tpu.wait_dma2 semaphore(%run_scoped3A_6 : memref<!tpu.dma_semaphore, #tpu.memory_space<semaphore_mem>>) src(%dma_wait3A_112 : memref<100000xf32, #tpu.memory_space<hbm>>) dst(%run_scoped3A : memref<100000xf32, #tpu.memory_space<vmem>>)
      %scan3A_113 = arith.constant 0 : i32
      %scan3A_114 = arith.constant 0 : i32
      %scan3A_115 = arith.constant 16 : i32
      %scan3A_116 = arith.addi %scan3A_114, %scan3A_115 : i32
      %scan3A_117 = arith.constant 1 : i32
      scf.for %scan3A_185 = %scan3A_114 to %scan3A_116 step %scan3A_117  : i32 {
        %mul3A_186 = arith.constant 256 : i32
        %mul3A_187 = arith.muli %scan3A_185, %mul3A_186 : i32
        %add3A_188 = arith.constant 0 : i32
        %add3A_189 = arith.addi %mul3A_187, %add3A_188 : i32
        %add3A_190 = arith.constant 0 : i32
        %add3A_191 = arith.addi %add3A_190, %add3A_189 : i32
        %get3A = arith.index_cast %add3A_191 : i32 to index
        %get3A_192 = tpu.vector_load %run_scoped3A_3[%get3A] {strides = array<i32>} : memref<16384xi32, #tpu.memory_space<vmem>>, vector<16xi32>,
        %gather3A = tpu.vector_load_idx %run_scoped3A[%get3A_192] : memref<100000xf32, #tpu.memory_space<vmem>>[vector<16xi32>], vector<16xf32>,
        %swap3A = arith.index_cast %add3A_189 : i32 to index
        %swap3A_193 = tpu.vector_load %run_scoped3A_4[%swap3A] {strides = array<i32>} : memref<4096xf32, #tpu.memory_space<vmem>>, vector<16xf32>,
        tpu.vector_store %run_scoped3A_4[%swap3A], %gather3A {strides = array<i32>} : memref<4096xf32, #tpu.memory_space<vmem>>, vector<16xf32>,
        %mul3A_194 = arith.constant 256 : i32
        %mul3A_195 = arith.muli %scan3A_185, %mul3A_194 : i32
        %add3A_196 = arith.constant 16 : i32
        %add3A_197 = arith.addi %mul3A_195, %add3A_196 : i32
        %add3A_198 = arith.constant 0 : i32
        %add3A_199 = arith.addi %add3A_198, %add3A_197 : i32
        %get3A_200 = arith.index_cast %add3A_199 : i32 to index
        %get3A_201 = tpu.vector_load %run_scoped3A_3[%get3A_200] {strides = array<i32>} : memref<16384xi32, #tpu.memory_space<vmem>>, vector<16xi32>,
        %gather3A_202 = tpu.vector_load_idx %run_scoped3A[%get3A_201] : memref<100000xf32, #tpu.memory_space<vmem>>[vector<16xi32>], vector<16xf32>,
        %swap3A_203 = arith.index_cast %add3A_197 : i32 to index
        %swap3A_204 = tpu.vector_load %run_scoped3A_4[%swap3A_203] {strides = array<i32>} : memref<4096xf32, #tpu.memory_space<vmem>>, vector<16xf32>,
        tpu.vector_store %run_scoped3A_4[%swap3A_203], %gather3A_202 {strides = array<i32>} : memref<4096xf32, #tpu.memory_space<vmem>>, vector<16xf32>,
        %mul3A_205 = arith.constant 256 : i32
        %mul3A_206 = arith.muli %scan3A_185, %mul3A_205 : i32
        %add3A_207 = arith.constant 32 : i32
        %add3A_208 = arith.addi %mul3A_206, %add3A_207 : i32
        %add3A_209 = arith.constant 0 : i32
        %add3A_210 = arith.addi %add3A_209, %add3A_208 : i32
        %get3A_211 = arith.index_cast %add3A_210 : i32 to index
        %get3A_212 = tpu.vector_load %run_scoped3A_3[%get3A_211] {strides = array<i32>} : memref<16384xi32, #tpu.memory_space<vmem>>, vector<16xi32>,
        %gather3A_213 = tpu.vector_load_idx %run_scoped3A[%get3A_212] : memref<100000xf32, #tpu.memory_space<vmem>>[vector<16xi32>], vector<16xf32>,
        %swap3A_214 = arith.index_cast %add3A_208 : i32 to index
        %swap3A_215 = tpu.vector_load %run_scoped3A_4[%swap3A_214] {strides = array<i32>} : memref<4096xf32, #tpu.memory_space<vmem>>, vector<16xf32>,
        tpu.vector_store %run_scoped3A_4[%swap3A_214], %gather3A_213 {strides = array<i32>} : memref<4096xf32, #tpu.memory_space<vmem>>, vector<16xf32>,
        %mul3A_216 = arith.constant 256 : i32
        %mul3A_217 = arith.muli %scan3A_185, %mul3A_216 : i32
        %add3A_218 = arith.constant 48 : i32
        %add3A_219 = arith.addi %mul3A_217, %add3A_218 : i32
        %add3A_220 = arith.constant 0 : i32
        %add3A_221 = arith.addi %add3A_220, %add3A_219 : i32
        %get3A_222 = arith.index_cast %add3A_221 : i32 to index
        %get3A_223 = tpu.vector_load %run_scoped3A_3[%get3A_222] {strides = array<i32>} : memref<16384xi32, #tpu.memory_space<vmem>>, vector<16xi32>,
        %gather3A_224 = tpu.vector_load_idx %run_scoped3A[%get3A_223] : memref<100000xf32, #tpu.memory_space<vmem>>[vector<16xi32>], vector<16xf32>,
        %swap3A_225 = arith.index_cast %add3A_219 : i32 to index
        %swap3A_226 = tpu.vector_load %run_scoped3A_4[%swap3A_225] {strides = array<i32>} : memref<4096xf32, #tpu.memory_space<vmem>>, vector<16xf32>,
        tpu.vector_store %run_scoped3A_4[%swap3A_225], %gather3A_224 {strides = array<i32>} : memref<4096xf32, #tpu.memory_space<vmem>>, vector<16xf32>,
        %mul3A_227 = arith.constant 256 : i32
        %mul3A_228 = arith.muli %scan3A_185, %mul3A_227 : i32
        %add3A_229 = arith.constant 64 : i32
        %add3A_230 = arith.addi %mul3A_228, %add3A_229 : i32
        %add3A_231 = arith.constant 0 : i32
        %add3A_232 = arith.addi %add3A_231, %add3A_230 : i32
        %get3A_233 = arith.index_cast %add3A_232 : i32 to index
        %get3A_234 = tpu.vector_load %run_scoped3A_3[%get3A_233] {strides = array<i32>} : memref<16384xi32, #tpu.memory_space<vmem>>, vector<16xi32>,
        %gather3A_235 = tpu.vector_load_idx %run_scoped3A[%get3A_234] : memref<100000xf32, #tpu.memory_space<vmem>>[vector<16xi32>], vector<16xf32>,
        %swap3A_236 = arith.index_cast %add3A_230 : i32 to index
        %swap3A_237 = tpu.vector_load %run_scoped3A_4[%swap3A_236] {strides = array<i32>} : memref<4096xf32, #tpu.memory_space<vmem>>, vector<16xf32>,
        tpu.vector_store %run_scoped3A_4[%swap3A_236], %gather3A_235 {strides = array<i32>} : memref<4096xf32, #tpu.memory_space<vmem>>, vector<16xf32>,
        %mul3A_238 = arith.constant 256 : i32
        %mul3A_239 = arith.muli %scan3A_185, %mul3A_238 : i32
        %add3A_240 = arith.constant 80 : i32
        %add3A_241 = arith.addi %mul3A_239, %add3A_240 : i32
        %add3A_242 = arith.constant 0 : i32
        %add3A_243 = arith.addi %add3A_242, %add3A_241 : i32
        %get3A_244 = arith.index_cast %add3A_243 : i32 to index
        %get3A_245 = tpu.vector_load %run_scoped3A_3[%get3A_244] {strides = array<i32>} : memref<16384xi32, #tpu.memory_space<vmem>>, vector<16xi32>,
        %gather3A_246 = tpu.vector_load_idx %run_scoped3A[%get3A_245] : memref<100000xf32, #tpu.memory_space<vmem>>[vector<16xi32>], vector<16xf32>,
        %swap3A_247 = arith.index_cast %add3A_241 : i32 to index
        %swap3A_248 = tpu.vector_load %run_scoped3A_4[%swap3A_247] {strides = array<i32>} : memref<4096xf32, #tpu.memory_space<vmem>>, vector<16xf32>,
        tpu.vector_store %run_scoped3A_4[%swap3A_247], %gather3A_246 {strides = array<i32>} : memref<4096xf32, #tpu.memory_space<vmem>>, vector<16xf32>,
        %mul3A_249 = arith.constant 256 : i32
        %mul3A_250 = arith.muli %scan3A_185, %mul3A_249 : i32
        %add3A_251 = arith.constant 96 : i32
        %add3A_252 = arith.addi %mul3A_250, %add3A_251 : i32
        %add3A_253 = arith.constant 0 : i32
        %add3A_254 = arith.addi %add3A_253, %add3A_252 : i32
        %get3A_255 = arith.index_cast %add3A_254 : i32 to index
        %get3A_256 = tpu.vector_load %run_scoped3A_3[%get3A_255] {strides = array<i32>} : memref<16384xi32, #tpu.memory_space<vmem>>, vector<16xi32>,
        %gather3A_257 = tpu.vector_load_idx %run_scoped3A[%get3A_256] : memref<100000xf32, #tpu.memory_space<vmem>>[vector<16xi32>], vector<16xf32>,
        %swap3A_258 = arith.index_cast %add3A_252 : i32 to index
        %swap3A_259 = tpu.vector_load %run_scoped3A_4[%swap3A_258] {strides = array<i32>} : memref<4096xf32, #tpu.memory_space<vmem>>, vector<16xf32>,
        tpu.vector_store %run_scoped3A_4[%swap3A_258], %gather3A_257 {strides = array<i32>} : memref<4096xf32, #tpu.memory_space<vmem>>, vector<16xf32>,
        %mul3A_260 = arith.constant 256 : i32
        %mul3A_261 = arith.muli %scan3A_185, %mul3A_260 : i32
        %add3A_262 = arith.constant 112 : i32
        %add3A_263 = arith.addi %mul3A_261, %add3A_262 : i32
        %add3A_264 = arith.constant 0 : i32
        %add3A_265 = arith.addi %add3A_264, %add3A_263 : i32
        %get3A_266 = arith.index_cast %add3A_265 : i32 to index
        %get3A_267 = tpu.vector_load %run_scoped3A_3[%get3A_266] {strides = array<i32>} : memref<16384xi32, #tpu.memory_space<vmem>>, vector<16xi32>,
        %gather3A_268 = tpu.vector_load_idx %run_scoped3A[%get3A_267] : memref<100000xf32, #tpu.memory_space<vmem>>[vector<16xi32>], vector<16xf32>,
        %swap3A_269 = arith.index_cast %add3A_263 : i32 to index
        %swap3A_270 = tpu.vector_load %run_scoped3A_4[%swap3A_269] {strides = array<i32>} : memref<4096xf32, #tpu.memory_space<vmem>>, vector<16xf32>,
        tpu.vector_store %run_scoped3A_4[%swap3A_269], %gather3A_268 {strides = array<i32>} : memref<4096xf32, #tpu.memory_space<vmem>>, vector<16xf32>,
        %mul3A_271 = arith.constant 256 : i32
        %mul3A_272 = arith.muli %scan3A_185, %mul3A_271 : i32
        %add3A_273 = arith.constant 128 : i32
        %add3A_274 = arith.addi %mul3A_272, %add3A_273 : i32
        %add3A_275 = arith.constant 0 : i32
        %add3A_276 = arith.addi %add3A_275, %add3A_274 : i32
        %get3A_277 = arith.index_cast %add3A_276 : i32 to index
        %get3A_278 = tpu.vector_load %run_scoped3A_3[%get3A_277] {strides = array<i32>} : memref<16384xi32, #tpu.memory_space<vmem>>, vector<16xi32>,
        %gather3A_279 = tpu.vector_load_idx %run_scoped3A[%get3A_278] : memref<100000xf32, #tpu.memory_space<vmem>>[vector<16xi32>], vector<16xf32>,
        %swap3A_280 = arith.index_cast %add3A_274 : i32 to index
        %swap3A_281 = tpu.vector_load %run_scoped3A_4[%swap3A_280] {strides = array<i32>} : memref<4096xf32, #tpu.memory_space<vmem>>, vector<16xf32>,
        tpu.vector_store %run_scoped3A_4[%swap3A_280], %gather3A_279 {strides = array<i32>} : memref<4096xf32, #tpu.memory_space<vmem>>, vector<16xf32>,
        %mul3A_282 = arith.constant 256 : i32
        %mul3A_283 = arith.muli %scan3A_185, %mul3A_282 : i32
        %add3A_284 = arith.constant 144 : i32
        %add3A_285 = arith.addi %mul3A_283, %add3A_284 : i32
        %add3A_286 = arith.constant 0 : i32
        %add3A_287 = arith.addi %add3A_286, %add3A_285 : i32
        %get3A_288 = arith.index_cast %add3A_287 : i32 to index
        %get3A_289 = tpu.vector_load %run_scoped3A_3[%get3A_288] {strides = array<i32>} : memref<16384xi32, #tpu.memory_space<vmem>>, vector<16xi32>,
        %gather3A_290 = tpu.vector_load_idx %run_scoped3A[%get3A_289] : memref<100000xf32, #tpu.memory_space<vmem>>[vector<16xi32>], vector<16xf32>,
        %swap3A_291 = arith.index_cast %add3A_285 : i32 to index
        %swap3A_292 = tpu.vector_load %run_scoped3A_4[%swap3A_291] {strides = array<i32>} : memref<4096xf32, #tpu.memory_space<vmem>>, vector<16xf32>,
        tpu.vector_store %run_scoped3A_4[%swap3A_291], %gather3A_290 {strides = array<i32>} : memref<4096xf32, #tpu.memory_space<vmem>>, vector<16xf32>,
        %mul3A_293 = arith.constant 256 : i32
        %mul3A_294 = arith.muli %scan3A_185, %mul3A_293 : i32
        %add3A_295 = arith.constant 160 : i32
        %add3A_296 = arith.addi %mul3A_294, %add3A_295 : i32
        %add3A_297 = arith.constant 0 : i32
        %add3A_298 = arith.addi %add3A_297, %add3A_296 : i32
        %get3A_299 = arith.index_cast %add3A_298 : i32 to index
        %get3A_300 = tpu.vector_load %run_scoped3A_3[%get3A_299] {strides = array<i32>} : memref<16384xi32, #tpu.memory_space<vmem>>, vector<16xi32>,
        %gather3A_301 = tpu.vector_load_idx %run_scoped3A[%get3A_300] : memref<100000xf32, #tpu.memory_space<vmem>>[vector<16xi32>], vector<16xf32>,
        %swap3A_302 = arith.index_cast %add3A_296 : i32 to index
        %swap3A_303 = tpu.vector_load %run_scoped3A_4[%swap3A_302] {strides = array<i32>} : memref<4096xf32, #tpu.memory_space<vmem>>, vector<16xf32>,
        tpu.vector_store %run_scoped3A_4[%swap3A_302], %gather3A_301 {strides = array<i32>} : memref<4096xf32, #tpu.memory_space<vmem>>, vector<16xf32>,
        %mul3A_304 = arith.constant 256 : i32
        %mul3A_305 = arith.muli %scan3A_185, %mul3A_304 : i32
        %add3A_306 = arith.constant 176 : i32
        %add3A_307 = arith.addi %mul3A_305, %add3A_306 : i32
        %add3A_308 = arith.constant 0 : i32
        %add3A_309 = arith.addi %add3A_308, %add3A_307 : i32
        %get3A_310 = arith.index_cast %add3A_309 : i32 to index
        %get3A_311 = tpu.vector_load %run_scoped3A_3[%get3A_310] {strides = array<i32>} : memref<16384xi32, #tpu.memory_space<vmem>>, vector<16xi32>,
        %gather3A_312 = tpu.vector_load_idx %run_scoped3A[%get3A_311] : memref<100000xf32, #tpu.memory_space<vmem>>[vector<16xi32>], vector<16xf32>,
        %swap3A_313 = arith.index_cast %add3A_307 : i32 to index
        %swap3A_314 = tpu.vector_load %run_scoped3A_4[%swap3A_313] {strides = array<i32>} : memref<4096xf32, #tpu.memory_space<vmem>>, vector<16xf32>,
        tpu.vector_store %run_scoped3A_4[%swap3A_313], %gather3A_312 {strides = array<i32>} : memref<4096xf32, #tpu.memory_space<vmem>>, vector<16xf32>,
        %mul3A_315 = arith.constant 256 : i32
        %mul3A_316 = arith.muli %scan3A_185, %mul3A_315 : i32
        %add3A_317 = arith.constant 192 : i32
        %add3A_318 = arith.addi %mul3A_316, %add3A_317 : i32
        %add3A_319 = arith.constant 0 : i32
        %add3A_320 = arith.addi %add3A_319, %add3A_318 : i32
        %get3A_321 = arith.index_cast %add3A_320 : i32 to index
        %get3A_322 = tpu.vector_load %run_scoped3A_3[%get3A_321] {strides = array<i32>} : memref<16384xi32, #tpu.memory_space<vmem>>, vector<16xi32>,
        %gather3A_323 = tpu.vector_load_idx %run_scoped3A[%get3A_322] : memref<100000xf32, #tpu.memory_space<vmem>>[vector<16xi32>], vector<16xf32>,
        %swap3A_324 = arith.index_cast %add3A_318 : i32 to index
        %swap3A_325 = tpu.vector_load %run_scoped3A_4[%swap3A_324] {strides = array<i32>} : memref<4096xf32, #tpu.memory_space<vmem>>, vector<16xf32>,
        tpu.vector_store %run_scoped3A_4[%swap3A_324], %gather3A_323 {strides = array<i32>} : memref<4096xf32, #tpu.memory_space<vmem>>, vector<16xf32>,
        %mul3A_326 = arith.constant 256 : i32
        %mul3A_327 = arith.muli %scan3A_185, %mul3A_326 : i32
        %add3A_328 = arith.constant 208 : i32
        %add3A_329 = arith.addi %mul3A_327, %add3A_328 : i32
        %add3A_330 = arith.constant 0 : i32
        %add3A_331 = arith.addi %add3A_330, %add3A_329 : i32
        %get3A_332 = arith.index_cast %add3A_331 : i32 to index
        %get3A_333 = tpu.vector_load %run_scoped3A_3[%get3A_332] {strides = array<i32>} : memref<16384xi32, #tpu.memory_space<vmem>>, vector<16xi32>,
        %gather3A_334 = tpu.vector_load_idx %run_scoped3A[%get3A_333] : memref<100000xf32, #tpu.memory_space<vmem>>[vector<16xi32>], vector<16xf32>,
        %swap3A_335 = arith.index_cast %add3A_329 : i32 to index
        %swap3A_336 = tpu.vector_load %run_scoped3A_4[%swap3A_335] {strides = array<i32>} : memref<4096xf32, #tpu.memory_space<vmem>>, vector<16xf32>,
        tpu.vector_store %run_scoped3A_4[%swap3A_335], %gather3A_334 {strides = array<i32>} : memref<4096xf32, #tpu.memory_space<vmem>>, vector<16xf32>,
        %mul3A_337 = arith.constant 256 : i32
        %mul3A_338 = arith.muli %scan3A_185, %mul3A_337 : i32
        %add3A_339 = arith.constant 224 : i32
        %add3A_340 = arith.addi %mul3A_338, %add3A_339 : i32
        %add3A_341 = arith.constant 0 : i32
        %add3A_342 = arith.addi %add3A_341, %add3A_340 : i32
        %get3A_343 = arith.index_cast %add3A_342 : i32 to index
        %get3A_344 = tpu.vector_load %run_scoped3A_3[%get3A_343] {strides = array<i32>} : memref<16384xi32, #tpu.memory_space<vmem>>, vector<16xi32>,
        %gather3A_345 = tpu.vector_load_idx %run_scoped3A[%get3A_344] : memref<100000xf32, #tpu.memory_space<vmem>>[vector<16xi32>], vector<16xf32>,
        %swap3A_346 = arith.index_cast %add3A_340 : i32 to index
        %swap3A_347 = tpu.vector_load %run_scoped3A_4[%swap3A_346] {strides = array<i32>} : memref<4096xf32, #tpu.memory_space<vmem>>, vector<16xf32>,
        tpu.vector_store %run_scoped3A_4[%swap3A_346], %gather3A_345 {strides = array<i32>} : memref<4096xf32, #tpu.memory_space<vmem>>, vector<16xf32>,
        %mul3A_348 = arith.constant 256 : i32
        %mul3A_349 = arith.muli %scan3A_185, %mul3A_348 : i32
        %add3A_350 = arith.constant 240 : i32
        %add3A_351 = arith.addi %mul3A_349, %add3A_350 : i32
        %add3A_352 = arith.constant 0 : i32
        %add3A_353 = arith.addi %add3A_352, %add3A_351 : i32
        %get3A_354 = arith.index_cast %add3A_353 : i32 to index
        %get3A_355 = tpu.vector_load %run_scoped3A_3[%get3A_354] {strides = array<i32>} : memref<16384xi32, #tpu.memory_space<vmem>>, vector<16xi32>,
        %gather3A_356 = tpu.vector_load_idx %run_scoped3A[%get3A_355] : memref<100000xf32, #tpu.memory_space<vmem>>[vector<16xi32>], vector<16xf32>,
        %swap3A_357 = arith.index_cast %add3A_351 : i32 to index
        %swap3A_358 = tpu.vector_load %run_scoped3A_4[%swap3A_357] {strides = array<i32>} : memref<4096xf32, #tpu.memory_space<vmem>>, vector<16xf32>,
        tpu.vector_store %run_scoped3A_4[%swap3A_357], %gather3A_356 {strides = array<i32>} : memref<4096xf32, #tpu.memory_space<vmem>>, vector<16xf32>,
      }
      %scan3A_118 = arith.constant 16 : i32
      %dma_start3A_119 = arith.constant 0 : i32
      %dma_start3A_120 = tpu.memref_slice %arg6[%add3A_106, %dma_start3A_119] : memref<64x16384xf32, #tpu.memory_space<hbm>> -> memref<1x4096xf32, #tpu.memory_space<hbm>>
      %dma_start3A_121 = tpu.memref_squeeze %dma_start3A_120 : memref<1x4096xf32, #tpu.memory_space<hbm>> -> memref<4096xf32, #tpu.memory_space<hbm>>
      %dma_start3A_122 = arith.constant 0 : i32
      %dma_start3A_123 = tpu.memref_slice %arg6[%add3A_106, %dma_start3A_122] : memref<64x16384xf32, #tpu.memory_space<hbm>> -> memref<1x4096xf32, #tpu.memory_space<hbm>>
      %dma_start3A_124 = tpu.memref_squeeze %dma_start3A_123 : memref<1x4096xf32, #tpu.memory_space<hbm>> -> memref<4096xf32, #tpu.memory_space<hbm>>
      tpu.enqueue_dma source(%run_scoped3A_4 : memref<4096xf32, #tpu.memory_space<vmem>>) target(%dma_start3A_124 : memref<4096xf32, #tpu.memory_space<hbm>>) target_semaphore(%run_scoped3A_7 : memref<!tpu.dma_semaphore, #tpu.memory_space<semaphore_mem>>)
      %scan3A_125 = arith.constant 0 : i32
      %scan3A_126 = arith.constant 0 : i32
      %scan3A_127 = arith.constant 16 : i32
      %scan3A_128 = arith.addi %scan3A_126, %scan3A_127 : i32
      %scan3A_129 = arith.constant 1 : i32
      scf.for %scan3A_185 = %scan3A_126 to %scan3A_128 step %scan3A_129  : i32 {
        %mul3A_186 = arith.constant 256 : i32
        %mul3A_187 = arith.muli %scan3A_185, %mul3A_186 : i32
        %add3A_188 = arith.constant 0 : i32
        %add3A_189 = arith.addi %mul3A_187, %add3A_188 : i32
        %add3A_190 = arith.constant 4096 : i32
        %add3A_191 = arith.addi %add3A_190, %add3A_189 : i32
        %get3A = arith.index_cast %add3A_191 : i32 to index
        %get3A_192 = tpu.vector_load %run_scoped3A_3[%get3A] {strides = array<i32>} : memref<16384xi32, #tpu.memory_space<vmem>>, vector<16xi32>,
        %gather3A = tpu.vector_load_idx %run_scoped3A[%get3A_192] : memref<100000xf32, #tpu.memory_space<vmem>>[vector<16xi32>], vector<16xf32>,
        %swap3A = arith.index_cast %add3A_189 : i32 to index
        %swap3A_193 = tpu.vector_load %run_scoped3A_5[%swap3A] {strides = array<i32>} : memref<4096xf32, #tpu.memory_space<vmem>>, vector<16xf32>,
        tpu.vector_store %run_scoped3A_5[%swap3A], %gather3A {strides = array<i32>} : memref<4096xf32, #tpu.memory_space<vmem>>, vector<16xf32>,
        %mul3A_194 = arith.constant 256 : i32
        %mul3A_195 = arith.muli %scan3A_185, %mul3A_194 : i32
        %add3A_196 = arith.constant 16 : i32
        %add3A_197 = arith.addi %mul3A_195, %add3A_196 : i32
        %add3A_198 = arith.constant 4096 : i32
        %add3A_199 = arith.addi %add3A_198, %add3A_197 : i32
        %get3A_200 = arith.index_cast %add3A_199 : i32 to index
        %get3A_201 = tpu.vector_load %run_scoped3A_3[%get3A_200] {strides = array<i32>} : memref<16384xi32, #tpu.memory_space<vmem>>, vector<16xi32>,
        %gather3A_202 = tpu.vector_load_idx %run_scoped3A[%get3A_201] : memref<100000xf32, #tpu.memory_space<vmem>>[vector<16xi32>], vector<16xf32>,
        %swap3A_203 = arith.index_cast %add3A_197 : i32 to index
        %swap3A_204 = tpu.vector_load %run_scoped3A_5[%swap3A_203] {strides = array<i32>} : memref<4096xf32, #tpu.memory_space<vmem>>, vector<16xf32>,
        tpu.vector_store %run_scoped3A_5[%swap3A_203], %gather3A_202 {strides = array<i32>} : memref<4096xf32, #tpu.memory_space<vmem>>, vector<16xf32>,
        %mul3A_205 = arith.constant 256 : i32
        %mul3A_206 = arith.muli %scan3A_185, %mul3A_205 : i32
        %add3A_207 = arith.constant 32 : i32
        %add3A_208 = arith.addi %mul3A_206, %add3A_207 : i32
        %add3A_209 = arith.constant 4096 : i32
        %add3A_210 = arith.addi %add3A_209, %add3A_208 : i32
        %get3A_211 = arith.index_cast %add3A_210 : i32 to index
        %get3A_212 = tpu.vector_load %run_scoped3A_3[%get3A_211] {strides = array<i32>} : memref<16384xi32, #tpu.memory_space<vmem>>, vector<16xi32>,
        %gather3A_213 = tpu.vector_load_idx %run_scoped3A[%get3A_212] : memref<100000xf32, #tpu.memory_space<vmem>>[vector<16xi32>], vector<16xf32>,
        %swap3A_214 = arith.index_cast %add3A_208 : i32 to index
        %swap3A_215 = tpu.vector_load %run_scoped3A_5[%swap3A_214] {strides = array<i32>} : memref<4096xf32, #tpu.memory_space<vmem>>, vector<16xf32>,
        tpu.vector_store %run_scoped3A_5[%swap3A_214], %gather3A_213 {strides = array<i32>} : memref<4096xf32, #tpu.memory_space<vmem>>, vector<16xf32>,
        %mul3A_216 = arith.constant 256 : i32
        %mul3A_217 = arith.muli %scan3A_185, %mul3A_216 : i32
        %add3A_218 = arith.constant 48 : i32
        %add3A_219 = arith.addi %mul3A_217, %add3A_218 : i32
        %add3A_220 = arith.constant 4096 : i32
        %add3A_221 = arith.addi %add3A_220, %add3A_219 : i32
        %get3A_222 = arith.index_cast %add3A_221 : i32 to index
        %get3A_223 = tpu.vector_load %run_scoped3A_3[%get3A_222] {strides = array<i32>} : memref<16384xi32, #tpu.memory_space<vmem>>, vector<16xi32>,
        %gather3A_224 = tpu.vector_load_idx %run_scoped3A[%get3A_223] : memref<100000xf32, #tpu.memory_space<vmem>>[vector<16xi32>], vector<16xf32>,
        %swap3A_225 = arith.index_cast %add3A_219 : i32 to index
        %swap3A_226 = tpu.vector_load %run_scoped3A_5[%swap3A_225] {strides = array<i32>} : memref<4096xf32, #tpu.memory_space<vmem>>, vector<16xf32>,
        tpu.vector_store %run_scoped3A_5[%swap3A_225], %gather3A_224 {strides = array<i32>} : memref<4096xf32, #tpu.memory_space<vmem>>, vector<16xf32>,
        %mul3A_227 = arith.constant 256 : i32
        %mul3A_228 = arith.muli %scan3A_185, %mul3A_227 : i32
        %add3A_229 = arith.constant 64 : i32
        %add3A_230 = arith.addi %mul3A_228, %add3A_229 : i32
        %add3A_231 = arith.constant 4096 : i32
        %add3A_232 = arith.addi %add3A_231, %add3A_230 : i32
        %get3A_233 = arith.index_cast %add3A_232 : i32 to index
        %get3A_234 = tpu.vector_load %run_scoped3A_3[%get3A_233] {strides = array<i32>} : memref<16384xi32, #tpu.memory_space<vmem>>, vector<16xi32>,
        %gather3A_235 = tpu.vector_load_idx %run_scoped3A[%get3A_234] : memref<100000xf32, #tpu.memory_space<vmem>>[vector<16xi32>], vector<16xf32>,
        %swap3A_236 = arith.index_cast %add3A_230 : i32 to index
        %swap3A_237 = tpu.vector_load %run_scoped3A_5[%swap3A_236] {strides = array<i32>} : memref<4096xf32, #tpu.memory_space<vmem>>, vector<16xf32>,
        tpu.vector_store %run_scoped3A_5[%swap3A_236], %gather3A_235 {strides = array<i32>} : memref<4096xf32, #tpu.memory_space<vmem>>, vector<16xf32>,
        %mul3A_238 = arith.constant 256 : i32
        %mul3A_239 = arith.muli %scan3A_185, %mul3A_238 : i32
        %add3A_240 = arith.constant 80 : i32
        %add3A_241 = arith.addi %mul3A_239, %add3A_240 : i32
        %add3A_242 = arith.constant 4096 : i32
        %add3A_243 = arith.addi %add3A_242, %add3A_241 : i32
        %get3A_244 = arith.index_cast %add3A_243 : i32 to index
        %get3A_245 = tpu.vector_load %run_scoped3A_3[%get3A_244] {strides = array<i32>} : memref<16384xi32, #tpu.memory_space<vmem>>, vector<16xi32>,
        %gather3A_246 = tpu.vector_load_idx %run_scoped3A[%get3A_245] : memref<100000xf32, #tpu.memory_space<vmem>>[vector<16xi32>], vector<16xf32>,
        %swap3A_247 = arith.index_cast %add3A_241 : i32 to index
        %swap3A_248 = tpu.vector_load %run_scoped3A_5[%swap3A_247] {strides = array<i32>} : memref<4096xf32, #tpu.memory_space<vmem>>, vector<16xf32>,
        tpu.vector_store %run_scoped3A_5[%swap3A_247], %gather3A_246 {strides = array<i32>} : memref<4096xf32, #tpu.memory_space<vmem>>, vector<16xf32>,
        %mul3A_249 = arith.constant 256 : i32
        %mul3A_250 = arith.muli %scan3A_185, %mul3A_249 : i32
        %add3A_251 = arith.constant 96 : i32
        %add3A_252 = arith.addi %mul3A_250, %add3A_251 : i32
        %add3A_253 = arith.constant 4096 : i32
        %add3A_254 = arith.addi %add3A_253, %add3A_252 : i32
        %get3A_255 = arith.index_cast %add3A_254 : i32 to index
        %get3A_256 = tpu.vector_load %run_scoped3A_3[%get3A_255] {strides = array<i32>} : memref<16384xi32, #tpu.memory_space<vmem>>, vector<16xi32>,
        %gather3A_257 = tpu.vector_load_idx %run_scoped3A[%get3A_256] : memref<100000xf32, #tpu.memory_space<vmem>>[vector<16xi32>], vector<16xf32>,
        %swap3A_258 = arith.index_cast %add3A_252 : i32 to index
        %swap3A_259 = tpu.vector_load %run_scoped3A_5[%swap3A_258] {strides = array<i32>} : memref<4096xf32, #tpu.memory_space<vmem>>, vector<16xf32>,
        tpu.vector_store %run_scoped3A_5[%swap3A_258], %gather3A_257 {strides = array<i32>} : memref<4096xf32, #tpu.memory_space<vmem>>, vector<16xf32>,
        %mul3A_260 = arith.constant 256 : i32
        %mul3A_261 = arith.muli %scan3A_185, %mul3A_260 : i32
        %add3A_262 = arith.constant 112 : i32
        %add3A_263 = arith.addi %mul3A_261, %add3A_262 : i32
        %add3A_264 = arith.constant 4096 : i32
        %add3A_265 = arith.addi %add3A_264, %add3A_263 : i32
        %get3A_266 = arith.index_cast %add3A_265 : i32 to index
        %get3A_267 = tpu.vector_load %run_scoped3A_3[%get3A_266] {strides = array<i32>} : memref<16384xi32, #tpu.memory_space<vmem>>, vector<16xi32>,
        %gather3A_268 = tpu.vector_load_idx %run_scoped3A[%get3A_267] : memref<100000xf32, #tpu.memory_space<vmem>>[vector<16xi32>], vector<16xf32>,
        %swap3A_269 = arith.index_cast %add3A_263 : i32 to index
        %swap3A_270 = tpu.vector_load %run_scoped3A_5[%swap3A_269] {strides = array<i32>} : memref<4096xf32, #tpu.memory_space<vmem>>, vector<16xf32>,
        tpu.vector_store %run_scoped3A_5[%swap3A_269], %gather3A_268 {strides = array<i32>} : memref<4096xf32, #tpu.memory_space<vmem>>, vector<16xf32>,
        %mul3A_271 = arith.constant 256 : i32
        %mul3A_272 = arith.muli %scan3A_185, %mul3A_271 : i32
        %add3A_273 = arith.constant 128 : i32
        %add3A_274 = arith.addi %mul3A_272, %add3A_273 : i32
        %add3A_275 = arith.constant 4096 : i32
        %add3A_276 = arith.addi %add3A_275, %add3A_274 : i32
        %get3A_277 = arith.index_cast %add3A_276 : i32 to index
        %get3A_278 = tpu.vector_load %run_scoped3A_3[%get3A_277] {strides = array<i32>} : memref<16384xi32, #tpu.memory_space<vmem>>, vector<16xi32>,
        %gather3A_279 = tpu.vector_load_idx %run_scoped3A[%get3A_278] : memref<100000xf32, #tpu.memory_space<vmem>>[vector<16xi32>], vector<16xf32>,
        %swap3A_280 = arith.index_cast %add3A_274 : i32 to index
        %swap3A_281 = tpu.vector_load %run_scoped3A_5[%swap3A_280] {strides = array<i32>} : memref<4096xf32, #tpu.memory_space<vmem>>, vector<16xf32>,
        tpu.vector_store %run_scoped3A_5[%swap3A_280], %gather3A_279 {strides = array<i32>} : memref<4096xf32, #tpu.memory_space<vmem>>, vector<16xf32>,
        %mul3A_282 = arith.constant 256 : i32
        %mul3A_283 = arith.muli %scan3A_185, %mul3A_282 : i32
        %add3A_284 = arith.constant 144 : i32
        %add3A_285 = arith.addi %mul3A_283, %add3A_284 : i32
        %add3A_286 = arith.constant 4096 : i32
        %add3A_287 = arith.addi %add3A_286, %add3A_285 : i32
        %get3A_288 = arith.index_cast %add3A_287 : i32 to index
        %get3A_289 = tpu.vector_load %run_scoped3A_3[%get3A_288] {strides = array<i32>} : memref<16384xi32, #tpu.memory_space<vmem>>, vector<16xi32>,
        %gather3A_290 = tpu.vector_load_idx %run_scoped3A[%get3A_289] : memref<100000xf32, #tpu.memory_space<vmem>>[vector<16xi32>], vector<16xf32>,
        %swap3A_291 = arith.index_cast %add3A_285 : i32 to index
        %swap3A_292 = tpu.vector_load %run_scoped3A_5[%swap3A_291] {strides = array<i32>} : memref<4096xf32, #tpu.memory_space<vmem>>, vector<16xf32>,
        tpu.vector_store %run_scoped3A_5[%swap3A_291], %gather3A_290 {strides = array<i32>} : memref<4096xf32, #tpu.memory_space<vmem>>, vector<16xf32>,
        %mul3A_293 = arith.constant 256 : i32
        %mul3A_294 = arith.muli %scan3A_185, %mul3A_293 : i32
        %add3A_295 = arith.constant 160 : i32
        %add3A_296 = arith.addi %mul3A_294, %add3A_295 : i32
        %add3A_297 = arith.constant 4096 : i32
        %add3A_298 = arith.addi %add3A_297, %add3A_296 : i32
        %get3A_299 = arith.index_cast %add3A_298 : i32 to index
        %get3A_300 = tpu.vector_load %run_scoped3A_3[%get3A_299] {strides = array<i32>} : memref<16384xi32, #tpu.memory_space<vmem>>, vector<16xi32>,
        %gather3A_301 = tpu.vector_load_idx %run_scoped3A[%get3A_300] : memref<100000xf32, #tpu.memory_space<vmem>>[vector<16xi32>], vector<16xf32>,
        %swap3A_302 = arith.index_cast %add3A_296 : i32 to index
        %swap3A_303 = tpu.vector_load %run_scoped3A_5[%swap3A_302] {strides = array<i32>} : memref<4096xf32, #tpu.memory_space<vmem>>, vector<16xf32>,
        tpu.vector_store %run_scoped3A_5[%swap3A_302], %gather3A_301 {strides = array<i32>} : memref<4096xf32, #tpu.memory_space<vmem>>, vector<16xf32>,
        %mul3A_304 = arith.constant 256 : i32
        %mul3A_305 = arith.muli %scan3A_185, %mul3A_304 : i32
        %add3A_306 = arith.constant 176 : i32
        %add3A_307 = arith.addi %mul3A_305, %add3A_306 : i32
        %add3A_308 = arith.constant 4096 : i32
        %add3A_309 = arith.addi %add3A_308, %add3A_307 : i32
        %get3A_310 = arith.index_cast %add3A_309 : i32 to index
        %get3A_311 = tpu.vector_load %run_scoped3A_3[%get3A_310] {strides = array<i32>} : memref<16384xi32, #tpu.memory_space<vmem>>, vector<16xi32>,
        %gather3A_312 = tpu.vector_load_idx %run_scoped3A[%get3A_311] : memref<100000xf32, #tpu.memory_space<vmem>>[vector<16xi32>], vector<16xf32>,
        %swap3A_313 = arith.index_cast %add3A_307 : i32 to index
        %swap3A_314 = tpu.vector_load %run_scoped3A_5[%swap3A_313] {strides = array<i32>} : memref<4096xf32, #tpu.memory_space<vmem>>, vector<16xf32>,
        tpu.vector_store %run_scoped3A_5[%swap3A_313], %gather3A_312 {strides = array<i32>} : memref<4096xf32, #tpu.memory_space<vmem>>, vector<16xf32>,
        %mul3A_315 = arith.constant 256 : i32
        %mul3A_316 = arith.muli %scan3A_185, %mul3A_315 : i32
        %add3A_317 = arith.constant 192 : i32
        %add3A_318 = arith.addi %mul3A_316, %add3A_317 : i32
        %add3A_319 = arith.constant 4096 : i32
        %add3A_320 = arith.addi %add3A_319, %add3A_318 : i32
        %get3A_321 = arith.index_cast %add3A_320 : i32 to index
        %get3A_322 = tpu.vector_load %run_scoped3A_3[%get3A_321] {strides = array<i32>} : memref<16384xi32, #tpu.memory_space<vmem>>, vector<16xi32>,
        %gather3A_323 = tpu.vector_load_idx %run_scoped3A[%get3A_322] : memref<100000xf32, #tpu.memory_space<vmem>>[vector<16xi32>], vector<16xf32>,
        %swap3A_324 = arith.index_cast %add3A_318 : i32 to index
        %swap3A_325 = tpu.vector_load %run_scoped3A_5[%swap3A_324] {strides = array<i32>} : memref<4096xf32, #tpu.memory_space<vmem>>, vector<16xf32>,
        tpu.vector_store %run_scoped3A_5[%swap3A_324], %gather3A_323 {strides = array<i32>} : memref<4096xf32, #tpu.memory_space<vmem>>, vector<16xf32>,
        %mul3A_326 = arith.constant 256 : i32
        %mul3A_327 = arith.muli %scan3A_185, %mul3A_326 : i32
        %add3A_328 = arith.constant 208 : i32
        %add3A_329 = arith.addi %mul3A_327, %add3A_328 : i32
        %add3A_330 = arith.constant 4096 : i32
        %add3A_331 = arith.addi %add3A_330, %add3A_329 : i32
        %get3A_332 = arith.index_cast %add3A_331 : i32 to index
        %get3A_333 = tpu.vector_load %run_scoped3A_3[%get3A_332] {strides = array<i32>} : memref<16384xi32, #tpu.memory_space<vmem>>, vector<16xi32>,
        %gather3A_334 = tpu.vector_load_idx %run_scoped3A[%get3A_333] : memref<100000xf32, #tpu.memory_space<vmem>>[vector<16xi32>], vector<16xf32>,
        %swap3A_335 = arith.index_cast %add3A_329 : i32 to index
        %swap3A_336 = tpu.vector_load %run_scoped3A_5[%swap3A_335] {strides = array<i32>} : memref<4096xf32, #tpu.memory_space<vmem>>, vector<16xf32>,
        tpu.vector_store %run_scoped3A_5[%swap3A_335], %gather3A_334 {strides = array<i32>} : memref<4096xf32, #tpu.memory_space<vmem>>, vector<16xf32>,
        %mul3A_337 = arith.constant 256 : i32
        %mul3A_338 = arith.muli %scan3A_185, %mul3A_337 : i32
        %add3A_339 = arith.constant 224 : i32
        %add3A_340 = arith.addi %mul3A_338, %add3A_339 : i32
        %add3A_341 = arith.constant 4096 : i32
        %add3A_342 = arith.addi %add3A_341, %add3A_340 : i32
        %get3A_343 = arith.index_cast %add3A_342 : i32 to index
        %get3A_344 = tpu.vector_load %run_scoped3A_3[%get3A_343] {strides = array<i32>} : memref<16384xi32, #tpu.memory_space<vmem>>, vector<16xi32>,
        %gather3A_345 = tpu.vector_load_idx %run_scoped3A[%get3A_344] : memref<100000xf32, #tpu.memory_space<vmem>>[vector<16xi32>], vector<16xf32>,
        %swap3A_346 = arith.index_cast %add3A_340 : i32 to index
        %swap3A_347 = tpu.vector_load %run_scoped3A_5[%swap3A_346] {strides = array<i32>} : memref<4096xf32, #tpu.memory_space<vmem>>, vector<16xf32>,
        tpu.vector_store %run_scoped3A_5[%swap3A_346], %gather3A_345 {strides = array<i32>} : memref<4096xf32, #tpu.memory_space<vmem>>, vector<16xf32>,
        %mul3A_348 = arith.constant 256 : i32
        %mul3A_349 = arith.muli %scan3A_185, %mul3A_348 : i32
        %add3A_350 = arith.constant 240 : i32
        %add3A_351 = arith.addi %mul3A_349, %add3A_350 : i32
        %add3A_352 = arith.constant 4096 : i32
        %add3A_353 = arith.addi %add3A_352, %add3A_351 : i32
        %get3A_354 = arith.index_cast %add3A_353 : i32 to index
        %get3A_355 = tpu.vector_load %run_scoped3A_3[%get3A_354] {strides = array<i32>} : memref<16384xi32, #tpu.memory_space<vmem>>, vector<16xi32>,
        %gather3A_356 = tpu.vector_load_idx %run_scoped3A[%get3A_355] : memref<100000xf32, #tpu.memory_space<vmem>>[vector<16xi32>], vector<16xf32>,
        %swap3A_357 = arith.index_cast %add3A_351 : i32 to index
        %swap3A_358 = tpu.vector_load %run_scoped3A_5[%swap3A_357] {strides = array<i32>} : memref<4096xf32, #tpu.memory_space<vmem>>, vector<16xf32>,
        tpu.vector_store %run_scoped3A_5[%swap3A_357], %gather3A_356 {strides = array<i32>} : memref<4096xf32, #tpu.memory_space<vmem>>, vector<16xf32>,
      }
      %scan3A_130 = arith.constant 16 : i32
      %dma_start3A_131 = arith.constant 4096 : i32
      %dma_start3A_132 = tpu.memref_slice %arg6[%add3A_106, %dma_start3A_131] : memref<64x16384xf32, #tpu.memory_space<hbm>> -> memref<1x4096xf32, #tpu.memory_space<hbm>>
      %dma_start3A_133 = tpu.memref_squeeze %dma_start3A_132 : memref<1x4096xf32, #tpu.memory_space<hbm>> -> memref<4096xf32, #tpu.memory_space<hbm>>
      %dma_start3A_134 = arith.constant 4096 : i32
      %dma_start3A_135 = tpu.memref_slice %arg6[%add3A_106, %dma_start3A_134] : memref<64x16384xf32, #tpu.memory_space<hbm>> -> memref<1x4096xf32, #tpu.memory_space<hbm>>
      %dma_start3A_136 = tpu.memref_squeeze %dma_start3A_135 : memref<1x4096xf32, #tpu.memory_space<hbm>> -> memref<4096xf32, #tpu.memory_space<hbm>>
      tpu.enqueue_dma source(%run_scoped3A_5 : memref<4096xf32, #tpu.memory_space<vmem>>) target(%dma_start3A_136 : memref<4096xf32, #tpu.memory_space<hbm>>) target_semaphore(%run_scoped3A_7 : memref<!tpu.dma_semaphore, #tpu.memory_space<semaphore_mem>>)
      %dma_wait3A_137 = arith.constant 0 : i32
      %dma_wait3A_138 = tpu.memref_slice %arg6[%add3A_106, %dma_wait3A_137] : memref<64x16384xf32, #tpu.memory_space<hbm>> -> memref<1x4096xf32, #tpu.memory_space<hbm>>
      %dma_wait3A_139 = tpu.memref_squeeze %dma_wait3A_138 : memref<1x4096xf32, #tpu.memory_space<hbm>> -> memref<4096xf32, #tpu.memory_space<hbm>>
      %dma_wait3A_140 = arith.constant 0 : i32
      %dma_wait3A_141 = tpu.memref_slice %arg6[%add3A_106, %dma_wait3A_140] : memref<64x16384xf32, #tpu.memory_space<hbm>> -> memref<1x4096xf32, #tpu.memory_space<hbm>>
      %dma_wait3A_142 = tpu.memref_squeeze %dma_wait3A_141 : memref<1x4096xf32, #tpu.memory_space<hbm>> -> memref<4096xf32, #tpu.memory_space<hbm>>
      tpu.wait_dma2 semaphore(%run_scoped3A_7 : memref<!tpu.dma_semaphore, #tpu.memory_space<semaphore_mem>>) src(%run_scoped3A_4 : memref<4096xf32, #tpu.memory_space<vmem>>) dst(%dma_wait3A_142 : memref<4096xf32, #tpu.memory_space<hbm>>)
      %scan3A_143 = arith.constant 0 : i32
      %scan3A_144 = arith.constant 0 : i32
      %scan3A_145 = arith.constant 16 : i32
      %scan3A_146 = arith.addi %scan3A_144, %scan3A_145 : i32
      %scan3A_147 = arith.constant 1 : i32
      scf.for %scan3A_185 = %scan3A_144 to %scan3A_146 step %scan3A_147  : i32 {
        %mul3A_186 = arith.constant 256 : i32
        %mul3A_187 = arith.muli %scan3A_185, %mul3A_186 : i32
        %add3A_188 = arith.constant 0 : i32
        %add3A_189 = arith.addi %mul3A_187, %add3A_188 : i32
        %add3A_190 = arith.constant 8192 : i32
        %add3A_191 = arith.addi %add3A_190, %add3A_189 : i32
        %get3A = arith.index_cast %add3A_191 : i32 to index
        %get3A_192 = tpu.vector_load %run_scoped3A_3[%get3A] {strides = array<i32>} : memref<16384xi32, #tpu.memory_space<vmem>>, vector<16xi32>,
        %gather3A = tpu.vector_load_idx %run_scoped3A[%get3A_192] : memref<100000xf32, #tpu.memory_space<vmem>>[vector<16xi32>], vector<16xf32>,
        %swap3A = arith.index_cast %add3A_189 : i32 to index
        %swap3A_193 = tpu.vector_load %run_scoped3A_4[%swap3A] {strides = array<i32>} : memref<4096xf32, #tpu.memory_space<vmem>>, vector<16xf32>,
        tpu.vector_store %run_scoped3A_4[%swap3A], %gather3A {strides = array<i32>} : memref<4096xf32, #tpu.memory_space<vmem>>, vector<16xf32>,
        %mul3A_194 = arith.constant 256 : i32
        %mul3A_195 = arith.muli %scan3A_185, %mul3A_194 : i32
        %add3A_196 = arith.constant 16 : i32
        %add3A_197 = arith.addi %mul3A_195, %add3A_196 : i32
        %add3A_198 = arith.constant 8192 : i32
        %add3A_199 = arith.addi %add3A_198, %add3A_197 : i32
        %get3A_200 = arith.index_cast %add3A_199 : i32 to index
        %get3A_201 = tpu.vector_load %run_scoped3A_3[%get3A_200] {strides = array<i32>} : memref<16384xi32, #tpu.memory_space<vmem>>, vector<16xi32>,
        %gather3A_202 = tpu.vector_load_idx %run_scoped3A[%get3A_201] : memref<100000xf32, #tpu.memory_space<vmem>>[vector<16xi32>], vector<16xf32>,
        %swap3A_203 = arith.index_cast %add3A_197 : i32 to index
        %swap3A_204 = tpu.vector_load %run_scoped3A_4[%swap3A_203] {strides = array<i32>} : memref<4096xf32, #tpu.memory_space<vmem>>, vector<16xf32>,
        tpu.vector_store %run_scoped3A_4[%swap3A_203], %gather3A_202 {strides = array<i32>} : memref<4096xf32, #tpu.memory_space<vmem>>, vector<16xf32>,
        %mul3A_205 = arith.constant 256 : i32
        %mul3A_206 = arith.muli %scan3A_185, %mul3A_205 : i32
        %add3A_207 = arith.constant 32 : i32
        %add3A_208 = arith.addi %mul3A_206, %add3A_207 : i32
        %add3A_209 = arith.constant 8192 : i32
        %add3A_210 = arith.addi %add3A_209, %add3A_208 : i32
        %get3A_211 = arith.index_cast %add3A_210 : i32 to index
        %get3A_212 = tpu.vector_load %run_scoped3A_3[%get3A_211] {strides = array<i32>} : memref<16384xi32, #tpu.memory_space<vmem>>, vector<16xi32>,
        %gather3A_213 = tpu.vector_load_idx %run_scoped3A[%get3A_212] : memref<100000xf32, #tpu.memory_space<vmem>>[vector<16xi32>], vector<16xf32>,
        %swap3A_214 = arith.index_cast %add3A_208 : i32 to index
        %swap3A_215 = tpu.vector_load %run_scoped3A_4[%swap3A_214] {strides = array<i32>} : memref<4096xf32, #tpu.memory_space<vmem>>, vector<16xf32>,
        tpu.vector_store %run_scoped3A_4[%swap3A_214], %gather3A_213 {strides = array<i32>} : memref<4096xf32, #tpu.memory_space<vmem>>, vector<16xf32>,
        %mul3A_216 = arith.constant 256 : i32
        %mul3A_217 = arith.muli %scan3A_185, %mul3A_216 : i32
        %add3A_218 = arith.constant 48 : i32
        %add3A_219 = arith.addi %mul3A_217, %add3A_218 : i32
        %add3A_220 = arith.constant 8192 : i32
        %add3A_221 = arith.addi %add3A_220, %add3A_219 : i32
        %get3A_222 = arith.index_cast %add3A_221 : i32 to index
        %get3A_223 = tpu.vector_load %run_scoped3A_3[%get3A_222] {strides = array<i32>} : memref<16384xi32, #tpu.memory_space<vmem>>, vector<16xi32>,
        %gather3A_224 = tpu.vector_load_idx %run_scoped3A[%get3A_223] : memref<100000xf32, #tpu.memory_space<vmem>>[vector<16xi32>], vector<16xf32>,
        %swap3A_225 = arith.index_cast %add3A_219 : i32 to index
        %swap3A_226 = tpu.vector_load %run_scoped3A_4[%swap3A_225] {strides = array<i32>} : memref<4096xf32, #tpu.memory_space<vmem>>, vector<16xf32>,
        tpu.vector_store %run_scoped3A_4[%swap3A_225], %gather3A_224 {strides = array<i32>} : memref<4096xf32, #tpu.memory_space<vmem>>, vector<16xf32>,
        %mul3A_227 = arith.constant 256 : i32
        %mul3A_228 = arith.muli %scan3A_185, %mul3A_227 : i32
        %add3A_229 = arith.constant 64 : i32
        %add3A_230 = arith.addi %mul3A_228, %add3A_229 : i32
        %add3A_231 = arith.constant 8192 : i32
        %add3A_232 = arith.addi %add3A_231, %add3A_230 : i32
        %get3A_233 = arith.index_cast %add3A_232 : i32 to index
        %get3A_234 = tpu.vector_load %run_scoped3A_3[%get3A_233] {strides = array<i32>} : memref<16384xi32, #tpu.memory_space<vmem>>, vector<16xi32>,
        %gather3A_235 = tpu.vector_load_idx %run_scoped3A[%get3A_234] : memref<100000xf32, #tpu.memory_space<vmem>>[vector<16xi32>], vector<16xf32>,
        %swap3A_236 = arith.index_cast %add3A_230 : i32 to index
        %swap3A_237 = tpu.vector_load %run_scoped3A_4[%swap3A_236] {strides = array<i32>} : memref<4096xf32, #tpu.memory_space<vmem>>, vector<16xf32>,
        tpu.vector_store %run_scoped3A_4[%swap3A_236], %gather3A_235 {strides = array<i32>} : memref<4096xf32, #tpu.memory_space<vmem>>, vector<16xf32>,
        %mul3A_238 = arith.constant 256 : i32
        %mul3A_239 = arith.muli %scan3A_185, %mul3A_238 : i32
        %add3A_240 = arith.constant 80 : i32
        %add3A_241 = arith.addi %mul3A_239, %add3A_240 : i32
        %add3A_242 = arith.constant 8192 : i32
        %add3A_243 = arith.addi %add3A_242, %add3A_241 : i32
        %get3A_244 = arith.index_cast %add3A_243 : i32 to index
        %get3A_245 = tpu.vector_load %run_scoped3A_3[%get3A_244] {strides = array<i32>} : memref<16384xi32, #tpu.memory_space<vmem>>, vector<16xi32>,
        %gather3A_246 = tpu.vector_load_idx %run_scoped3A[%get3A_245] : memref<100000xf32, #tpu.memory_space<vmem>>[vector<16xi32>], vector<16xf32>,
        %swap3A_247 = arith.index_cast %add3A_241 : i32 to index
        %swap3A_248 = tpu.vector_load %run_scoped3A_4[%swap3A_247] {strides = array<i32>} : memref<4096xf32, #tpu.memory_space<vmem>>, vector<16xf32>,
        tpu.vector_store %run_scoped3A_4[%swap3A_247], %gather3A_246 {strides = array<i32>} : memref<4096xf32, #tpu.memory_space<vmem>>, vector<16xf32>,
        %mul3A_249 = arith.constant 256 : i32
        %mul3A_250 = arith.muli %scan3A_185, %mul3A_249 : i32
        %add3A_251 = arith.constant 96 : i32
        %add3A_252 = arith.addi %mul3A_250, %add3A_251 : i32
        %add3A_253 = arith.constant 8192 : i32
        %add3A_254 = arith.addi %add3A_253, %add3A_252 : i32
        %get3A_255 = arith.index_cast %add3A_254 : i32 to index
        %get3A_256 = tpu.vector_load %run_scoped3A_3[%get3A_255] {strides = array<i32>} : memref<16384xi32, #tpu.memory_space<vmem>>, vector<16xi32>,
        %gather3A_257 = tpu.vector_load_idx %run_scoped3A[%get3A_256] : memref<100000xf32, #tpu.memory_space<vmem>>[vector<16xi32>], vector<16xf32>,
        %swap3A_258 = arith.index_cast %add3A_252 : i32 to index
        %swap3A_259 = tpu.vector_load %run_scoped3A_4[%swap3A_258] {strides = array<i32>} : memref<4096xf32, #tpu.memory_space<vmem>>, vector<16xf32>,
        tpu.vector_store %run_scoped3A_4[%swap3A_258], %gather3A_257 {strides = array<i32>} : memref<4096xf32, #tpu.memory_space<vmem>>, vector<16xf32>,
        %mul3A_260 = arith.constant 256 : i32
        %mul3A_261 = arith.muli %scan3A_185, %mul3A_260 : i32
        %add3A_262 = arith.constant 112 : i32
        %add3A_263 = arith.addi %mul3A_261, %add3A_262 : i32
        %add3A_264 = arith.constant 8192 : i32
        %add3A_265 = arith.addi %add3A_264, %add3A_263 : i32
        %get3A_266 = arith.index_cast %add3A_265 : i32 to index
        %get3A_267 = tpu.vector_load %run_scoped3A_3[%get3A_266] {strides = array<i32>} : memref<16384xi32, #tpu.memory_space<vmem>>, vector<16xi32>,
        %gather3A_268 = tpu.vector_load_idx %run_scoped3A[%get3A_267] : memref<100000xf32, #tpu.memory_space<vmem>>[vector<16xi32>], vector<16xf32>,
        %swap3A_269 = arith.index_cast %add3A_263 : i32 to index
        %swap3A_270 = tpu.vector_load %run_scoped3A_4[%swap3A_269] {strides = array<i32>} : memref<4096xf32, #tpu.memory_space<vmem>>, vector<16xf32>,
        tpu.vector_store %run_scoped3A_4[%swap3A_269], %gather3A_268 {strides = array<i32>} : memref<4096xf32, #tpu.memory_space<vmem>>, vector<16xf32>,
        %mul3A_271 = arith.constant 256 : i32
        %mul3A_272 = arith.muli %scan3A_185, %mul3A_271 : i32
        %add3A_273 = arith.constant 128 : i32
        %add3A_274 = arith.addi %mul3A_272, %add3A_273 : i32
        %add3A_275 = arith.constant 8192 : i32
        %add3A_276 = arith.addi %add3A_275, %add3A_274 : i32
        %get3A_277 = arith.index_cast %add3A_276 : i32 to index
        %get3A_278 = tpu.vector_load %run_scoped3A_3[%get3A_277] {strides = array<i32>} : memref<16384xi32, #tpu.memory_space<vmem>>, vector<16xi32>,
        %gather3A_279 = tpu.vector_load_idx %run_scoped3A[%get3A_278] : memref<100000xf32, #tpu.memory_space<vmem>>[vector<16xi32>], vector<16xf32>,
        %swap3A_280 = arith.index_cast %add3A_274 : i32 to index
        %swap3A_281 = tpu.vector_load %run_scoped3A_4[%swap3A_280] {strides = array<i32>} : memref<4096xf32, #tpu.memory_space<vmem>>, vector<16xf32>,
        tpu.vector_store %run_scoped3A_4[%swap3A_280], %gather3A_279 {strides = array<i32>} : memref<4096xf32, #tpu.memory_space<vmem>>, vector<16xf32>,
        %mul3A_282 = arith.constant 256 : i32
        %mul3A_283 = arith.muli %scan3A_185, %mul3A_282 : i32
        %add3A_284 = arith.constant 144 : i32
        %add3A_285 = arith.addi %mul3A_283, %add3A_284 : i32
        %add3A_286 = arith.constant 8192 : i32
        %add3A_287 = arith.addi %add3A_286, %add3A_285 : i32
        %get3A_288 = arith.index_cast %add3A_287 : i32 to index
        %get3A_289 = tpu.vector_load %run_scoped3A_3[%get3A_288] {strides = array<i32>} : memref<16384xi32, #tpu.memory_space<vmem>>, vector<16xi32>,
        %gather3A_290 = tpu.vector_load_idx %run_scoped3A[%get3A_289] : memref<100000xf32, #tpu.memory_space<vmem>>[vector<16xi32>], vector<16xf32>,
        %swap3A_291 = arith.index_cast %add3A_285 : i32 to index
        %swap3A_292 = tpu.vector_load %run_scoped3A_4[%swap3A_291] {strides = array<i32>} : memref<4096xf32, #tpu.memory_space<vmem>>, vector<16xf32>,
        tpu.vector_store %run_scoped3A_4[%swap3A_291], %gather3A_290 {strides = array<i32>} : memref<4096xf32, #tpu.memory_space<vmem>>, vector<16xf32>,
        %mul3A_293 = arith.constant 256 : i32
        %mul3A_294 = arith.muli %scan3A_185, %mul3A_293 : i32
        %add3A_295 = arith.constant 160 : i32
        %add3A_296 = arith.addi %mul3A_294, %add3A_295 : i32
        %add3A_297 = arith.constant 8192 : i32
        %add3A_298 = arith.addi %add3A_297, %add3A_296 : i32
        %get3A_299 = arith.index_cast %add3A_298 : i32 to index
        %get3A_300 = tpu.vector_load %run_scoped3A_3[%get3A_299] {strides = array<i32>} : memref<16384xi32, #tpu.memory_space<vmem>>, vector<16xi32>,
        %gather3A_301 = tpu.vector_load_idx %run_scoped3A[%get3A_300] : memref<100000xf32, #tpu.memory_space<vmem>>[vector<16xi32>], vector<16xf32>,
        %swap3A_302 = arith.index_cast %add3A_296 : i32 to index
        %swap3A_303 = tpu.vector_load %run_scoped3A_4[%swap3A_302] {strides = array<i32>} : memref<4096xf32, #tpu.memory_space<vmem>>, vector<16xf32>,
        tpu.vector_store %run_scoped3A_4[%swap3A_302], %gather3A_301 {strides = array<i32>} : memref<4096xf32, #tpu.memory_space<vmem>>, vector<16xf32>,
        %mul3A_304 = arith.constant 256 : i32
        %mul3A_305 = arith.muli %scan3A_185, %mul3A_304 : i32
        %add3A_306 = arith.constant 176 : i32
        %add3A_307 = arith.addi %mul3A_305, %add3A_306 : i32
        %add3A_308 = arith.constant 8192 : i32
        %add3A_309 = arith.addi %add3A_308, %add3A_307 : i32
        %get3A_310 = arith.index_cast %add3A_309 : i32 to index
        %get3A_311 = tpu.vector_load %run_scoped3A_3[%get3A_310] {strides = array<i32>} : memref<16384xi32, #tpu.memory_space<vmem>>, vector<16xi32>,
        %gather3A_312 = tpu.vector_load_idx %run_scoped3A[%get3A_311] : memref<100000xf32, #tpu.memory_space<vmem>>[vector<16xi32>], vector<16xf32>,
        %swap3A_313 = arith.index_cast %add3A_307 : i32 to index
        %swap3A_314 = tpu.vector_load %run_scoped3A_4[%swap3A_313] {strides = array<i32>} : memref<4096xf32, #tpu.memory_space<vmem>>, vector<16xf32>,
        tpu.vector_store %run_scoped3A_4[%swap3A_313], %gather3A_312 {strides = array<i32>} : memref<4096xf32, #tpu.memory_space<vmem>>, vector<16xf32>,
        %mul3A_315 = arith.constant 256 : i32
        %mul3A_316 = arith.muli %scan3A_185, %mul3A_315 : i32
        %add3A_317 = arith.constant 192 : i32
        %add3A_318 = arith.addi %mul3A_316, %add3A_317 : i32
        %add3A_319 = arith.constant 8192 : i32
        %add3A_320 = arith.addi %add3A_319, %add3A_318 : i32
        %get3A_321 = arith.index_cast %add3A_320 : i32 to index
        %get3A_322 = tpu.vector_load %run_scoped3A_3[%get3A_321] {strides = array<i32>} : memref<16384xi32, #tpu.memory_space<vmem>>, vector<16xi32>,
        %gather3A_323 = tpu.vector_load_idx %run_scoped3A[%get3A_322] : memref<100000xf32, #tpu.memory_space<vmem>>[vector<16xi32>], vector<16xf32>,
        %swap3A_324 = arith.index_cast %add3A_318 : i32 to index
        %swap3A_325 = tpu.vector_load %run_scoped3A_4[%swap3A_324] {strides = array<i32>} : memref<4096xf32, #tpu.memory_space<vmem>>, vector<16xf32>,
        tpu.vector_store %run_scoped3A_4[%swap3A_324], %gather3A_323 {strides = array<i32>} : memref<4096xf32, #tpu.memory_space<vmem>>, vector<16xf32>,
        %mul3A_326 = arith.constant 256 : i32
        %mul3A_327 = arith.muli %scan3A_185, %mul3A_326 : i32
        %add3A_328 = arith.constant 208 : i32
        %add3A_329 = arith.addi %mul3A_327, %add3A_328 : i32
        %add3A_330 = arith.constant 8192 : i32
        %add3A_331 = arith.addi %add3A_330, %add3A_329 : i32
        %get3A_332 = arith.index_cast %add3A_331 : i32 to index
        %get3A_333 = tpu.vector_load %run_scoped3A_3[%get3A_332] {strides = array<i32>} : memref<16384xi32, #tpu.memory_space<vmem>>, vector<16xi32>,
        %gather3A_334 = tpu.vector_load_idx %run_scoped3A[%get3A_333] : memref<100000xf32, #tpu.memory_space<vmem>>[vector<16xi32>], vector<16xf32>,
        %swap3A_335 = arith.index_cast %add3A_329 : i32 to index
        %swap3A_336 = tpu.vector_load %run_scoped3A_4[%swap3A_335] {strides = array<i32>} : memref<4096xf32, #tpu.memory_space<vmem>>, vector<16xf32>,
        tpu.vector_store %run_scoped3A_4[%swap3A_335], %gather3A_334 {strides = array<i32>} : memref<4096xf32, #tpu.memory_space<vmem>>, vector<16xf32>,
        %mul3A_337 = arith.constant 256 : i32
        %mul3A_338 = arith.muli %scan3A_185, %mul3A_337 : i32
        %add3A_339 = arith.constant 224 : i32
        %add3A_340 = arith.addi %mul3A_338, %add3A_339 : i32
        %add3A_341 = arith.constant 8192 : i32
        %add3A_342 = arith.addi %add3A_341, %add3A_340 : i32
        %get3A_343 = arith.index_cast %add3A_342 : i32 to index
        %get3A_344 = tpu.vector_load %run_scoped3A_3[%get3A_343] {strides = array<i32>} : memref<16384xi32, #tpu.memory_space<vmem>>, vector<16xi32>,
        %gather3A_345 = tpu.vector_load_idx %run_scoped3A[%get3A_344] : memref<100000xf32, #tpu.memory_space<vmem>>[vector<16xi32>], vector<16xf32>,
        %swap3A_346 = arith.index_cast %add3A_340 : i32 to index
        %swap3A_347 = tpu.vector_load %run_scoped3A_4[%swap3A_346] {strides = array<i32>} : memref<4096xf32, #tpu.memory_space<vmem>>, vector<16xf32>,
        tpu.vector_store %run_scoped3A_4[%swap3A_346], %gather3A_345 {strides = array<i32>} : memref<4096xf32, #tpu.memory_space<vmem>>, vector<16xf32>,
        %mul3A_348 = arith.constant 256 : i32
        %mul3A_349 = arith.muli %scan3A_185, %mul3A_348 : i32
        %add3A_350 = arith.constant 240 : i32
        %add3A_351 = arith.addi %mul3A_349, %add3A_350 : i32
        %add3A_352 = arith.constant 8192 : i32
        %add3A_353 = arith.addi %add3A_352, %add3A_351 : i32
        %get3A_354 = arith.index_cast %add3A_353 : i32 to index
        %get3A_355 = tpu.vector_load %run_scoped3A_3[%get3A_354] {strides = array<i32>} : memref<16384xi32, #tpu.memory_space<vmem>>, vector<16xi32>,
        %gather3A_356 = tpu.vector_load_idx %run_scoped3A[%get3A_355] : memref<100000xf32, #tpu.memory_space<vmem>>[vector<16xi32>], vector<16xf32>,
        %swap3A_357 = arith.index_cast %add3A_351 : i32 to index
        %swap3A_358 = tpu.vector_load %run_scoped3A_4[%swap3A_357] {strides = array<i32>} : memref<4096xf32, #tpu.memory_space<vmem>>, vector<16xf32>,
        tpu.vector_store %run_scoped3A_4[%swap3A_357], %gather3A_356 {strides = array<i32>} : memref<4096xf32, #tpu.memory_space<vmem>>, vector<16xf32>,
      }
      %scan3A_148 = arith.constant 16 : i32
      %dma_start3A_149 = arith.constant 8192 : i32
      %dma_start3A_150 = tpu.memref_slice %arg6[%add3A_106, %dma_start3A_149] : memref<64x16384xf32, #tpu.memory_space<hbm>> -> memref<1x4096xf32, #tpu.memory_space<hbm>>
      %dma_start3A_151 = tpu.memref_squeeze %dma_start3A_150 : memref<1x4096xf32, #tpu.memory_space<hbm>> -> memref<4096xf32, #tpu.memory_space<hbm>>
      %dma_start3A_152 = arith.constant 8192 : i32
      %dma_start3A_153 = tpu.memref_slice %arg6[%add3A_106, %dma_start3A_152] : memref<64x16384xf32, #tpu.memory_space<hbm>> -> memref<1x4096xf32, #tpu.memory_space<hbm>>
      %dma_start3A_154 = tpu.memref_squeeze %dma_start3A_153 : memref<1x4096xf32, #tpu.memory_space<hbm>> -> memref<4096xf32, #tpu.memory_space<hbm>>
      tpu.enqueue_dma source(%run_scoped3A_4 : memref<4096xf32, #tpu.memory_space<vmem>>) target(%dma_start3A_154 : memref<4096xf32, #tpu.memory_space<hbm>>) target_semaphore(%run_scoped3A_7 : memref<!tpu.dma_semaphore, #tpu.memory_space<semaphore_mem>>)
      %dma_wait3A_155 = arith.constant 4096 : i32
      %dma_wait3A_156 = tpu.memref_slice %arg6[%add3A_106, %dma_wait3A_155] : memref<64x16384xf32, #tpu.memory_space<hbm>> -> memref<1x4096xf32, #tpu.memory_space<hbm>>
      %dma_wait3A_157 = tpu.memref_squeeze %dma_wait3A_156 : memref<1x4096xf32, #tpu.memory_space<hbm>> -> memref<4096xf32, #tpu.memory_space<hbm>>
      %dma_wait3A_158 = arith.constant 4096 : i32
      %dma_wait3A_159 = tpu.memref_slice %arg6[%add3A_106, %dma_wait3A_158] : memref<64x16384xf32, #tpu.memory_space<hbm>> -> memref<1x4096xf32, #tpu.memory_space<hbm>>
      %dma_wait3A_160 = tpu.memref_squeeze %dma_wait3A_159 : memref<1x4096xf32, #tpu.memory_space<hbm>> -> memref<4096xf32, #tpu.memory_space<hbm>>
      tpu.wait_dma2 semaphore(%run_scoped3A_7 : memref<!tpu.dma_semaphore, #tpu.memory_space<semaphore_mem>>) src(%run_scoped3A_5 : memref<4096xf32, #tpu.memory_space<vmem>>) dst(%dma_wait3A_160 : memref<4096xf32, #tpu.memory_space<hbm>>)
      %scan3A_161 = arith.constant 0 : i32
      %scan3A_162 = arith.constant 0 : i32
      %scan3A_163 = arith.constant 16 : i32
      %scan3A_164 = arith.addi %scan3A_162, %scan3A_163 : i32
      %scan3A_165 = arith.constant 1 : i32
      scf.for %scan3A_185 = %scan3A_162 to %scan3A_164 step %scan3A_165  : i32 {
        %mul3A_186 = arith.constant 256 : i32
        %mul3A_187 = arith.muli %scan3A_185, %mul3A_186 : i32
        %add3A_188 = arith.constant 0 : i32
        %add3A_189 = arith.addi %mul3A_187, %add3A_188 : i32
        %add3A_190 = arith.constant 12288 : i32
        %add3A_191 = arith.addi %add3A_190, %add3A_189 : i32
        %get3A = arith.index_cast %add3A_191 : i32 to index
        %get3A_192 = tpu.vector_load %run_scoped3A_3[%get3A] {strides = array<i32>} : memref<16384xi32, #tpu.memory_space<vmem>>, vector<16xi32>,
        %gather3A = tpu.vector_load_idx %run_scoped3A[%get3A_192] : memref<100000xf32, #tpu.memory_space<vmem>>[vector<16xi32>], vector<16xf32>,
        %swap3A = arith.index_cast %add3A_189 : i32 to index
        %swap3A_193 = tpu.vector_load %run_scoped3A_5[%swap3A] {strides = array<i32>} : memref<4096xf32, #tpu.memory_space<vmem>>, vector<16xf32>,
        tpu.vector_store %run_scoped3A_5[%swap3A], %gather3A {strides = array<i32>} : memref<4096xf32, #tpu.memory_space<vmem>>, vector<16xf32>,
        %mul3A_194 = arith.constant 256 : i32
        %mul3A_195 = arith.muli %scan3A_185, %mul3A_194 : i32
        %add3A_196 = arith.constant 16 : i32
        %add3A_197 = arith.addi %mul3A_195, %add3A_196 : i32
        %add3A_198 = arith.constant 12288 : i32
        %add3A_199 = arith.addi %add3A_198, %add3A_197 : i32
        %get3A_200 = arith.index_cast %add3A_199 : i32 to index
        %get3A_201 = tpu.vector_load %run_scoped3A_3[%get3A_200] {strides = array<i32>} : memref<16384xi32, #tpu.memory_space<vmem>>, vector<16xi32>,
        %gather3A_202 = tpu.vector_load_idx %run_scoped3A[%get3A_201] : memref<100000xf32, #tpu.memory_space<vmem>>[vector<16xi32>], vector<16xf32>,
        %swap3A_203 = arith.index_cast %add3A_197 : i32 to index
        %swap3A_204 = tpu.vector_load %run_scoped3A_5[%swap3A_203] {strides = array<i32>} : memref<4096xf32, #tpu.memory_space<vmem>>, vector<16xf32>,
        tpu.vector_store %run_scoped3A_5[%swap3A_203], %gather3A_202 {strides = array<i32>} : memref<4096xf32, #tpu.memory_space<vmem>>, vector<16xf32>,
        %mul3A_205 = arith.constant 256 : i32
        %mul3A_206 = arith.muli %scan3A_185, %mul3A_205 : i32
        %add3A_207 = arith.constant 32 : i32
        %add3A_208 = arith.addi %mul3A_206, %add3A_207 : i32
        %add3A_209 = arith.constant 12288 : i32
        %add3A_210 = arith.addi %add3A_209, %add3A_208 : i32
        %get3A_211 = arith.index_cast %add3A_210 : i32 to index
        %get3A_212 = tpu.vector_load %run_scoped3A_3[%get3A_211] {strides = array<i32>} : memref<16384xi32, #tpu.memory_space<vmem>>, vector<16xi32>,
        %gather3A_213 = tpu.vector_load_idx %run_scoped3A[%get3A_212] : memref<100000xf32, #tpu.memory_space<vmem>>[vector<16xi32>], vector<16xf32>,
        %swap3A_214 = arith.index_cast %add3A_208 : i32 to index
        %swap3A_215 = tpu.vector_load %run_scoped3A_5[%swap3A_214] {strides = array<i32>} : memref<4096xf32, #tpu.memory_space<vmem>>, vector<16xf32>,
        tpu.vector_store %run_scoped3A_5[%swap3A_214], %gather3A_213 {strides = array<i32>} : memref<4096xf32, #tpu.memory_space<vmem>>, vector<16xf32>,
        %mul3A_216 = arith.constant 256 : i32
        %mul3A_217 = arith.muli %scan3A_185, %mul3A_216 : i32
        %add3A_218 = arith.constant 48 : i32
        %add3A_219 = arith.addi %mul3A_217, %add3A_218 : i32
        %add3A_220 = arith.constant 12288 : i32
        %add3A_221 = arith.addi %add3A_220, %add3A_219 : i32
        %get3A_222 = arith.index_cast %add3A_221 : i32 to index
        %get3A_223 = tpu.vector_load %run_scoped3A_3[%get3A_222] {strides = array<i32>} : memref<16384xi32, #tpu.memory_space<vmem>>, vector<16xi32>,
        %gather3A_224 = tpu.vector_load_idx %run_scoped3A[%get3A_223] : memref<100000xf32, #tpu.memory_space<vmem>>[vector<16xi32>], vector<16xf32>,
        %swap3A_225 = arith.index_cast %add3A_219 : i32 to index
        %swap3A_226 = tpu.vector_load %run_scoped3A_5[%swap3A_225] {strides = array<i32>} : memref<4096xf32, #tpu.memory_space<vmem>>, vector<16xf32>,
        tpu.vector_store %run_scoped3A_5[%swap3A_225], %gather3A_224 {strides = array<i32>} : memref<4096xf32, #tpu.memory_space<vmem>>, vector<16xf32>,
        %mul3A_227 = arith.constant 256 : i32
        %mul3A_228 = arith.muli %scan3A_185, %mul3A_227 : i32
        %add3A_229 = arith.constant 64 : i32
        %add3A_230 = arith.addi %mul3A_228, %add3A_229 : i32
        %add3A_231 = arith.constant 12288 : i32
        %add3A_232 = arith.addi %add3A_231, %add3A_230 : i32
        %get3A_233 = arith.index_cast %add3A_232 : i32 to index
        %get3A_234 = tpu.vector_load %run_scoped3A_3[%get3A_233] {strides = array<i32>} : memref<16384xi32, #tpu.memory_space<vmem>>, vector<16xi32>,
        %gather3A_235 = tpu.vector_load_idx %run_scoped3A[%get3A_234] : memref<100000xf32, #tpu.memory_space<vmem>>[vector<16xi32>], vector<16xf32>,
        %swap3A_236 = arith.index_cast %add3A_230 : i32 to index
        %swap3A_237 = tpu.vector_load %run_scoped3A_5[%swap3A_236] {strides = array<i32>} : memref<4096xf32, #tpu.memory_space<vmem>>, vector<16xf32>,
        tpu.vector_store %run_scoped3A_5[%swap3A_236], %gather3A_235 {strides = array<i32>} : memref<4096xf32, #tpu.memory_space<vmem>>, vector<16xf32>,
        %mul3A_238 = arith.constant 256 : i32
        %mul3A_239 = arith.muli %scan3A_185, %mul3A_238 : i32
        %add3A_240 = arith.constant 80 : i32
        %add3A_241 = arith.addi %mul3A_239, %add3A_240 : i32
        %add3A_242 = arith.constant 12288 : i32
        %add3A_243 = arith.addi %add3A_242, %add3A_241 : i32
        %get3A_244 = arith.index_cast %add3A_243 : i32 to index
        %get3A_245 = tpu.vector_load %run_scoped3A_3[%get3A_244] {strides = array<i32>} : memref<16384xi32, #tpu.memory_space<vmem>>, vector<16xi32>,
        %gather3A_246 = tpu.vector_load_idx %run_scoped3A[%get3A_245] : memref<100000xf32, #tpu.memory_space<vmem>>[vector<16xi32>], vector<16xf32>,
        %swap3A_247 = arith.index_cast %add3A_241 : i32 to index
        %swap3A_248 = tpu.vector_load %run_scoped3A_5[%swap3A_247] {strides = array<i32>} : memref<4096xf32, #tpu.memory_space<vmem>>, vector<16xf32>,
        tpu.vector_store %run_scoped3A_5[%swap3A_247], %gather3A_246 {strides = array<i32>} : memref<4096xf32, #tpu.memory_space<vmem>>, vector<16xf32>,
        %mul3A_249 = arith.constant 256 : i32
        %mul3A_250 = arith.muli %scan3A_185, %mul3A_249 : i32
        %add3A_251 = arith.constant 96 : i32
        %add3A_252 = arith.addi %mul3A_250, %add3A_251 : i32
        %add3A_253 = arith.constant 12288 : i32
        %add3A_254 = arith.addi %add3A_253, %add3A_252 : i32
        %get3A_255 = arith.index_cast %add3A_254 : i32 to index
        %get3A_256 = tpu.vector_load %run_scoped3A_3[%get3A_255] {strides = array<i32>} : memref<16384xi32, #tpu.memory_space<vmem>>, vector<16xi32>,
        %gather3A_257 = tpu.vector_load_idx %run_scoped3A[%get3A_256] : memref<100000xf32, #tpu.memory_space<vmem>>[vector<16xi32>], vector<16xf32>,
        %swap3A_258 = arith.index_cast %add3A_252 : i32 to index
        %swap3A_259 = tpu.vector_load %run_scoped3A_5[%swap3A_258] {strides = array<i32>} : memref<4096xf32, #tpu.memory_space<vmem>>, vector<16xf32>,
        tpu.vector_store %run_scoped3A_5[%swap3A_258], %gather3A_257 {strides = array<i32>} : memref<4096xf32, #tpu.memory_space<vmem>>, vector<16xf32>,
        %mul3A_260 = arith.constant 256 : i32
        %mul3A_261 = arith.muli %scan3A_185, %mul3A_260 : i32
        %add3A_262 = arith.constant 112 : i32
        %add3A_263 = arith.addi %mul3A_261, %add3A_262 : i32
        %add3A_264 = arith.constant 12288 : i32
        %add3A_265 = arith.addi %add3A_264, %add3A_263 : i32
        %get3A_266 = arith.index_cast %add3A_265 : i32 to index
        %get3A_267 = tpu.vector_load %run_scoped3A_3[%get3A_266] {strides = array<i32>} : memref<16384xi32, #tpu.memory_space<vmem>>, vector<16xi32>,
        %gather3A_268 = tpu.vector_load_idx %run_scoped3A[%get3A_267] : memref<100000xf32, #tpu.memory_space<vmem>>[vector<16xi32>], vector<16xf32>,
        %swap3A_269 = arith.index_cast %add3A_263 : i32 to index
        %swap3A_270 = tpu.vector_load %run_scoped3A_5[%swap3A_269] {strides = array<i32>} : memref<4096xf32, #tpu.memory_space<vmem>>, vector<16xf32>,
        tpu.vector_store %run_scoped3A_5[%swap3A_269], %gather3A_268 {strides = array<i32>} : memref<4096xf32, #tpu.memory_space<vmem>>, vector<16xf32>,
        %mul3A_271 = arith.constant 256 : i32
        %mul3A_272 = arith.muli %scan3A_185, %mul3A_271 : i32
        %add3A_273 = arith.constant 128 : i32
        %add3A_274 = arith.addi %mul3A_272, %add3A_273 : i32
        %add3A_275 = arith.constant 12288 : i32
        %add3A_276 = arith.addi %add3A_275, %add3A_274 : i32
        %get3A_277 = arith.index_cast %add3A_276 : i32 to index
        %get3A_278 = tpu.vector_load %run_scoped3A_3[%get3A_277] {strides = array<i32>} : memref<16384xi32, #tpu.memory_space<vmem>>, vector<16xi32>,
        %gather3A_279 = tpu.vector_load_idx %run_scoped3A[%get3A_278] : memref<100000xf32, #tpu.memory_space<vmem>>[vector<16xi32>], vector<16xf32>,
        %swap3A_280 = arith.index_cast %add3A_274 : i32 to index
        %swap3A_281 = tpu.vector_load %run_scoped3A_5[%swap3A_280] {strides = array<i32>} : memref<4096xf32, #tpu.memory_space<vmem>>, vector<16xf32>,
        tpu.vector_store %run_scoped3A_5[%swap3A_280], %gather3A_279 {strides = array<i32>} : memref<4096xf32, #tpu.memory_space<vmem>>, vector<16xf32>,
        %mul3A_282 = arith.constant 256 : i32
        %mul3A_283 = arith.muli %scan3A_185, %mul3A_282 : i32
        %add3A_284 = arith.constant 144 : i32
        %add3A_285 = arith.addi %mul3A_283, %add3A_284 : i32
        %add3A_286 = arith.constant 12288 : i32
        %add3A_287 = arith.addi %add3A_286, %add3A_285 : i32
        %get3A_288 = arith.index_cast %add3A_287 : i32 to index
        %get3A_289 = tpu.vector_load %run_scoped3A_3[%get3A_288] {strides = array<i32>} : memref<16384xi32, #tpu.memory_space<vmem>>, vector<16xi32>,
        %gather3A_290 = tpu.vector_load_idx %run_scoped3A[%get3A_289] : memref<100000xf32, #tpu.memory_space<vmem>>[vector<16xi32>], vector<16xf32>,
        %swap3A_291 = arith.index_cast %add3A_285 : i32 to index
        %swap3A_292 = tpu.vector_load %run_scoped3A_5[%swap3A_291] {strides = array<i32>} : memref<4096xf32, #tpu.memory_space<vmem>>, vector<16xf32>,
        tpu.vector_store %run_scoped3A_5[%swap3A_291], %gather3A_290 {strides = array<i32>} : memref<4096xf32, #tpu.memory_space<vmem>>, vector<16xf32>,
        %mul3A_293 = arith.constant 256 : i32
        %mul3A_294 = arith.muli %scan3A_185, %mul3A_293 : i32
        %add3A_295 = arith.constant 160 : i32
        %add3A_296 = arith.addi %mul3A_294, %add3A_295 : i32
        %add3A_297 = arith.constant 12288 : i32
        %add3A_298 = arith.addi %add3A_297, %add3A_296 : i32
        %get3A_299 = arith.index_cast %add3A_298 : i32 to index
        %get3A_300 = tpu.vector_load %run_scoped3A_3[%get3A_299] {strides = array<i32>} : memref<16384xi32, #tpu.memory_space<vmem>>, vector<16xi32>,
        %gather3A_301 = tpu.vector_load_idx %run_scoped3A[%get3A_300] : memref<100000xf32, #tpu.memory_space<vmem>>[vector<16xi32>], vector<16xf32>,
        %swap3A_302 = arith.index_cast %add3A_296 : i32 to index
        %swap3A_303 = tpu.vector_load %run_scoped3A_5[%swap3A_302] {strides = array<i32>} : memref<4096xf32, #tpu.memory_space<vmem>>, vector<16xf32>,
        tpu.vector_store %run_scoped3A_5[%swap3A_302], %gather3A_301 {strides = array<i32>} : memref<4096xf32, #tpu.memory_space<vmem>>, vector<16xf32>,
        %mul3A_304 = arith.constant 256 : i32
        %mul3A_305 = arith.muli %scan3A_185, %mul3A_304 : i32
        %add3A_306 = arith.constant 176 : i32
        %add3A_307 = arith.addi %mul3A_305, %add3A_306 : i32
        %add3A_308 = arith.constant 12288 : i32
        %add3A_309 = arith.addi %add3A_308, %add3A_307 : i32
        %get3A_310 = arith.index_cast %add3A_309 : i32 to index
        %get3A_311 = tpu.vector_load %run_scoped3A_3[%get3A_310] {strides = array<i32>} : memref<16384xi32, #tpu.memory_space<vmem>>, vector<16xi32>,
        %gather3A_312 = tpu.vector_load_idx %run_scoped3A[%get3A_311] : memref<100000xf32, #tpu.memory_space<vmem>>[vector<16xi32>], vector<16xf32>,
        %swap3A_313 = arith.index_cast %add3A_307 : i32 to index
        %swap3A_314 = tpu.vector_load %run_scoped3A_5[%swap3A_313] {strides = array<i32>} : memref<4096xf32, #tpu.memory_space<vmem>>, vector<16xf32>,
        tpu.vector_store %run_scoped3A_5[%swap3A_313], %gather3A_312 {strides = array<i32>} : memref<4096xf32, #tpu.memory_space<vmem>>, vector<16xf32>,
        %mul3A_315 = arith.constant 256 : i32
        %mul3A_316 = arith.muli %scan3A_185, %mul3A_315 : i32
        %add3A_317 = arith.constant 192 : i32
        %add3A_318 = arith.addi %mul3A_316, %add3A_317 : i32
        %add3A_319 = arith.constant 12288 : i32
        %add3A_320 = arith.addi %add3A_319, %add3A_318 : i32
        %get3A_321 = arith.index_cast %add3A_320 : i32 to index
        %get3A_322 = tpu.vector_load %run_scoped3A_3[%get3A_321] {strides = array<i32>} : memref<16384xi32, #tpu.memory_space<vmem>>, vector<16xi32>,
        %gather3A_323 = tpu.vector_load_idx %run_scoped3A[%get3A_322] : memref<100000xf32, #tpu.memory_space<vmem>>[vector<16xi32>], vector<16xf32>,
        %swap3A_324 = arith.index_cast %add3A_318 : i32 to index
        %swap3A_325 = tpu.vector_load %run_scoped3A_5[%swap3A_324] {strides = array<i32>} : memref<4096xf32, #tpu.memory_space<vmem>>, vector<16xf32>,
        tpu.vector_store %run_scoped3A_5[%swap3A_324], %gather3A_323 {strides = array<i32>} : memref<4096xf32, #tpu.memory_space<vmem>>, vector<16xf32>,
        %mul3A_326 = arith.constant 256 : i32
        %mul3A_327 = arith.muli %scan3A_185, %mul3A_326 : i32
        %add3A_328 = arith.constant 208 : i32
        %add3A_329 = arith.addi %mul3A_327, %add3A_328 : i32
        %add3A_330 = arith.constant 12288 : i32
        %add3A_331 = arith.addi %add3A_330, %add3A_329 : i32
        %get3A_332 = arith.index_cast %add3A_331 : i32 to index
        %get3A_333 = tpu.vector_load %run_scoped3A_3[%get3A_332] {strides = array<i32>} : memref<16384xi32, #tpu.memory_space<vmem>>, vector<16xi32>,
        %gather3A_334 = tpu.vector_load_idx %run_scoped3A[%get3A_333] : memref<100000xf32, #tpu.memory_space<vmem>>[vector<16xi32>], vector<16xf32>,
        %swap3A_335 = arith.index_cast %add3A_329 : i32 to index
        %swap3A_336 = tpu.vector_load %run_scoped3A_5[%swap3A_335] {strides = array<i32>} : memref<4096xf32, #tpu.memory_space<vmem>>, vector<16xf32>,
        tpu.vector_store %run_scoped3A_5[%swap3A_335], %gather3A_334 {strides = array<i32>} : memref<4096xf32, #tpu.memory_space<vmem>>, vector<16xf32>,
        %mul3A_337 = arith.constant 256 : i32
        %mul3A_338 = arith.muli %scan3A_185, %mul3A_337 : i32
        %add3A_339 = arith.constant 224 : i32
        %add3A_340 = arith.addi %mul3A_338, %add3A_339 : i32
        %add3A_341 = arith.constant 12288 : i32
        %add3A_342 = arith.addi %add3A_341, %add3A_340 : i32
        %get3A_343 = arith.index_cast %add3A_342 : i32 to index
        %get3A_344 = tpu.vector_load %run_scoped3A_3[%get3A_343] {strides = array<i32>} : memref<16384xi32, #tpu.memory_space<vmem>>, vector<16xi32>,
        %gather3A_345 = tpu.vector_load_idx %run_scoped3A[%get3A_344] : memref<100000xf32, #tpu.memory_space<vmem>>[vector<16xi32>], vector<16xf32>,
        %swap3A_346 = arith.index_cast %add3A_340 : i32 to index
        %swap3A_347 = tpu.vector_load %run_scoped3A_5[%swap3A_346] {strides = array<i32>} : memref<4096xf32, #tpu.memory_space<vmem>>, vector<16xf32>,
        tpu.vector_store %run_scoped3A_5[%swap3A_346], %gather3A_345 {strides = array<i32>} : memref<4096xf32, #tpu.memory_space<vmem>>, vector<16xf32>,
        %mul3A_348 = arith.constant 256 : i32
        %mul3A_349 = arith.muli %scan3A_185, %mul3A_348 : i32
        %add3A_350 = arith.constant 240 : i32
        %add3A_351 = arith.addi %mul3A_349, %add3A_350 : i32
        %add3A_352 = arith.constant 12288 : i32
        %add3A_353 = arith.addi %add3A_352, %add3A_351 : i32
        %get3A_354 = arith.index_cast %add3A_353 : i32 to index
        %get3A_355 = tpu.vector_load %run_scoped3A_3[%get3A_354] {strides = array<i32>} : memref<16384xi32, #tpu.memory_space<vmem>>, vector<16xi32>,
        %gather3A_356 = tpu.vector_load_idx %run_scoped3A[%get3A_355] : memref<100000xf32, #tpu.memory_space<vmem>>[vector<16xi32>], vector<16xf32>,
        %swap3A_357 = arith.index_cast %add3A_351 : i32 to index
        %swap3A_358 = tpu.vector_load %run_scoped3A_5[%swap3A_357] {strides = array<i32>} : memref<4096xf32, #tpu.memory_space<vmem>>, vector<16xf32>,
        tpu.vector_store %run_scoped3A_5[%swap3A_357], %gather3A_356 {strides = array<i32>} : memref<4096xf32, #tpu.memory_space<vmem>>, vector<16xf32>,
      }
      %scan3A_166 = arith.constant 16 : i32
      %dma_start3A_167 = arith.constant 12288 : i32
      %dma_start3A_168 = tpu.memref_slice %arg6[%add3A_106, %dma_start3A_167] : memref<64x16384xf32, #tpu.memory_space<hbm>> -> memref<1x4096xf32, #tpu.memory_space<hbm>>
      %dma_start3A_169 = tpu.memref_squeeze %dma_start3A_168 : memref<1x4096xf32, #tpu.memory_space<hbm>> -> memref<4096xf32, #tpu.memory_space<hbm>>
      %dma_start3A_170 = arith.constant 12288 : i32
      %dma_start3A_171 = tpu.memref_slice %arg6[%add3A_106, %dma_start3A_170] : memref<64x16384xf32, #tpu.memory_space<hbm>> -> memref<1x4096xf32, #tpu.memory_space<hbm>>
      %dma_start3A_172 = tpu.memref_squeeze %dma_start3A_171 : memref<1x4096xf32, #tpu.memory_space<hbm>> -> memref<4096xf32, #tpu.memory_space<hbm>>
      tpu.enqueue_dma source(%run_scoped3A_5 : memref<4096xf32, #tpu.memory_space<vmem>>) target(%dma_start3A_172 : memref<4096xf32, #tpu.memory_space<hbm>>) target_semaphore(%run_scoped3A_7 : memref<!tpu.dma_semaphore, #tpu.memory_space<semaphore_mem>>)
      %dma_wait3A_173 = arith.constant 8192 : i32
      %dma_wait3A_174 = tpu.memref_slice %arg6[%add3A_106, %dma_wait3A_173] : memref<64x16384xf32, #tpu.memory_space<hbm>> -> memref<1x4096xf32, #tpu.memory_space<hbm>>
      %dma_wait3A_175 = tpu.memref_squeeze %dma_wait3A_174 : memref<1x4096xf32, #tpu.memory_space<hbm>> -> memref<4096xf32, #tpu.memory_space<hbm>>
      %dma_wait3A_176 = arith.constant 8192 : i32
      %dma_wait3A_177 = tpu.memref_slice %arg6[%add3A_106, %dma_wait3A_176] : memref<64x16384xf32, #tpu.memory_space<hbm>> -> memref<1x4096xf32, #tpu.memory_space<hbm>>
      %dma_wait3A_178 = tpu.memref_squeeze %dma_wait3A_177 : memref<1x4096xf32, #tpu.memory_space<hbm>> -> memref<4096xf32, #tpu.memory_space<hbm>>
      tpu.wait_dma2 semaphore(%run_scoped3A_7 : memref<!tpu.dma_semaphore, #tpu.memory_space<semaphore_mem>>) src(%run_scoped3A_4 : memref<4096xf32, #tpu.memory_space<vmem>>) dst(%dma_wait3A_178 : memref<4096xf32, #tpu.memory_space<hbm>>)
      %dma_wait3A_179 = arith.constant 12288 : i32
      %dma_wait3A_180 = tpu.memref_slice %arg6[%add3A_106, %dma_wait3A_179] : memref<64x16384xf32, #tpu.memory_space<hbm>> -> memref<1x4096xf32, #tpu.memory_space<hbm>>
      %dma_wait3A_181 = tpu.memref_squeeze %dma_wait3A_180 : memref<1x4096xf32, #tpu.memory_space<hbm>> -> memref<4096xf32, #tpu.memory_space<hbm>>
      %dma_wait3A_182 = arith.constant 12288 : i32
      %dma_wait3A_183 = tpu.memref_slice %arg6[%add3A_106, %dma_wait3A_182] : memref<64x16384xf32, #tpu.memory_space<hbm>> -> memref<1x4096xf32, #tpu.memory_space<hbm>>
      %dma_wait3A_184 = tpu.memref_squeeze %dma_wait3A_183 : memref<1x4096xf32, #tpu.memory_space<hbm>> -> memref<4096xf32, #tpu.memory_space<hbm>>
      tpu.wait_dma2 semaphore(%run_scoped3A_7 : memref<!tpu.dma_semaphore, #tpu.memory_space<semaphore_mem>>) src(%run_scoped3A_5 : memref<4096xf32, #tpu.memory_space<vmem>>) dst(%dma_wait3A_184 : memref<4096xf32, #tpu.memory_space<hbm>>)
      tpu.yield
    }) : () -> ()
    %mul3A_1 = arith.constant 512 : i32
    %mul3A_2 = arith.muli %add3A, %mul3A_1 : i32
    "tpu.region"() ({
      %run_scoped3A = memref.alloca() : memref<512xi32, #tpu.memory_space<vmem>>
      %run_scoped3A_3 = memref.alloca() : memref<6x64x256xf32, #tpu.memory_space<vmem>>
      %run_scoped3A_4 = tpu.sem_alloc : memref<!tpu.dma_semaphore, #tpu.memory_space<semaphore_mem>>
      %run_scoped3A_5 = tpu.sem_alloc : memref<!tpu.dma_semaphore, #tpu.memory_space<semaphore_mem>>
      "tpu.region"() ({
        %run_scoped3A_772 = tpu.sem_alloc : memref<!tpu.dma_semaphore, #tpu.memory_space<semaphore_mem>>
        %dma_start3A_773 = tpu.memref_slice %arg5[%mul3A_2] : memref<16384xi32, #tpu.memory_space<hbm>> -> memref<512xi32, #tpu.memory_space<hbm>>
        %dma_start3A_774 = tpu.memref_slice %arg5[%mul3A_2] : memref<16384xi32, #tpu.memory_space<hbm>> -> memref<512xi32, #tpu.memory_space<hbm>>
        tpu.enqueue_dma source(%dma_start3A_774 : memref<512xi32, #tpu.memory_space<hbm>>) target(%run_scoped3A : memref<512xi32, #tpu.memory_space<vmem>>) target_semaphore(%run_scoped3A_772 : memref<!tpu.dma_semaphore, #tpu.memory_space<semaphore_mem>>)
        %dma_wait3A_775 = tpu.memref_slice %arg5[%mul3A_2] : memref<16384xi32, #tpu.memory_space<hbm>> -> memref<512xi32, #tpu.memory_space<hbm>>
        %dma_wait3A_776 = tpu.memref_slice %arg5[%mul3A_2] : memref<16384xi32, #tpu.memory_space<hbm>> -> memref<512xi32, #tpu.memory_space<hbm>>
        tpu.wait_dma2 semaphore(%run_scoped3A_772 : memref<!tpu.dma_semaphore, #tpu.memory_space<semaphore_mem>>) src(%dma_wait3A_776 : memref<512xi32, #tpu.memory_space<hbm>>) dst(%run_scoped3A : memref<512xi32, #tpu.memory_space<vmem>>)
        tpu.yield
      }) : () -> ()
      %dma_start3A = arith.constant 0 : i32
      %dma_start3A_6 = arith.constant 0 : i32
      %dma_start3A_7 = arith.constant 0 : i32
      %dma_start3A_8 = tpu.memref_slice %run_scoped3A_3[%dma_start3A, %dma_start3A_6, %dma_start3A_7] : memref<6x64x256xf32, #tpu.memory_space<vmem>> -> memref<1x64x256xf32, #tpu.memory_space<vmem>>
      %dma_start3A_9 = tpu.memref_squeeze %dma_start3A_8 : memref<1x64x256xf32, #tpu.memory_space<vmem>> -> memref<64x256xf32, #tpu.memory_space<vmem>>
      %dma_start3A_10 = arith.constant 0 : i32
      %dma_start3A_11 = tpu.memref_slice %run_scoped3A[%dma_start3A_10] : memref<512xi32, #tpu.memory_space<vmem>> -> memref<64xi32, #tpu.memory_space<vmem>>
      %dma_start3A_12 = arith.constant 0 : i32
      %dma_start3A_13 = arith.constant 0 : i32
      %dma_start3A_14 = tpu.memref_slice %arg3[%dma_start3A_12, %dma_start3A_13] : memref<100000x256xf32, #tpu.memory_space<hbm>> -> memref<100000x256xf32, #tpu.memory_space<hbm>>
      tpu.enqueue_indirect_dma source(%dma_start3A_14 : memref<100000x256xf32, #tpu.memory_space<hbm>>) target(%dma_start3A_9 : memref<64x256xf32, #tpu.memory_space<vmem>>) offsets(%dma_start3A_11 : memref<64xi32, #tpu.memory_space<vmem>>) semaphore(%run_scoped3A_4 : memref<!tpu.dma_semaphore, #tpu.memory_space<semaphore_mem>>)
      %dma_start3A_15 = arith.constant 1 : i32
      %dma_start3A_16 = arith.constant 0 : i32
      %dma_start3A_17 = arith.constant 0 : i32
      %dma_start3A_18 = tpu.memref_slice %run_scoped3A_3[%dma_start3A_15, %dma_start3A_16, %dma_start3A_17] : memref<6x64x256xf32, #tpu.memory_space<vmem>> -> memref<1x64x256xf32, #tpu.memory_space<vmem>>
      %dma_start3A_19 = tpu.memref_squeeze %dma_start3A_18 : memref<1x64x256xf32, #tpu.memory_space<vmem>> -> memref<64x256xf32, #tpu.memory_space<vmem>>
      %dma_start3A_20 = arith.constant 0 : i32
      %dma_start3A_21 = tpu.memref_slice %run_scoped3A[%dma_start3A_20] : memref<512xi32, #tpu.memory_space<vmem>> -> memref<64xi32, #tpu.memory_space<vmem>>
      %dma_start3A_22 = arith.constant 0 : i32
      %dma_start3A_23 = arith.constant 0 : i32
      %dma_start3A_24 = tpu.memref_slice %arg4[%dma_start3A_22, %dma_start3A_23] : memref<100000x256xf32, #tpu.memory_space<hbm>> -> memref<100000x256xf32, #tpu.memory_space<hbm>>
      tpu.enqueue_indirect_dma source(%dma_start3A_24 : memref<100000x256xf32, #tpu.memory_space<hbm>>) target(%dma_start3A_19 : memref<64x256xf32, #tpu.memory_space<vmem>>) offsets(%dma_start3A_21 : memref<64xi32, #tpu.memory_space<vmem>>) semaphore(%run_scoped3A_4 : memref<!tpu.dma_semaphore, #tpu.memory_space<semaphore_mem>>)
      %dma_start3A_25 = arith.constant 2 : i32
      %dma_start3A_26 = arith.constant 0 : i32
      %dma_start3A_27 = arith.constant 0 : i32
      %dma_start3A_28 = tpu.memref_slice %run_scoped3A_3[%dma_start3A_25, %dma_start3A_26, %dma_start3A_27] : memref<6x64x256xf32, #tpu.memory_space<vmem>> -> memref<1x64x256xf32, #tpu.memory_space<vmem>>
      %dma_start3A_29 = tpu.memref_squeeze %dma_start3A_28 : memref<1x64x256xf32, #tpu.memory_space<vmem>> -> memref<64x256xf32, #tpu.memory_space<vmem>>
      %dma_start3A_30 = arith.constant 64 : i32
      %dma_start3A_31 = tpu.memref_slice %run_scoped3A[%dma_start3A_30] : memref<512xi32, #tpu.memory_space<vmem>> -> memref<64xi32, #tpu.memory_space<vmem>>
      %dma_start3A_32 = arith.constant 0 : i32
      %dma_start3A_33 = arith.constant 0 : i32
      %dma_start3A_34 = tpu.memref_slice %arg3[%dma_start3A_32, %dma_start3A_33] : memref<100000x256xf32, #tpu.memory_space<hbm>> -> memref<100000x256xf32, #tpu.memory_space<hbm>>
      tpu.enqueue_indirect_dma source(%dma_start3A_34 : memref<100000x256xf32, #tpu.memory_space<hbm>>) target(%dma_start3A_29 : memref<64x256xf32, #tpu.memory_space<vmem>>) offsets(%dma_start3A_31 : memref<64xi32, #tpu.memory_space<vmem>>) semaphore(%run_scoped3A_4 : memref<!tpu.dma_semaphore, #tpu.memory_space<semaphore_mem>>)
      %dma_start3A_35 = arith.constant 3 : i32
      %dma_start3A_36 = arith.constant 0 : i32
      %dma_start3A_37 = arith.constant 0 : i32
      %dma_start3A_38 = tpu.memref_slice %run_scoped3A_3[%dma_start3A_35, %dma_start3A_36, %dma_start3A_37] : memref<6x64x256xf32, #tpu.memory_space<vmem>> -> memref<1x64x256xf32, #tpu.memory_space<vmem>>
      %dma_start3A_39 = tpu.memref_squeeze %dma_start3A_38 : memref<1x64x256xf32, #tpu.memory_space<vmem>> -> memref<64x256xf32, #tpu.memory_space<vmem>>
      %dma_start3A_40 = arith.constant 64 : i32
      %dma_start3A_41 = tpu.memref_slice %run_scoped3A[%dma_start3A_40] : memref<512xi32, #tpu.memory_space<vmem>> -> memref<64xi32, #tpu.memory_space<vmem>>
      %dma_start3A_42 = arith.constant 0 : i32
      %dma_start3A_43 = arith.constant 0 : i32
      %dma_start3A_44 = tpu.memref_slice %arg4[%dma_start3A_42, %dma_start3A_43] : memref<100000x256xf32, #tpu.memory_space<hbm>> -> memref<100000x256xf32, #tpu.memory_space<hbm>>
      tpu.enqueue_indirect_dma source(%dma_start3A_44 : memref<100000x256xf32, #tpu.memory_space<hbm>>) target(%dma_start3A_39 : memref<64x256xf32, #tpu.memory_space<vmem>>) offsets(%dma_start3A_41 : memref<64xi32, #tpu.memory_space<vmem>>) semaphore(%run_scoped3A_4 : memref<!tpu.dma_semaphore, #tpu.memory_space<semaphore_mem>>)
      %dma_start3A_45 = arith.constant 4 : i32
      %dma_start3A_46 = arith.constant 0 : i32
      %dma_start3A_47 = arith.constant 0 : i32
      %dma_start3A_48 = tpu.memref_slice %run_scoped3A_3[%dma_start3A_45, %dma_start3A_46, %dma_start3A_47] : memref<6x64x256xf32, #tpu.memory_space<vmem>> -> memref<1x64x256xf32, #tpu.memory_space<vmem>>
      %dma_start3A_49 = tpu.memref_squeeze %dma_start3A_48 : memref<1x64x256xf32, #tpu.memory_space<vmem>> -> memref<64x256xf32, #tpu.memory_space<vmem>>
      %dma_start3A_50 = arith.constant 128 : i32
      %dma_start3A_51 = tpu.memref_slice %run_scoped3A[%dma_start3A_50] : memref<512xi32, #tpu.memory_space<vmem>> -> memref<64xi32, #tpu.memory_space<vmem>>
      %dma_start3A_52 = arith.constant 0 : i32
      %dma_start3A_53 = arith.constant 0 : i32
      %dma_start3A_54 = tpu.memref_slice %arg3[%dma_start3A_52, %dma_start3A_53] : memref<100000x256xf32, #tpu.memory_space<hbm>> -> memref<100000x256xf32, #tpu.memory_space<hbm>>
      tpu.enqueue_indirect_dma source(%dma_start3A_54 : memref<100000x256xf32, #tpu.memory_space<hbm>>) target(%dma_start3A_49 : memref<64x256xf32, #tpu.memory_space<vmem>>) offsets(%dma_start3A_51 : memref<64xi32, #tpu.memory_space<vmem>>) semaphore(%run_scoped3A_4 : memref<!tpu.dma_semaphore, #tpu.memory_space<semaphore_mem>>)
      %dma_start3A_55 = arith.constant 5 : i32
      %dma_start3A_56 = arith.constant 0 : i32
      %dma_start3A_57 = arith.constant 0 : i32
      %dma_start3A_58 = tpu.memref_slice %run_scoped3A_3[%dma_start3A_55, %dma_start3A_56, %dma_start3A_57] : memref<6x64x256xf32, #tpu.memory_space<vmem>> -> memref<1x64x256xf32, #tpu.memory_space<vmem>>
      %dma_start3A_59 = tpu.memref_squeeze %dma_start3A_58 : memref<1x64x256xf32, #tpu.memory_space<vmem>> -> memref<64x256xf32, #tpu.memory_space<vmem>>
      %dma_start3A_60 = arith.constant 128 : i32
      %dma_start3A_61 = tpu.memref_slice %run_scoped3A[%dma_start3A_60] : memref<512xi32, #tpu.memory_space<vmem>> -> memref<64xi32, #tpu.memory_space<vmem>>
      %dma_start3A_62 = arith.constant 0 : i32
      %dma_start3A_63 = arith.constant 0 : i32
      %dma_start3A_64 = tpu.memref_slice %arg4[%dma_start3A_62, %dma_start3A_63] : memref<100000x256xf32, #tpu.memory_space<hbm>> -> memref<100000x256xf32, #tpu.memory_space<hbm>>
      tpu.enqueue_indirect_dma source(%dma_start3A_64 : memref<100000x256xf32, #tpu.memory_space<hbm>>) target(%dma_start3A_59 : memref<64x256xf32, #tpu.memory_space<vmem>>) offsets(%dma_start3A_61 : memref<64xi32, #tpu.memory_space<vmem>>) semaphore(%run_scoped3A_4 : memref<!tpu.dma_semaphore, #tpu.memory_space<semaphore_mem>>)
      %dma_wait3A = arith.constant 0 : i32
      %dma_wait3A_65 = arith.constant 0 : i32
      %dma_wait3A_66 = arith.constant 0 : i32
      %dma_wait3A_67 = tpu.memref_slice %run_scoped3A_3[%dma_wait3A, %dma_wait3A_65, %dma_wait3A_66] : memref<6x64x256xf32, #tpu.memory_space<vmem>> -> memref<1x64x256xf32, #tpu.memory_space<vmem>>
      %dma_wait3A_68 = tpu.memref_squeeze %dma_wait3A_67 : memref<1x64x256xf32, #tpu.memory_space<vmem>> -> memref<64x256xf32, #tpu.memory_space<vmem>>
      %dma_wait3A_69 = arith.constant 0 : i32
      %dma_wait3A_70 = tpu.memref_slice %run_scoped3A[%dma_wait3A_69] : memref<512xi32, #tpu.memory_space<vmem>> -> memref<64xi32, #tpu.memory_space<vmem>>
      %dma_wait3A_71 = arith.constant 0 : i32
      %dma_wait3A_72 = arith.constant 0 : i32
      %dma_wait3A_73 = tpu.memref_slice %arg3[%dma_wait3A_71, %dma_wait3A_72] : memref<100000x256xf32, #tpu.memory_space<hbm>> -> memref<100000x256xf32, #tpu.memory_space<hbm>>
      tpu.wait_indirect_dma semaphore(%run_scoped3A_4 : memref<!tpu.dma_semaphore, #tpu.memory_space<semaphore_mem>>) src(%dma_wait3A_73 : memref<100000x256xf32, #tpu.memory_space<hbm>>) dst(%dma_wait3A_68 : memref<64x256xf32, #tpu.memory_space<vmem>>)
      %add3A_74 = arith.constant 0 : i32
      %add3A_75 = arith.addi %mul3A_2, %add3A_74 : i32
      %dma_start3A_76 = arith.constant 0 : i32
      %dma_start3A_77 = arith.constant 0 : i32
      %dma_start3A_78 = arith.constant 0 : i32
      %dma_start3A_79 = tpu.memref_slice %run_scoped3A_3[%dma_start3A_76, %dma_start3A_77, %dma_start3A_78] : memref<6x64x256xf32, #tpu.memory_space<vmem>> -> memref<1x64x256xf32, #tpu.memory_space<vmem>>
      %dma_start3A_80 = tpu.memref_squeeze %dma_start3A_79 : memref<1x64x256xf32, #tpu.memory_space<vmem>> -> memref<64x256xf32, #tpu.memory_space<vmem>>
      %dma_start3A_81 = arith.constant 0 : i32
      %dma_start3A_82 = tpu.memref_slice %arg7[%add3A_75, %dma_start3A_81] : memref<16384x256xf32, #tpu.memory_space<hbm>> -> memref<64x256xf32, #tpu.memory_space<hbm>>
      %dma_start3A_83 = arith.constant 0 : i32
      %dma_start3A_84 = tpu.memref_slice %arg7[%add3A_75, %dma_start3A_83] : memref<16384x256xf32, #tpu.memory_space<hbm>> -> memref<64x256xf32, #tpu.memory_space<hbm>>
      %dma_start3A_85 = arith.constant 0 : i32
      %dma_start3A_86 = arith.constant 0 : i32
      %dma_start3A_87 = tpu.memref_slice %run_scoped3A_3[%dma_start3A_76, %dma_start3A_85, %dma_start3A_86] : memref<6x64x256xf32, #tpu.memory_space<vmem>> -> memref<1x64x256xf32, #tpu.memory_space<vmem>>
      %dma_start3A_88 = tpu.memref_squeeze %dma_start3A_87 : memref<1x64x256xf32, #tpu.memory_space<vmem>> -> memref<64x256xf32, #tpu.memory_space<vmem>>
      tpu.enqueue_dma source(%dma_start3A_88 : memref<64x256xf32, #tpu.memory_space<vmem>>) target(%dma_start3A_84 : memref<64x256xf32, #tpu.memory_space<hbm>>) target_semaphore(%run_scoped3A_5 : memref<!tpu.dma_semaphore, #tpu.memory_space<semaphore_mem>>)
      %dma_wait3A_89 = arith.constant 0 : i32
      %dma_wait3A_90 = arith.constant 0 : i32
      %dma_wait3A_91 = arith.constant 0 : i32
      %dma_wait3A_92 = tpu.memref_slice %run_scoped3A_3[%dma_wait3A_89, %dma_wait3A_90, %dma_wait3A_91] : memref<6x64x256xf32, #tpu.memory_space<vmem>> -> memref<1x64x256xf32, #tpu.memory_space<vmem>>
      %dma_wait3A_93 = tpu.memref_squeeze %dma_wait3A_92 : memref<1x64x256xf32, #tpu.memory_space<vmem>> -> memref<64x256xf32, #tpu.memory_space<vmem>>
      %dma_wait3A_94 = arith.constant 0 : i32
      %dma_wait3A_95 = tpu.memref_slice %arg7[%add3A_75, %dma_wait3A_94] : memref<16384x256xf32, #tpu.memory_space<hbm>> -> memref<64x256xf32, #tpu.memory_space<hbm>>
      %dma_wait3A_96 = arith.constant 0 : i32
      %dma_wait3A_97 = tpu.memref_slice %arg7[%add3A_75, %dma_wait3A_96] : memref<16384x256xf32, #tpu.memory_space<hbm>> -> memref<64x256xf32, #tpu.memory_space<hbm>>
      %dma_wait3A_98 = arith.constant 0 : i32
      %dma_wait3A_99 = arith.constant 0 : i32
      %dma_wait3A_100 = tpu.memref_slice %run_scoped3A_3[%dma_wait3A_89, %dma_wait3A_98, %dma_wait3A_99] : memref<6x64x256xf32, #tpu.memory_space<vmem>> -> memref<1x64x256xf32, #tpu.memory_space<vmem>>
      %dma_wait3A_101 = tpu.memref_squeeze %dma_wait3A_100 : memref<1x64x256xf32, #tpu.memory_space<vmem>> -> memref<64x256xf32, #tpu.memory_space<vmem>>
      tpu.wait_dma2 semaphore(%run_scoped3A_5 : memref<!tpu.dma_semaphore, #tpu.memory_space<semaphore_mem>>) src(%dma_wait3A_101 : memref<64x256xf32, #tpu.memory_space<vmem>>) dst(%dma_wait3A_97 : memref<64x256xf32, #tpu.memory_space<hbm>>)
      %dma_start3A_102 = arith.constant 0 : i32
      %dma_start3A_103 = arith.constant 0 : i32
      %dma_start3A_104 = arith.constant 0 : i32
      %dma_start3A_105 = tpu.memref_slice %run_scoped3A_3[%dma_start3A_102, %dma_start3A_103, %dma_start3A_104] : memref<6x64x256xf32, #tpu.memory_space<vmem>> -> memref<1x64x256xf32, #tpu.memory_space<vmem>>
      %dma_start3A_106 = tpu.memref_squeeze %dma_start3A_105 : memref<1x64x256xf32, #tpu.memory_space<vmem>> -> memref<64x256xf32, #tpu.memory_space<vmem>>
      %dma_start3A_107 = arith.constant 192 : i32
      %dma_start3A_108 = tpu.memref_slice %run_scoped3A[%dma_start3A_107] : memref<512xi32, #tpu.memory_space<vmem>> -> memref<64xi32, #tpu.memory_space<vmem>>
      %dma_start3A_109 = arith.constant 0 : i32
      %dma_start3A_110 = arith.constant 0 : i32
      %dma_start3A_111 = tpu.memref_slice %arg3[%dma_start3A_109, %dma_start3A_110] : memref<100000x256xf32, #tpu.memory_space<hbm>> -> memref<100000x256xf32, #tpu.memory_space<hbm>>
      tpu.enqueue_indirect_dma source(%dma_start3A_111 : memref<100000x256xf32, #tpu.memory_space<hbm>>) target(%dma_start3A_106 : memref<64x256xf32, #tpu.memory_space<vmem>>) offsets(%dma_start3A_108 : memref<64xi32, #tpu.memory_space<vmem>>) semaphore(%run_scoped3A_4 : memref<!tpu.dma_semaphore, #tpu.memory_space<semaphore_mem>>)
      %dma_wait3A_112 = arith.constant 1 : i32
      %dma_wait3A_113 = arith.constant 0 : i32
      %dma_wait3A_114 = arith.constant 0 : i32
      %dma_wait3A_115 = tpu.memref_slice %run_scoped3A_3[%dma_wait3A_112, %dma_wait3A_113, %dma_wait3A_114] : memref<6x64x256xf32, #tpu.memory_space<vmem>> -> memref<1x64x256xf32, #tpu.memory_space<vmem>>
      %dma_wait3A_116 = tpu.memref_squeeze %dma_wait3A_115 : memref<1x64x256xf32, #tpu.memory_space<vmem>> -> memref<64x256xf32, #tpu.memory_space<vmem>>
      %dma_wait3A_117 = arith.constant 0 : i32
      %dma_wait3A_118 = tpu.memref_slice %run_scoped3A[%dma_wait3A_117] : memref<512xi32, #tpu.memory_space<vmem>> -> memref<64xi32, #tpu.memory_space<vmem>>
      %dma_wait3A_119 = arith.constant 0 : i32
      %dma_wait3A_120 = arith.constant 0 : i32
      %dma_wait3A_121 = tpu.memref_slice %arg4[%dma_wait3A_119, %dma_wait3A_120] : memref<100000x256xf32, #tpu.memory_space<hbm>> -> memref<100000x256xf32, #tpu.memory_space<hbm>>
      tpu.wait_indirect_dma semaphore(%run_scoped3A_4 : memref<!tpu.dma_semaphore, #tpu.memory_space<semaphore_mem>>) src(%dma_wait3A_121 : memref<100000x256xf32, #tpu.memory_space<hbm>>) dst(%dma_wait3A_116 : memref<64x256xf32, #tpu.memory_space<vmem>>)
      %add3A_122 = arith.constant 0 : i32
      %add3A_123 = arith.addi %mul3A_2, %add3A_122 : i32
      %dma_start3A_124 = arith.constant 1 : i32
      %dma_start3A_125 = arith.constant 0 : i32
      %dma_start3A_126 = arith.constant 0 : i32
      %dma_start3A_127 = tpu.memref_slice %run_scoped3A_3[%dma_start3A_124, %dma_start3A_125, %dma_start3A_126] : memref<6x64x256xf32, #tpu.memory_space<vmem>> -> memref<1x64x256xf32, #tpu.memory_space<vmem>>
      %dma_start3A_128 = tpu.memref_squeeze %dma_start3A_127 : memref<1x64x256xf32, #tpu.memory_space<vmem>> -> memref<64x256xf32, #tpu.memory_space<vmem>>
      %dma_start3A_129 = arith.constant 0 : i32
      %dma_start3A_130 = tpu.memref_slice %arg8[%add3A_123, %dma_start3A_129] : memref<16384x256xf32, #tpu.memory_space<hbm>> -> memref<64x256xf32, #tpu.memory_space<hbm>>
      %dma_start3A_131 = arith.constant 0 : i32
      %dma_start3A_132 = tpu.memref_slice %arg8[%add3A_123, %dma_start3A_131] : memref<16384x256xf32, #tpu.memory_space<hbm>> -> memref<64x256xf32, #tpu.memory_space<hbm>>
      %dma_start3A_133 = arith.constant 0 : i32
      %dma_start3A_134 = arith.constant 0 : i32
      %dma_start3A_135 = tpu.memref_slice %run_scoped3A_3[%dma_start3A_124, %dma_start3A_133, %dma_start3A_134] : memref<6x64x256xf32, #tpu.memory_space<vmem>> -> memref<1x64x256xf32, #tpu.memory_space<vmem>>
      %dma_start3A_136 = tpu.memref_squeeze %dma_start3A_135 : memref<1x64x256xf32, #tpu.memory_space<vmem>> -> memref<64x256xf32, #tpu.memory_space<vmem>>
      tpu.enqueue_dma source(%dma_start3A_136 : memref<64x256xf32, #tpu.memory_space<vmem>>) target(%dma_start3A_132 : memref<64x256xf32, #tpu.memory_space<hbm>>) target_semaphore(%run_scoped3A_5 : memref<!tpu.dma_semaphore, #tpu.memory_space<semaphore_mem>>)
      %dma_wait3A_137 = arith.constant 1 : i32
      %dma_wait3A_138 = arith.constant 0 : i32
      %dma_wait3A_139 = arith.constant 0 : i32
      %dma_wait3A_140 = tpu.memref_slice %run_scoped3A_3[%dma_wait3A_137, %dma_wait3A_138, %dma_wait3A_139] : memref<6x64x256xf32, #tpu.memory_space<vmem>> -> memref<1x64x256xf32, #tpu.memory_space<vmem>>
      %dma_wait3A_141 = tpu.memref_squeeze %dma_wait3A_140 : memref<1x64x256xf32, #tpu.memory_space<vmem>> -> memref<64x256xf32, #tpu.memory_space<vmem>>
      %dma_wait3A_142 = arith.constant 0 : i32
      %dma_wait3A_143 = tpu.memref_slice %arg8[%add3A_123, %dma_wait3A_142] : memref<16384x256xf32, #tpu.memory_space<hbm>> -> memref<64x256xf32, #tpu.memory_space<hbm>>
      %dma_wait3A_144 = arith.constant 0 : i32
      %dma_wait3A_145 = tpu.memref_slice %arg8[%add3A_123, %dma_wait3A_144] : memref<16384x256xf32, #tpu.memory_space<hbm>> -> memref<64x256xf32, #tpu.memory_space<hbm>>
      %dma_wait3A_146 = arith.constant 0 : i32
      %dma_wait3A_147 = arith.constant 0 : i32
      %dma_wait3A_148 = tpu.memref_slice %run_scoped3A_3[%dma_wait3A_137, %dma_wait3A_146, %dma_wait3A_147] : memref<6x64x256xf32, #tpu.memory_space<vmem>> -> memref<1x64x256xf32, #tpu.memory_space<vmem>>
      %dma_wait3A_149 = tpu.memref_squeeze %dma_wait3A_148 : memref<1x64x256xf32, #tpu.memory_space<vmem>> -> memref<64x256xf32, #tpu.memory_space<vmem>>
      tpu.wait_dma2 semaphore(%run_scoped3A_5 : memref<!tpu.dma_semaphore, #tpu.memory_space<semaphore_mem>>) src(%dma_wait3A_149 : memref<64x256xf32, #tpu.memory_space<vmem>>) dst(%dma_wait3A_145 : memref<64x256xf32, #tpu.memory_space<hbm>>)
      %dma_start3A_150 = arith.constant 1 : i32
      %dma_start3A_151 = arith.constant 0 : i32
      %dma_start3A_152 = arith.constant 0 : i32
      %dma_start3A_153 = tpu.memref_slice %run_scoped3A_3[%dma_start3A_150, %dma_start3A_151, %dma_start3A_152] : memref<6x64x256xf32, #tpu.memory_space<vmem>> -> memref<1x64x256xf32, #tpu.memory_space<vmem>>
      %dma_start3A_154 = tpu.memref_squeeze %dma_start3A_153 : memref<1x64x256xf32, #tpu.memory_space<vmem>> -> memref<64x256xf32, #tpu.memory_space<vmem>>
      %dma_start3A_155 = arith.constant 192 : i32
      %dma_start3A_156 = tpu.memref_slice %run_scoped3A[%dma_start3A_155] : memref<512xi32, #tpu.memory_space<vmem>> -> memref<64xi32, #tpu.memory_space<vmem>>
      %dma_start3A_157 = arith.constant 0 : i32
      %dma_start3A_158 = arith.constant 0 : i32
      %dma_start3A_159 = tpu.memref_slice %arg4[%dma_start3A_157, %dma_start3A_158] : memref<100000x256xf32, #tpu.memory_space<hbm>> -> memref<100000x256xf32, #tpu.memory_space<hbm>>
      tpu.enqueue_indirect_dma source(%dma_start3A_159 : memref<100000x256xf32, #tpu.memory_space<hbm>>) target(%dma_start3A_154 : memref<64x256xf32, #tpu.memory_space<vmem>>) offsets(%dma_start3A_156 : memref<64xi32, #tpu.memory_space<vmem>>) semaphore(%run_scoped3A_4 : memref<!tpu.dma_semaphore, #tpu.memory_space<semaphore_mem>>)
      %dma_wait3A_160 = arith.constant 2 : i32
      %dma_wait3A_161 = arith.constant 0 : i32
      %dma_wait3A_162 = arith.constant 0 : i32
      %dma_wait3A_163 = tpu.memref_slice %run_scoped3A_3[%dma_wait3A_160, %dma_wait3A_161, %dma_wait3A_162] : memref<6x64x256xf32, #tpu.memory_space<vmem>> -> memref<1x64x256xf32, #tpu.memory_space<vmem>>
      %dma_wait3A_164 = tpu.memref_squeeze %dma_wait3A_163 : memref<1x64x256xf32, #tpu.memory_space<vmem>> -> memref<64x256xf32, #tpu.memory_space<vmem>>
      %dma_wait3A_165 = arith.constant 64 : i32
      %dma_wait3A_166 = tpu.memref_slice %run_scoped3A[%dma_wait3A_165] : memref<512xi32, #tpu.memory_space<vmem>> -> memref<64xi32, #tpu.memory_space<vmem>>
      %dma_wait3A_167 = arith.constant 0 : i32
      %dma_wait3A_168 = arith.constant 0 : i32
      %dma_wait3A_169 = tpu.memref_slice %arg3[%dma_wait3A_167, %dma_wait3A_168] : memref<100000x256xf32, #tpu.memory_space<hbm>> -> memref<100000x256xf32, #tpu.memory_space<hbm>>
      tpu.wait_indirect_dma semaphore(%run_scoped3A_4 : memref<!tpu.dma_semaphore, #tpu.memory_space<semaphore_mem>>) src(%dma_wait3A_169 : memref<100000x256xf32, #tpu.memory_space<hbm>>) dst(%dma_wait3A_164 : memref<64x256xf32, #tpu.memory_space<vmem>>)
      %add3A_170 = arith.constant 64 : i32
      %add3A_171 = arith.addi %mul3A_2, %add3A_170 : i32
      %dma_start3A_172 = arith.constant 2 : i32
      %dma_start3A_173 = arith.constant 0 : i32
      %dma_start3A_174 = arith.constant 0 : i32
      %dma_start3A_175 = tpu.memref_slice %run_scoped3A_3[%dma_start3A_172, %dma_start3A_173, %dma_start3A_174] : memref<6x64x256xf32, #tpu.memory_space<vmem>> -> memref<1x64x256xf32, #tpu.memory_space<vmem>>
      %dma_start3A_176 = tpu.memref_squeeze %dma_start3A_175 : memref<1x64x256xf32, #tpu.memory_space<vmem>> -> memref<64x256xf32, #tpu.memory_space<vmem>>
      %dma_start3A_177 = arith.constant 0 : i32
      %dma_start3A_178 = tpu.memref_slice %arg7[%add3A_171, %dma_start3A_177] : memref<16384x256xf32, #tpu.memory_space<hbm>> -> memref<64x256xf32, #tpu.memory_space<hbm>>
      %dma_start3A_179 = arith.constant 0 : i32
      %dma_start3A_180 = tpu.memref_slice %arg7[%add3A_171, %dma_start3A_179] : memref<16384x256xf32, #tpu.memory_space<hbm>> -> memref<64x256xf32, #tpu.memory_space<hbm>>
      %dma_start3A_181 = arith.constant 0 : i32
      %dma_start3A_182 = arith.constant 0 : i32
      %dma_start3A_183 = tpu.memref_slice %run_scoped3A_3[%dma_start3A_172, %dma_start3A_181, %dma_start3A_182] : memref<6x64x256xf32, #tpu.memory_space<vmem>> -> memref<1x64x256xf32, #tpu.memory_space<vmem>>
      %dma_start3A_184 = tpu.memref_squeeze %dma_start3A_183 : memref<1x64x256xf32, #tpu.memory_space<vmem>> -> memref<64x256xf32, #tpu.memory_space<vmem>>
      tpu.enqueue_dma source(%dma_start3A_184 : memref<64x256xf32, #tpu.memory_space<vmem>>) target(%dma_start3A_180 : memref<64x256xf32, #tpu.memory_space<hbm>>) target_semaphore(%run_scoped3A_5 : memref<!tpu.dma_semaphore, #tpu.memory_space<semaphore_mem>>)
      %dma_wait3A_185 = arith.constant 2 : i32
      %dma_wait3A_186 = arith.constant 0 : i32
      %dma_wait3A_187 = arith.constant 0 : i32
      %dma_wait3A_188 = tpu.memref_slice %run_scoped3A_3[%dma_wait3A_185, %dma_wait3A_186, %dma_wait3A_187] : memref<6x64x256xf32, #tpu.memory_space<vmem>> -> memref<1x64x256xf32, #tpu.memory_space<vmem>>
      %dma_wait3A_189 = tpu.memref_squeeze %dma_wait3A_188 : memref<1x64x256xf32, #tpu.memory_space<vmem>> -> memref<64x256xf32, #tpu.memory_space<vmem>>
      %dma_wait3A_190 = arith.constant 0 : i32
      %dma_wait3A_191 = tpu.memref_slice %arg7[%add3A_171, %dma_wait3A_190] : memref<16384x256xf32, #tpu.memory_space<hbm>> -> memref<64x256xf32, #tpu.memory_space<hbm>>
      %dma_wait3A_192 = arith.constant 0 : i32
      %dma_wait3A_193 = tpu.memref_slice %arg7[%add3A_171, %dma_wait3A_192] : memref<16384x256xf32, #tpu.memory_space<hbm>> -> memref<64x256xf32, #tpu.memory_space<hbm>>
      %dma_wait3A_194 = arith.constant 0 : i32
      %dma_wait3A_195 = arith.constant 0 : i32
      %dma_wait3A_196 = tpu.memref_slice %run_scoped3A_3[%dma_wait3A_185, %dma_wait3A_194, %dma_wait3A_195] : memref<6x64x256xf32, #tpu.memory_space<vmem>> -> memref<1x64x256xf32, #tpu.memory_space<vmem>>
      %dma_wait3A_197 = tpu.memref_squeeze %dma_wait3A_196 : memref<1x64x256xf32, #tpu.memory_space<vmem>> -> memref<64x256xf32, #tpu.memory_space<vmem>>
      tpu.wait_dma2 semaphore(%run_scoped3A_5 : memref<!tpu.dma_semaphore, #tpu.memory_space<semaphore_mem>>) src(%dma_wait3A_197 : memref<64x256xf32, #tpu.memory_space<vmem>>) dst(%dma_wait3A_193 : memref<64x256xf32, #tpu.memory_space<hbm>>)
      %dma_start3A_198 = arith.constant 2 : i32
      %dma_start3A_199 = arith.constant 0 : i32
      %dma_start3A_200 = arith.constant 0 : i32
      %dma_start3A_201 = tpu.memref_slice %run_scoped3A_3[%dma_start3A_198, %dma_start3A_199, %dma_start3A_200] : memref<6x64x256xf32, #tpu.memory_space<vmem>> -> memref<1x64x256xf32, #tpu.memory_space<vmem>>
      %dma_start3A_202 = tpu.memref_squeeze %dma_start3A_201 : memref<1x64x256xf32, #tpu.memory_space<vmem>> -> memref<64x256xf32, #tpu.memory_space<vmem>>
      %dma_start3A_203 = arith.constant 256 : i32
      %dma_start3A_204 = tpu.memref_slice %run_scoped3A[%dma_start3A_203] : memref<512xi32, #tpu.memory_space<vmem>> -> memref<64xi32, #tpu.memory_space<vmem>>
      %dma_start3A_205 = arith.constant 0 : i32
      %dma_start3A_206 = arith.constant 0 : i32
      %dma_start3A_207 = tpu.memref_slice %arg3[%dma_start3A_205, %dma_start3A_206] : memref<100000x256xf32, #tpu.memory_space<hbm>> -> memref<100000x256xf32, #tpu.memory_space<hbm>>
      tpu.enqueue_indirect_dma source(%dma_start3A_207 : memref<100000x256xf32, #tpu.memory_space<hbm>>) target(%dma_start3A_202 : memref<64x256xf32, #tpu.memory_space<vmem>>) offsets(%dma_start3A_204 : memref<64xi32, #tpu.memory_space<vmem>>) semaphore(%run_scoped3A_4 : memref<!tpu.dma_semaphore, #tpu.memory_space<semaphore_mem>>)
      %dma_wait3A_208 = arith.constant 3 : i32
      %dma_wait3A_209 = arith.constant 0 : i32
      %dma_wait3A_210 = arith.constant 0 : i32
      %dma_wait3A_211 = tpu.memref_slice %run_scoped3A_3[%dma_wait3A_208, %dma_wait3A_209, %dma_wait3A_210] : memref<6x64x256xf32, #tpu.memory_space<vmem>> -> memref<1x64x256xf32, #tpu.memory_space<vmem>>
      %dma_wait3A_212 = tpu.memref_squeeze %dma_wait3A_211 : memref<1x64x256xf32, #tpu.memory_space<vmem>> -> memref<64x256xf32, #tpu.memory_space<vmem>>
      %dma_wait3A_213 = arith.constant 64 : i32
      %dma_wait3A_214 = tpu.memref_slice %run_scoped3A[%dma_wait3A_213] : memref<512xi32, #tpu.memory_space<vmem>> -> memref<64xi32, #tpu.memory_space<vmem>>
      %dma_wait3A_215 = arith.constant 0 : i32
      %dma_wait3A_216 = arith.constant 0 : i32
      %dma_wait3A_217 = tpu.memref_slice %arg4[%dma_wait3A_215, %dma_wait3A_216] : memref<100000x256xf32, #tpu.memory_space<hbm>> -> memref<100000x256xf32, #tpu.memory_space<hbm>>
      tpu.wait_indirect_dma semaphore(%run_scoped3A_4 : memref<!tpu.dma_semaphore, #tpu.memory_space<semaphore_mem>>) src(%dma_wait3A_217 : memref<100000x256xf32, #tpu.memory_space<hbm>>) dst(%dma_wait3A_212 : memref<64x256xf32, #tpu.memory_space<vmem>>)
      %add3A_218 = arith.constant 64 : i32
      %add3A_219 = arith.addi %mul3A_2, %add3A_218 : i32
      %dma_start3A_220 = arith.constant 3 : i32
      %dma_start3A_221 = arith.constant 0 : i32
      %dma_start3A_222 = arith.constant 0 : i32
      %dma_start3A_223 = tpu.memref_slice %run_scoped3A_3[%dma_start3A_220, %dma_start3A_221, %dma_start3A_222] : memref<6x64x256xf32, #tpu.memory_space<vmem>> -> memref<1x64x256xf32, #tpu.memory_space<vmem>>
      %dma_start3A_224 = tpu.memref_squeeze %dma_start3A_223 : memref<1x64x256xf32, #tpu.memory_space<vmem>> -> memref<64x256xf32, #tpu.memory_space<vmem>>
      %dma_start3A_225 = arith.constant 0 : i32
      %dma_start3A_226 = tpu.memref_slice %arg8[%add3A_219, %dma_start3A_225] : memref<16384x256xf32, #tpu.memory_space<hbm>> -> memref<64x256xf32, #tpu.memory_space<hbm>>
      %dma_start3A_227 = arith.constant 0 : i32
      %dma_start3A_228 = tpu.memref_slice %arg8[%add3A_219, %dma_start3A_227] : memref<16384x256xf32, #tpu.memory_space<hbm>> -> memref<64x256xf32, #tpu.memory_space<hbm>>
      %dma_start3A_229 = arith.constant 0 : i32
      %dma_start3A_230 = arith.constant 0 : i32
      %dma_start3A_231 = tpu.memref_slice %run_scoped3A_3[%dma_start3A_220, %dma_start3A_229, %dma_start3A_230] : memref<6x64x256xf32, #tpu.memory_space<vmem>> -> memref<1x64x256xf32, #tpu.memory_space<vmem>>
      %dma_start3A_232 = tpu.memref_squeeze %dma_start3A_231 : memref<1x64x256xf32, #tpu.memory_space<vmem>> -> memref<64x256xf32, #tpu.memory_space<vmem>>
      tpu.enqueue_dma source(%dma_start3A_232 : memref<64x256xf32, #tpu.memory_space<vmem>>) target(%dma_start3A_228 : memref<64x256xf32, #tpu.memory_space<hbm>>) target_semaphore(%run_scoped3A_5 : memref<!tpu.dma_semaphore, #tpu.memory_space<semaphore_mem>>)
      %dma_wait3A_233 = arith.constant 3 : i32
      %dma_wait3A_234 = arith.constant 0 : i32
      %dma_wait3A_235 = arith.constant 0 : i32
      %dma_wait3A_236 = tpu.memref_slice %run_scoped3A_3[%dma_wait3A_233, %dma_wait3A_234, %dma_wait3A_235] : memref<6x64x256xf32, #tpu.memory_space<vmem>> -> memref<1x64x256xf32, #tpu.memory_space<vmem>>
      %dma_wait3A_237 = tpu.memref_squeeze %dma_wait3A_236 : memref<1x64x256xf32, #tpu.memory_space<vmem>> -> memref<64x256xf32, #tpu.memory_space<vmem>>
      %dma_wait3A_238 = arith.constant 0 : i32
      %dma_wait3A_239 = tpu.memref_slice %arg8[%add3A_219, %dma_wait3A_238] : memref<16384x256xf32, #tpu.memory_space<hbm>> -> memref<64x256xf32, #tpu.memory_space<hbm>>
      %dma_wait3A_240 = arith.constant 0 : i32
      %dma_wait3A_241 = tpu.memref_slice %arg8[%add3A_219, %dma_wait3A_240] : memref<16384x256xf32, #tpu.memory_space<hbm>> -> memref<64x256xf32, #tpu.memory_space<hbm>>
      %dma_wait3A_242 = arith.constant 0 : i32
      %dma_wait3A_243 = arith.constant 0 : i32
      %dma_wait3A_244 = tpu.memref_slice %run_scoped3A_3[%dma_wait3A_233, %dma_wait3A_242, %dma_wait3A_243] : memref<6x64x256xf32, #tpu.memory_space<vmem>> -> memref<1x64x256xf32, #tpu.memory_space<vmem>>
      %dma_wait3A_245 = tpu.memref_squeeze %dma_wait3A_244 : memref<1x64x256xf32, #tpu.memory_space<vmem>> -> memref<64x256xf32, #tpu.memory_space<vmem>>
      tpu.wait_dma2 semaphore(%run_scoped3A_5 : memref<!tpu.dma_semaphore, #tpu.memory_space<semaphore_mem>>) src(%dma_wait3A_245 : memref<64x256xf32, #tpu.memory_space<vmem>>) dst(%dma_wait3A_241 : memref<64x256xf32, #tpu.memory_space<hbm>>)
      %dma_start3A_246 = arith.constant 3 : i32
      %dma_start3A_247 = arith.constant 0 : i32
      %dma_start3A_248 = arith.constant 0 : i32
      %dma_start3A_249 = tpu.memref_slice %run_scoped3A_3[%dma_start3A_246, %dma_start3A_247, %dma_start3A_248] : memref<6x64x256xf32, #tpu.memory_space<vmem>> -> memref<1x64x256xf32, #tpu.memory_space<vmem>>
      %dma_start3A_250 = tpu.memref_squeeze %dma_start3A_249 : memref<1x64x256xf32, #tpu.memory_space<vmem>> -> memref<64x256xf32, #tpu.memory_space<vmem>>
      %dma_start3A_251 = arith.constant 256 : i32
      %dma_start3A_252 = tpu.memref_slice %run_scoped3A[%dma_start3A_251] : memref<512xi32, #tpu.memory_space<vmem>> -> memref<64xi32, #tpu.memory_space<vmem>>
      %dma_start3A_253 = arith.constant 0 : i32
      %dma_start3A_254 = arith.constant 0 : i32
      %dma_start3A_255 = tpu.memref_slice %arg4[%dma_start3A_253, %dma_start3A_254] : memref<100000x256xf32, #tpu.memory_space<hbm>> -> memref<100000x256xf32, #tpu.memory_space<hbm>>
      tpu.enqueue_indirect_dma source(%dma_start3A_255 : memref<100000x256xf32, #tpu.memory_space<hbm>>) target(%dma_start3A_250 : memref<64x256xf32, #tpu.memory_space<vmem>>) offsets(%dma_start3A_252 : memref<64xi32, #tpu.memory_space<vmem>>) semaphore(%run_scoped3A_4 : memref<!tpu.dma_semaphore, #tpu.memory_space<semaphore_mem>>)
      %dma_wait3A_256 = arith.constant 4 : i32
      %dma_wait3A_257 = arith.constant 0 : i32
      %dma_wait3A_258 = arith.constant 0 : i32
      %dma_wait3A_259 = tpu.memref_slice %run_scoped3A_3[%dma_wait3A_256, %dma_wait3A_257, %dma_wait3A_258] : memref<6x64x256xf32, #tpu.memory_space<vmem>> -> memref<1x64x256xf32, #tpu.memory_space<vmem>>
      %dma_wait3A_260 = tpu.memref_squeeze %dma_wait3A_259 : memref<1x64x256xf32, #tpu.memory_space<vmem>> -> memref<64x256xf32, #tpu.memory_space<vmem>>
      %dma_wait3A_261 = arith.constant 128 : i32
      %dma_wait3A_262 = tpu.memref_slice %run_scoped3A[%dma_wait3A_261] : memref<512xi32, #tpu.memory_space<vmem>> -> memref<64xi32, #tpu.memory_space<vmem>>
      %dma_wait3A_263 = arith.constant 0 : i32
      %dma_wait3A_264 = arith.constant 0 : i32
      %dma_wait3A_265 = tpu.memref_slice %arg3[%dma_wait3A_263, %dma_wait3A_264] : memref<100000x256xf32, #tpu.memory_space<hbm>> -> memref<100000x256xf32, #tpu.memory_space<hbm>>
      tpu.wait_indirect_dma semaphore(%run_scoped3A_4 : memref<!tpu.dma_semaphore, #tpu.memory_space<semaphore_mem>>) src(%dma_wait3A_265 : memref<100000x256xf32, #tpu.memory_space<hbm>>) dst(%dma_wait3A_260 : memref<64x256xf32, #tpu.memory_space<vmem>>)
      %add3A_266 = arith.constant 128 : i32
      %add3A_267 = arith.addi %mul3A_2, %add3A_266 : i32
      %dma_start3A_268 = arith.constant 4 : i32
      %dma_start3A_269 = arith.constant 0 : i32
      %dma_start3A_270 = arith.constant 0 : i32
      %dma_start3A_271 = tpu.memref_slice %run_scoped3A_3[%dma_start3A_268, %dma_start3A_269, %dma_start3A_270] : memref<6x64x256xf32, #tpu.memory_space<vmem>> -> memref<1x64x256xf32, #tpu.memory_space<vmem>>
      %dma_start3A_272 = tpu.memref_squeeze %dma_start3A_271 : memref<1x64x256xf32, #tpu.memory_space<vmem>> -> memref<64x256xf32, #tpu.memory_space<vmem>>
      %dma_start3A_273 = arith.constant 0 : i32
      %dma_start3A_274 = tpu.memref_slice %arg7[%add3A_267, %dma_start3A_273] : memref<16384x256xf32, #tpu.memory_space<hbm>> -> memref<64x256xf32, #tpu.memory_space<hbm>>
      %dma_start3A_275 = arith.constant 0 : i32
      %dma_start3A_276 = tpu.memref_slice %arg7[%add3A_267, %dma_start3A_275] : memref<16384x256xf32, #tpu.memory_space<hbm>> -> memref<64x256xf32, #tpu.memory_space<hbm>>
      %dma_start3A_277 = arith.constant 0 : i32
      %dma_start3A_278 = arith.constant 0 : i32
      %dma_start3A_279 = tpu.memref_slice %run_scoped3A_3[%dma_start3A_268, %dma_start3A_277, %dma_start3A_278] : memref<6x64x256xf32, #tpu.memory_space<vmem>> -> memref<1x64x256xf32, #tpu.memory_space<vmem>>
      %dma_start3A_280 = tpu.memref_squeeze %dma_start3A_279 : memref<1x64x256xf32, #tpu.memory_space<vmem>> -> memref<64x256xf32, #tpu.memory_space<vmem>>
      tpu.enqueue_dma source(%dma_start3A_280 : memref<64x256xf32, #tpu.memory_space<vmem>>) target(%dma_start3A_276 : memref<64x256xf32, #tpu.memory_space<hbm>>) target_semaphore(%run_scoped3A_5 : memref<!tpu.dma_semaphore, #tpu.memory_space<semaphore_mem>>)
      %dma_wait3A_281 = arith.constant 4 : i32
      %dma_wait3A_282 = arith.constant 0 : i32
      %dma_wait3A_283 = arith.constant 0 : i32
      %dma_wait3A_284 = tpu.memref_slice %run_scoped3A_3[%dma_wait3A_281, %dma_wait3A_282, %dma_wait3A_283] : memref<6x64x256xf32, #tpu.memory_space<vmem>> -> memref<1x64x256xf32, #tpu.memory_space<vmem>>
      %dma_wait3A_285 = tpu.memref_squeeze %dma_wait3A_284 : memref<1x64x256xf32, #tpu.memory_space<vmem>> -> memref<64x256xf32, #tpu.memory_space<vmem>>
      %dma_wait3A_286 = arith.constant 0 : i32
      %dma_wait3A_287 = tpu.memref_slice %arg7[%add3A_267, %dma_wait3A_286] : memref<16384x256xf32, #tpu.memory_space<hbm>> -> memref<64x256xf32, #tpu.memory_space<hbm>>
      %dma_wait3A_288 = arith.constant 0 : i32
      %dma_wait3A_289 = tpu.memref_slice %arg7[%add3A_267, %dma_wait3A_288] : memref<16384x256xf32, #tpu.memory_space<hbm>> -> memref<64x256xf32, #tpu.memory_space<hbm>>
      %dma_wait3A_290 = arith.constant 0 : i32
      %dma_wait3A_291 = arith.constant 0 : i32
      %dma_wait3A_292 = tpu.memref_slice %run_scoped3A_3[%dma_wait3A_281, %dma_wait3A_290, %dma_wait3A_291] : memref<6x64x256xf32, #tpu.memory_space<vmem>> -> memref<1x64x256xf32, #tpu.memory_space<vmem>>
      %dma_wait3A_293 = tpu.memref_squeeze %dma_wait3A_292 : memref<1x64x256xf32, #tpu.memory_space<vmem>> -> memref<64x256xf32, #tpu.memory_space<vmem>>
      tpu.wait_dma2 semaphore(%run_scoped3A_5 : memref<!tpu.dma_semaphore, #tpu.memory_space<semaphore_mem>>) src(%dma_wait3A_293 : memref<64x256xf32, #tpu.memory_space<vmem>>) dst(%dma_wait3A_289 : memref<64x256xf32, #tpu.memory_space<hbm>>)
      %dma_start3A_294 = arith.constant 4 : i32
      %dma_start3A_295 = arith.constant 0 : i32
      %dma_start3A_296 = arith.constant 0 : i32
      %dma_start3A_297 = tpu.memref_slice %run_scoped3A_3[%dma_start3A_294, %dma_start3A_295, %dma_start3A_296] : memref<6x64x256xf32, #tpu.memory_space<vmem>> -> memref<1x64x256xf32, #tpu.memory_space<vmem>>
      %dma_start3A_298 = tpu.memref_squeeze %dma_start3A_297 : memref<1x64x256xf32, #tpu.memory_space<vmem>> -> memref<64x256xf32, #tpu.memory_space<vmem>>
      %dma_start3A_299 = arith.constant 320 : i32
      %dma_start3A_300 = tpu.memref_slice %run_scoped3A[%dma_start3A_299] : memref<512xi32, #tpu.memory_space<vmem>> -> memref<64xi32, #tpu.memory_space<vmem>>
      %dma_start3A_301 = arith.constant 0 : i32
      %dma_start3A_302 = arith.constant 0 : i32
      %dma_start3A_303 = tpu.memref_slice %arg3[%dma_start3A_301, %dma_start3A_302] : memref<100000x256xf32, #tpu.memory_space<hbm>> -> memref<100000x256xf32, #tpu.memory_space<hbm>>
      tpu.enqueue_indirect_dma source(%dma_start3A_303 : memref<100000x256xf32, #tpu.memory_space<hbm>>) target(%dma_start3A_298 : memref<64x256xf32, #tpu.memory_space<vmem>>) offsets(%dma_start3A_300 : memref<64xi32, #tpu.memory_space<vmem>>) semaphore(%run_scoped3A_4 : memref<!tpu.dma_semaphore, #tpu.memory_space<semaphore_mem>>)
      %dma_wait3A_304 = arith.constant 5 : i32
      %dma_wait3A_305 = arith.constant 0 : i32
      %dma_wait3A_306 = arith.constant 0 : i32
      %dma_wait3A_307 = tpu.memref_slice %run_scoped3A_3[%dma_wait3A_304, %dma_wait3A_305, %dma_wait3A_306] : memref<6x64x256xf32, #tpu.memory_space<vmem>> -> memref<1x64x256xf32, #tpu.memory_space<vmem>>
      %dma_wait3A_308 = tpu.memref_squeeze %dma_wait3A_307 : memref<1x64x256xf32, #tpu.memory_space<vmem>> -> memref<64x256xf32, #tpu.memory_space<vmem>>
      %dma_wait3A_309 = arith.constant 128 : i32
      %dma_wait3A_310 = tpu.memref_slice %run_scoped3A[%dma_wait3A_309] : memref<512xi32, #tpu.memory_space<vmem>> -> memref<64xi32, #tpu.memory_space<vmem>>
      %dma_wait3A_311 = arith.constant 0 : i32
      %dma_wait3A_312 = arith.constant 0 : i32
      %dma_wait3A_313 = tpu.memref_slice %arg4[%dma_wait3A_311, %dma_wait3A_312] : memref<100000x256xf32, #tpu.memory_space<hbm>> -> memref<100000x256xf32, #tpu.memory_space<hbm>>
      tpu.wait_indirect_dma semaphore(%run_scoped3A_4 : memref<!tpu.dma_semaphore, #tpu.memory_space<semaphore_mem>>) src(%dma_wait3A_313 : memref<100000x256xf32, #tpu.memory_space<hbm>>) dst(%dma_wait3A_308 : memref<64x256xf32, #tpu.memory_space<vmem>>)
      %add3A_314 = arith.constant 128 : i32
      %add3A_315 = arith.addi %mul3A_2, %add3A_314 : i32
      %dma_start3A_316 = arith.constant 5 : i32
      %dma_start3A_317 = arith.constant 0 : i32
      %dma_start3A_318 = arith.constant 0 : i32
      %dma_start3A_319 = tpu.memref_slice %run_scoped3A_3[%dma_start3A_316, %dma_start3A_317, %dma_start3A_318] : memref<6x64x256xf32, #tpu.memory_space<vmem>> -> memref<1x64x256xf32, #tpu.memory_space<vmem>>
      %dma_start3A_320 = tpu.memref_squeeze %dma_start3A_319 : memref<1x64x256xf32, #tpu.memory_space<vmem>> -> memref<64x256xf32, #tpu.memory_space<vmem>>
      %dma_start3A_321 = arith.constant 0 : i32
      %dma_start3A_322 = tpu.memref_slice %arg8[%add3A_315, %dma_start3A_321] : memref<16384x256xf32, #tpu.memory_space<hbm>> -> memref<64x256xf32, #tpu.memory_space<hbm>>
      %dma_start3A_323 = arith.constant 0 : i32
      %dma_start3A_324 = tpu.memref_slice %arg8[%add3A_315, %dma_start3A_323] : memref<16384x256xf32, #tpu.memory_space<hbm>> -> memref<64x256xf32, #tpu.memory_space<hbm>>
      %dma_start3A_325 = arith.constant 0 : i32
      %dma_start3A_326 = arith.constant 0 : i32
      %dma_start3A_327 = tpu.memref_slice %run_scoped3A_3[%dma_start3A_316, %dma_start3A_325, %dma_start3A_326] : memref<6x64x256xf32, #tpu.memory_space<vmem>> -> memref<1x64x256xf32, #tpu.memory_space<vmem>>
      %dma_start3A_328 = tpu.memref_squeeze %dma_start3A_327 : memref<1x64x256xf32, #tpu.memory_space<vmem>> -> memref<64x256xf32, #tpu.memory_space<vmem>>
      tpu.enqueue_dma source(%dma_start3A_328 : memref<64x256xf32, #tpu.memory_space<vmem>>) target(%dma_start3A_324 : memref<64x256xf32, #tpu.memory_space<hbm>>) target_semaphore(%run_scoped3A_5 : memref<!tpu.dma_semaphore, #tpu.memory_space<semaphore_mem>>)
      %dma_wait3A_329 = arith.constant 5 : i32
      %dma_wait3A_330 = arith.constant 0 : i32
      %dma_wait3A_331 = arith.constant 0 : i32
      %dma_wait3A_332 = tpu.memref_slice %run_scoped3A_3[%dma_wait3A_329, %dma_wait3A_330, %dma_wait3A_331] : memref<6x64x256xf32, #tpu.memory_space<vmem>> -> memref<1x64x256xf32, #tpu.memory_space<vmem>>
      %dma_wait3A_333 = tpu.memref_squeeze %dma_wait3A_332 : memref<1x64x256xf32, #tpu.memory_space<vmem>> -> memref<64x256xf32, #tpu.memory_space<vmem>>
      %dma_wait3A_334 = arith.constant 0 : i32
      %dma_wait3A_335 = tpu.memref_slice %arg8[%add3A_315, %dma_wait3A_334] : memref<16384x256xf32, #tpu.memory_space<hbm>> -> memref<64x256xf32, #tpu.memory_space<hbm>>
      %dma_wait3A_336 = arith.constant 0 : i32
      %dma_wait3A_337 = tpu.memref_slice %arg8[%add3A_315, %dma_wait3A_336] : memref<16384x256xf32, #tpu.memory_space<hbm>> -> memref<64x256xf32, #tpu.memory_space<hbm>>
      %dma_wait3A_338 = arith.constant 0 : i32
      %dma_wait3A_339 = arith.constant 0 : i32
      %dma_wait3A_340 = tpu.memref_slice %run_scoped3A_3[%dma_wait3A_329, %dma_wait3A_338, %dma_wait3A_339] : memref<6x64x256xf32, #tpu.memory_space<vmem>> -> memref<1x64x256xf32, #tpu.memory_space<vmem>>
      %dma_wait3A_341 = tpu.memref_squeeze %dma_wait3A_340 : memref<1x64x256xf32, #tpu.memory_space<vmem>> -> memref<64x256xf32, #tpu.memory_space<vmem>>
      tpu.wait_dma2 semaphore(%run_scoped3A_5 : memref<!tpu.dma_semaphore, #tpu.memory_space<semaphore_mem>>) src(%dma_wait3A_341 : memref<64x256xf32, #tpu.memory_space<vmem>>) dst(%dma_wait3A_337 : memref<64x256xf32, #tpu.memory_space<hbm>>)
      %dma_start3A_342 = arith.constant 5 : i32
      %dma_start3A_343 = arith.constant 0 : i32
      %dma_start3A_344 = arith.constant 0 : i32
      %dma_start3A_345 = tpu.memref_slice %run_scoped3A_3[%dma_start3A_342, %dma_start3A_343, %dma_start3A_344] : memref<6x64x256xf32, #tpu.memory_space<vmem>> -> memref<1x64x256xf32, #tpu.memory_space<vmem>>
      %dma_start3A_346 = tpu.memref_squeeze %dma_start3A_345 : memref<1x64x256xf32, #tpu.memory_space<vmem>> -> memref<64x256xf32, #tpu.memory_space<vmem>>
      %dma_start3A_347 = arith.constant 320 : i32
      %dma_start3A_348 = tpu.memref_slice %run_scoped3A[%dma_start3A_347] : memref<512xi32, #tpu.memory_space<vmem>> -> memref<64xi32, #tpu.memory_space<vmem>>
      %dma_start3A_349 = arith.constant 0 : i32
      %dma_start3A_350 = arith.constant 0 : i32
      %dma_start3A_351 = tpu.memref_slice %arg4[%dma_start3A_349, %dma_start3A_350] : memref<100000x256xf32, #tpu.memory_space<hbm>> -> memref<100000x256xf32, #tpu.memory_space<hbm>>
      tpu.enqueue_indirect_dma source(%dma_start3A_351 : memref<100000x256xf32, #tpu.memory_space<hbm>>) target(%dma_start3A_346 : memref<64x256xf32, #tpu.memory_space<vmem>>) offsets(%dma_start3A_348 : memref<64xi32, #tpu.memory_space<vmem>>) semaphore(%run_scoped3A_4 : memref<!tpu.dma_semaphore, #tpu.memory_space<semaphore_mem>>)
      %dma_wait3A_352 = arith.constant 0 : i32
      %dma_wait3A_353 = arith.constant 0 : i32
      %dma_wait3A_354 = arith.constant 0 : i32
      %dma_wait3A_355 = tpu.memref_slice %run_scoped3A_3[%dma_wait3A_352, %dma_wait3A_353, %dma_wait3A_354] : memref<6x64x256xf32, #tpu.memory_space<vmem>> -> memref<1x64x256xf32, #tpu.memory_space<vmem>>
      %dma_wait3A_356 = tpu.memref_squeeze %dma_wait3A_355 : memref<1x64x256xf32, #tpu.memory_space<vmem>> -> memref<64x256xf32, #tpu.memory_space<vmem>>
      %dma_wait3A_357 = arith.constant 192 : i32
      %dma_wait3A_358 = tpu.memref_slice %run_scoped3A[%dma_wait3A_357] : memref<512xi32, #tpu.memory_space<vmem>> -> memref<64xi32, #tpu.memory_space<vmem>>
      %dma_wait3A_359 = arith.constant 0 : i32
      %dma_wait3A_360 = arith.constant 0 : i32
      %dma_wait3A_361 = tpu.memref_slice %arg3[%dma_wait3A_359, %dma_wait3A_360] : memref<100000x256xf32, #tpu.memory_space<hbm>> -> memref<100000x256xf32, #tpu.memory_space<hbm>>
      tpu.wait_indirect_dma semaphore(%run_scoped3A_4 : memref<!tpu.dma_semaphore, #tpu.memory_space<semaphore_mem>>) src(%dma_wait3A_361 : memref<100000x256xf32, #tpu.memory_space<hbm>>) dst(%dma_wait3A_356 : memref<64x256xf32, #tpu.memory_space<vmem>>)
      %add3A_362 = arith.constant 192 : i32
      %add3A_363 = arith.addi %mul3A_2, %add3A_362 : i32
      %dma_start3A_364 = arith.constant 0 : i32
      %dma_start3A_365 = arith.constant 0 : i32
      %dma_start3A_366 = arith.constant 0 : i32
      %dma_start3A_367 = tpu.memref_slice %run_scoped3A_3[%dma_start3A_364, %dma_start3A_365, %dma_start3A_366] : memref<6x64x256xf32, #tpu.memory_space<vmem>> -> memref<1x64x256xf32, #tpu.memory_space<vmem>>
      %dma_start3A_368 = tpu.memref_squeeze %dma_start3A_367 : memref<1x64x256xf32, #tpu.memory_space<vmem>> -> memref<64x256xf32, #tpu.memory_space<vmem>>
      %dma_start3A_369 = arith.constant 0 : i32
      %dma_start3A_370 = tpu.memref_slice %arg7[%add3A_363, %dma_start3A_369] : memref<16384x256xf32, #tpu.memory_space<hbm>> -> memref<64x256xf32, #tpu.memory_space<hbm>>
      %dma_start3A_371 = arith.constant 0 : i32
      %dma_start3A_372 = tpu.memref_slice %arg7[%add3A_363, %dma_start3A_371] : memref<16384x256xf32, #tpu.memory_space<hbm>> -> memref<64x256xf32, #tpu.memory_space<hbm>>
      %dma_start3A_373 = arith.constant 0 : i32
      %dma_start3A_374 = arith.constant 0 : i32
      %dma_start3A_375 = tpu.memref_slice %run_scoped3A_3[%dma_start3A_364, %dma_start3A_373, %dma_start3A_374] : memref<6x64x256xf32, #tpu.memory_space<vmem>> -> memref<1x64x256xf32, #tpu.memory_space<vmem>>
      %dma_start3A_376 = tpu.memref_squeeze %dma_start3A_375 : memref<1x64x256xf32, #tpu.memory_space<vmem>> -> memref<64x256xf32, #tpu.memory_space<vmem>>
      tpu.enqueue_dma source(%dma_start3A_376 : memref<64x256xf32, #tpu.memory_space<vmem>>) target(%dma_start3A_372 : memref<64x256xf32, #tpu.memory_space<hbm>>) target_semaphore(%run_scoped3A_5 : memref<!tpu.dma_semaphore, #tpu.memory_space<semaphore_mem>>)
      %dma_wait3A_377 = arith.constant 0 : i32
      %dma_wait3A_378 = arith.constant 0 : i32
      %dma_wait3A_379 = arith.constant 0 : i32
      %dma_wait3A_380 = tpu.memref_slice %run_scoped3A_3[%dma_wait3A_377, %dma_wait3A_378, %dma_wait3A_379] : memref<6x64x256xf32, #tpu.memory_space<vmem>> -> memref<1x64x256xf32, #tpu.memory_space<vmem>>
      %dma_wait3A_381 = tpu.memref_squeeze %dma_wait3A_380 : memref<1x64x256xf32, #tpu.memory_space<vmem>> -> memref<64x256xf32, #tpu.memory_space<vmem>>
      %dma_wait3A_382 = arith.constant 0 : i32
      %dma_wait3A_383 = tpu.memref_slice %arg7[%add3A_363, %dma_wait3A_382] : memref<16384x256xf32, #tpu.memory_space<hbm>> -> memref<64x256xf32, #tpu.memory_space<hbm>>
      %dma_wait3A_384 = arith.constant 0 : i32
      %dma_wait3A_385 = tpu.memref_slice %arg7[%add3A_363, %dma_wait3A_384] : memref<16384x256xf32, #tpu.memory_space<hbm>> -> memref<64x256xf32, #tpu.memory_space<hbm>>
      %dma_wait3A_386 = arith.constant 0 : i32
      %dma_wait3A_387 = arith.constant 0 : i32
      %dma_wait3A_388 = tpu.memref_slice %run_scoped3A_3[%dma_wait3A_377, %dma_wait3A_386, %dma_wait3A_387] : memref<6x64x256xf32, #tpu.memory_space<vmem>> -> memref<1x64x256xf32, #tpu.memory_space<vmem>>
      %dma_wait3A_389 = tpu.memref_squeeze %dma_wait3A_388 : memref<1x64x256xf32, #tpu.memory_space<vmem>> -> memref<64x256xf32, #tpu.memory_space<vmem>>
      tpu.wait_dma2 semaphore(%run_scoped3A_5 : memref<!tpu.dma_semaphore, #tpu.memory_space<semaphore_mem>>) src(%dma_wait3A_389 : memref<64x256xf32, #tpu.memory_space<vmem>>) dst(%dma_wait3A_385 : memref<64x256xf32, #tpu.memory_space<hbm>>)
      %dma_start3A_390 = arith.constant 0 : i32
      %dma_start3A_391 = arith.constant 0 : i32
      %dma_start3A_392 = arith.constant 0 : i32
      %dma_start3A_393 = tpu.memref_slice %run_scoped3A_3[%dma_start3A_390, %dma_start3A_391, %dma_start3A_392] : memref<6x64x256xf32, #tpu.memory_space<vmem>> -> memref<1x64x256xf32, #tpu.memory_space<vmem>>
      %dma_start3A_394 = tpu.memref_squeeze %dma_start3A_393 : memref<1x64x256xf32, #tpu.memory_space<vmem>> -> memref<64x256xf32, #tpu.memory_space<vmem>>
      %dma_start3A_395 = arith.constant 384 : i32
      %dma_start3A_396 = tpu.memref_slice %run_scoped3A[%dma_start3A_395] : memref<512xi32, #tpu.memory_space<vmem>> -> memref<64xi32, #tpu.memory_space<vmem>>
      %dma_start3A_397 = arith.constant 0 : i32
      %dma_start3A_398 = arith.constant 0 : i32
      %dma_start3A_399 = tpu.memref_slice %arg3[%dma_start3A_397, %dma_start3A_398] : memref<100000x256xf32, #tpu.memory_space<hbm>> -> memref<100000x256xf32, #tpu.memory_space<hbm>>
      tpu.enqueue_indirect_dma source(%dma_start3A_399 : memref<100000x256xf32, #tpu.memory_space<hbm>>) target(%dma_start3A_394 : memref<64x256xf32, #tpu.memory_space<vmem>>) offsets(%dma_start3A_396 : memref<64xi32, #tpu.memory_space<vmem>>) semaphore(%run_scoped3A_4 : memref<!tpu.dma_semaphore, #tpu.memory_space<semaphore_mem>>)
      %dma_wait3A_400 = arith.constant 1 : i32
      %dma_wait3A_401 = arith.constant 0 : i32
      %dma_wait3A_402 = arith.constant 0 : i32
      %dma_wait3A_403 = tpu.memref_slice %run_scoped3A_3[%dma_wait3A_400, %dma_wait3A_401, %dma_wait3A_402] : memref<6x64x256xf32, #tpu.memory_space<vmem>> -> memref<1x64x256xf32, #tpu.memory_space<vmem>>
      %dma_wait3A_404 = tpu.memref_squeeze %dma_wait3A_403 : memref<1x64x256xf32, #tpu.memory_space<vmem>> -> memref<64x256xf32, #tpu.memory_space<vmem>>
      %dma_wait3A_405 = arith.constant 192 : i32
      %dma_wait3A_406 = tpu.memref_slice %run_scoped3A[%dma_wait3A_405] : memref<512xi32, #tpu.memory_space<vmem>> -> memref<64xi32, #tpu.memory_space<vmem>>
      %dma_wait3A_407 = arith.constant 0 : i32
      %dma_wait3A_408 = arith.constant 0 : i32
      %dma_wait3A_409 = tpu.memref_slice %arg4[%dma_wait3A_407, %dma_wait3A_408] : memref<100000x256xf32, #tpu.memory_space<hbm>> -> memref<100000x256xf32, #tpu.memory_space<hbm>>
      tpu.wait_indirect_dma semaphore(%run_scoped3A_4 : memref<!tpu.dma_semaphore, #tpu.memory_space<semaphore_mem>>) src(%dma_wait3A_409 : memref<100000x256xf32, #tpu.memory_space<hbm>>) dst(%dma_wait3A_404 : memref<64x256xf32, #tpu.memory_space<vmem>>)
      %add3A_410 = arith.constant 192 : i32
      %add3A_411 = arith.addi %mul3A_2, %add3A_410 : i32
      %dma_start3A_412 = arith.constant 1 : i32
      %dma_start3A_413 = arith.constant 0 : i32
      %dma_start3A_414 = arith.constant 0 : i32
      %dma_start3A_415 = tpu.memref_slice %run_scoped3A_3[%dma_start3A_412, %dma_start3A_413, %dma_start3A_414] : memref<6x64x256xf32, #tpu.memory_space<vmem>> -> memref<1x64x256xf32, #tpu.memory_space<vmem>>
      %dma_start3A_416 = tpu.memref_squeeze %dma_start3A_415 : memref<1x64x256xf32, #tpu.memory_space<vmem>> -> memref<64x256xf32, #tpu.memory_space<vmem>>
      %dma_start3A_417 = arith.constant 0 : i32
      %dma_start3A_418 = tpu.memref_slice %arg8[%add3A_411, %dma_start3A_417] : memref<16384x256xf32, #tpu.memory_space<hbm>> -> memref<64x256xf32, #tpu.memory_space<hbm>>
      %dma_start3A_419 = arith.constant 0 : i32
      %dma_start3A_420 = tpu.memref_slice %arg8[%add3A_411, %dma_start3A_419] : memref<16384x256xf32, #tpu.memory_space<hbm>> -> memref<64x256xf32, #tpu.memory_space<hbm>>
      %dma_start3A_421 = arith.constant 0 : i32
      %dma_start3A_422 = arith.constant 0 : i32
      %dma_start3A_423 = tpu.memref_slice %run_scoped3A_3[%dma_start3A_412, %dma_start3A_421, %dma_start3A_422] : memref<6x64x256xf32, #tpu.memory_space<vmem>> -> memref<1x64x256xf32, #tpu.memory_space<vmem>>
      %dma_start3A_424 = tpu.memref_squeeze %dma_start3A_423 : memref<1x64x256xf32, #tpu.memory_space<vmem>> -> memref<64x256xf32, #tpu.memory_space<vmem>>
      tpu.enqueue_dma source(%dma_start3A_424 : memref<64x256xf32, #tpu.memory_space<vmem>>) target(%dma_start3A_420 : memref<64x256xf32, #tpu.memory_space<hbm>>) target_semaphore(%run_scoped3A_5 : memref<!tpu.dma_semaphore, #tpu.memory_space<semaphore_mem>>)
      %dma_wait3A_425 = arith.constant 1 : i32
      %dma_wait3A_426 = arith.constant 0 : i32
      %dma_wait3A_427 = arith.constant 0 : i32
      %dma_wait3A_428 = tpu.memref_slice %run_scoped3A_3[%dma_wait3A_425, %dma_wait3A_426, %dma_wait3A_427] : memref<6x64x256xf32, #tpu.memory_space<vmem>> -> memref<1x64x256xf32, #tpu.memory_space<vmem>>
      %dma_wait3A_429 = tpu.memref_squeeze %dma_wait3A_428 : memref<1x64x256xf32, #tpu.memory_space<vmem>> -> memref<64x256xf32, #tpu.memory_space<vmem>>
      %dma_wait3A_430 = arith.constant 0 : i32
      %dma_wait3A_431 = tpu.memref_slice %arg8[%add3A_411, %dma_wait3A_430] : memref<16384x256xf32, #tpu.memory_space<hbm>> -> memref<64x256xf32, #tpu.memory_space<hbm>>
      %dma_wait3A_432 = arith.constant 0 : i32
      %dma_wait3A_433 = tpu.memref_slice %arg8[%add3A_411, %dma_wait3A_432] : memref<16384x256xf32, #tpu.memory_space<hbm>> -> memref<64x256xf32, #tpu.memory_space<hbm>>
      %dma_wait3A_434 = arith.constant 0 : i32
      %dma_wait3A_435 = arith.constant 0 : i32
      %dma_wait3A_436 = tpu.memref_slice %run_scoped3A_3[%dma_wait3A_425, %dma_wait3A_434, %dma_wait3A_435] : memref<6x64x256xf32, #tpu.memory_space<vmem>> -> memref<1x64x256xf32, #tpu.memory_space<vmem>>
      %dma_wait3A_437 = tpu.memref_squeeze %dma_wait3A_436 : memref<1x64x256xf32, #tpu.memory_space<vmem>> -> memref<64x256xf32, #tpu.memory_space<vmem>>
      tpu.wait_dma2 semaphore(%run_scoped3A_5 : memref<!tpu.dma_semaphore, #tpu.memory_space<semaphore_mem>>) src(%dma_wait3A_437 : memref<64x256xf32, #tpu.memory_space<vmem>>) dst(%dma_wait3A_433 : memref<64x256xf32, #tpu.memory_space<hbm>>)
      %dma_start3A_438 = arith.constant 1 : i32
      %dma_start3A_439 = arith.constant 0 : i32
      %dma_start3A_440 = arith.constant 0 : i32
      %dma_start3A_441 = tpu.memref_slice %run_scoped3A_3[%dma_start3A_438, %dma_start3A_439, %dma_start3A_440] : memref<6x64x256xf32, #tpu.memory_space<vmem>> -> memref<1x64x256xf32, #tpu.memory_space<vmem>>
      %dma_start3A_442 = tpu.memref_squeeze %dma_start3A_441 : memref<1x64x256xf32, #tpu.memory_space<vmem>> -> memref<64x256xf32, #tpu.memory_space<vmem>>
      %dma_start3A_443 = arith.constant 384 : i32
      %dma_start3A_444 = tpu.memref_slice %run_scoped3A[%dma_start3A_443] : memref<512xi32, #tpu.memory_space<vmem>> -> memref<64xi32, #tpu.memory_space<vmem>>
      %dma_start3A_445 = arith.constant 0 : i32
      %dma_start3A_446 = arith.constant 0 : i32
      %dma_start3A_447 = tpu.memref_slice %arg4[%dma_start3A_445, %dma_start3A_446] : memref<100000x256xf32, #tpu.memory_space<hbm>> -> memref<100000x256xf32, #tpu.memory_space<hbm>>
      tpu.enqueue_indirect_dma source(%dma_start3A_447 : memref<100000x256xf32, #tpu.memory_space<hbm>>) target(%dma_start3A_442 : memref<64x256xf32, #tpu.memory_space<vmem>>) offsets(%dma_start3A_444 : memref<64xi32, #tpu.memory_space<vmem>>) semaphore(%run_scoped3A_4 : memref<!tpu.dma_semaphore, #tpu.memory_space<semaphore_mem>>)
      %dma_wait3A_448 = arith.constant 2 : i32
      %dma_wait3A_449 = arith.constant 0 : i32
      %dma_wait3A_450 = arith.constant 0 : i32
      %dma_wait3A_451 = tpu.memref_slice %run_scoped3A_3[%dma_wait3A_448, %dma_wait3A_449, %dma_wait3A_450] : memref<6x64x256xf32, #tpu.memory_space<vmem>> -> memref<1x64x256xf32, #tpu.memory_space<vmem>>
      %dma_wait3A_452 = tpu.memref_squeeze %dma_wait3A_451 : memref<1x64x256xf32, #tpu.memory_space<vmem>> -> memref<64x256xf32, #tpu.memory_space<vmem>>
      %dma_wait3A_453 = arith.constant 256 : i32
      %dma_wait3A_454 = tpu.memref_slice %run_scoped3A[%dma_wait3A_453] : memref<512xi32, #tpu.memory_space<vmem>> -> memref<64xi32, #tpu.memory_space<vmem>>
      %dma_wait3A_455 = arith.constant 0 : i32
      %dma_wait3A_456 = arith.constant 0 : i32
      %dma_wait3A_457 = tpu.memref_slice %arg3[%dma_wait3A_455, %dma_wait3A_456] : memref<100000x256xf32, #tpu.memory_space<hbm>> -> memref<100000x256xf32, #tpu.memory_space<hbm>>
      tpu.wait_indirect_dma semaphore(%run_scoped3A_4 : memref<!tpu.dma_semaphore, #tpu.memory_space<semaphore_mem>>) src(%dma_wait3A_457 : memref<100000x256xf32, #tpu.memory_space<hbm>>) dst(%dma_wait3A_452 : memref<64x256xf32, #tpu.memory_space<vmem>>)
      %add3A_458 = arith.constant 256 : i32
      %add3A_459 = arith.addi %mul3A_2, %add3A_458 : i32
      %dma_start3A_460 = arith.constant 2 : i32
      %dma_start3A_461 = arith.constant 0 : i32
      %dma_start3A_462 = arith.constant 0 : i32
      %dma_start3A_463 = tpu.memref_slice %run_scoped3A_3[%dma_start3A_460, %dma_start3A_461, %dma_start3A_462] : memref<6x64x256xf32, #tpu.memory_space<vmem>> -> memref<1x64x256xf32, #tpu.memory_space<vmem>>
      %dma_start3A_464 = tpu.memref_squeeze %dma_start3A_463 : memref<1x64x256xf32, #tpu.memory_space<vmem>> -> memref<64x256xf32, #tpu.memory_space<vmem>>
      %dma_start3A_465 = arith.constant 0 : i32
      %dma_start3A_466 = tpu.memref_slice %arg7[%add3A_459, %dma_start3A_465] : memref<16384x256xf32, #tpu.memory_space<hbm>> -> memref<64x256xf32, #tpu.memory_space<hbm>>
      %dma_start3A_467 = arith.constant 0 : i32
      %dma_start3A_468 = tpu.memref_slice %arg7[%add3A_459, %dma_start3A_467] : memref<16384x256xf32, #tpu.memory_space<hbm>> -> memref<64x256xf32, #tpu.memory_space<hbm>>
      %dma_start3A_469 = arith.constant 0 : i32
      %dma_start3A_470 = arith.constant 0 : i32
      %dma_start3A_471 = tpu.memref_slice %run_scoped3A_3[%dma_start3A_460, %dma_start3A_469, %dma_start3A_470] : memref<6x64x256xf32, #tpu.memory_space<vmem>> -> memref<1x64x256xf32, #tpu.memory_space<vmem>>
      %dma_start3A_472 = tpu.memref_squeeze %dma_start3A_471 : memref<1x64x256xf32, #tpu.memory_space<vmem>> -> memref<64x256xf32, #tpu.memory_space<vmem>>
      tpu.enqueue_dma source(%dma_start3A_472 : memref<64x256xf32, #tpu.memory_space<vmem>>) target(%dma_start3A_468 : memref<64x256xf32, #tpu.memory_space<hbm>>) target_semaphore(%run_scoped3A_5 : memref<!tpu.dma_semaphore, #tpu.memory_space<semaphore_mem>>)
      %dma_wait3A_473 = arith.constant 2 : i32
      %dma_wait3A_474 = arith.constant 0 : i32
      %dma_wait3A_475 = arith.constant 0 : i32
      %dma_wait3A_476 = tpu.memref_slice %run_scoped3A_3[%dma_wait3A_473, %dma_wait3A_474, %dma_wait3A_475] : memref<6x64x256xf32, #tpu.memory_space<vmem>> -> memref<1x64x256xf32, #tpu.memory_space<vmem>>
      %dma_wait3A_477 = tpu.memref_squeeze %dma_wait3A_476 : memref<1x64x256xf32, #tpu.memory_space<vmem>> -> memref<64x256xf32, #tpu.memory_space<vmem>>
      %dma_wait3A_478 = arith.constant 0 : i32
      %dma_wait3A_479 = tpu.memref_slice %arg7[%add3A_459, %dma_wait3A_478] : memref<16384x256xf32, #tpu.memory_space<hbm>> -> memref<64x256xf32, #tpu.memory_space<hbm>>
      %dma_wait3A_480 = arith.constant 0 : i32
      %dma_wait3A_481 = tpu.memref_slice %arg7[%add3A_459, %dma_wait3A_480] : memref<16384x256xf32, #tpu.memory_space<hbm>> -> memref<64x256xf32, #tpu.memory_space<hbm>>
      %dma_wait3A_482 = arith.constant 0 : i32
      %dma_wait3A_483 = arith.constant 0 : i32
      %dma_wait3A_484 = tpu.memref_slice %run_scoped3A_3[%dma_wait3A_473, %dma_wait3A_482, %dma_wait3A_483] : memref<6x64x256xf32, #tpu.memory_space<vmem>> -> memref<1x64x256xf32, #tpu.memory_space<vmem>>
      %dma_wait3A_485 = tpu.memref_squeeze %dma_wait3A_484 : memref<1x64x256xf32, #tpu.memory_space<vmem>> -> memref<64x256xf32, #tpu.memory_space<vmem>>
      tpu.wait_dma2 semaphore(%run_scoped3A_5 : memref<!tpu.dma_semaphore, #tpu.memory_space<semaphore_mem>>) src(%dma_wait3A_485 : memref<64x256xf32, #tpu.memory_space<vmem>>) dst(%dma_wait3A_481 : memref<64x256xf32, #tpu.memory_space<hbm>>)
      %dma_start3A_486 = arith.constant 2 : i32
      %dma_start3A_487 = arith.constant 0 : i32
      %dma_start3A_488 = arith.constant 0 : i32
      %dma_start3A_489 = tpu.memref_slice %run_scoped3A_3[%dma_start3A_486, %dma_start3A_487, %dma_start3A_488] : memref<6x64x256xf32, #tpu.memory_space<vmem>> -> memref<1x64x256xf32, #tpu.memory_space<vmem>>
      %dma_start3A_490 = tpu.memref_squeeze %dma_start3A_489 : memref<1x64x256xf32, #tpu.memory_space<vmem>> -> memref<64x256xf32, #tpu.memory_space<vmem>>
      %dma_start3A_491 = arith.constant 448 : i32
      %dma_start3A_492 = tpu.memref_slice %run_scoped3A[%dma_start3A_491] : memref<512xi32, #tpu.memory_space<vmem>> -> memref<64xi32, #tpu.memory_space<vmem>>
      %dma_start3A_493 = arith.constant 0 : i32
      %dma_start3A_494 = arith.constant 0 : i32
      %dma_start3A_495 = tpu.memref_slice %arg3[%dma_start3A_493, %dma_start3A_494] : memref<100000x256xf32, #tpu.memory_space<hbm>> -> memref<100000x256xf32, #tpu.memory_space<hbm>>
      tpu.enqueue_indirect_dma source(%dma_start3A_495 : memref<100000x256xf32, #tpu.memory_space<hbm>>) target(%dma_start3A_490 : memref<64x256xf32, #tpu.memory_space<vmem>>) offsets(%dma_start3A_492 : memref<64xi32, #tpu.memory_space<vmem>>) semaphore(%run_scoped3A_4 : memref<!tpu.dma_semaphore, #tpu.memory_space<semaphore_mem>>)
      %dma_wait3A_496 = arith.constant 3 : i32
      %dma_wait3A_497 = arith.constant 0 : i32
      %dma_wait3A_498 = arith.constant 0 : i32
      %dma_wait3A_499 = tpu.memref_slice %run_scoped3A_3[%dma_wait3A_496, %dma_wait3A_497, %dma_wait3A_498] : memref<6x64x256xf32, #tpu.memory_space<vmem>> -> memref<1x64x256xf32, #tpu.memory_space<vmem>>
      %dma_wait3A_500 = tpu.memref_squeeze %dma_wait3A_499 : memref<1x64x256xf32, #tpu.memory_space<vmem>> -> memref<64x256xf32, #tpu.memory_space<vmem>>
      %dma_wait3A_501 = arith.constant 256 : i32
      %dma_wait3A_502 = tpu.memref_slice %run_scoped3A[%dma_wait3A_501] : memref<512xi32, #tpu.memory_space<vmem>> -> memref<64xi32, #tpu.memory_space<vmem>>
      %dma_wait3A_503 = arith.constant 0 : i32
      %dma_wait3A_504 = arith.constant 0 : i32
      %dma_wait3A_505 = tpu.memref_slice %arg4[%dma_wait3A_503, %dma_wait3A_504] : memref<100000x256xf32, #tpu.memory_space<hbm>> -> memref<100000x256xf32, #tpu.memory_space<hbm>>
      tpu.wait_indirect_dma semaphore(%run_scoped3A_4 : memref<!tpu.dma_semaphore, #tpu.memory_space<semaphore_mem>>) src(%dma_wait3A_505 : memref<100000x256xf32, #tpu.memory_space<hbm>>) dst(%dma_wait3A_500 : memref<64x256xf32, #tpu.memory_space<vmem>>)
      %add3A_506 = arith.constant 256 : i32
      %add3A_507 = arith.addi %mul3A_2, %add3A_506 : i32
      %dma_start3A_508 = arith.constant 3 : i32
      %dma_start3A_509 = arith.constant 0 : i32
      %dma_start3A_510 = arith.constant 0 : i32
      %dma_start3A_511 = tpu.memref_slice %run_scoped3A_3[%dma_start3A_508, %dma_start3A_509, %dma_start3A_510] : memref<6x64x256xf32, #tpu.memory_space<vmem>> -> memref<1x64x256xf32, #tpu.memory_space<vmem>>
      %dma_start3A_512 = tpu.memref_squeeze %dma_start3A_511 : memref<1x64x256xf32, #tpu.memory_space<vmem>> -> memref<64x256xf32, #tpu.memory_space<vmem>>
      %dma_start3A_513 = arith.constant 0 : i32
      %dma_start3A_514 = tpu.memref_slice %arg8[%add3A_507, %dma_start3A_513] : memref<16384x256xf32, #tpu.memory_space<hbm>> -> memref<64x256xf32, #tpu.memory_space<hbm>>
      %dma_start3A_515 = arith.constant 0 : i32
      %dma_start3A_516 = tpu.memref_slice %arg8[%add3A_507, %dma_start3A_515] : memref<16384x256xf32, #tpu.memory_space<hbm>> -> memref<64x256xf32, #tpu.memory_space<hbm>>
      %dma_start3A_517 = arith.constant 0 : i32
      %dma_start3A_518 = arith.constant 0 : i32
      %dma_start3A_519 = tpu.memref_slice %run_scoped3A_3[%dma_start3A_508, %dma_start3A_517, %dma_start3A_518] : memref<6x64x256xf32, #tpu.memory_space<vmem>> -> memref<1x64x256xf32, #tpu.memory_space<vmem>>
      %dma_start3A_520 = tpu.memref_squeeze %dma_start3A_519 : memref<1x64x256xf32, #tpu.memory_space<vmem>> -> memref<64x256xf32, #tpu.memory_space<vmem>>
      tpu.enqueue_dma source(%dma_start3A_520 : memref<64x256xf32, #tpu.memory_space<vmem>>) target(%dma_start3A_516 : memref<64x256xf32, #tpu.memory_space<hbm>>) target_semaphore(%run_scoped3A_5 : memref<!tpu.dma_semaphore, #tpu.memory_space<semaphore_mem>>)
      %dma_wait3A_521 = arith.constant 3 : i32
      %dma_wait3A_522 = arith.constant 0 : i32
      %dma_wait3A_523 = arith.constant 0 : i32
      %dma_wait3A_524 = tpu.memref_slice %run_scoped3A_3[%dma_wait3A_521, %dma_wait3A_522, %dma_wait3A_523] : memref<6x64x256xf32, #tpu.memory_space<vmem>> -> memref<1x64x256xf32, #tpu.memory_space<vmem>>
      %dma_wait3A_525 = tpu.memref_squeeze %dma_wait3A_524 : memref<1x64x256xf32, #tpu.memory_space<vmem>> -> memref<64x256xf32, #tpu.memory_space<vmem>>
      %dma_wait3A_526 = arith.constant 0 : i32
      %dma_wait3A_527 = tpu.memref_slice %arg8[%add3A_507, %dma_wait3A_526] : memref<16384x256xf32, #tpu.memory_space<hbm>> -> memref<64x256xf32, #tpu.memory_space<hbm>>
      %dma_wait3A_528 = arith.constant 0 : i32
      %dma_wait3A_529 = tpu.memref_slice %arg8[%add3A_507, %dma_wait3A_528] : memref<16384x256xf32, #tpu.memory_space<hbm>> -> memref<64x256xf32, #tpu.memory_space<hbm>>
      %dma_wait3A_530 = arith.constant 0 : i32
      %dma_wait3A_531 = arith.constant 0 : i32
      %dma_wait3A_532 = tpu.memref_slice %run_scoped3A_3[%dma_wait3A_521, %dma_wait3A_530, %dma_wait3A_531] : memref<6x64x256xf32, #tpu.memory_space<vmem>> -> memref<1x64x256xf32, #tpu.memory_space<vmem>>
      %dma_wait3A_533 = tpu.memref_squeeze %dma_wait3A_532 : memref<1x64x256xf32, #tpu.memory_space<vmem>> -> memref<64x256xf32, #tpu.memory_space<vmem>>
      tpu.wait_dma2 semaphore(%run_scoped3A_5 : memref<!tpu.dma_semaphore, #tpu.memory_space<semaphore_mem>>) src(%dma_wait3A_533 : memref<64x256xf32, #tpu.memory_space<vmem>>) dst(%dma_wait3A_529 : memref<64x256xf32, #tpu.memory_space<hbm>>)
      %dma_start3A_534 = arith.constant 3 : i32
      %dma_start3A_535 = arith.constant 0 : i32
      %dma_start3A_536 = arith.constant 0 : i32
      %dma_start3A_537 = tpu.memref_slice %run_scoped3A_3[%dma_start3A_534, %dma_start3A_535, %dma_start3A_536] : memref<6x64x256xf32, #tpu.memory_space<vmem>> -> memref<1x64x256xf32, #tpu.memory_space<vmem>>
      %dma_start3A_538 = tpu.memref_squeeze %dma_start3A_537 : memref<1x64x256xf32, #tpu.memory_space<vmem>> -> memref<64x256xf32, #tpu.memory_space<vmem>>
      %dma_start3A_539 = arith.constant 448 : i32
      %dma_start3A_540 = tpu.memref_slice %run_scoped3A[%dma_start3A_539] : memref<512xi32, #tpu.memory_space<vmem>> -> memref<64xi32, #tpu.memory_space<vmem>>
      %dma_start3A_541 = arith.constant 0 : i32
      %dma_start3A_542 = arith.constant 0 : i32
      %dma_start3A_543 = tpu.memref_slice %arg4[%dma_start3A_541, %dma_start3A_542] : memref<100000x256xf32, #tpu.memory_space<hbm>> -> memref<100000x256xf32, #tpu.memory_space<hbm>>
      tpu.enqueue_indirect_dma source(%dma_start3A_543 : memref<100000x256xf32, #tpu.memory_space<hbm>>) target(%dma_start3A_538 : memref<64x256xf32, #tpu.memory_space<vmem>>) offsets(%dma_start3A_540 : memref<64xi32, #tpu.memory_space<vmem>>) semaphore(%run_scoped3A_4 : memref<!tpu.dma_semaphore, #tpu.memory_space<semaphore_mem>>)
      %dma_wait3A_544 = arith.constant 4 : i32
      %dma_wait3A_545 = arith.constant 0 : i32
      %dma_wait3A_546 = arith.constant 0 : i32
      %dma_wait3A_547 = tpu.memref_slice %run_scoped3A_3[%dma_wait3A_544, %dma_wait3A_545, %dma_wait3A_546] : memref<6x64x256xf32, #tpu.memory_space<vmem>> -> memref<1x64x256xf32, #tpu.memory_space<vmem>>
      %dma_wait3A_548 = tpu.memref_squeeze %dma_wait3A_547 : memref<1x64x256xf32, #tpu.memory_space<vmem>> -> memref<64x256xf32, #tpu.memory_space<vmem>>
      %dma_wait3A_549 = arith.constant 320 : i32
      %dma_wait3A_550 = tpu.memref_slice %run_scoped3A[%dma_wait3A_549] : memref<512xi32, #tpu.memory_space<vmem>> -> memref<64xi32, #tpu.memory_space<vmem>>
      %dma_wait3A_551 = arith.constant 0 : i32
      %dma_wait3A_552 = arith.constant 0 : i32
      %dma_wait3A_553 = tpu.memref_slice %arg3[%dma_wait3A_551, %dma_wait3A_552] : memref<100000x256xf32, #tpu.memory_space<hbm>> -> memref<100000x256xf32, #tpu.memory_space<hbm>>
      tpu.wait_indirect_dma semaphore(%run_scoped3A_4 : memref<!tpu.dma_semaphore, #tpu.memory_space<semaphore_mem>>) src(%dma_wait3A_553 : memref<100000x256xf32, #tpu.memory_space<hbm>>) dst(%dma_wait3A_548 : memref<64x256xf32, #tpu.memory_space<vmem>>)
      %add3A_554 = arith.constant 320 : i32
      %add3A_555 = arith.addi %mul3A_2, %add3A_554 : i32
      %dma_start3A_556 = arith.constant 4 : i32
      %dma_start3A_557 = arith.constant 0 : i32
      %dma_start3A_558 = arith.constant 0 : i32
      %dma_start3A_559 = tpu.memref_slice %run_scoped3A_3[%dma_start3A_556, %dma_start3A_557, %dma_start3A_558] : memref<6x64x256xf32, #tpu.memory_space<vmem>> -> memref<1x64x256xf32, #tpu.memory_space<vmem>>
      %dma_start3A_560 = tpu.memref_squeeze %dma_start3A_559 : memref<1x64x256xf32, #tpu.memory_space<vmem>> -> memref<64x256xf32, #tpu.memory_space<vmem>>
      %dma_start3A_561 = arith.constant 0 : i32
      %dma_start3A_562 = tpu.memref_slice %arg7[%add3A_555, %dma_start3A_561] : memref<16384x256xf32, #tpu.memory_space<hbm>> -> memref<64x256xf32, #tpu.memory_space<hbm>>
      %dma_start3A_563 = arith.constant 0 : i32
      %dma_start3A_564 = tpu.memref_slice %arg7[%add3A_555, %dma_start3A_563] : memref<16384x256xf32, #tpu.memory_space<hbm>> -> memref<64x256xf32, #tpu.memory_space<hbm>>
      %dma_start3A_565 = arith.constant 0 : i32
      %dma_start3A_566 = arith.constant 0 : i32
      %dma_start3A_567 = tpu.memref_slice %run_scoped3A_3[%dma_start3A_556, %dma_start3A_565, %dma_start3A_566] : memref<6x64x256xf32, #tpu.memory_space<vmem>> -> memref<1x64x256xf32, #tpu.memory_space<vmem>>
      %dma_start3A_568 = tpu.memref_squeeze %dma_start3A_567 : memref<1x64x256xf32, #tpu.memory_space<vmem>> -> memref<64x256xf32, #tpu.memory_space<vmem>>
      tpu.enqueue_dma source(%dma_start3A_568 : memref<64x256xf32, #tpu.memory_space<vmem>>) target(%dma_start3A_564 : memref<64x256xf32, #tpu.memory_space<hbm>>) target_semaphore(%run_scoped3A_5 : memref<!tpu.dma_semaphore, #tpu.memory_space<semaphore_mem>>)
      %dma_wait3A_569 = arith.constant 5 : i32
      %dma_wait3A_570 = arith.constant 0 : i32
      %dma_wait3A_571 = arith.constant 0 : i32
      %dma_wait3A_572 = tpu.memref_slice %run_scoped3A_3[%dma_wait3A_569, %dma_wait3A_570, %dma_wait3A_571] : memref<6x64x256xf32, #tpu.memory_space<vmem>> -> memref<1x64x256xf32, #tpu.memory_space<vmem>>
      %dma_wait3A_573 = tpu.memref_squeeze %dma_wait3A_572 : memref<1x64x256xf32, #tpu.memory_space<vmem>> -> memref<64x256xf32, #tpu.memory_space<vmem>>
      %dma_wait3A_574 = arith.constant 320 : i32
      %dma_wait3A_575 = tpu.memref_slice %run_scoped3A[%dma_wait3A_574] : memref<512xi32, #tpu.memory_space<vmem>> -> memref<64xi32, #tpu.memory_space<vmem>>
      %dma_wait3A_576 = arith.constant 0 : i32
      %dma_wait3A_577 = arith.constant 0 : i32
      %dma_wait3A_578 = tpu.memref_slice %arg4[%dma_wait3A_576, %dma_wait3A_577] : memref<100000x256xf32, #tpu.memory_space<hbm>> -> memref<100000x256xf32, #tpu.memory_space<hbm>>
      tpu.wait_indirect_dma semaphore(%run_scoped3A_4 : memref<!tpu.dma_semaphore, #tpu.memory_space<semaphore_mem>>) src(%dma_wait3A_578 : memref<100000x256xf32, #tpu.memory_space<hbm>>) dst(%dma_wait3A_573 : memref<64x256xf32, #tpu.memory_space<vmem>>)
      %add3A_579 = arith.constant 320 : i32
      %add3A_580 = arith.addi %mul3A_2, %add3A_579 : i32
      %dma_start3A_581 = arith.constant 5 : i32
      %dma_start3A_582 = arith.constant 0 : i32
      %dma_start3A_583 = arith.constant 0 : i32
      %dma_start3A_584 = tpu.memref_slice %run_scoped3A_3[%dma_start3A_581, %dma_start3A_582, %dma_start3A_583] : memref<6x64x256xf32, #tpu.memory_space<vmem>> -> memref<1x64x256xf32, #tpu.memory_space<vmem>>
      %dma_start3A_585 = tpu.memref_squeeze %dma_start3A_584 : memref<1x64x256xf32, #tpu.memory_space<vmem>> -> memref<64x256xf32, #tpu.memory_space<vmem>>
      %dma_start3A_586 = arith.constant 0 : i32
      %dma_start3A_587 = tpu.memref_slice %arg8[%add3A_580, %dma_start3A_586] : memref<16384x256xf32, #tpu.memory_space<hbm>> -> memref<64x256xf32, #tpu.memory_space<hbm>>
      %dma_start3A_588 = arith.constant 0 : i32
      %dma_start3A_589 = tpu.memref_slice %arg8[%add3A_580, %dma_start3A_588] : memref<16384x256xf32, #tpu.memory_space<hbm>> -> memref<64x256xf32, #tpu.memory_space<hbm>>
      %dma_start3A_590 = arith.constant 0 : i32
      %dma_start3A_591 = arith.constant 0 : i32
      %dma_start3A_592 = tpu.memref_slice %run_scoped3A_3[%dma_start3A_581, %dma_start3A_590, %dma_start3A_591] : memref<6x64x256xf32, #tpu.memory_space<vmem>> -> memref<1x64x256xf32, #tpu.memory_space<vmem>>
      %dma_start3A_593 = tpu.memref_squeeze %dma_start3A_592 : memref<1x64x256xf32, #tpu.memory_space<vmem>> -> memref<64x256xf32, #tpu.memory_space<vmem>>
      tpu.enqueue_dma source(%dma_start3A_593 : memref<64x256xf32, #tpu.memory_space<vmem>>) target(%dma_start3A_589 : memref<64x256xf32, #tpu.memory_space<hbm>>) target_semaphore(%run_scoped3A_5 : memref<!tpu.dma_semaphore, #tpu.memory_space<semaphore_mem>>)
      %dma_wait3A_594 = arith.constant 0 : i32
      %dma_wait3A_595 = arith.constant 0 : i32
      %dma_wait3A_596 = arith.constant 0 : i32
      %dma_wait3A_597 = tpu.memref_slice %run_scoped3A_3[%dma_wait3A_594, %dma_wait3A_595, %dma_wait3A_596] : memref<6x64x256xf32, #tpu.memory_space<vmem>> -> memref<1x64x256xf32, #tpu.memory_space<vmem>>
      %dma_wait3A_598 = tpu.memref_squeeze %dma_wait3A_597 : memref<1x64x256xf32, #tpu.memory_space<vmem>> -> memref<64x256xf32, #tpu.memory_space<vmem>>
      %dma_wait3A_599 = arith.constant 384 : i32
      %dma_wait3A_600 = tpu.memref_slice %run_scoped3A[%dma_wait3A_599] : memref<512xi32, #tpu.memory_space<vmem>> -> memref<64xi32, #tpu.memory_space<vmem>>
      %dma_wait3A_601 = arith.constant 0 : i32
      %dma_wait3A_602 = arith.constant 0 : i32
      %dma_wait3A_603 = tpu.memref_slice %arg3[%dma_wait3A_601, %dma_wait3A_602] : memref<100000x256xf32, #tpu.memory_space<hbm>> -> memref<100000x256xf32, #tpu.memory_space<hbm>>
      tpu.wait_indirect_dma semaphore(%run_scoped3A_4 : memref<!tpu.dma_semaphore, #tpu.memory_space<semaphore_mem>>) src(%dma_wait3A_603 : memref<100000x256xf32, #tpu.memory_space<hbm>>) dst(%dma_wait3A_598 : memref<64x256xf32, #tpu.memory_space<vmem>>)
      %add3A_604 = arith.constant 384 : i32
      %add3A_605 = arith.addi %mul3A_2, %add3A_604 : i32
      %dma_start3A_606 = arith.constant 0 : i32
      %dma_start3A_607 = arith.constant 0 : i32
      %dma_start3A_608 = arith.constant 0 : i32
      %dma_start3A_609 = tpu.memref_slice %run_scoped3A_3[%dma_start3A_606, %dma_start3A_607, %dma_start3A_608] : memref<6x64x256xf32, #tpu.memory_space<vmem>> -> memref<1x64x256xf32, #tpu.memory_space<vmem>>
      %dma_start3A_610 = tpu.memref_squeeze %dma_start3A_609 : memref<1x64x256xf32, #tpu.memory_space<vmem>> -> memref<64x256xf32, #tpu.memory_space<vmem>>
      %dma_start3A_611 = arith.constant 0 : i32
      %dma_start3A_612 = tpu.memref_slice %arg7[%add3A_605, %dma_start3A_611] : memref<16384x256xf32, #tpu.memory_space<hbm>> -> memref<64x256xf32, #tpu.memory_space<hbm>>
      %dma_start3A_613 = arith.constant 0 : i32
      %dma_start3A_614 = tpu.memref_slice %arg7[%add3A_605, %dma_start3A_613] : memref<16384x256xf32, #tpu.memory_space<hbm>> -> memref<64x256xf32, #tpu.memory_space<hbm>>
      %dma_start3A_615 = arith.constant 0 : i32
      %dma_start3A_616 = arith.constant 0 : i32
      %dma_start3A_617 = tpu.memref_slice %run_scoped3A_3[%dma_start3A_606, %dma_start3A_615, %dma_start3A_616] : memref<6x64x256xf32, #tpu.memory_space<vmem>> -> memref<1x64x256xf32, #tpu.memory_space<vmem>>
      %dma_start3A_618 = tpu.memref_squeeze %dma_start3A_617 : memref<1x64x256xf32, #tpu.memory_space<vmem>> -> memref<64x256xf32, #tpu.memory_space<vmem>>
      tpu.enqueue_dma source(%dma_start3A_618 : memref<64x256xf32, #tpu.memory_space<vmem>>) target(%dma_start3A_614 : memref<64x256xf32, #tpu.memory_space<hbm>>) target_semaphore(%run_scoped3A_5 : memref<!tpu.dma_semaphore, #tpu.memory_space<semaphore_mem>>)
      %dma_wait3A_619 = arith.constant 1 : i32
      %dma_wait3A_620 = arith.constant 0 : i32
      %dma_wait3A_621 = arith.constant 0 : i32
      %dma_wait3A_622 = tpu.memref_slice %run_scoped3A_3[%dma_wait3A_619, %dma_wait3A_620, %dma_wait3A_621] : memref<6x64x256xf32, #tpu.memory_space<vmem>> -> memref<1x64x256xf32, #tpu.memory_space<vmem>>
      %dma_wait3A_623 = tpu.memref_squeeze %dma_wait3A_622 : memref<1x64x256xf32, #tpu.memory_space<vmem>> -> memref<64x256xf32, #tpu.memory_space<vmem>>
      %dma_wait3A_624 = arith.constant 384 : i32
      %dma_wait3A_625 = tpu.memref_slice %run_scoped3A[%dma_wait3A_624] : memref<512xi32, #tpu.memory_space<vmem>> -> memref<64xi32, #tpu.memory_space<vmem>>
      %dma_wait3A_626 = arith.constant 0 : i32
      %dma_wait3A_627 = arith.constant 0 : i32
      %dma_wait3A_628 = tpu.memref_slice %arg4[%dma_wait3A_626, %dma_wait3A_627] : memref<100000x256xf32, #tpu.memory_space<hbm>> -> memref<100000x256xf32, #tpu.memory_space<hbm>>
      tpu.wait_indirect_dma semaphore(%run_scoped3A_4 : memref<!tpu.dma_semaphore, #tpu.memory_space<semaphore_mem>>) src(%dma_wait3A_628 : memref<100000x256xf32, #tpu.memory_space<hbm>>) dst(%dma_wait3A_623 : memref<64x256xf32, #tpu.memory_space<vmem>>)
      %add3A_629 = arith.constant 384 : i32
      %add3A_630 = arith.addi %mul3A_2, %add3A_629 : i32
      %dma_start3A_631 = arith.constant 1 : i32
      %dma_start3A_632 = arith.constant 0 : i32
      %dma_start3A_633 = arith.constant 0 : i32
      %dma_start3A_634 = tpu.memref_slice %run_scoped3A_3[%dma_start3A_631, %dma_start3A_632, %dma_start3A_633] : memref<6x64x256xf32, #tpu.memory_space<vmem>> -> memref<1x64x256xf32, #tpu.memory_space<vmem>>
      %dma_start3A_635 = tpu.memref_squeeze %dma_start3A_634 : memref<1x64x256xf32, #tpu.memory_space<vmem>> -> memref<64x256xf32, #tpu.memory_space<vmem>>
      %dma_start3A_636 = arith.constant 0 : i32
      %dma_start3A_637 = tpu.memref_slice %arg8[%add3A_630, %dma_start3A_636] : memref<16384x256xf32, #tpu.memory_space<hbm>> -> memref<64x256xf32, #tpu.memory_space<hbm>>
      %dma_start3A_638 = arith.constant 0 : i32
      %dma_start3A_639 = tpu.memref_slice %arg8[%add3A_630, %dma_start3A_638] : memref<16384x256xf32, #tpu.memory_space<hbm>> -> memref<64x256xf32, #tpu.memory_space<hbm>>
      %dma_start3A_640 = arith.constant 0 : i32
      %dma_start3A_641 = arith.constant 0 : i32
      %dma_start3A_642 = tpu.memref_slice %run_scoped3A_3[%dma_start3A_631, %dma_start3A_640, %dma_start3A_641] : memref<6x64x256xf32, #tpu.memory_space<vmem>> -> memref<1x64x256xf32, #tpu.memory_space<vmem>>
      %dma_start3A_643 = tpu.memref_squeeze %dma_start3A_642 : memref<1x64x256xf32, #tpu.memory_space<vmem>> -> memref<64x256xf32, #tpu.memory_space<vmem>>
      tpu.enqueue_dma source(%dma_start3A_643 : memref<64x256xf32, #tpu.memory_space<vmem>>) target(%dma_start3A_639 : memref<64x256xf32, #tpu.memory_space<hbm>>) target_semaphore(%run_scoped3A_5 : memref<!tpu.dma_semaphore, #tpu.memory_space<semaphore_mem>>)
      %dma_wait3A_644 = arith.constant 2 : i32
      %dma_wait3A_645 = arith.constant 0 : i32
      %dma_wait3A_646 = arith.constant 0 : i32
      %dma_wait3A_647 = tpu.memref_slice %run_scoped3A_3[%dma_wait3A_644, %dma_wait3A_645, %dma_wait3A_646] : memref<6x64x256xf32, #tpu.memory_space<vmem>> -> memref<1x64x256xf32, #tpu.memory_space<vmem>>
      %dma_wait3A_648 = tpu.memref_squeeze %dma_wait3A_647 : memref<1x64x256xf32, #tpu.memory_space<vmem>> -> memref<64x256xf32, #tpu.memory_space<vmem>>
      %dma_wait3A_649 = arith.constant 448 : i32
      %dma_wait3A_650 = tpu.memref_slice %run_scoped3A[%dma_wait3A_649] : memref<512xi32, #tpu.memory_space<vmem>> -> memref<64xi32, #tpu.memory_space<vmem>>
      %dma_wait3A_651 = arith.constant 0 : i32
      %dma_wait3A_652 = arith.constant 0 : i32
      %dma_wait3A_653 = tpu.memref_slice %arg3[%dma_wait3A_651, %dma_wait3A_652] : memref<100000x256xf32, #tpu.memory_space<hbm>> -> memref<100000x256xf32, #tpu.memory_space<hbm>>
      tpu.wait_indirect_dma semaphore(%run_scoped3A_4 : memref<!tpu.dma_semaphore, #tpu.memory_space<semaphore_mem>>) src(%dma_wait3A_653 : memref<100000x256xf32, #tpu.memory_space<hbm>>) dst(%dma_wait3A_648 : memref<64x256xf32, #tpu.memory_space<vmem>>)
      %add3A_654 = arith.constant 448 : i32
      %add3A_655 = arith.addi %mul3A_2, %add3A_654 : i32
      %dma_start3A_656 = arith.constant 2 : i32
      %dma_start3A_657 = arith.constant 0 : i32
      %dma_start3A_658 = arith.constant 0 : i32
      %dma_start3A_659 = tpu.memref_slice %run_scoped3A_3[%dma_start3A_656, %dma_start3A_657, %dma_start3A_658] : memref<6x64x256xf32, #tpu.memory_space<vmem>> -> memref<1x64x256xf32, #tpu.memory_space<vmem>>
      %dma_start3A_660 = tpu.memref_squeeze %dma_start3A_659 : memref<1x64x256xf32, #tpu.memory_space<vmem>> -> memref<64x256xf32, #tpu.memory_space<vmem>>
      %dma_start3A_661 = arith.constant 0 : i32
      %dma_start3A_662 = tpu.memref_slice %arg7[%add3A_655, %dma_start3A_661] : memref<16384x256xf32, #tpu.memory_space<hbm>> -> memref<64x256xf32, #tpu.memory_space<hbm>>
      %dma_start3A_663 = arith.constant 0 : i32
      %dma_start3A_664 = tpu.memref_slice %arg7[%add3A_655, %dma_start3A_663] : memref<16384x256xf32, #tpu.memory_space<hbm>> -> memref<64x256xf32, #tpu.memory_space<hbm>>
      %dma_start3A_665 = arith.constant 0 : i32
      %dma_start3A_666 = arith.constant 0 : i32
      %dma_start3A_667 = tpu.memref_slice %run_scoped3A_3[%dma_start3A_656, %dma_start3A_665, %dma_start3A_666] : memref<6x64x256xf32, #tpu.memory_space<vmem>> -> memref<1x64x256xf32, #tpu.memory_space<vmem>>
      %dma_start3A_668 = tpu.memref_squeeze %dma_start3A_667 : memref<1x64x256xf32, #tpu.memory_space<vmem>> -> memref<64x256xf32, #tpu.memory_space<vmem>>
      tpu.enqueue_dma source(%dma_start3A_668 : memref<64x256xf32, #tpu.memory_space<vmem>>) target(%dma_start3A_664 : memref<64x256xf32, #tpu.memory_space<hbm>>) target_semaphore(%run_scoped3A_5 : memref<!tpu.dma_semaphore, #tpu.memory_space<semaphore_mem>>)
      %dma_wait3A_669 = arith.constant 3 : i32
      %dma_wait3A_670 = arith.constant 0 : i32
      %dma_wait3A_671 = arith.constant 0 : i32
      %dma_wait3A_672 = tpu.memref_slice %run_scoped3A_3[%dma_wait3A_669, %dma_wait3A_670, %dma_wait3A_671] : memref<6x64x256xf32, #tpu.memory_space<vmem>> -> memref<1x64x256xf32, #tpu.memory_space<vmem>>
      %dma_wait3A_673 = tpu.memref_squeeze %dma_wait3A_672 : memref<1x64x256xf32, #tpu.memory_space<vmem>> -> memref<64x256xf32, #tpu.memory_space<vmem>>
      %dma_wait3A_674 = arith.constant 448 : i32
      %dma_wait3A_675 = tpu.memref_slice %run_scoped3A[%dma_wait3A_674] : memref<512xi32, #tpu.memory_space<vmem>> -> memref<64xi32, #tpu.memory_space<vmem>>
      %dma_wait3A_676 = arith.constant 0 : i32
      %dma_wait3A_677 = arith.constant 0 : i32
      %dma_wait3A_678 = tpu.memref_slice %arg4[%dma_wait3A_676, %dma_wait3A_677] : memref<100000x256xf32, #tpu.memory_space<hbm>> -> memref<100000x256xf32, #tpu.memory_space<hbm>>
      tpu.wait_indirect_dma semaphore(%run_scoped3A_4 : memref<!tpu.dma_semaphore, #tpu.memory_space<semaphore_mem>>) src(%dma_wait3A_678 : memref<100000x256xf32, #tpu.memory_space<hbm>>) dst(%dma_wait3A_673 : memref<64x256xf32, #tpu.memory_space<vmem>>)
      %add3A_679 = arith.constant 448 : i32
      %add3A_680 = arith.addi %mul3A_2, %add3A_679 : i32
      %dma_start3A_681 = arith.constant 3 : i32
      %dma_start3A_682 = arith.constant 0 : i32
      %dma_start3A_683 = arith.constant 0 : i32
      %dma_start3A_684 = tpu.memref_slice %run_scoped3A_3[%dma_start3A_681, %dma_start3A_682, %dma_start3A_683] : memref<6x64x256xf32, #tpu.memory_space<vmem>> -> memref<1x64x256xf32, #tpu.memory_space<vmem>>
      %dma_start3A_685 = tpu.memref_squeeze %dma_start3A_684 : memref<1x64x256xf32, #tpu.memory_space<vmem>> -> memref<64x256xf32, #tpu.memory_space<vmem>>
      %dma_start3A_686 = arith.constant 0 : i32
      %dma_start3A_687 = tpu.memref_slice %arg8[%add3A_680, %dma_start3A_686] : memref<16384x256xf32, #tpu.memory_space<hbm>> -> memref<64x256xf32, #tpu.memory_space<hbm>>
      %dma_start3A_688 = arith.constant 0 : i32
      %dma_start3A_689 = tpu.memref_slice %arg8[%add3A_680, %dma_start3A_688] : memref<16384x256xf32, #tpu.memory_space<hbm>> -> memref<64x256xf32, #tpu.memory_space<hbm>>
      %dma_start3A_690 = arith.constant 0 : i32
      %dma_start3A_691 = arith.constant 0 : i32
      %dma_start3A_692 = tpu.memref_slice %run_scoped3A_3[%dma_start3A_681, %dma_start3A_690, %dma_start3A_691] : memref<6x64x256xf32, #tpu.memory_space<vmem>> -> memref<1x64x256xf32, #tpu.memory_space<vmem>>
      %dma_start3A_693 = tpu.memref_squeeze %dma_start3A_692 : memref<1x64x256xf32, #tpu.memory_space<vmem>> -> memref<64x256xf32, #tpu.memory_space<vmem>>
      tpu.enqueue_dma source(%dma_start3A_693 : memref<64x256xf32, #tpu.memory_space<vmem>>) target(%dma_start3A_689 : memref<64x256xf32, #tpu.memory_space<hbm>>) target_semaphore(%run_scoped3A_5 : memref<!tpu.dma_semaphore, #tpu.memory_space<semaphore_mem>>)
      %dma_wait3A_694 = arith.constant 0 : i32
      %dma_wait3A_695 = arith.constant 0 : i32
      %dma_wait3A_696 = arith.constant 0 : i32
      %dma_wait3A_697 = tpu.memref_slice %run_scoped3A_3[%dma_wait3A_694, %dma_wait3A_695, %dma_wait3A_696] : memref<6x64x256xf32, #tpu.memory_space<vmem>> -> memref<1x64x256xf32, #tpu.memory_space<vmem>>
      %dma_wait3A_698 = tpu.memref_squeeze %dma_wait3A_697 : memref<1x64x256xf32, #tpu.memory_space<vmem>> -> memref<64x256xf32, #tpu.memory_space<vmem>>
      %dma_wait3A_699 = arith.constant 0 : i32
      %dma_wait3A_700 = tpu.memref_slice %arg7[%add3A_605, %dma_wait3A_699] : memref<16384x256xf32, #tpu.memory_space<hbm>> -> memref<64x256xf32, #tpu.memory_space<hbm>>
      %dma_wait3A_701 = arith.constant 0 : i32
      %dma_wait3A_702 = tpu.memref_slice %arg7[%add3A_605, %dma_wait3A_701] : memref<16384x256xf32, #tpu.memory_space<hbm>> -> memref<64x256xf32, #tpu.memory_space<hbm>>
      %dma_wait3A_703 = arith.constant 0 : i32
      %dma_wait3A_704 = arith.constant 0 : i32
      %dma_wait3A_705 = tpu.memref_slice %run_scoped3A_3[%dma_wait3A_694, %dma_wait3A_703, %dma_wait3A_704] : memref<6x64x256xf32, #tpu.memory_space<vmem>> -> memref<1x64x256xf32, #tpu.memory_space<vmem>>
      %dma_wait3A_706 = tpu.memref_squeeze %dma_wait3A_705 : memref<1x64x256xf32, #tpu.memory_space<vmem>> -> memref<64x256xf32, #tpu.memory_space<vmem>>
      tpu.wait_dma2 semaphore(%run_scoped3A_5 : memref<!tpu.dma_semaphore, #tpu.memory_space<semaphore_mem>>) src(%dma_wait3A_706 : memref<64x256xf32, #tpu.memory_space<vmem>>) dst(%dma_wait3A_702 : memref<64x256xf32, #tpu.memory_space<hbm>>)
      %dma_wait3A_707 = arith.constant 1 : i32
      %dma_wait3A_708 = arith.constant 0 : i32
      %dma_wait3A_709 = arith.constant 0 : i32
      %dma_wait3A_710 = tpu.memref_slice %run_scoped3A_3[%dma_wait3A_707, %dma_wait3A_708, %dma_wait3A_709] : memref<6x64x256xf32, #tpu.memory_space<vmem>> -> memref<1x64x256xf32, #tpu.memory_space<vmem>>
      %dma_wait3A_711 = tpu.memref_squeeze %dma_wait3A_710 : memref<1x64x256xf32, #tpu.memory_space<vmem>> -> memref<64x256xf32, #tpu.memory_space<vmem>>
      %dma_wait3A_712 = arith.constant 0 : i32
      %dma_wait3A_713 = tpu.memref_slice %arg8[%add3A_630, %dma_wait3A_712] : memref<16384x256xf32, #tpu.memory_space<hbm>> -> memref<64x256xf32, #tpu.memory_space<hbm>>
      %dma_wait3A_714 = arith.constant 0 : i32
      %dma_wait3A_715 = tpu.memref_slice %arg8[%add3A_630, %dma_wait3A_714] : memref<16384x256xf32, #tpu.memory_space<hbm>> -> memref<64x256xf32, #tpu.memory_space<hbm>>
      %dma_wait3A_716 = arith.constant 0 : i32
      %dma_wait3A_717 = arith.constant 0 : i32
      %dma_wait3A_718 = tpu.memref_slice %run_scoped3A_3[%dma_wait3A_707, %dma_wait3A_716, %dma_wait3A_717] : memref<6x64x256xf32, #tpu.memory_space<vmem>> -> memref<1x64x256xf32, #tpu.memory_space<vmem>>
      %dma_wait3A_719 = tpu.memref_squeeze %dma_wait3A_718 : memref<1x64x256xf32, #tpu.memory_space<vmem>> -> memref<64x256xf32, #tpu.memory_space<vmem>>
      tpu.wait_dma2 semaphore(%run_scoped3A_5 : memref<!tpu.dma_semaphore, #tpu.memory_space<semaphore_mem>>) src(%dma_wait3A_719 : memref<64x256xf32, #tpu.memory_space<vmem>>) dst(%dma_wait3A_715 : memref<64x256xf32, #tpu.memory_space<hbm>>)
      %dma_wait3A_720 = arith.constant 2 : i32
      %dma_wait3A_721 = arith.constant 0 : i32
      %dma_wait3A_722 = arith.constant 0 : i32
      %dma_wait3A_723 = tpu.memref_slice %run_scoped3A_3[%dma_wait3A_720, %dma_wait3A_721, %dma_wait3A_722] : memref<6x64x256xf32, #tpu.memory_space<vmem>> -> memref<1x64x256xf32, #tpu.memory_space<vmem>>
      %dma_wait3A_724 = tpu.memref_squeeze %dma_wait3A_723 : memref<1x64x256xf32, #tpu.memory_space<vmem>> -> memref<64x256xf32, #tpu.memory_space<vmem>>
      %dma_wait3A_725 = arith.constant 0 : i32
      %dma_wait3A_726 = tpu.memref_slice %arg7[%add3A_655, %dma_wait3A_725] : memref<16384x256xf32, #tpu.memory_space<hbm>> -> memref<64x256xf32, #tpu.memory_space<hbm>>
      %dma_wait3A_727 = arith.constant 0 : i32
      %dma_wait3A_728 = tpu.memref_slice %arg7[%add3A_655, %dma_wait3A_727] : memref<16384x256xf32, #tpu.memory_space<hbm>> -> memref<64x256xf32, #tpu.memory_space<hbm>>
      %dma_wait3A_729 = arith.constant 0 : i32
      %dma_wait3A_730 = arith.constant 0 : i32
      %dma_wait3A_731 = tpu.memref_slice %run_scoped3A_3[%dma_wait3A_720, %dma_wait3A_729, %dma_wait3A_730] : memref<6x64x256xf32, #tpu.memory_space<vmem>> -> memref<1x64x256xf32, #tpu.memory_space<vmem>>
      %dma_wait3A_732 = tpu.memref_squeeze %dma_wait3A_731 : memref<1x64x256xf32, #tpu.memory_space<vmem>> -> memref<64x256xf32, #tpu.memory_space<vmem>>
      tpu.wait_dma2 semaphore(%run_scoped3A_5 : memref<!tpu.dma_semaphore, #tpu.memory_space<semaphore_mem>>) src(%dma_wait3A_732 : memref<64x256xf32, #tpu.memory_space<vmem>>) dst(%dma_wait3A_728 : memref<64x256xf32, #tpu.memory_space<hbm>>)
      %dma_wait3A_733 = arith.constant 3 : i32
      %dma_wait3A_734 = arith.constant 0 : i32
      %dma_wait3A_735 = arith.constant 0 : i32
      %dma_wait3A_736 = tpu.memref_slice %run_scoped3A_3[%dma_wait3A_733, %dma_wait3A_734, %dma_wait3A_735] : memref<6x64x256xf32, #tpu.memory_space<vmem>> -> memref<1x64x256xf32, #tpu.memory_space<vmem>>
      %dma_wait3A_737 = tpu.memref_squeeze %dma_wait3A_736 : memref<1x64x256xf32, #tpu.memory_space<vmem>> -> memref<64x256xf32, #tpu.memory_space<vmem>>
      %dma_wait3A_738 = arith.constant 0 : i32
      %dma_wait3A_739 = tpu.memref_slice %arg8[%add3A_680, %dma_wait3A_738] : memref<16384x256xf32, #tpu.memory_space<hbm>> -> memref<64x256xf32, #tpu.memory_space<hbm>>
      %dma_wait3A_740 = arith.constant 0 : i32
      %dma_wait3A_741 = tpu.memref_slice %arg8[%add3A_680, %dma_wait3A_740] : memref<16384x256xf32, #tpu.memory_space<hbm>> -> memref<64x256xf32, #tpu.memory_space<hbm>>
      %dma_wait3A_742 = arith.constant 0 : i32
      %dma_wait3A_743 = arith.constant 0 : i32
      %dma_wait3A_744 = tpu.memref_slice %run_scoped3A_3[%dma_wait3A_733, %dma_wait3A_742, %dma_wait3A_743] : memref<6x64x256xf32, #tpu.memory_space<vmem>> -> memref<1x64x256xf32, #tpu.memory_space<vmem>>
      %dma_wait3A_745 = tpu.memref_squeeze %dma_wait3A_744 : memref<1x64x256xf32, #tpu.memory_space<vmem>> -> memref<64x256xf32, #tpu.memory_space<vmem>>
      tpu.wait_dma2 semaphore(%run_scoped3A_5 : memref<!tpu.dma_semaphore, #tpu.memory_space<semaphore_mem>>) src(%dma_wait3A_745 : memref<64x256xf32, #tpu.memory_space<vmem>>) dst(%dma_wait3A_741 : memref<64x256xf32, #tpu.memory_space<hbm>>)
      %dma_wait3A_746 = arith.constant 4 : i32
      %dma_wait3A_747 = arith.constant 0 : i32
      %dma_wait3A_748 = arith.constant 0 : i32
      %dma_wait3A_749 = tpu.memref_slice %run_scoped3A_3[%dma_wait3A_746, %dma_wait3A_747, %dma_wait3A_748] : memref<6x64x256xf32, #tpu.memory_space<vmem>> -> memref<1x64x256xf32, #tpu.memory_space<vmem>>
      %dma_wait3A_750 = tpu.memref_squeeze %dma_wait3A_749 : memref<1x64x256xf32, #tpu.memory_space<vmem>> -> memref<64x256xf32, #tpu.memory_space<vmem>>
      %dma_wait3A_751 = arith.constant 0 : i32
      %dma_wait3A_752 = tpu.memref_slice %arg7[%add3A_555, %dma_wait3A_751] : memref<16384x256xf32, #tpu.memory_space<hbm>> -> memref<64x256xf32, #tpu.memory_space<hbm>>
      %dma_wait3A_753 = arith.constant 0 : i32
      %dma_wait3A_754 = tpu.memref_slice %arg7[%add3A_555, %dma_wait3A_753] : memref<16384x256xf32, #tpu.memory_space<hbm>> -> memref<64x256xf32, #tpu.memory_space<hbm>>
      %dma_wait3A_755 = arith.constant 0 : i32
      %dma_wait3A_756 = arith.constant 0 : i32
      %dma_wait3A_757 = tpu.memref_slice %run_scoped3A_3[%dma_wait3A_746, %dma_wait3A_755, %dma_wait3A_756] : memref<6x64x256xf32, #tpu.memory_space<vmem>> -> memref<1x64x256xf32, #tpu.memory_space<vmem>>
      %dma_wait3A_758 = tpu.memref_squeeze %dma_wait3A_757 : memref<1x64x256xf32, #tpu.memory_space<vmem>> -> memref<64x256xf32, #tpu.memory_space<vmem>>
      tpu.wait_dma2 semaphore(%run_scoped3A_5 : memref<!tpu.dma_semaphore, #tpu.memory_space<semaphore_mem>>) src(%dma_wait3A_758 : memref<64x256xf32, #tpu.memory_space<vmem>>) dst(%dma_wait3A_754 : memref<64x256xf32, #tpu.memory_space<hbm>>)
      %dma_wait3A_759 = arith.constant 5 : i32
      %dma_wait3A_760 = arith.constant 0 : i32
      %dma_wait3A_761 = arith.constant 0 : i32
      %dma_wait3A_762 = tpu.memref_slice %run_scoped3A_3[%dma_wait3A_759, %dma_wait3A_760, %dma_wait3A_761] : memref<6x64x256xf32, #tpu.memory_space<vmem>> -> memref<1x64x256xf32, #tpu.memory_space<vmem>>
      %dma_wait3A_763 = tpu.memref_squeeze %dma_wait3A_762 : memref<1x64x256xf32, #tpu.memory_space<vmem>> -> memref<64x256xf32, #tpu.memory_space<vmem>>
      %dma_wait3A_764 = arith.constant 0 : i32
      %dma_wait3A_765 = tpu.memref_slice %arg8[%add3A_580, %dma_wait3A_764] : memref<16384x256xf32, #tpu.memory_space<hbm>> -> memref<64x256xf32, #tpu.memory_space<hbm>>
      %dma_wait3A_766 = arith.constant 0 : i32
      %dma_wait3A_767 = tpu.memref_slice %arg8[%add3A_580, %dma_wait3A_766] : memref<16384x256xf32, #tpu.memory_space<hbm>> -> memref<64x256xf32, #tpu.memory_space<hbm>>
      %dma_wait3A_768 = arith.constant 0 : i32
      %dma_wait3A_769 = arith.constant 0 : i32
      %dma_wait3A_770 = tpu.memref_slice %run_scoped3A_3[%dma_wait3A_759, %dma_wait3A_768, %dma_wait3A_769] : memref<6x64x256xf32, #tpu.memory_space<vmem>> -> memref<1x64x256xf32, #tpu.memory_space<vmem>>
      %dma_wait3A_771 = tpu.memref_squeeze %dma_wait3A_770 : memref<1x64x256xf32, #tpu.memory_space<vmem>> -> memref<64x256xf32, #tpu.memory_space<vmem>>
      tpu.wait_dma2 semaphore(%run_scoped3A_5 : memref<!tpu.dma_semaphore, #tpu.memory_space<semaphore_mem>>) src(%dma_wait3A_771 : memref<64x256xf32, #tpu.memory_space<vmem>>) dst(%dma_wait3A_767 : memref<64x256xf32, #tpu.memory_space<hbm>>)
      tpu.yield
    }) : () -> ()
    return
  }
}

module attributes {stable_mosaic.version = 14 : i64} {
  func.func @_fclass_body(%arg0: memref<64x16384xf32, #tpu.memory_space<vmem>>, %arg1: memref<13x64xf32, #tpu.memory_space<vmem>>, %arg2: memref<13x1xf32, #tpu.memory_space<vmem>>, %arg3: memref<13x16384xf32, #tpu.memory_space<vmem>>) attributes {dimension_semantics = [], scalar_prefetch = 0 : i64, scratch_operands = 0 : i64, tpu.core_type = #tpu.core_type<tc>} {
    %get3A = arith.constant 0 : index
    %get3A_0 = arith.constant 0 : index
    %get3A_1 = vector.load %arg1[%get3A, %get3A_0] : memref<13x64xf32, #tpu.memory_space<vmem>>, vector<13x64xf32>
    %get3A_2 = arith.constant 0 : index
    %get3A_3 = arith.constant 0 : index
    %get3A_4 = vector.load %arg0[%get3A_2, %get3A_3] : memref<64x16384xf32, #tpu.memory_space<vmem>>, vector<64x16384xf32>
    %dot_general3A = arith.constant dense<0.000000e+00> : vector<13x16384xf32>
    %dot_general3A_5 = tpu.matmul %get3A_1, %get3A_4, %dot_general3A {dimension_numbers = #tpu.dot_dimension_numbers<[1], [0], [0], [1], [0, 0, 1, 1], [], []>, transpose_lhs_hint = false} : vector<13x64xf32>, vector<64x16384xf32>, vector<13x16384xf32> -> vector<13x16384xf32>
    %get3A_6 = arith.constant 0 : index
    %get3A_7 = arith.constant 0 : index
    %get3A_8 = vector.load %arg2[%get3A_6, %get3A_7] : memref<13x1xf32, #tpu.memory_space<vmem>>, vector<13x1xf32>
    %add3A = vector.broadcast %get3A_8 : vector<13x1xf32> to vector<13x16384xf32>
    %add3A_9 = arith.addf %dot_general3A_5, %add3A : vector<13x16384xf32>
    %swap3A = arith.constant 0 : index
    %swap3A_10 = arith.constant 0 : index
    %swap3A_11 = vector.load %arg3[%swap3A, %swap3A_10] : memref<13x16384xf32, #tpu.memory_space<vmem>>, vector<13x16384xf32>
    tpu.vector_store %arg3[%swap3A, %swap3A_10], %add3A_9 {strides = array<i32>} : memref<13x16384xf32, #tpu.memory_space<vmem>>, vector<13x16384xf32>,
    return
  }
}

</mosaic_0001>

<sc_bundles>
// kernel: kernel.4.cloned.1.call-start
scs
__scs_entry_jumppad:
0x0: {  	(pc) =	sbr.rel $0x88, $3  }
0x1: {  	(tag) =	ssettag $0x0;
	lr =	simm.s32 $0x1  }
0x2: {  	[smem:$0x3F9B] =	sst lr;
	_ =	strace $0xD0000000  }
0x3: {  	_ = 	snop  }
0x4: {  	_ = 	snop  }
0x5: {  	_ = 	snop  }
0x6: {  	_ = 	snop  }
0x7: {  	_ = 	snop  }
__scs_overlays_trampoline_lowered:
0x8: {  	[smem:$0x3FAA] =	sst s0  }
0x9: {  	[smem:$0x3FAB] =	sst s1  }
0xa: {  	[smem:$0x3FAC] =	sst s2  }
0xb: {  	[smem:$0x3FAD] =	sst s3  }
0xc: {  	[smem:$0x3FAE] =	sst s4  }
0xd: {  	[smem:$0x3FAF] =	sst s5  }
0xe: {  	[smem:$0x3FB0] =	sst s6  }
0xf: {  	[smem:$0x3FB1] =	sst s7  }
0x10: {  	[smem:$0x3FB2] =	sst s8  }
0x11: {  	[smem:$0x3FB3] =	sst s9;
	s0 =	simm.s32 @!p0 $0x0  }
0x12: {  	s1 =	sld [smem:$0x3F99];
	s0 =	simm.s32 @p0 $0x1  }
0x13: {  	[smem:$0x3FB4] =	sst s0;
	s0 =	simm.s32 @!p1 $0x0  }
0x14: {  	s2 =	sld [smem:$0x3F98];
	s0 =	simm.s32 @p1 $0x1  }
0x15: {  	[smem:$0x3FB5] =	sst s0;
	s0 =	simm.s32 @!p2 $0x0  }
0x16: {  	s3 =	sld [smem:$0x3FDB];
	s0 =	simm.s32 @p2 $0x1  }
0x17: {  	s4 =	simm.s32 $0x1BF5;
	[smem:$0x3FB7] =	sst s0  }
0x18: {  	s0 =	sld [smem:$0x3F9A];
	_ =	swait.ge [sflag:s4], $0x0  }
0x19: {  	s7 =	sld [smem:$0x3F9B]  }
0x1a: {  	s8 =	sadd.s32 $0xFFFFE003, lr  }
0x1b: {  	s9 =	sadd.s32 $0xFFFFFEF7, lr;
	s5 =	simm.s32 $0xFFFFFFFF;
	p2 =	slt.u32 s8, $0xFFFFF086  }
0x1c: {  	p1 =	slt.u32 s9, $0xF7A;
	s5 =	simm.s32 @!p2 $0x0  }
0x1d: {  	s5 =	simm.s32 @p1 $0x1;
	p0 =	seq.s32 s7, s2  }
0x1e: {  	s7 =	smul.u32 @!p0 $0xF7A, s2;
	p2 =	seq.s32 @!p0 s5, $0x0  }
0x1f: {  	s9 =	smul.u32 $0xF7A, s1;
	s8 =	simm.s32 @!p0 $0x1BF5;
	p2 =	por !p2, p0  }
0x20: {  	[sflag:s8] =	ssyncset.s32 @!p0 $0xFFFFF086;
	s6 =	sadd.s32 @!p0 s3, s7;
	s7 =	simm.s32 @!p0 $0x108  }
0x21: {  	s3 =	sadd.s32 s3, s9;
	s6 =	sadd.s32 @!p0 $0x88, s6;
	s7 =	simm.s32 @p2 $0x1082  }
0x22: {  	[simem:s7], [sflag:s8] =	dma.local @!p0 [hbm:s6], $0xF7A  }
0x23: {  	s9 =	sor.u32 $0xD0000000, s2;
	s6 =	simm.s32 $0x108;
	_ =	swait.ge @!p0 [sflag:s8], $0x0  }
0x24: {  	s3 =	sadd.s32 $0x88, s3;
	s6 =	simm.s32 @!p1 $0x1082;
	[sflag:s4] =	ssyncset.s32 $0xFFFFF086  }
0x25: {  	[simem:s6], [sflag:s4] =	dma.local [hbm:s3], $0xF7A  }
0x26: {  	[smem:$0x3F9B] =	sst s1;
	(tag) =	ssettag s2;
	_ =	strace s9  }
0x27: {  	s1 =	sld [smem:$0x3FAB]  }
0x28: {  	s2 =	sld [smem:$0x3FAC]  }
0x29: {  	s4 =	sld [smem:$0x3FAE]  }
0x2a: {  	p0 =	seq.s32 s5, $0x0;
	s5 =	sld [smem:$0x3FAF]  }
0x2b: {  	s6 =	sld [smem:$0x3FB0]  }
0x2c: {  	s7 =	sld [smem:$0x3FB1]  }
0x2d: {  	s3 =	simm.s32 $0x108;
	s8 =	sld [smem:$0x3FB2]  }
0x2e: {  	s3 =	simm.s32 @!p0 $0x1082;
	s9 =	sld [smem:$0x3FB3]  }
0x2f: {  	lr =	sadd.s32 s0, s3;
	s0 =	sld [smem:$0x3FAA]  }
0x30: {  	s3 =	sld [smem:$0x3FAD]  }
0x31: {  	[smem:$0x3FB6] =	sst s10  }
0x32: {  	s10 =	sld [smem:$0x3FB4];
	_ =	sdelay $0x3  }
0x33: {  	p0 =	seq.s32 s10, $0x1;
	s10 =	sld [smem:$0x3FB6];
	_ =	sdelay $0x3  }
0x34: {  	[smem:$0x3FB6] =	sst s10  }
0x35: {  	s10 =	sld [smem:$0x3FB5];
	_ =	sdelay $0x3  }
0x36: {  	p1 =	seq.s32 s10, $0x1;
	s10 =	sld [smem:$0x3FB6];
	_ =	sdelay $0x3  }
0x37: {  	[smem:$0x3FB6] =	sst s10  }
0x38: {  	s10 =	sld [smem:$0x3FB7]  }
0x39: {  	_ = 	snop;
	(pc) =	sbr.ind lr, $3  }
0x3a: {  	_ = 	snop  }
0x3b: {  	_ = 	snop  }
0x3c: {  	p2 =	seq.s32 s10, $0x1;
	s10 =	sld [smem:$0x3FB6]  }
0x3d: {  	_ =	shalt  }
0x3e: {  	_ =	shalt  }
0x3f: {  	_ =	shalt  }
0x40: {  	_ =	shalt  }
0x41: {  	_ =	shalt  }
0x42: {  	_ =	shalt  }
0x43: {  	_ =	shalt  }
0x44: {  	_ =	shalt  }
0x45: {  	_ =	shalt  }
0x46: {  	_ =	shalt  }
0x47: {  	_ =	shalt  }
0x48: {  	_ =	shalt  }
0x49: {  	_ =	shalt  }
0x4a: {  	_ =	shalt  }
0x4b: {  	_ =	shalt  }
0x4c: {  	_ =	shalt  }
0x4d: {  	_ =	shalt  }
0x4e: {  	_ =	shalt  }
0x4f: {  	_ =	shalt  }
0x50: {  	_ =	shalt  }
0x51: {  	_ =	shalt  }
0x52: {  	_ =	shalt  }
0x53: {  	_ =	shalt  }
0x54: {  	_ =	shalt  }
0x55: {  	_ =	shalt  }
0x56: {  	_ =	shalt  }
0x57: {  	_ =	shalt  }
0x58: {  	_ =	shalt  }
0x59: {  	_ =	shalt  }
0x5a: {  	_ =	shalt  }
0x5b: {  	_ =	shalt  }
0x5c: {  	_ =	shalt  }
0x5d: {  	_ =	shalt  }
0x5e: {  	_ =	shalt  }
0x5f: {  	_ =	shalt  }
0x60: {  	_ =	shalt  }
0x61: {  	_ =	shalt  }
0x62: {  	_ =	shalt  }
0x63: {  	_ =	shalt  }
0x64: {  	_ =	shalt  }
0x65: {  	_ =	shalt  }
0x66: {  	_ =	shalt  }
0x67: {  	_ =	shalt  }
0x68: {  	_ =	shalt  }
0x69: {  	_ =	shalt  }
0x6a: {  	_ =	shalt  }
0x6b: {  	_ =	shalt  }
0x6c: {  	_ =	shalt  }
0x6d: {  	_ =	shalt  }
0x6e: {  	_ =	shalt  }
0x6f: {  	_ =	shalt  }
0x70: {  	_ =	shalt  }
0x71: {  	_ =	shalt  }
0x72: {  	_ =	shalt  }
0x73: {  	_ =	shalt  }
0x74: {  	_ =	shalt  }
0x75: {  	_ =	shalt  }
0x76: {  	_ =	shalt  }
0x77: {  	_ =	shalt  }
0x78: {  	_ =	shalt  }
0x79: {  	_ =	shalt  }
0x7a: {  	_ =	shalt  }
0x7b: {  	_ =	shalt  }
0x7c: {  	_ =	shalt  }
0x7d: {  	_ =	shalt  }
0x7e: {  	_ =	shalt  }
0x7f: {  	_ =	shalt  }
0x80: {  	_ =	shalt  }
0x81: {  	_ =	shalt  }
0x82: {  	_ =	shalt  }
0x83: {  	_ =	shalt  }
0x84: {  	_ =	shalt  }
0x85: {  	_ =	shalt  }
0x86: {  	_ =	shalt  }
0x87: {  	_ =	shalt  }
.Lfunc_end0:
.L_simem_size_0:
called_computation_lowered:
.L_overlay_start_0:
0x88: {  	s2 =	sld [smem:$0x3FD9]  }
0x89: {  	s3 =	sld [smem:$0x3FFE];
	_ =	sdelay $0x1  }
0x8a: {  	s1 =	srdreg.scid  }
0x8b: {  	s0 =	sand.u32 $0x1, s1  }
0x8c: {  	s15 =	sshll.u32 s0, $0xA;
	s2 =	sadd.s32 s3, s2  }
0x8d: {  	s2 =	sadd.s32 s2, s15  }
0x8e: {  	[smem:$0x3FC2] =	sst s2  }
0x8f: {  	_ = 	snop  }
0x90: {  	s2 =	sld [smem:$0x3FC9]  }
0x91: {  	s16 =	sld [smem:$0x3FD0]  }
0x92: {  	s4 =	sld [smem:$0x3FC8]  }
0x93: {  	s5 =	sld [smem:$0x3FC7]  }
0x94: {  	s7 =	simm.s32 $0xA;
	s8 =	simm.s32 $0x10;
	s6 =	sld [smem:$0x3FC4]  }
0x95: {  	[smem:s8], [sflag:s7] =	dma.local [hbm:s16], $0x1  }
0x96: {  	_ =	swait.eq [sflag:s7], $0x1  }
0x97: {  	s17 =	sld [smem:$0x10];
	[sflag:s7] =	ssyncset.done $0x0  }
0x98: {  	s18 =	sld [smem:$0x11];
	[sflag:s7] =	ssyncadd.s32 $0xFFFFFFFF  }
0x99: {  	s19 =	sld [smem:$0x12];
	(tm) =	ssettm $0x1  }
0x9a: {  	s9 =	sld [smem:$0x3FFB];
	_ =	sdelay $0x3  }
0x9b: {  	_ =	strace s9  }
0x9c: {  	s9 =	sld [smem:$0x3FFC];
	_ =	sdelay $0x3  }
0x9d: {  	_ =	strace s9  }
0x9e: {  	s9 =	sld [smem:$0x3FFD];
	_ =	sdelay $0x3  }
0x9f: {  	_ =	strace s9  }
0xa0: {  	_ =	strace $0x8FFFFFFF  }
0xa1: {  	s20 =	sld [smem:$0x3FDB];
	_ =	sdelay $0x1  }
0xa2: {  	s10 =	simm.s32 $_scs_section_size  }
0xa3: {  	s11 =	simm.s32 $_size__tile_overlayer_lowered;
	s12 =	simm.s32 $_tile_overlayer_lowered  }
0xa4: {  	s23 =	simm.s32 $0x1BFF;
	s22 =	sshll.u32 s12, $0x1;
	s9 =	sadd.s32 s10, s20  }
0xa5: {  	s13 =	simm.s32 $0x0;
	s21 =	sshll.u32 s11, $0x1;
	s11 =	sadd.s32 s22, s9  }
0xa6: {  	[timem:s13], [sflag:s23] =	dma.local [hbm:s11], s21  }
0xa7: {  	_ =	swait.ge [sflag:s23], s21  }
0xa8: {  	s10 =	ssub.s32 $0x0, s21;
	[sflag:s23] =	ssyncset.done $0x0  }
0xa9: {  	[sflag:s23] =	ssyncadd.s32 s10;
	_ =	sdelay $0x1  }
0xaa: {  	s24 =	simm.s32 $0x1B8B  }
0xab: {  	_ =	swait.ge [sflag:s24], $0x1  }
0xac: {  	[sflag:s24] =	ssyncset.done $0x0  }
0xad: {  	s25 =	simm.s32 $0x1B8E;
	[sflag:s24] =	ssyncadd.s32 $0xFFFFFFFF  }
0xae: {  	s26 =	simm.s32 $execute0_lowered;
	[smem:$0x3FD2] =	sst s25  }
0xaf: {  	s10 =	sshll.u32 s26, $0x1;
	_ =	strace $0x80000046;
	[dreg:$0x1] =	wrdreg $0xFFFFFFFF  }
0xb0: {  	s28 =	simm.s32 $_size_execute0_lowered;
	s9 =	sadd.s32 s9, s10;
	[dreg:$0x0] =	wrdreg $0x0  }
0xb1: {  	s10 =	sshll.u32 s28, $0x1;
	[dreg:$0x2] =	wrdreg s9  }
0xb2: {  	[dreg:$0x3] =	wrdreg s10  }
0xb3: {  	[dreg:$0x4] =	wrdreg $0xC0  }
0xb4: {  	_ =	task [dreg:s13], $0x5FFFF  }
0xb5: {  	[dreg:$0x1] =	wrdreg $0xFFFFFFFF  }
0xb6: {  	[dreg:$0x0] =	wrdreg $0x60  }
0xb7: {  	[dreg:$0x2] =	wrdreg s2  }
0xb8: {  	[dreg:$0x3] =	wrdreg s4  }
0xb9: {  	[dreg:$0x4] =	wrdreg s5  }
0xba: {  	[dreg:$0x5] =	wrdreg s6  }
0xbb: {  	[dreg:$0x6] =	wrdreg s17  }
0xbc: {  	[dreg:$0x7] =	wrdreg s18  }
0xbd: {  	[dreg:$0x8] =	wrdreg s19  }
0xbe: {  	[dreg:$0x9] =	wrdreg $0x9  }
0xbf: {  	_ =	task.clear_ibuf [dreg:s13], $0xAFFFF;
	_ =	strace $0x90000046  }
0xc0: {  	s29 =	simm.s32 $0x9;
	_ =	strace $0x80000048  }
0xc1: {  	_ =	swait.ge [sflag:s29], $0x1  }
0xc2: {  	[sflag:s29] =	ssyncadd.s32 $0xFFFFFFFF  }
0xc3: {  	_ =	strace $0x90000048  }
0xc4: {  	_ =	sfence  }
0xc5: {  	s30 =	sld [smem:$0x0];
	_ =	sdelay $0x2  }
0xc6: {  	s31 =	sshll.u32 s1, $0xD;
	s1 =	sshrl.u32 s1, $0x2  }
0xc7: {  	s3 =	sand.u32 $0x4000, s31;
	s1 =	sadd.s32 s1, s30  }
0xc8: {  	s0 =	sor.u32 s3, s0;
	s1 =	sshll.u32 s1, $0x11  }
0xc9: {  	s0 =	sor.u32 s1, s0  }
0xca: {  	s0 =	sadd.s32 $0x8F2B, s0  }
0xcb: {  	[sflag:s0] =	ssyncadd.remote.s32 $0x1  }
0xcc: {  	_ =	sfence.sel $0xFFFF  }
0xcd: {  	[dreg:$0x0] =	wrdreg $0xFFFFFFFF;
	(pc) =	sbr.abs _section_cstart, $3  }
0xce: {  	[dreg:$0x1] =	wrdreg $0xFFFFFFFF  }
0xcf: {  	_ =	task.clear_ibuf [dreg:s13], $0x2FFFF;
	_ =	strace $0x9FFFFFFF  }
0xd0: {  	(tm) =	ssettm $0x7FFFFFFF  }
0xd1: {  	_ =	shalt  }
tec
execute0_lowered:
.L_overlay_start_1:
0x0: {  	(tag) =	ssettag $0x1  }
0x1: {  	s0 =	rddreg [dreg:$0x0]  }
0x2: {  	s2 =	rddreg [dreg:$0x4];
	s1 =	srdreg.scid  }
0x3: {  	s7 =	stileid.u32;
	s3 =	rddreg [dreg:$0x5]  }
0x4: {  	s5 =	rddreg [dreg:$0x6];
	s29 =	simm.s32 $0x4200;
	s28 =	simm.s32 $0xC200  }
0x5: {  	s4 =	sand.u32 $0x1, s1;
	s19 =	sshll.u32 s7, $0x1;
	s7 =	sshrl.u32 s7, $0x1  }
0x6: {  	s1 =	simm.s32 $0x0;
	s21 =	sadd.s32 $0x1000, s2;
	s22 =	sadd.s32 $0x2000, s2  }
0x7: {  	s24 =	sadd.s32 $0x3000, s2;
	s6 =	sor.u32 s4, s19;
	s9 =	smul.u32 $0xC3800, s7  }
0x8: {  	[smem:$0x7FF] =	sst s1;
	s7 =	sshll.u32 s7, $0x11;
	s4 =	ssub.s32 $0x2, s4  }
0x9: {  	s8 =	sshll.u32 s6, $0x8;
	s12 =	sshrl.u32 s4, $0x1;
	s31 =	sshll.u32 s6, $0xE  }
0xa: {  	s8 =	sand.u32 $0x300, s8;
	s4 =	ssub.s32 s4, s12;
	s12 =	sor.u32 $0x1800, s31  }
0xb: {  	s14 =	sor.u32 $0x2000, s31;
	s16 =	sor.u32 $0x2800, s31;
	s18 =	sadd.s32 s3, s31  }
0xc: {  	s19 =	sadd.s32 s5, s31;
	s10 =	sor.u32 s9, s8;
	[dreg:$0x1c] =	wrdreg s18  }
0xd: {  	s11 =	sor.u32 s7, s8;
	s15 =	sadd.s32 s3, s14;
	[dreg:$0x1d] =	wrdreg s19  }
0xe: {  	s17 =	sadd.s32 s3, s16;
	s10 =	sshrl.u32 s10, $0x3;
	[dreg:$0x18] =	wrdreg s15  }
0xf: {  	s11 =	sshrl.u32 s11, $0x3;
	[dreg:$0x1a] =	wrdreg s17;
	s10 =	sadd.s32 s0, s10  }
0x10: {  	s8 =	sor.u32 $0x80, s8;
	s20 =	sadd.s32 s2, s11;
	[dreg:$0x8] =	wrdreg s10  }
0x11: {  	s19 =	simm.s32 $0x200;
	s13 =	sadd.s32 s11, s21;
	[dreg:$0x9] =	wrdreg s20  }
0x12: {  	s18 =	simm.s32 $0x17A00;
	s23 =	sadd.s32 s11, s22;
	[dreg:$0xa] =	wrdreg s13  }
0x13: {  	s7 =	sor.u32 s7, s8;
	s25 =	sadd.s32 s11, s24;
	[dreg:$0xb] =	wrdreg s23  }
0x14: {  	s9 =	sor.u32 s9, s8;
	s26 =	sshrl.u32 s7, $0x3;
	[dreg:$0xc] =	wrdreg s25  }
0x15: {  	s9 =	sshrl.u32 s9, $0x3;
	s7 =	sadd.s32 s26, s22;
	s22 =	rddreg [dreg:$0x1]  }
0x16: {  	s8 =	sor.u32 $0x800, s31;
	s0 =	sadd.s32 s0, s9;
	s25 =	rddreg [dreg:$0x2]  }
0x17: {  	s15 =	simm.s32 $0x16200;
	s2 =	sadd.s32 s2, s26;
	[dreg:$0xd] =	wrdreg s0  }
0x18: {  	s17 =	simm.s32 $0x17200;
	s30 =	sadd.s32 s26, s21;
	[dreg:$0xe] =	wrdreg s2  }
0x19: {  	s9 =	sadd.s32 s3, s8;
	s10 =	sor.u32 $0x1000, s31;
	[dreg:$0xf] =	wrdreg s30  }
0x1a: {  	s13 =	sadd.s32 s3, s12;
	s20 =	sor.u32 $0x3000, s31;
	[dreg:$0x10] =	wrdreg s7  }
0x1b: {  	s0 =	sadd.s32 s26, s24;
	[dreg:$0x12] =	wrdreg s9;
	s11 =	sadd.s32 s3, s10  }
0x1c: {  	[dreg:$0x16] =	wrdreg s13;
	s2 =	sor.u32 $0x3800, s31;
	s21 =	sadd.s32 s3, s20  }
0x1d: {  	s24 =	rddreg [dreg:$0x3];
	s30 =	sshll.u32 s6, $0x6;
	s31 =	smax.u32 s4, $0x1  }
0x1e: {  	s4 =	simm.s32 $0x3;
	s6 =	simm.s32 $0x1C700;
	[dreg:$0x11] =	wrdreg s0  }
0x1f: {  	s7 =	simm.s32 $0x0;
	s13 =	simm.s32 $0x8200;
	[dreg:$0x14] =	wrdreg s11  }
0x20: {  	s9 =	simm.s32 $0x13200;
	s0 =	sadd.s32 s5, s8;
	[dreg:$0x1e] =	wrdreg s21  }
0x21: {  	s23 =	sadd.s32 s3, s2;
	s26 =	sadd.s32 s5, s2;
	[dreg:$0x13] =	wrdreg s0  }
0x22: {  	s2 =	simm.s32 $0x80;
	s3 =	simm.s32 $0x400;
	[smem:$0x7FA] =	sst s23  }
0x23: {  	s8 =	simm.s32 $0x2;
	s0 =	sadd.s32 s5, s10;
	[smem:$0x7FB] =	sst s26  }
0x24: {  	s21 =	simm.s32 $0x10200;
	[dreg:$0x15] =	wrdreg s0;
	s0 =	sadd.s32 s5, s12  }
0x25: {  	s11 =	simm.s32 $0x14A00;
	[dreg:$0x17] =	wrdreg s0;
	s0 =	sadd.s32 s5, s14  }
0x26: {  	s10 =	simm.s32 $0x13A00;
	[dreg:$0x19] =	wrdreg s0;
	s0 =	sadd.s32 s5, s16  }
0x27: {  	s12 =	simm.s32 $0x15200;
	[dreg:$0x1b] =	wrdreg s0;
	s0 =	sadd.s32 s5, s20  }
0x28: {  	v2 =	vlaneseq.u32;
	s14 =	simm.s32 $0x15A00;
	[dreg:$0x1f] =	wrdreg s0;
	s0 =	sadd.s32 s24, s30  }
0x29: {  	vm0 =	vmmov $0xffff;
	v1 =	vshrl.u32 v2, $0x3;
	s16 =	simm.s32 $0x16A00;
	_ =	strace $0x80000047;
	[smem:$0x7FC] =	sst s0  }
0x2a: {  	v0 =	vand.u32 $0x7, v2;
	v2 =	vor.u32 $0x8, v2;
	v1 =	vmul.u32 $0x8, v1;
	s5 =	simm.s32 $0x1;
	s20 =	simm.s32 $0x14200;
	[smem:$0x7FD] =	sst s31  }
.LBB2_1:
0x2b: {  	[smem:$0x7F9] =	sst s7  }
0x2c: {  	s0 =	rddreg [dreg:$0x8]  }
0x2d: {  	[tilespmem:s1], [sflag:$0x1] =	stream.strided.gather [hbm4b:s0+s2], $0x18700, s3, s2, $0x38;
	[tilespmem:$0x1E700] =	vst v63  }
0x2e: {  	s31 =	rddreg [dreg:$0x3];
	s26 =	simm.s32 $0x18700  }
0x2f: {  	[tilespmem:s26], [sflag:$0x3] =	stream.linear.gather [hbm4b:s31+s1], $0x4000, $0x38;
	[tilespmem:$0x1E700] =	vst v63  }
0x30: {  	_ =	swait.ge [sflag:s4], $0x4000  }
0x31: {  	[sflag:s4] =	ssyncset.done $0x0  }
0x32: {  	[sflag:s4] =	ssyncadd.s32 $0xFFFFC000  }
0x33: {  	_ =	swait.ge [sflag:s5], $0x18700  }
0x34: {  	[sflag:s5] =	ssyncset.done $0x0  }
0x35: {  	s30 =	simm.s32 $0x0;
	[sflag:s5] =	ssyncadd.s32 $0xFFFE7900  }
0x36: {  	v3 =	vld [tilespmem:s30+$0x187F0]  }
0x37: {  	v4 =	vld [tilespmem:s30+$0x18700]  }
0x38: {  	v5 =	vld [tilespmem:s30+$0x18710]  }
0x39: {  	v6 =	vld [tilespmem:s30+$0x18720]  }
0x3a: {  	v7 =	vld [tilespmem:s30+$0x18730]  }
0x3b: {  	v8 =	vld [tilespmem:s30+$0x18740]  }
0x3c: {  	v9 =	vld [tilespmem:s30+$0x18750]  }
0x3d: {  	v10 =	vld [tilespmem:s30+$0x18760]  }
0x3e: {  	v11 =	vld [tilespmem:s30+$0x18770]  }
0x3f: {  	v12 =	vld [tilespmem:s30+$0x18780]  }
0x40: {  	v13 =	vld [tilespmem:s30+$0x18790]  }
0x41: {  	v14 =	vld [tilespmem:s30+$0x187A0]  }
0x42: {  	v15 =	vld [tilespmem:s30+$0x187B0]  }
0x43: {  	v16 =	vld [tilespmem:s30+$0x187C0]  }
0x44: {  	v17 =	vld [tilespmem:s30+$0x187D0]  }
0x45: {  	v18 =	vld [tilespmem:s30+$0x187E0]  }
0x46: {  	v3 =	vld.idx.msk [tilespmem:v3+s1+$0x0], $0xffff  }
0x47: {  	v4 =	vld.idx.msk [tilespmem:v4+s1+$0x0], $0xffff  }
0x48: {  	v5 =	vld.idx.msk [tilespmem:v5+s1+$0x0], $0xffff  }
0x49: {  	v6 =	vld.idx.msk [tilespmem:v6+s1+$0x0], $0xffff  }
0x4a: {  	v7 =	vld.idx.msk [tilespmem:v7+s1+$0x0], $0xffff  }
0x4b: {  	v8 =	vld.idx.msk [tilespmem:v8+s1+$0x0], $0xffff  }
0x4c: {  	v9 =	vld.idx.msk [tilespmem:v9+s1+$0x0], $0xffff;
	[tilespmem:s30+$0x1C7F0] =	vst v3  }
0x4d: {  	v10 =	vld.idx.msk [tilespmem:v10+s1+$0x0], $0xffff;
	[tilespmem:s30+$0x1C700] =	vst v4  }
0x4e: {  	v11 =	vld.idx.msk [tilespmem:v11+s1+$0x0], $0xffff;
	[tilespmem:s30+$0x1C710] =	vst v5  }
0x4f: {  	v12 =	vld.idx.msk [tilespmem:v12+s1+$0x0], $0xffff;
	[tilespmem:s30+$0x1C720] =	vst v6  }
0x50: {  	[tilespmem:s30+$0x1C730] =	vst v7;
	v3 =	vld.idx.msk [tilespmem:v13+s1+$0x0], $0xffff  }
0x51: {  	[tilespmem:s30+$0x1C740] =	vst v8;
	v4 =	vld.idx.msk [tilespmem:v14+s1+$0x0], $0xffff  }
0x52: {  	[tilespmem:s30+$0x1C750] =	vst v9;
	v5 =	vld.idx.msk [tilespmem:v15+s1+$0x0], $0xffff  }
0x53: {  	[tilespmem:s30+$0x1C760] =	vst v10;
	v6 =	vld.idx.msk [tilespmem:v16+s1+$0x0], $0xffff  }
0x54: {  	[tilespmem:s30+$0x1C770] =	vst v11;
	v7 =	vld.idx.msk [tilespmem:v17+s1+$0x0], $0xffff  }
0x55: {  	s0 =	simm.s32 $0x100;
	s26 =	simm.s32 $0x800;
	[tilespmem:s30+$0x1C780] =	vst v12;
	v8 =	vld.idx.msk [tilespmem:v18+s1+$0x0], $0xffff  }
.LBB2_2:
0x56: {  	p0 =	sne.s32 s26, $0x3C00;
	v9 =	vld [tilespmem:s0+$0x187F0];
	[tilespmem:s30+$0x1C790] =	vst v3  }
0x57: {  	v3 =	vld [tilespmem:s0+$0x18700];
	[tilespmem:s30+$0x1C7A0] =	vst v4  }
0x58: {  	v4 =	vld [tilespmem:s0+$0x18710];
	[tilespmem:s30+$0x1C7B0] =	vst v5  }
0x59: {  	v5 =	vld [tilespmem:s0+$0x18720];
	[tilespmem:s30+$0x1C7C0] =	vst v6  }
0x5a: {  	v6 =	vld [tilespmem:s0+$0x18730];
	[tilespmem:s30+$0x1C7D0] =	vst v7  }
0x5b: {  	v7 =	vld [tilespmem:s0+$0x18740];
	[tilespmem:s30+$0x1C7E0] =	vst v8;
	s30 =	smov.u32 s0  }
0x5c: {  	v8 =	vld [tilespmem:s30+$0x18750]  }
0x5d: {  	v10 =	vld [tilespmem:s30+$0x18760]  }
0x5e: {  	v9 =	vld.idx.msk [tilespmem:v9+s1+$0x0], $0xffff  }
0x5f: {  	v11 =	vld [tilespmem:s30+$0x18770]  }
0x60: {  	v12 =	vld [tilespmem:s30+$0x18780]  }
0x61: {  	v13 =	vld [tilespmem:s30+$0x18790]  }
0x62: {  	v14 =	vld [tilespmem:s30+$0x187A0]  }
0x63: {  	v15 =	vld [tilespmem:s30+$0x187B0]  }
0x64: {  	v16 =	vld [tilespmem:s30+$0x187C0];
	[tilespmem:s30+$0x1C7F0] =	vst v9  }
0x65: {  	v9 =	vld [tilespmem:s30+$0x187D0]  }
0x66: {  	v17 =	vld [tilespmem:s30+$0x187E0]  }
0x67: {  	v3 =	vld.idx.msk [tilespmem:v3+s1+$0x0], $0xffff  }
0x68: {  	v4 =	vld.idx.msk [tilespmem:v4+s1+$0x0], $0xffff  }
0x69: {  	v5 =	vld.idx.msk [tilespmem:v5+s1+$0x0], $0xffff  }
0x6a: {  	v6 =	vld.idx.msk [tilespmem:v6+s1+$0x0], $0xffff  }
0x6b: {  	v7 =	vld.idx.msk [tilespmem:v7+s1+$0x0], $0xffff  }
0x6c: {  	v8 =	vld.idx.msk [tilespmem:v8+s1+$0x0], $0xffff  }
0x6d: {  	[tilespmem:s30+$0x1C700] =	vst v3;
	v10 =	vld.idx.msk [tilespmem:v10+s1+$0x0], $0xffff  }
0x6e: {  	[tilespmem:s30+$0x1C710] =	vst v4;
	v11 =	vld.idx.msk [tilespmem:v11+s1+$0x0], $0xffff  }
0x6f: {  	[tilespmem:s30+$0x1C720] =	vst v5;
	v12 =	vld.idx.msk [tilespmem:v12+s1+$0x0], $0xffff  }
0x70: {  	[tilespmem:s30+$0x1C730] =	vst v6;
	v3 =	vld.idx.msk [tilespmem:v13+s1+$0x0], $0xffff  }
.Ltmp0:
0x71: {  	[tilespmem:s30+$0x1C740] =	vst v7;
	v4 =	vld.idx.msk [tilespmem:v14+s1+$0x0], $0xffff;
	(pc) =	sbr.rel @p0 .LBB2_2-.Ltmp0, $4  }
0x72: {  	[tilespmem:s30+$0x1C750] =	vst v8;
	v5 =	vld.idx.msk [tilespmem:v15+s1+$0x0], $0xffff  }
0x73: {  	[tilespmem:s30+$0x1C760] =	vst v10;
	v6 =	vld.idx.msk [tilespmem:v16+s1+$0x0], $0xffff  }
0x74: {  	[tilespmem:s30+$0x1C770] =	vst v11;
	v7 =	vld.idx.msk [tilespmem:v9+s1+$0x0], $0xffff  }
0x75: {  	s0 =	sshra.s32 s26, $0x2;
	s26 =	sadd.s32 $0x400, s26;
	[tilespmem:s30+$0x1C780] =	vst v12;
	v8 =	vld.idx.msk [tilespmem:v17+s1+$0x0], $0xffff  }
0x76: {  	v9 =	vld [tilespmem:s0+$0x187F0]  }
0x77: {  	v10 =	vld [tilespmem:s0+$0x18700]  }
0x78: {  	v11 =	vld [tilespmem:s0+$0x18710]  }
0x79: {  	v12 =	vld [tilespmem:s0+$0x18720]  }
0x7a: {  	v13 =	vld [tilespmem:s0+$0x18730]  }
0x7b: {  	v14 =	vld [tilespmem:s0+$0x18740]  }
0x7c: {  	v15 =	vld [tilespmem:s0+$0x18750]  }
0x7d: {  	v16 =	vld [tilespmem:s0+$0x18760]  }
0x7e: {  	v17 =	vld [tilespmem:s0+$0x18770]  }
0x7f: {  	v18 =	vld [tilespmem:s0+$0x18780]  }
0x80: {  	v19 =	vld [tilespmem:s0+$0x18790]  }
0x81: {  	v20 =	vld [tilespmem:s0+$0x187A0]  }
0x82: {  	v21 =	vld [tilespmem:s0+$0x187B0]  }
0x83: {  	v22 =	vld [tilespmem:s0+$0x187C0]  }
0x84: {  	[tilespmem:s30+$0x1C790] =	vst v3;
	v3 =	vld [tilespmem:s0+$0x187D0]  }
0x85: {  	[tilespmem:s30+$0x1C7A0] =	vst v4;
	v4 =	vld [tilespmem:s0+$0x187E0]  }
0x86: {  	v9 =	vld.idx.msk [tilespmem:v9+s1+$0x0], $0xffff  }
0x87: {  	[tilespmem:s30+$0x1C7B0] =	vst v5;
	v5 =	vld.idx.msk [tilespmem:v10+s1+$0x0], $0xffff  }
0x88: {  	[tilespmem:s30+$0x1C7C0] =	vst v6;
	v6 =	vld.idx.msk [tilespmem:v11+s1+$0x0], $0xffff  }
0x89: {  	[tilespmem:s30+$0x1C7D0] =	vst v7;
	v7 =	vld.idx.msk [tilespmem:v12+s1+$0x0], $0xffff  }
0x8a: {  	[tilespmem:s30+$0x1C7E0] =	vst v8;
	v8 =	vld.idx.msk [tilespmem:v13+s1+$0x0], $0xffff  }
0x8b: {  	v10 =	vld.idx.msk [tilespmem:v15+s1+$0x0], $0xffff;
	[tilespmem:s0+$0x1C7F0] =	vst v9  }
0x8c: {  	v3 =	vld.idx.msk [tilespmem:v3+s1+$0x0], $0xffff;
	[tilespmem:s0+$0x1C700] =	vst v5  }
0x8d: {  	v4 =	vld.idx.msk [tilespmem:v4+s1+$0x0], $0xffff;
	[tilespmem:s0+$0x1C710] =	vst v6  }
0x8e: {  	v9 =	vld.idx.msk [tilespmem:v14+s1+$0x0], $0xffff;
	[tilespmem:s0+$0x1C720] =	vst v7  }
0x8f: {  	v5 =	vld.idx.msk [tilespmem:v16+s1+$0x0], $0xffff;
	[tilespmem:s0+$0x1C730] =	vst v8  }
0x90: {  	v6 =	vld.idx.msk [tilespmem:v17+s1+$0x0], $0xffff;
	[tilespmem:s0+$0x1C750] =	vst v10  }
0x91: {  	v7 =	vld.idx.msk [tilespmem:v18+s1+$0x0], $0xffff;
	[tilespmem:s0+$0x1C7D0] =	vst v3  }
0x92: {  	v8 =	vld.idx.msk [tilespmem:v19+s1+$0x0], $0xffff;
	[tilespmem:s0+$0x1C7E0] =	vst v4  }
0x93: {  	v10 =	vld.idx.msk [tilespmem:v21+s1+$0x0], $0xffff;
	[tilespmem:s0+$0x1C740] =	vst v9  }
0x94: {  	v9 =	vld.idx.msk [tilespmem:v20+s1+$0x0], $0xffff;
	[tilespmem:s0+$0x1C760] =	vst v5  }
0x95: {  	v5 =	vld.idx.msk [tilespmem:v22+s1+$0x0], $0xffff;
	[tilespmem:s0+$0x1C770] =	vst v6  }
0x96: {  	[tilespmem:s0+$0x1C780] =	vst v7  }
0x97: {  	[tilespmem:s0+$0x1C790] =	vst v8  }
0x98: {  	[tilespmem:s0+$0x1C7B0] =	vst v10  }
0x99: {  	[tilespmem:s0+$0x1C7A0] =	vst v9  }
0x9a: {  	s31 =	rddreg [dreg:$0x9];
	s30 =	simm.s32 $0x0;
	[tilespmem:s0+$0x1C7C0] =	vst v5  }
0x9b: {  	[hbm4b:s31+s2] =	stream.strided.scatter [tilespmem:s6], [sflag:$0x2], $0x1000, s3, s2, $0x38;
	[tilespmem:$0x1E700] =	vst v63  }
0x9c: {  	v3 =	vld [tilespmem:s30+$0x197F0]  }
0x9d: {  	v4 =	vld [tilespmem:s30+$0x19700]  }
0x9e: {  	v5 =	vld [tilespmem:s30+$0x19710]  }
0x9f: {  	v6 =	vld [tilespmem:s30+$0x19720]  }
0xa0: {  	v7 =	vld [tilespmem:s30+$0x19730]  }
0xa1: {  	v8 =	vld [tilespmem:s30+$0x19740]  }
0xa2: {  	v9 =	vld [tilespmem:s30+$0x19750]  }
0xa3: {  	v10 =	vld [tilespmem:s30+$0x19760]  }
0xa4: {  	v11 =	vld [tilespmem:s30+$0x19770]  }
0xa5: {  	v57 =	vld [tilespmem:s30+$0x19780]  }
0xa6: {  	v58 =	vld [tilespmem:s30+$0x19790]  }
0xa7: {  	v59 =	vld [tilespmem:s30+$0x197A0]  }
0xa8: {  	v60 =	vld [tilespmem:s30+$0x197B0]  }
0xa9: {  	v61 =	vld [tilespmem:s30+$0x197C0]  }
0xaa: {  	v62 =	vld [tilespmem:s30+$0x197D0]  }
0xab: {  	v63 =	vld [tilespmem:s30+$0x197E0]  }
0xac: {  	v3 =	vld.idx.msk [tilespmem:v3+s1+$0x0], $0xffff  }
0xad: {  	v4 =	vld.idx.msk [tilespmem:v4+s1+$0x0], $0xffff  }
0xae: {  	v5 =	vld.idx.msk [tilespmem:v5+s1+$0x0], $0xffff  }
0xaf: {  	v6 =	vld.idx.msk [tilespmem:v6+s1+$0x0], $0xffff  }
0xb0: {  	v7 =	vld.idx.msk [tilespmem:v7+s1+$0x0], $0xffff  }
0xb1: {  	v8 =	vld.idx.msk [tilespmem:v8+s1+$0x0], $0xffff  }
0xb2: {  	v9 =	vld.idx.msk [tilespmem:v9+s1+$0x0], $0xffff;
	[tilespmem:s30+$0x1D7F0] =	vst v3  }
0xb3: {  	v10 =	vld.idx.msk [tilespmem:v10+s1+$0x0], $0xffff;
	[tilespmem:s30+$0x1D700] =	vst v4  }
0xb4: {  	v11 =	vld.idx.msk [tilespmem:v11+s1+$0x0], $0xffff;
	[tilespmem:s30+$0x1D710] =	vst v5  }
0xb5: {  	v12 =	vld.idx.msk [tilespmem:v57+s1+$0x0], $0xffff;
	[tilespmem:s30+$0x1D720] =	vst v6  }
0xb6: {  	[tilespmem:s30+$0x1D730] =	vst v7;
	v3 =	vld.idx.msk [tilespmem:v58+s1+$0x0], $0xffff  }
0xb7: {  	[tilespmem:s30+$0x1D740] =	vst v8;
	v4 =	vld.idx.msk [tilespmem:v59+s1+$0x0], $0xffff  }
0xb8: {  	[tilespmem:s30+$0x1D750] =	vst v9;
	v5 =	vld.idx.msk [tilespmem:v60+s1+$0x0], $0xffff  }
0xb9: {  	[tilespmem:s30+$0x1D760] =	vst v10;
	v6 =	vld.idx.msk [tilespmem:v61+s1+$0x0], $0xffff  }
0xba: {  	[tilespmem:s30+$0x1D770] =	vst v11;
	v7 =	vld.idx.msk [tilespmem:v62+s1+$0x0], $0xffff  }
0xbb: {  	s26 =	simm.s32 $0x800;
	s7 =	simm.s32 $0x1D700;
	s0 =	simm.s32 $0x100;
	[tilespmem:s30+$0x1D780] =	vst v12;
	v8 =	vld.idx.msk [tilespmem:v63+s1+$0x0], $0xffff  }
.LBB2_4:
0xbc: {  	p0 =	sne.s32 s26, $0x3C00;
	v9 =	vld [tilespmem:s0+$0x197F0];
	[tilespmem:s30+$0x1D790] =	vst v3  }
0xbd: {  	v3 =	vld [tilespmem:s0+$0x19700];
	[tilespmem:s30+$0x1D7A0] =	vst v4  }
0xbe: {  	v4 =	vld [tilespmem:s0+$0x19710];
	[tilespmem:s30+$0x1D7B0] =	vst v5  }
0xbf: {  	v5 =	vld [tilespmem:s0+$0x19720];
	[tilespmem:s30+$0x1D7C0] =	vst v6  }
0xc0: {  	v6 =	vld [tilespmem:s0+$0x19730];
	[tilespmem:s30+$0x1D7D0] =	vst v7  }
0xc1: {  	v7 =	vld [tilespmem:s0+$0x19740];
	[tilespmem:s30+$0x1D7E0] =	vst v8;
	s30 =	smov.u32 s0  }
0xc2: {  	v8 =	vld [tilespmem:s30+$0x19750]  }
0xc3: {  	v10 =	vld [tilespmem:s30+$0x19760]  }
0xc4: {  	v9 =	vld.idx.msk [tilespmem:v9+s1+$0x0], $0xffff  }
0xc5: {  	v11 =	vld [tilespmem:s30+$0x19770]  }
0xc6: {  	v12 =	vld [tilespmem:s30+$0x19780]  }
0xc7: {  	v13 =	vld [tilespmem:s30+$0x19790]  }
0xc8: {  	v14 =	vld [tilespmem:s30+$0x197A0]  }
0xc9: {  	v15 =	vld [tilespmem:s30+$0x197B0]  }
0xca: {  	v16 =	vld [tilespmem:s30+$0x197C0];
	[tilespmem:s30+$0x1D7F0] =	vst v9  }
0xcb: {  	v9 =	vld [tilespmem:s30+$0x197D0]  }
0xcc: {  	v17 =	vld [tilespmem:s30+$0x197E0]  }
0xcd: {  	v3 =	vld.idx.msk [tilespmem:v3+s1+$0x0], $0xffff  }
0xce: {  	v4 =	vld.idx.msk [tilespmem:v4+s1+$0x0], $0xffff  }
0xcf: {  	v5 =	vld.idx.msk [tilespmem:v5+s1+$0x0], $0xffff  }
0xd0: {  	v6 =	vld.idx.msk [tilespmem:v6+s1+$0x0], $0xffff  }
0xd1: {  	v7 =	vld.idx.msk [tilespmem:v7+s1+$0x0], $0xffff  }
0xd2: {  	v8 =	vld.idx.msk [tilespmem:v8+s1+$0x0], $0xffff  }
0xd3: {  	[tilespmem:s30+$0x1D700] =	vst v3;
	v10 =	vld.idx.msk [tilespmem:v10+s1+$0x0], $0xffff  }
0xd4: {  	[tilespmem:s30+$0x1D710] =	vst v4;
	v11 =	vld.idx.msk [tilespmem:v11+s1+$0x0], $0xffff  }
0xd5: {  	[tilespmem:s30+$0x1D720] =	vst v5;
	v12 =	vld.idx.msk [tilespmem:v12+s1+$0x0], $0xffff  }
0xd6: {  	[tilespmem:s30+$0x1D730] =	vst v6;
	v3 =	vld.idx.msk [tilespmem:v13+s1+$0x0], $0xffff  }
.Ltmp1:
0xd7: {  	[tilespmem:s30+$0x1D740] =	vst v7;
	v4 =	vld.idx.msk [tilespmem:v14+s1+$0x0], $0xffff;
	(pc) =	sbr.rel @p0 .LBB2_4-.Ltmp1, $4  }
0xd8: {  	[tilespmem:s30+$0x1D750] =	vst v8;
	v5 =	vld.idx.msk [tilespmem:v15+s1+$0x0], $0xffff  }
0xd9: {  	[tilespmem:s30+$0x1D760] =	vst v10;
	v6 =	vld.idx.msk [tilespmem:v16+s1+$0x0], $0xffff  }
0xda: {  	[tilespmem:s30+$0x1D770] =	vst v11;
	v7 =	vld.idx.msk [tilespmem:v9+s1+$0x0], $0xffff  }
0xdb: {  	s0 =	sshra.s32 s26, $0x2;
	s26 =	sadd.s32 $0x400, s26;
	[tilespmem:s30+$0x1D780] =	vst v12;
	v8 =	vld.idx.msk [tilespmem:v17+s1+$0x0], $0xffff  }
0xdc: {  	v9 =	vld [tilespmem:s0+$0x197F0]  }
0xdd: {  	v10 =	vld [tilespmem:s0+$0x19700]  }
0xde: {  	v11 =	vld [tilespmem:s0+$0x19710]  }
0xdf: {  	v12 =	vld [tilespmem:s0+$0x19720]  }
0xe0: {  	v13 =	vld [tilespmem:s0+$0x19730]  }
0xe1: {  	v14 =	vld [tilespmem:s0+$0x19740]  }
0xe2: {  	v15 =	vld [tilespmem:s0+$0x19750]  }
0xe3: {  	v16 =	vld [tilespmem:s0+$0x19760]  }
0xe4: {  	v17 =	vld [tilespmem:s0+$0x19770]  }
0xe5: {  	v18 =	vld [tilespmem:s0+$0x19780]  }
0xe6: {  	v19 =	vld [tilespmem:s0+$0x19790]  }
0xe7: {  	v20 =	vld [tilespmem:s0+$0x197A0]  }
0xe8: {  	v21 =	vld [tilespmem:s0+$0x197B0]  }
0xe9: {  	v22 =	vld [tilespmem:s0+$0x197C0]  }
0xea: {  	[tilespmem:s30+$0x1D790] =	vst v3;
	v3 =	vld [tilespmem:s0+$0x197D0]  }
0xeb: {  	[tilespmem:s30+$0x1D7A0] =	vst v4;
	v4 =	vld [tilespmem:s0+$0x197E0]  }
0xec: {  	v9 =	vld.idx.msk [tilespmem:v9+s1+$0x0], $0xffff  }
0xed: {  	[tilespmem:s30+$0x1D7B0] =	vst v5;
	v5 =	vld.idx.msk [tilespmem:v10+s1+$0x0], $0xffff  }
0xee: {  	[tilespmem:s30+$0x1D7C0] =	vst v6;
	v6 =	vld.idx.msk [tilespmem:v11+s1+$0x0], $0xffff  }
0xef: {  	[tilespmem:s30+$0x1D7D0] =	vst v7;
	v7 =	vld.idx.msk [tilespmem:v12+s1+$0x0], $0xffff  }
0xf0: {  	[tilespmem:s30+$0x1D7E0] =	vst v8;
	v8 =	vld.idx.msk [tilespmem:v13+s1+$0x0], $0xffff  }
0xf1: {  	v10 =	vld.idx.msk [tilespmem:v15+s1+$0x0], $0xffff;
	[tilespmem:s0+$0x1D7F0] =	vst v9  }
0xf2: {  	v3 =	vld.idx.msk [tilespmem:v3+s1+$0x0], $0xffff;
	[tilespmem:s0+$0x1D700] =	vst v5  }
0xf3: {  	v4 =	vld.idx.msk [tilespmem:v4+s1+$0x0], $0xffff;
	[tilespmem:s0+$0x1D710] =	vst v6  }
0xf4: {  	v9 =	vld.idx.msk [tilespmem:v14+s1+$0x0], $0xffff;
	[tilespmem:s0+$0x1D720] =	vst v7  }
0xf5: {  	v5 =	vld.idx.msk [tilespmem:v16+s1+$0x0], $0xffff;
	[tilespmem:s0+$0x1D730] =	vst v8  }
0xf6: {  	v6 =	vld.idx.msk [tilespmem:v17+s1+$0x0], $0xffff;
	[tilespmem:s0+$0x1D750] =	vst v10  }
0xf7: {  	v7 =	vld.idx.msk [tilespmem:v18+s1+$0x0], $0xffff;
	[tilespmem:s0+$0x1D7D0] =	vst v3  }
0xf8: {  	v8 =	vld.idx.msk [tilespmem:v19+s1+$0x0], $0xffff;
	[tilespmem:s0+$0x1D7E0] =	vst v4  }
0xf9: {  	v10 =	vld.idx.msk [tilespmem:v21+s1+$0x0], $0xffff;
	[tilespmem:s0+$0x1D740] =	vst v9  }
0xfa: {  	v9 =	vld.idx.msk [tilespmem:v20+s1+$0x0], $0xffff;
	[tilespmem:s0+$0x1D760] =	vst v5  }
0xfb: {  	v5 =	vld.idx.msk [tilespmem:v22+s1+$0x0], $0xffff;
	[tilespmem:s0+$0x1D770] =	vst v6  }
0xfc: {  	[tilespmem:s0+$0x1D780] =	vst v7  }
0xfd: {  	[tilespmem:s0+$0x1D790] =	vst v8  }
0xfe: {  	[tilespmem:s0+$0x1D7B0] =	vst v10  }
0xff: {  	[tilespmem:s0+$0x1D7A0] =	vst v9  }
0x100: {  	s31 =	rddreg [dreg:$0xa];
	[tilespmem:s0+$0x1D7C0] =	vst v5  }
0x101: {  	[hbm4b:s31+s2] =	stream.strided.scatter [tilespmem:s7], [sflag:$0x2], $0x1000, s3, s2, $0x38;
	[tilespmem:$0x1E700] =	vst v63  }
0x102: {  	_ =	swait.ge [sflag:s8], $0x1000  }
0x103: {  	[sflag:s8] =	ssyncset.done $0x0  }
0x104: {  	s30 =	simm.s32 $0x0;
	[sflag:s8] =	ssyncadd.s32 $0xFFFFF000  }
0x105: {  	v3 =	vld [tilespmem:s30+$0x1A7F0]  }
0x106: {  	v4 =	vld [tilespmem:s30+$0x1A700]  }
0x107: {  	v5 =	vld [tilespmem:s30+$0x1A710]  }
0x108: {  	v6 =	vld [tilespmem:s30+$0x1A720]  }
0x109: {  	v7 =	vld [tilespmem:s30+$0x1A730]  }
0x10a: {  	v8 =	vld [tilespmem:s30+$0x1A740]  }
0x10b: {  	v9 =	vld [tilespmem:s30+$0x1A750]  }
0x10c: {  	v10 =	vld [tilespmem:s30+$0x1A760]  }
0x10d: {  	v11 =	vld [tilespmem:s30+$0x1A770]  }
0x10e: {  	v57 =	vld [tilespmem:s30+$0x1A780]  }
0x10f: {  	v58 =	vld [tilespmem:s30+$0x1A790]  }
0x110: {  	v59 =	vld [tilespmem:s30+$0x1A7A0]  }
0x111: {  	v60 =	vld [tilespmem:s30+$0x1A7B0]  }
0x112: {  	v61 =	vld [tilespmem:s30+$0x1A7C0]  }
0x113: {  	v62 =	vld [tilespmem:s30+$0x1A7D0]  }
0x114: {  	v63 =	vld [tilespmem:s30+$0x1A7E0]  }
0x115: {  	v3 =	vld.idx.msk [tilespmem:v3+s1+$0x0], $0xffff  }
0x116: {  	v4 =	vld.idx.msk [tilespmem:v4+s1+$0x0], $0xffff  }
0x117: {  	v5 =	vld.idx.msk [tilespmem:v5+s1+$0x0], $0xffff  }
0x118: {  	v6 =	vld.idx.msk [tilespmem:v6+s1+$0x0], $0xffff  }
0x119: {  	v7 =	vld.idx.msk [tilespmem:v7+s1+$0x0], $0xffff  }
0x11a: {  	v8 =	vld.idx.msk [tilespmem:v8+s1+$0x0], $0xffff  }
0x11b: {  	v9 =	vld.idx.msk [tilespmem:v9+s1+$0x0], $0xffff;
	[tilespmem:s30+$0x1C7F0] =	vst v3  }
0x11c: {  	v10 =	vld.idx.msk [tilespmem:v10+s1+$0x0], $0xffff;
	[tilespmem:s30+$0x1C700] =	vst v4  }
0x11d: {  	v11 =	vld.idx.msk [tilespmem:v11+s1+$0x0], $0xffff;
	[tilespmem:s30+$0x1C710] =	vst v5  }
0x11e: {  	v12 =	vld.idx.msk [tilespmem:v57+s1+$0x0], $0xffff;
	[tilespmem:s30+$0x1C720] =	vst v6  }
0x11f: {  	[tilespmem:s30+$0x1C730] =	vst v7;
	v3 =	vld.idx.msk [tilespmem:v58+s1+$0x0], $0xffff  }
0x120: {  	[tilespmem:s30+$0x1C740] =	vst v8;
	v4 =	vld.idx.msk [tilespmem:v59+s1+$0x0], $0xffff  }
0x121: {  	[tilespmem:s30+$0x1C750] =	vst v9;
	v5 =	vld.idx.msk [tilespmem:v60+s1+$0x0], $0xffff  }
0x122: {  	[tilespmem:s30+$0x1C760] =	vst v10;
	v6 =	vld.idx.msk [tilespmem:v61+s1+$0x0], $0xffff  }
0x123: {  	[tilespmem:s30+$0x1C770] =	vst v11;
	v7 =	vld.idx.msk [tilespmem:v62+s1+$0x0], $0xffff  }
0x124: {  	s26 =	simm.s32 $0x800;
	s0 =	simm.s32 $0x100;
	[tilespmem:s30+$0x1C780] =	vst v12;
	v8 =	vld.idx.msk [tilespmem:v63+s1+$0x0], $0xffff  }
.LBB2_6:
0x125: {  	p0 =	sne.s32 s26, $0x3C00;
	v9 =	vld [tilespmem:s0+$0x1A7F0];
	[tilespmem:s30+$0x1C790] =	vst v3  }
0x126: {  	v3 =	vld [tilespmem:s0+$0x1A700];
	[tilespmem:s30+$0x1C7A0] =	vst v4  }
0x127: {  	v4 =	vld [tilespmem:s0+$0x1A710];
	[tilespmem:s30+$0x1C7B0] =	vst v5  }
0x128: {  	v5 =	vld [tilespmem:s0+$0x1A720];
	[tilespmem:s30+$0x1C7C0] =	vst v6  }
0x129: {  	v6 =	vld [tilespmem:s0+$0x1A730];
	[tilespmem:s30+$0x1C7D0] =	vst v7  }
0x12a: {  	v7 =	vld [tilespmem:s0+$0x1A740];
	[tilespmem:s30+$0x1C7E0] =	vst v8;
	s30 =	smov.u32 s0  }
0x12b: {  	v8 =	vld [tilespmem:s30+$0x1A750]  }
0x12c: {  	v10 =	vld [tilespmem:s30+$0x1A760]  }
0x12d: {  	v9 =	vld.idx.msk [tilespmem:v9+s1+$0x0], $0xffff  }
0x12e: {  	v11 =	vld [tilespmem:s30+$0x1A770]  }
0x12f: {  	v12 =	vld [tilespmem:s30+$0x1A780]  }
0x130: {  	v13 =	vld [tilespmem:s30+$0x1A790]  }
0x131: {  	v14 =	vld [tilespmem:s30+$0x1A7A0]  }
0x132: {  	v15 =	vld [tilespmem:s30+$0x1A7B0]  }
0x133: {  	v16 =	vld [tilespmem:s30+$0x1A7C0];
	[tilespmem:s30+$0x1C7F0] =	vst v9  }
0x134: {  	v9 =	vld [tilespmem:s30+$0x1A7D0]  }
0x135: {  	v17 =	vld [tilespmem:s30+$0x1A7E0]  }
0x136: {  	v3 =	vld.idx.msk [tilespmem:v3+s1+$0x0], $0xffff  }
0x137: {  	v4 =	vld.idx.msk [tilespmem:v4+s1+$0x0], $0xffff  }
0x138: {  	v5 =	vld.idx.msk [tilespmem:v5+s1+$0x0], $0xffff  }
0x139: {  	v6 =	vld.idx.msk [tilespmem:v6+s1+$0x0], $0xffff  }
0x13a: {  	v7 =	vld.idx.msk [tilespmem:v7+s1+$0x0], $0xffff  }
0x13b: {  	v8 =	vld.idx.msk [tilespmem:v8+s1+$0x0], $0xffff  }
0x13c: {  	[tilespmem:s30+$0x1C700] =	vst v3;
	v10 =	vld.idx.msk [tilespmem:v10+s1+$0x0], $0xffff  }
0x13d: {  	[tilespmem:s30+$0x1C710] =	vst v4;
	v11 =	vld.idx.msk [tilespmem:v11+s1+$0x0], $0xffff  }
0x13e: {  	[tilespmem:s30+$0x1C720] =	vst v5;
	v12 =	vld.idx.msk [tilespmem:v12+s1+$0x0], $0xffff  }
0x13f: {  	[tilespmem:s30+$0x1C730] =	vst v6;
	v3 =	vld.idx.msk [tilespmem:v13+s1+$0x0], $0xffff  }
.Ltmp2:
0x140: {  	[tilespmem:s30+$0x1C740] =	vst v7;
	v4 =	vld.idx.msk [tilespmem:v14+s1+$0x0], $0xffff;
	(pc) =	sbr.rel @p0 .LBB2_6-.Ltmp2, $4  }
0x141: {  	[tilespmem:s30+$0x1C750] =	vst v8;
	v5 =	vld.idx.msk [tilespmem:v15+s1+$0x0], $0xffff  }
0x142: {  	[tilespmem:s30+$0x1C760] =	vst v10;
	v6 =	vld.idx.msk [tilespmem:v16+s1+$0x0], $0xffff  }
0x143: {  	[tilespmem:s30+$0x1C770] =	vst v11;
	v7 =	vld.idx.msk [tilespmem:v9+s1+$0x0], $0xffff  }
0x144: {  	s0 =	sshra.s32 s26, $0x2;
	s26 =	sadd.s32 $0x400, s26;
	[tilespmem:s30+$0x1C780] =	vst v12;
	v8 =	vld.idx.msk [tilespmem:v17+s1+$0x0], $0xffff  }
0x145: {  	v9 =	vld [tilespmem:s0+$0x1A7F0]  }
0x146: {  	v10 =	vld [tilespmem:s0+$0x1A700]  }
0x147: {  	v11 =	vld [tilespmem:s0+$0x1A710]  }
0x148: {  	v12 =	vld [tilespmem:s0+$0x1A720]  }
0x149: {  	v13 =	vld [tilespmem:s0+$0x1A730]  }
0x14a: {  	v14 =	vld [tilespmem:s0+$0x1A740]  }
0x14b: {  	v15 =	vld [tilespmem:s0+$0x1A750]  }
0x14c: {  	v16 =	vld [tilespmem:s0+$0x1A760]  }
0x14d: {  	v17 =	vld [tilespmem:s0+$0x1A770]  }
0x14e: {  	v18 =	vld [tilespmem:s0+$0x1A780]  }
0x14f: {  	v19 =	vld [tilespmem:s0+$0x1A790]  }
0x150: {  	v20 =	vld [tilespmem:s0+$0x1A7A0]  }
0x151: {  	v21 =	vld [tilespmem:s0+$0x1A7B0]  }
0x152: {  	v22 =	vld [tilespmem:s0+$0x1A7C0]  }
0x153: {  	[tilespmem:s30+$0x1C790] =	vst v3;
	v3 =	vld [tilespmem:s0+$0x1A7D0]  }
0x154: {  	[tilespmem:s30+$0x1C7A0] =	vst v4;
	v4 =	vld [tilespmem:s0+$0x1A7E0]  }
0x155: {  	v9 =	vld.idx.msk [tilespmem:v9+s1+$0x0], $0xffff  }
0x156: {  	[tilespmem:s30+$0x1C7B0] =	vst v5;
	v5 =	vld.idx.msk [tilespmem:v10+s1+$0x0], $0xffff  }
0x157: {  	[tilespmem:s30+$0x1C7C0] =	vst v6;
	v6 =	vld.idx.msk [tilespmem:v11+s1+$0x0], $0xffff  }
0x158: {  	[tilespmem:s30+$0x1C7D0] =	vst v7;
	v7 =	vld.idx.msk [tilespmem:v12+s1+$0x0], $0xffff  }
0x159: {  	[tilespmem:s30+$0x1C7E0] =	vst v8;
	v8 =	vld.idx.msk [tilespmem:v13+s1+$0x0], $0xffff  }
0x15a: {  	v10 =	vld.idx.msk [tilespmem:v15+s1+$0x0], $0xffff;
	[tilespmem:s0+$0x1C7F0] =	vst v9  }
0x15b: {  	v3 =	vld.idx.msk [tilespmem:v3+s1+$0x0], $0xffff;
	[tilespmem:s0+$0x1C700] =	vst v5  }
0x15c: {  	v4 =	vld.idx.msk [tilespmem:v4+s1+$0x0], $0xffff;
	[tilespmem:s0+$0x1C710] =	vst v6  }
0x15d: {  	v9 =	vld.idx.msk [tilespmem:v14+s1+$0x0], $0xffff;
	[tilespmem:s0+$0x1C720] =	vst v7  }
0x15e: {  	v5 =	vld.idx.msk [tilespmem:v16+s1+$0x0], $0xffff;
	[tilespmem:s0+$0x1C730] =	vst v8  }
0x15f: {  	v6 =	vld.idx.msk [tilespmem:v17+s1+$0x0], $0xffff;
	[tilespmem:s0+$0x1C750] =	vst v10  }
0x160: {  	v7 =	vld.idx.msk [tilespmem:v18+s1+$0x0], $0xffff;
	[tilespmem:s0+$0x1C7D0] =	vst v3  }
0x161: {  	v8 =	vld.idx.msk [tilespmem:v19+s1+$0x0], $0xffff;
	[tilespmem:s0+$0x1C7E0] =	vst v4  }
0x162: {  	v10 =	vld.idx.msk [tilespmem:v21+s1+$0x0], $0xffff;
	[tilespmem:s0+$0x1C740] =	vst v9  }
0x163: {  	v9 =	vld.idx.msk [tilespmem:v20+s1+$0x0], $0xffff;
	[tilespmem:s0+$0x1C760] =	vst v5  }
0x164: {  	v5 =	vld.idx.msk [tilespmem:v22+s1+$0x0], $0xffff;
	[tilespmem:s0+$0x1C770] =	vst v6  }
0x165: {  	[tilespmem:s0+$0x1C780] =	vst v7  }
0x166: {  	[tilespmem:s0+$0x1C790] =	vst v8  }
0x167: {  	[tilespmem:s0+$0x1C7B0] =	vst v10  }
0x168: {  	[tilespmem:s0+$0x1C7A0] =	vst v9  }
0x169: {  	s31 =	rddreg [dreg:$0xb];
	[tilespmem:s0+$0x1C7C0] =	vst v5  }
0x16a: {  	[hbm4b:s31+s2] =	stream.strided.scatter [tilespmem:s6], [sflag:$0x2], $0x1000, s3, s2, $0x38;
	[tilespmem:$0x1E700] =	vst v63  }
0x16b: {  	_ =	swait.ge [sflag:s8], $0x1000  }
0x16c: {  	[sflag:s8] =	ssyncset.done $0x0  }
0x16d: {  	s30 =	simm.s32 $0x0;
	[sflag:s8] =	ssyncadd.s32 $0xFFFFF000  }
0x16e: {  	v3 =	vld [tilespmem:s30+$0x1B7F0]  }
0x16f: {  	v4 =	vld [tilespmem:s30+$0x1B700]  }
0x170: {  	v5 =	vld [tilespmem:s30+$0x1B710]  }
0x171: {  	v6 =	vld [tilespmem:s30+$0x1B720]  }
0x172: {  	v7 =	vld [tilespmem:s30+$0x1B730]  }
0x173: {  	v8 =	vld [tilespmem:s30+$0x1B740]  }
0x174: {  	v9 =	vld [tilespmem:s30+$0x1B750]  }
0x175: {  	v10 =	vld [tilespmem:s30+$0x1B760]  }
0x176: {  	v11 =	vld [tilespmem:s30+$0x1B770]  }
0x177: {  	v57 =	vld [tilespmem:s30+$0x1B780]  }
0x178: {  	v58 =	vld [tilespmem:s30+$0x1B790]  }
0x179: {  	v59 =	vld [tilespmem:s30+$0x1B7A0]  }
0x17a: {  	v60 =	vld [tilespmem:s30+$0x1B7B0]  }
0x17b: {  	v61 =	vld [tilespmem:s30+$0x1B7C0]  }
0x17c: {  	v62 =	vld [tilespmem:s30+$0x1B7D0]  }
0x17d: {  	v63 =	vld [tilespmem:s30+$0x1B7E0]  }
0x17e: {  	v3 =	vld.idx.msk [tilespmem:v3+s1+$0x0], $0xffff  }
0x17f: {  	v4 =	vld.idx.msk [tilespmem:v4+s1+$0x0], $0xffff  }
0x180: {  	v5 =	vld.idx.msk [tilespmem:v5+s1+$0x0], $0xffff  }
0x181: {  	v6 =	vld.idx.msk [tilespmem:v6+s1+$0x0], $0xffff  }
0x182: {  	v7 =	vld.idx.msk [tilespmem:v7+s1+$0x0], $0xffff  }
0x183: {  	v8 =	vld.idx.msk [tilespmem:v8+s1+$0x0], $0xffff  }
0x184: {  	v9 =	vld.idx.msk [tilespmem:v9+s1+$0x0], $0xffff;
	[tilespmem:s30+$0x1D7F0] =	vst v3  }
0x185: {  	v10 =	vld.idx.msk [tilespmem:v10+s1+$0x0], $0xffff;
	[tilespmem:s30+$0x1D700] =	vst v4  }
0x186: {  	v11 =	vld.idx.msk [tilespmem:v11+s1+$0x0], $0xffff;
	[tilespmem:s30+$0x1D710] =	vst v5  }
0x187: {  	v12 =	vld.idx.msk [tilespmem:v57+s1+$0x0], $0xffff;
	[tilespmem:s30+$0x1D720] =	vst v6  }
0x188: {  	[tilespmem:s30+$0x1D730] =	vst v7;
	v3 =	vld.idx.msk [tilespmem:v58+s1+$0x0], $0xffff  }
0x189: {  	[tilespmem:s30+$0x1D740] =	vst v8;
	v4 =	vld.idx.msk [tilespmem:v59+s1+$0x0], $0xffff  }
0x18a: {  	[tilespmem:s30+$0x1D750] =	vst v9;
	v5 =	vld.idx.msk [tilespmem:v60+s1+$0x0], $0xffff  }
0x18b: {  	[tilespmem:s30+$0x1D760] =	vst v10;
	v6 =	vld.idx.msk [tilespmem:v61+s1+$0x0], $0xffff  }
0x18c: {  	[tilespmem:s30+$0x1D770] =	vst v11;
	v7 =	vld.idx.msk [tilespmem:v62+s1+$0x0], $0xffff  }
0x18d: {  	s26 =	simm.s32 $0x800;
	s0 =	simm.s32 $0x100;
	[tilespmem:s30+$0x1D780] =	vst v12;
	v8 =	vld.idx.msk [tilespmem:v63+s1+$0x0], $0xffff  }
.LBB2_8:
0x18e: {  	p0 =	sne.s32 s26, $0x3C00;
	v9 =	vld [tilespmem:s0+$0x1B7F0];
	[tilespmem:s30+$0x1D790] =	vst v3  }
0x18f: {  	v3 =	vld [tilespmem:s0+$0x1B700];
	[tilespmem:s30+$0x1D7A0] =	vst v4  }
0x190: {  	v4 =	vld [tilespmem:s0+$0x1B710];
	[tilespmem:s30+$0x1D7B0] =	vst v5  }
0x191: {  	v5 =	vld [tilespmem:s0+$0x1B720];
	[tilespmem:s30+$0x1D7C0] =	vst v6  }
0x192: {  	v6 =	vld [tilespmem:s0+$0x1B730];
	[tilespmem:s30+$0x1D7D0] =	vst v7  }
0x193: {  	v7 =	vld [tilespmem:s0+$0x1B740];
	[tilespmem:s30+$0x1D7E0] =	vst v8;
	s30 =	smov.u32 s0  }
0x194: {  	v8 =	vld [tilespmem:s30+$0x1B750]  }
0x195: {  	v10 =	vld [tilespmem:s30+$0x1B760]  }
0x196: {  	v9 =	vld.idx.msk [tilespmem:v9+s1+$0x0], $0xffff  }
0x197: {  	v11 =	vld [tilespmem:s30+$0x1B770]  }
0x198: {  	v12 =	vld [tilespmem:s30+$0x1B780]  }
0x199: {  	v13 =	vld [tilespmem:s30+$0x1B790]  }
0x19a: {  	v14 =	vld [tilespmem:s30+$0x1B7A0]  }
0x19b: {  	v15 =	vld [tilespmem:s30+$0x1B7B0]  }
0x19c: {  	v16 =	vld [tilespmem:s30+$0x1B7C0];
	[tilespmem:s30+$0x1D7F0] =	vst v9  }
0x19d: {  	v9 =	vld [tilespmem:s30+$0x1B7D0]  }
0x19e: {  	v17 =	vld [tilespmem:s30+$0x1B7E0]  }
0x19f: {  	v3 =	vld.idx.msk [tilespmem:v3+s1+$0x0], $0xffff  }
0x1a0: {  	v4 =	vld.idx.msk [tilespmem:v4+s1+$0x0], $0xffff  }
0x1a1: {  	v5 =	vld.idx.msk [tilespmem:v5+s1+$0x0], $0xffff  }
0x1a2: {  	v6 =	vld.idx.msk [tilespmem:v6+s1+$0x0], $0xffff  }
0x1a3: {  	v7 =	vld.idx.msk [tilespmem:v7+s1+$0x0], $0xffff  }
0x1a4: {  	v8 =	vld.idx.msk [tilespmem:v8+s1+$0x0], $0xffff  }
0x1a5: {  	[tilespmem:s30+$0x1D700] =	vst v3;
	v10 =	vld.idx.msk [tilespmem:v10+s1+$0x0], $0xffff  }
0x1a6: {  	[tilespmem:s30+$0x1D710] =	vst v4;
	v11 =	vld.idx.msk [tilespmem:v11+s1+$0x0], $0xffff  }
0x1a7: {  	[tilespmem:s30+$0x1D720] =	vst v5;
	v12 =	vld.idx.msk [tilespmem:v12+s1+$0x0], $0xffff  }
0x1a8: {  	[tilespmem:s30+$0x1D730] =	vst v6;
	v3 =	vld.idx.msk [tilespmem:v13+s1+$0x0], $0xffff  }
.Ltmp3:
0x1a9: {  	[tilespmem:s30+$0x1D740] =	vst v7;
	v4 =	vld.idx.msk [tilespmem:v14+s1+$0x0], $0xffff;
	(pc) =	sbr.rel @p0 .LBB2_8-.Ltmp3, $4  }
0x1aa: {  	[tilespmem:s30+$0x1D750] =	vst v8;
	v5 =	vld.idx.msk [tilespmem:v15+s1+$0x0], $0xffff  }
0x1ab: {  	[tilespmem:s30+$0x1D760] =	vst v10;
	v6 =	vld.idx.msk [tilespmem:v16+s1+$0x0], $0xffff  }
0x1ac: {  	[tilespmem:s30+$0x1D770] =	vst v11;
	v7 =	vld.idx.msk [tilespmem:v9+s1+$0x0], $0xffff  }
0x1ad: {  	s0 =	sshra.s32 s26, $0x2;
	s26 =	sadd.s32 $0x400, s26;
	[tilespmem:s30+$0x1D780] =	vst v12;
	v8 =	vld.idx.msk [tilespmem:v17+s1+$0x0], $0xffff  }
0x1ae: {  	v9 =	vld [tilespmem:s0+$0x1B7F0]  }
0x1af: {  	v10 =	vld [tilespmem:s0+$0x1B700]  }
0x1b0: {  	v11 =	vld [tilespmem:s0+$0x1B710]  }
0x1b1: {  	v12 =	vld [tilespmem:s0+$0x1B720]  }
0x1b2: {  	v13 =	vld [tilespmem:s0+$0x1B730]  }
0x1b3: {  	v14 =	vld [tilespmem:s0+$0x1B740]  }
0x1b4: {  	v15 =	vld [tilespmem:s0+$0x1B750]  }
0x1b5: {  	v16 =	vld [tilespmem:s0+$0x1B760]  }
0x1b6: {  	v17 =	vld [tilespmem:s0+$0x1B770]  }
0x1b7: {  	v18 =	vld [tilespmem:s0+$0x1B780]  }
0x1b8: {  	v19 =	vld [tilespmem:s0+$0x1B790]  }
0x1b9: {  	v20 =	vld [tilespmem:s0+$0x1B7A0]  }
0x1ba: {  	v21 =	vld [tilespmem:s0+$0x1B7B0]  }
0x1bb: {  	v22 =	vld [tilespmem:s0+$0x1B7C0]  }
0x1bc: {  	[tilespmem:s30+$0x1D790] =	vst v3;
	v3 =	vld [tilespmem:s0+$0x1B7D0]  }
0x1bd: {  	[tilespmem:s30+$0x1D7A0] =	vst v4;
	v4 =	vld [tilespmem:s0+$0x1B7E0]  }
0x1be: {  	v9 =	vld.idx.msk [tilespmem:v9+s1+$0x0], $0xffff  }
0x1bf: {  	[tilespmem:s30+$0x1D7B0] =	vst v5;
	v5 =	vld.idx.msk [tilespmem:v10+s1+$0x0], $0xffff  }
0x1c0: {  	[tilespmem:s30+$0x1D7C0] =	vst v6;
	v6 =	vld.idx.msk [tilespmem:v11+s1+$0x0], $0xffff  }
0x1c1: {  	[tilespmem:s30+$0x1D7D0] =	vst v7;
	v7 =	vld.idx.msk [tilespmem:v12+s1+$0x0], $0xffff  }
0x1c2: {  	[tilespmem:s30+$0x1D7E0] =	vst v8;
	v8 =	vld.idx.msk [tilespmem:v13+s1+$0x0], $0xffff  }
0x1c3: {  	v10 =	vld.idx.msk [tilespmem:v15+s1+$0x0], $0xffff;
	[tilespmem:s0+$0x1D7F0] =	vst v9  }
0x1c4: {  	v3 =	vld.idx.msk [tilespmem:v3+s1+$0x0], $0xffff;
	[tilespmem:s0+$0x1D700] =	vst v5  }
0x1c5: {  	v4 =	vld.idx.msk [tilespmem:v4+s1+$0x0], $0xffff;
	[tilespmem:s0+$0x1D710] =	vst v6  }
0x1c6: {  	v9 =	vld.idx.msk [tilespmem:v14+s1+$0x0], $0xffff;
	[tilespmem:s0+$0x1D720] =	vst v7  }
0x1c7: {  	v5 =	vld.idx.msk [tilespmem:v16+s1+$0x0], $0xffff;
	[tilespmem:s0+$0x1D730] =	vst v8  }
0x1c8: {  	v6 =	vld.idx.msk [tilespmem:v17+s1+$0x0], $0xffff;
	[tilespmem:s0+$0x1D750] =	vst v10  }
0x1c9: {  	v7 =	vld.idx.msk [tilespmem:v18+s1+$0x0], $0xffff;
	[tilespmem:s0+$0x1D7D0] =	vst v3  }
0x1ca: {  	v8 =	vld.idx.msk [tilespmem:v19+s1+$0x0], $0xffff;
	[tilespmem:s0+$0x1D7E0] =	vst v4  }
0x1cb: {  	v10 =	vld.idx.msk [tilespmem:v21+s1+$0x0], $0xffff;
	[tilespmem:s0+$0x1D740] =	vst v9  }
0x1cc: {  	v9 =	vld.idx.msk [tilespmem:v20+s1+$0x0], $0xffff;
	[tilespmem:s0+$0x1D760] =	vst v5  }
0x1cd: {  	v5 =	vld.idx.msk [tilespmem:v22+s1+$0x0], $0xffff;
	[tilespmem:s0+$0x1D770] =	vst v6  }
0x1ce: {  	[tilespmem:s0+$0x1D780] =	vst v7  }
0x1cf: {  	[tilespmem:s0+$0x1D790] =	vst v8  }
0x1d0: {  	[tilespmem:s0+$0x1D7B0] =	vst v10  }
0x1d1: {  	[tilespmem:s0+$0x1D7A0] =	vst v9  }
0x1d2: {  	s26 =	rddreg [dreg:$0xc];
	[tilespmem:s0+$0x1D7C0] =	vst v5  }
0x1d3: {  	[hbm4b:s26+s2] =	stream.strided.scatter [tilespmem:s7], [sflag:$0x2], $0x1000, s3, s2, $0x38;
	[tilespmem:$0x1E700] =	vst v63  }
0x1d4: {  	s31 =	simm.s32 $0x0;
	s26 =	rddreg [dreg:$0xd]  }
0x1d5: {  	[tilespmem:s31], [sflag:$0x1] =	stream.strided.gather [hbm4b:s26+s2], $0x18700, s3, s2, $0x38;
	[tilespmem:$0x1E700] =	vst v63  }
0x1d6: {  	_ =	swait.ge [sflag:s8], $0x1000  }
0x1d7: {  	[sflag:s8] =	ssyncset.done $0x0  }
0x1d8: {  	[sflag:s8] =	ssyncadd.s32 $0xFFFFF000  }
0x1d9: {  	_ =	swait.ge [sflag:s8], $0x1000  }
0x1da: {  	[sflag:s8] =	ssyncset.done $0x0  }
0x1db: {  	[sflag:s8] =	ssyncadd.s32 $0xFFFFF000  }
0x1dc: {  	_ =	swait.ge [sflag:s5], $0x18700  }
0x1dd: {  	[sflag:s5] =	ssyncset.done $0x0  }
0x1de: {  	s30 =	simm.s32 $0x0;
	[sflag:s5] =	ssyncadd.s32 $0xFFFE7900  }
0x1df: {  	v3 =	vld [tilespmem:s30+$0x187F0]  }
0x1e0: {  	v4 =	vld [tilespmem:s30+$0x18700]  }
0x1e1: {  	v5 =	vld [tilespmem:s30+$0x18710]  }
0x1e2: {  	v6 =	vld [tilespmem:s30+$0x18720]  }
0x1e3: {  	v7 =	vld [tilespmem:s30+$0x18730]  }
0x1e4: {  	v8 =	vld [tilespmem:s30+$0x18740]  }
0x1e5: {  	v9 =	vld [tilespmem:s30+$0x18750]  }
0x1e6: {  	v10 =	vld [tilespmem:s30+$0x18760]  }
0x1e7: {  	v11 =	vld [tilespmem:s30+$0x18770]  }
0x1e8: {  	v57 =	vld [tilespmem:s30+$0x18780]  }
0x1e9: {  	v58 =	vld [tilespmem:s30+$0x18790]  }
0x1ea: {  	v59 =	vld [tilespmem:s30+$0x187A0]  }
0x1eb: {  	v60 =	vld [tilespmem:s30+$0x187B0]  }
0x1ec: {  	v61 =	vld [tilespmem:s30+$0x187C0]  }
0x1ed: {  	v62 =	vld [tilespmem:s30+$0x187D0]  }
0x1ee: {  	v63 =	vld [tilespmem:s30+$0x187E0]  }
0x1ef: {  	v3 =	vld.idx.msk [tilespmem:v3+s1+$0x0], $0xffff  }
0x1f0: {  	v4 =	vld.idx.msk [tilespmem:v4+s1+$0x0], $0xffff  }
0x1f1: {  	v5 =	vld.idx.msk [tilespmem:v5+s1+$0x0], $0xffff  }
0x1f2: {  	v6 =	vld.idx.msk [tilespmem:v6+s1+$0x0], $0xffff  }
0x1f3: {  	v7 =	vld.idx.msk [tilespmem:v7+s1+$0x0], $0xffff  }
0x1f4: {  	v8 =	vld.idx.msk [tilespmem:v8+s1+$0x0], $0xffff  }
0x1f5: {  	v9 =	vld.idx.msk [tilespmem:v9+s1+$0x0], $0xffff;
	[tilespmem:s30+$0x1C7F0] =	vst v3  }
0x1f6: {  	v10 =	vld.idx.msk [tilespmem:v10+s1+$0x0], $0xffff;
	[tilespmem:s30+$0x1C700] =	vst v4  }
0x1f7: {  	v11 =	vld.idx.msk [tilespmem:v11+s1+$0x0], $0xffff;
	[tilespmem:s30+$0x1C710] =	vst v5  }
0x1f8: {  	v12 =	vld.idx.msk [tilespmem:v57+s1+$0x0], $0xffff;
	[tilespmem:s30+$0x1C720] =	vst v6  }
0x1f9: {  	[tilespmem:s30+$0x1C730] =	vst v7;
	v3 =	vld.idx.msk [tilespmem:v58+s1+$0x0], $0xffff  }
0x1fa: {  	[tilespmem:s30+$0x1C740] =	vst v8;
	v4 =	vld.idx.msk [tilespmem:v59+s1+$0x0], $0xffff  }
0x1fb: {  	[tilespmem:s30+$0x1C750] =	vst v9;
	v5 =	vld.idx.msk [tilespmem:v60+s1+$0x0], $0xffff  }
0x1fc: {  	[tilespmem:s30+$0x1C760] =	vst v10;
	v6 =	vld.idx.msk [tilespmem:v61+s1+$0x0], $0xffff  }
0x1fd: {  	[tilespmem:s30+$0x1C770] =	vst v11;
	v7 =	vld.idx.msk [tilespmem:v62+s1+$0x0], $0xffff  }
0x1fe: {  	s0 =	simm.s32 $0x100;
	s26 =	simm.s32 $0x800;
	[tilespmem:s30+$0x1C780] =	vst v12;
	v8 =	vld.idx.msk [tilespmem:v63+s1+$0x0], $0xffff  }
.LBB2_10:
0x1ff: {  	p0 =	sne.s32 s26, $0x3C00;
	v9 =	vld [tilespmem:s0+$0x187F0];
	[tilespmem:s30+$0x1C790] =	vst v3  }
0x200: {  	v3 =	vld [tilespmem:s0+$0x18700];
	[tilespmem:s30+$0x1C7A0] =	vst v4  }
0x201: {  	v4 =	vld [tilespmem:s0+$0x18710];
	[tilespmem:s30+$0x1C7B0] =	vst v5  }
0x202: {  	v5 =	vld [tilespmem:s0+$0x18720];
	[tilespmem:s30+$0x1C7C0] =	vst v6  }
0x203: {  	v6 =	vld [tilespmem:s0+$0x18730];
	[tilespmem:s30+$0x1C7D0] =	vst v7  }
0x204: {  	v7 =	vld [tilespmem:s0+$0x18740];
	[tilespmem:s30+$0x1C7E0] =	vst v8;
	s30 =	smov.u32 s0  }
0x205: {  	v8 =	vld [tilespmem:s30+$0x18750]  }
0x206: {  	v10 =	vld [tilespmem:s30+$0x18760]  }
0x207: {  	v9 =	vld.idx.msk [tilespmem:v9+s1+$0x0], $0xffff  }
0x208: {  	v11 =	vld [tilespmem:s30+$0x18770]  }
0x209: {  	v12 =	vld [tilespmem:s30+$0x18780]  }
0x20a: {  	v13 =	vld [tilespmem:s30+$0x18790]  }
0x20b: {  	v14 =	vld [tilespmem:s30+$0x187A0]  }
0x20c: {  	v15 =	vld [tilespmem:s30+$0x187B0]  }
0x20d: {  	v16 =	vld [tilespmem:s30+$0x187C0];
	[tilespmem:s30+$0x1C7F0] =	vst v9  }
0x20e: {  	v9 =	vld [tilespmem:s30+$0x187D0]  }
0x20f: {  	v17 =	vld [tilespmem:s30+$0x187E0]  }
0x210: {  	v3 =	vld.idx.msk [tilespmem:v3+s1+$0x0], $0xffff  }
0x211: {  	v4 =	vld.idx.msk [tilespmem:v4+s1+$0x0], $0xffff  }
0x212: {  	v5 =	vld.idx.msk [tilespmem:v5+s1+$0x0], $0xffff  }
0x213: {  	v6 =	vld.idx.msk [tilespmem:v6+s1+$0x0], $0xffff  }
0x214: {  	v7 =	vld.idx.msk [tilespmem:v7+s1+$0x0], $0xffff  }
0x215: {  	v8 =	vld.idx.msk [tilespmem:v8+s1+$0x0], $0xffff  }
0x216: {  	[tilespmem:s30+$0x1C700] =	vst v3;
	v10 =	vld.idx.msk [tilespmem:v10+s1+$0x0], $0xffff  }
0x217: {  	[tilespmem:s30+$0x1C710] =	vst v4;
	v11 =	vld.idx.msk [tilespmem:v11+s1+$0x0], $0xffff  }
0x218: {  	[tilespmem:s30+$0x1C720] =	vst v5;
	v12 =	vld.idx.msk [tilespmem:v12+s1+$0x0], $0xffff  }
0x219: {  	[tilespmem:s30+$0x1C730] =	vst v6;
	v3 =	vld.idx.msk [tilespmem:v13+s1+$0x0], $0xffff  }
.Ltmp4:
0x21a: {  	[tilespmem:s30+$0x1C740] =	vst v7;
	v4 =	vld.idx.msk [tilespmem:v14+s1+$0x0], $0xffff;
	(pc) =	sbr.rel @p0 .LBB2_10-.Ltmp4, $4  }
0x21b: {  	[tilespmem:s30+$0x1C750] =	vst v8;
	v5 =	vld.idx.msk [tilespmem:v15+s1+$0x0], $0xffff  }
0x21c: {  	[tilespmem:s30+$0x1C760] =	vst v10;
	v6 =	vld.idx.msk [tilespmem:v16+s1+$0x0], $0xffff  }
0x21d: {  	[tilespmem:s30+$0x1C770] =	vst v11;
	v7 =	vld.idx.msk [tilespmem:v9+s1+$0x0], $0xffff  }
0x21e: {  	s0 =	sshra.s32 s26, $0x2;
	s26 =	sadd.s32 $0x400, s26;
	[tilespmem:s30+$0x1C780] =	vst v12;
	v8 =	vld.idx.msk [tilespmem:v17+s1+$0x0], $0xffff  }
0x21f: {  	v9 =	vld [tilespmem:s0+$0x187F0]  }
0x220: {  	v10 =	vld [tilespmem:s0+$0x18700]  }
0x221: {  	v11 =	vld [tilespmem:s0+$0x18710]  }
0x222: {  	v12 =	vld [tilespmem:s0+$0x18720]  }
0x223: {  	v13 =	vld [tilespmem:s0+$0x18730]  }
0x224: {  	v14 =	vld [tilespmem:s0+$0x18740]  }
0x225: {  	v15 =	vld [tilespmem:s0+$0x18750]  }
0x226: {  	v16 =	vld [tilespmem:s0+$0x18760]  }
0x227: {  	v17 =	vld [tilespmem:s0+$0x18770]  }
0x228: {  	v18 =	vld [tilespmem:s0+$0x18780]  }
0x229: {  	v19 =	vld [tilespmem:s0+$0x18790]  }
0x22a: {  	v20 =	vld [tilespmem:s0+$0x187A0]  }
0x22b: {  	v21 =	vld [tilespmem:s0+$0x187B0]  }
0x22c: {  	v22 =	vld [tilespmem:s0+$0x187C0]  }
0x22d: {  	[tilespmem:s30+$0x1C790] =	vst v3;
	v3 =	vld [tilespmem:s0+$0x187D0]  }
0x22e: {  	[tilespmem:s30+$0x1C7A0] =	vst v4;
	v4 =	vld [tilespmem:s0+$0x187E0]  }
0x22f: {  	v9 =	vld.idx.msk [tilespmem:v9+s1+$0x0], $0xffff  }
0x230: {  	[tilespmem:s30+$0x1C7B0] =	vst v5;
	v5 =	vld.idx.msk [tilespmem:v10+s1+$0x0], $0xffff  }
0x231: {  	[tilespmem:s30+$0x1C7C0] =	vst v6;
	v6 =	vld.idx.msk [tilespmem:v11+s1+$0x0], $0xffff  }
0x232: {  	[tilespmem:s30+$0x1C7D0] =	vst v7;
	v7 =	vld.idx.msk [tilespmem:v12+s1+$0x0], $0xffff  }
0x233: {  	[tilespmem:s30+$0x1C7E0] =	vst v8;
	v8 =	vld.idx.msk [tilespmem:v13+s1+$0x0], $0xffff  }
0x234: {  	v10 =	vld.idx.msk [tilespmem:v15+s1+$0x0], $0xffff;
	[tilespmem:s0+$0x1C7F0] =	vst v9  }
0x235: {  	v3 =	vld.idx.msk [tilespmem:v3+s1+$0x0], $0xffff;
	[tilespmem:s0+$0x1C700] =	vst v5  }
0x236: {  	v4 =	vld.idx.msk [tilespmem:v4+s1+$0x0], $0xffff;
	[tilespmem:s0+$0x1C710] =	vst v6  }
0x237: {  	v9 =	vld.idx.msk [tilespmem:v14+s1+$0x0], $0xffff;
	[tilespmem:s0+$0x1C720] =	vst v7  }
0x238: {  	v5 =	vld.idx.msk [tilespmem:v16+s1+$0x0], $0xffff;
	[tilespmem:s0+$0x1C730] =	vst v8  }
0x239: {  	v6 =	vld.idx.msk [tilespmem:v17+s1+$0x0], $0xffff;
	[tilespmem:s0+$0x1C750] =	vst v10  }
0x23a: {  	v7 =	vld.idx.msk [tilespmem:v18+s1+$0x0], $0xffff;
	[tilespmem:s0+$0x1C7D0] =	vst v3  }
0x23b: {  	v8 =	vld.idx.msk [tilespmem:v19+s1+$0x0], $0xffff;
	[tilespmem:s0+$0x1C7E0] =	vst v4  }
0x23c: {  	v10 =	vld.idx.msk [tilespmem:v21+s1+$0x0], $0xffff;
	[tilespmem:s0+$0x1C740] =	vst v9  }
0x23d: {  	v9 =	vld.idx.msk [tilespmem:v20+s1+$0x0], $0xffff;
	[tilespmem:s0+$0x1C760] =	vst v5  }
0x23e: {  	v5 =	vld.idx.msk [tilespmem:v22+s1+$0x0], $0xffff;
	[tilespmem:s0+$0x1C770] =	vst v6  }
0x23f: {  	[tilespmem:s0+$0x1C780] =	vst v7  }
0x240: {  	[tilespmem:s0+$0x1C790] =	vst v8  }
0x241: {  	[tilespmem:s0+$0x1C7B0] =	vst v10  }
0x242: {  	[tilespmem:s0+$0x1C7A0] =	vst v9  }
0x243: {  	s31 =	rddreg [dreg:$0xe];
	s30 =	simm.s32 $0x0;
	[tilespmem:s0+$0x1C7C0] =	vst v5  }
0x244: {  	[hbm4b:s31+s2] =	stream.strided.scatter [tilespmem:s6], [sflag:$0x2], $0x1000, s3, s2, $0x38;
	[tilespmem:$0x1E700] =	vst v63  }
0x245: {  	v3 =	vld [tilespmem:s30+$0x197F0]  }
0x246: {  	v4 =	vld [tilespmem:s30+$0x19700]  }
0x247: {  	v5 =	vld [tilespmem:s30+$0x19710]  }
0x248: {  	v6 =	vld [tilespmem:s30+$0x19720]  }
0x249: {  	v7 =	vld [tilespmem:s30+$0x19730]  }
0x24a: {  	v8 =	vld [tilespmem:s30+$0x19740]  }
0x24b: {  	v9 =	vld [tilespmem:s30+$0x19750]  }
0x24c: {  	v10 =	vld [tilespmem:s30+$0x19760]  }
0x24d: {  	v11 =	vld [tilespmem:s30+$0x19770]  }
0x24e: {  	v57 =	vld [tilespmem:s30+$0x19780]  }
0x24f: {  	v58 =	vld [tilespmem:s30+$0x19790]  }
0x250: {  	v59 =	vld [tilespmem:s30+$0x197A0]  }
0x251: {  	v60 =	vld [tilespmem:s30+$0x197B0]  }
0x252: {  	v61 =	vld [tilespmem:s30+$0x197C0]  }
0x253: {  	v62 =	vld [tilespmem:s30+$0x197D0]  }
0x254: {  	v63 =	vld [tilespmem:s30+$0x197E0]  }
0x255: {  	v3 =	vld.idx.msk [tilespmem:v3+s1+$0x0], $0xffff  }
0x256: {  	v4 =	vld.idx.msk [tilespmem:v4+s1+$0x0], $0xffff  }
0x257: {  	v5 =	vld.idx.msk [tilespmem:v5+s1+$0x0], $0xffff  }
0x258: {  	v6 =	vld.idx.msk [tilespmem:v6+s1+$0x0], $0xffff  }
0x259: {  	v7 =	vld.idx.msk [tilespmem:v7+s1+$0x0], $0xffff  }
0x25a: {  	v8 =	vld.idx.msk [tilespmem:v8+s1+$0x0], $0xffff  }
0x25b: {  	v9 =	vld.idx.msk [tilespmem:v9+s1+$0x0], $0xffff;
	[tilespmem:s30+$0x1D7F0] =	vst v3  }
0x25c: {  	v10 =	vld.idx.msk [tilespmem:v10+s1+$0x0], $0xffff;
	[tilespmem:s30+$0x1D700] =	vst v4  }
0x25d: {  	v11 =	vld.idx.msk [tilespmem:v11+s1+$0x0], $0xffff;
	[tilespmem:s30+$0x1D710] =	vst v5  }
0x25e: {  	v12 =	vld.idx.msk [tilespmem:v57+s1+$0x0], $0xffff;
	[tilespmem:s30+$0x1D720] =	vst v6  }
0x25f: {  	[tilespmem:s30+$0x1D730] =	vst v7;
	v3 =	vld.idx.msk [tilespmem:v58+s1+$0x0], $0xffff  }
0x260: {  	[tilespmem:s30+$0x1D740] =	vst v8;
	v4 =	vld.idx.msk [tilespmem:v59+s1+$0x0], $0xffff  }
0x261: {  	[tilespmem:s30+$0x1D750] =	vst v9;
	v5 =	vld.idx.msk [tilespmem:v60+s1+$0x0], $0xffff  }
0x262: {  	[tilespmem:s30+$0x1D760] =	vst v10;
	v6 =	vld.idx.msk [tilespmem:v61+s1+$0x0], $0xffff  }
0x263: {  	[tilespmem:s30+$0x1D770] =	vst v11;
	v7 =	vld.idx.msk [tilespmem:v62+s1+$0x0], $0xffff  }
0x264: {  	s26 =	simm.s32 $0x800;
	s0 =	simm.s32 $0x100;
	[tilespmem:s30+$0x1D780] =	vst v12;
	v8 =	vld.idx.msk [tilespmem:v63+s1+$0x0], $0xffff  }
.LBB2_12:
0x265: {  	p0 =	sne.s32 s26, $0x3C00;
	v9 =	vld [tilespmem:s0+$0x197F0];
	[tilespmem:s30+$0x1D790] =	vst v3  }
0x266: {  	v3 =	vld [tilespmem:s0+$0x19700];
	[tilespmem:s30+$0x1D7A0] =	vst v4  }
0x267: {  	v4 =	vld [tilespmem:s0+$0x19710];
	[tilespmem:s30+$0x1D7B0] =	vst v5  }
0x268: {  	v5 =	vld [tilespmem:s0+$0x19720];
	[tilespmem:s30+$0x1D7C0] =	vst v6  }
0x269: {  	v6 =	vld [tilespmem:s0+$0x19730];
	[tilespmem:s30+$0x1D7D0] =	vst v7  }
0x26a: {  	v7 =	vld [tilespmem:s0+$0x19740];
	[tilespmem:s30+$0x1D7E0] =	vst v8;
	s30 =	smov.u32 s0  }
0x26b: {  	v8 =	vld [tilespmem:s30+$0x19750]  }
0x26c: {  	v10 =	vld [tilespmem:s30+$0x19760]  }
0x26d: {  	v9 =	vld.idx.msk [tilespmem:v9+s1+$0x0], $0xffff  }
0x26e: {  	v11 =	vld [tilespmem:s30+$0x19770]  }
0x26f: {  	v12 =	vld [tilespmem:s30+$0x19780]  }
0x270: {  	v13 =	vld [tilespmem:s30+$0x19790]  }
0x271: {  	v14 =	vld [tilespmem:s30+$0x197A0]  }
0x272: {  	v15 =	vld [tilespmem:s30+$0x197B0]  }
0x273: {  	v16 =	vld [tilespmem:s30+$0x197C0];
	[tilespmem:s30+$0x1D7F0] =	vst v9  }
0x274: {  	v9 =	vld [tilespmem:s30+$0x197D0]  }
0x275: {  	v17 =	vld [tilespmem:s30+$0x197E0]  }
0x276: {  	v3 =	vld.idx.msk [tilespmem:v3+s1+$0x0], $0xffff  }
0x277: {  	v4 =	vld.idx.msk [tilespmem:v4+s1+$0x0], $0xffff  }
0x278: {  	v5 =	vld.idx.msk [tilespmem:v5+s1+$0x0], $0xffff  }
0x279: {  	v6 =	vld.idx.msk [tilespmem:v6+s1+$0x0], $0xffff  }
0x27a: {  	v7 =	vld.idx.msk [tilespmem:v7+s1+$0x0], $0xffff  }
0x27b: {  	v8 =	vld.idx.msk [tilespmem:v8+s1+$0x0], $0xffff  }
0x27c: {  	[tilespmem:s30+$0x1D700] =	vst v3;
	v10 =	vld.idx.msk [tilespmem:v10+s1+$0x0], $0xffff  }
0x27d: {  	[tilespmem:s30+$0x1D710] =	vst v4;
	v11 =	vld.idx.msk [tilespmem:v11+s1+$0x0], $0xffff  }
0x27e: {  	[tilespmem:s30+$0x1D720] =	vst v5;
	v12 =	vld.idx.msk [tilespmem:v12+s1+$0x0], $0xffff  }
0x27f: {  	[tilespmem:s30+$0x1D730] =	vst v6;
	v3 =	vld.idx.msk [tilespmem:v13+s1+$0x0], $0xffff  }
.Ltmp5:
0x280: {  	[tilespmem:s30+$0x1D740] =	vst v7;
	v4 =	vld.idx.msk [tilespmem:v14+s1+$0x0], $0xffff;
	(pc) =	sbr.rel @p0 .LBB2_12-.Ltmp5, $4  }
0x281: {  	[tilespmem:s30+$0x1D750] =	vst v8;
	v5 =	vld.idx.msk [tilespmem:v15+s1+$0x0], $0xffff  }
0x282: {  	[tilespmem:s30+$0x1D760] =	vst v10;
	v6 =	vld.idx.msk [tilespmem:v16+s1+$0x0], $0xffff  }
0x283: {  	[tilespmem:s30+$0x1D770] =	vst v11;
	v7 =	vld.idx.msk [tilespmem:v9+s1+$0x0], $0xffff  }
0x284: {  	s0 =	sshra.s32 s26, $0x2;
	s26 =	sadd.s32 $0x400, s26;
	[tilespmem:s30+$0x1D780] =	vst v12;
	v8 =	vld.idx.msk [tilespmem:v17+s1+$0x0], $0xffff  }
0x285: {  	v9 =	vld [tilespmem:s0+$0x197F0]  }
0x286: {  	v10 =	vld [tilespmem:s0+$0x19700]  }
0x287: {  	v11 =	vld [tilespmem:s0+$0x19710]  }
0x288: {  	v12 =	vld [tilespmem:s0+$0x19720]  }
0x289: {  	v13 =	vld [tilespmem:s0+$0x19730]  }
0x28a: {  	v14 =	vld [tilespmem:s0+$0x19740]  }
0x28b: {  	v15 =	vld [tilespmem:s0+$0x19750]  }
0x28c: {  	v16 =	vld [tilespmem:s0+$0x19760]  }
0x28d: {  	v17 =	vld [tilespmem:s0+$0x19770]  }
0x28e: {  	v18 =	vld [tilespmem:s0+$0x19780]  }
0x28f: {  	v19 =	vld [tilespmem:s0+$0x19790]  }
0x290: {  	v20 =	vld [tilespmem:s0+$0x197A0]  }
0x291: {  	v21 =	vld [tilespmem:s0+$0x197B0]  }
0x292: {  	v22 =	vld [tilespmem:s0+$0x197C0]  }
0x293: {  	[tilespmem:s30+$0x1D790] =	vst v3;
	v3 =	vld [tilespmem:s0+$0x197D0]  }
0x294: {  	[tilespmem:s30+$0x1D7A0] =	vst v4;
	v4 =	vld [tilespmem:s0+$0x197E0]  }
0x295: {  	v9 =	vld.idx.msk [tilespmem:v9+s1+$0x0], $0xffff  }
0x296: {  	[tilespmem:s30+$0x1D7B0] =	vst v5;
	v5 =	vld.idx.msk [tilespmem:v10+s1+$0x0], $0xffff  }
0x297: {  	[tilespmem:s30+$0x1D7C0] =	vst v6;
	v6 =	vld.idx.msk [tilespmem:v11+s1+$0x0], $0xffff  }
0x298: {  	[tilespmem:s30+$0x1D7D0] =	vst v7;
	v7 =	vld.idx.msk [tilespmem:v12+s1+$0x0], $0xffff  }
0x299: {  	[tilespmem:s30+$0x1D7E0] =	vst v8;
	v8 =	vld.idx.msk [tilespmem:v13+s1+$0x0], $0xffff  }
0x29a: {  	v10 =	vld.idx.msk [tilespmem:v15+s1+$0x0], $0xffff;
	[tilespmem:s0+$0x1D7F0] =	vst v9  }
0x29b: {  	v3 =	vld.idx.msk [tilespmem:v3+s1+$0x0], $0xffff;
	[tilespmem:s0+$0x1D700] =	vst v5  }
0x29c: {  	v4 =	vld.idx.msk [tilespmem:v4+s1+$0x0], $0xffff;
	[tilespmem:s0+$0x1D710] =	vst v6  }
0x29d: {  	v9 =	vld.idx.msk [tilespmem:v14+s1+$0x0], $0xffff;
	[tilespmem:s0+$0x1D720] =	vst v7  }
0x29e: {  	v5 =	vld.idx.msk [tilespmem:v16+s1+$0x0], $0xffff;
	[tilespmem:s0+$0x1D730] =	vst v8  }
0x29f: {  	v6 =	vld.idx.msk [tilespmem:v17+s1+$0x0], $0xffff;
	[tilespmem:s0+$0x1D750] =	vst v10  }
0x2a0: {  	v7 =	vld.idx.msk [tilespmem:v18+s1+$0x0], $0xffff;
	[tilespmem:s0+$0x1D7D0] =	vst v3  }
0x2a1: {  	v8 =	vld.idx.msk [tilespmem:v19+s1+$0x0], $0xffff;
	[tilespmem:s0+$0x1D7E0] =	vst v4  }
0x2a2: {  	v10 =	vld.idx.msk [tilespmem:v21+s1+$0x0], $0xffff;
	[tilespmem:s0+$0x1D740] =	vst v9  }
0x2a3: {  	v9 =	vld.idx.msk [tilespmem:v20+s1+$0x0], $0xffff;
	[tilespmem:s0+$0x1D760] =	vst v5  }
0x2a4: {  	v5 =	vld.idx.msk [tilespmem:v22+s1+$0x0], $0xffff;
	[tilespmem:s0+$0x1D770] =	vst v6  }
0x2a5: {  	[tilespmem:s0+$0x1D780] =	vst v7  }
0x2a6: {  	[tilespmem:s0+$0x1D790] =	vst v8  }
0x2a7: {  	[tilespmem:s0+$0x1D7B0] =	vst v10  }
0x2a8: {  	[tilespmem:s0+$0x1D7A0] =	vst v9  }
0x2a9: {  	s31 =	rddreg [dreg:$0xf];
	[tilespmem:s0+$0x1D7C0] =	vst v5  }
0x2aa: {  	[hbm4b:s31+s2] =	stream.strided.scatter [tilespmem:s7], [sflag:$0x2], $0x1000, s3, s2, $0x38;
	[tilespmem:$0x1E700] =	vst v63  }
0x2ab: {  	_ =	swait.ge [sflag:s8], $0x1000  }
0x2ac: {  	[sflag:s8] =	ssyncset.done $0x0  }
0x2ad: {  	s30 =	simm.s32 $0x0;
	[sflag:s8] =	ssyncadd.s32 $0xFFFFF000  }
0x2ae: {  	v3 =	vld [tilespmem:s30+$0x1A7F0]  }
0x2af: {  	v4 =	vld [tilespmem:s30+$0x1A700]  }
0x2b0: {  	v5 =	vld [tilespmem:s30+$0x1A710]  }
0x2b1: {  	v6 =	vld [tilespmem:s30+$0x1A720]  }
0x2b2: {  	v7 =	vld [tilespmem:s30+$0x1A730]  }
0x2b3: {  	v8 =	vld [tilespmem:s30+$0x1A740]  }
0x2b4: {  	v9 =	vld [tilespmem:s30+$0x1A750]  }
0x2b5: {  	v10 =	vld [tilespmem:s30+$0x1A760]  }
0x2b6: {  	v11 =	vld [tilespmem:s30+$0x1A770]  }
0x2b7: {  	v57 =	vld [tilespmem:s30+$0x1A780]  }
0x2b8: {  	v58 =	vld [tilespmem:s30+$0x1A790]  }
0x2b9: {  	v59 =	vld [tilespmem:s30+$0x1A7A0]  }
0x2ba: {  	v60 =	vld [tilespmem:s30+$0x1A7B0]  }
0x2bb: {  	v61 =	vld [tilespmem:s30+$0x1A7C0]  }
0x2bc: {  	v62 =	vld [tilespmem:s30+$0x1A7D0]  }
0x2bd: {  	v63 =	vld [tilespmem:s30+$0x1A7E0]  }
0x2be: {  	v3 =	vld.idx.msk [tilespmem:v3+s1+$0x0], $0xffff  }
0x2bf: {  	v4 =	vld.idx.msk [tilespmem:v4+s1+$0x0], $0xffff  }
0x2c0: {  	v5 =	vld.idx.msk [tilespmem:v5+s1+$0x0], $0xffff  }
0x2c1: {  	v6 =	vld.idx.msk [tilespmem:v6+s1+$0x0], $0xffff  }
0x2c2: {  	v7 =	vld.idx.msk [tilespmem:v7+s1+$0x0], $0xffff  }
0x2c3: {  	v8 =	vld.idx.msk [tilespmem:v8+s1+$0x0], $0xffff  }
0x2c4: {  	v9 =	vld.idx.msk [tilespmem:v9+s1+$0x0], $0xffff;
	[tilespmem:s30+$0x1C7F0] =	vst v3  }
0x2c5: {  	v10 =	vld.idx.msk [tilespmem:v10+s1+$0x0], $0xffff;
	[tilespmem:s30+$0x1C700] =	vst v4  }
0x2c6: {  	v11 =	vld.idx.msk [tilespmem:v11+s1+$0x0], $0xffff;
	[tilespmem:s30+$0x1C710] =	vst v5  }
0x2c7: {  	v12 =	vld.idx.msk [tilespmem:v57+s1+$0x0], $0xffff;
	[tilespmem:s30+$0x1C720] =	vst v6  }
0x2c8: {  	[tilespmem:s30+$0x1C730] =	vst v7;
	v3 =	vld.idx.msk [tilespmem:v58+s1+$0x0], $0xffff  }
0x2c9: {  	[tilespmem:s30+$0x1C740] =	vst v8;
	v4 =	vld.idx.msk [tilespmem:v59+s1+$0x0], $0xffff  }
0x2ca: {  	[tilespmem:s30+$0x1C750] =	vst v9;
	v5 =	vld.idx.msk [tilespmem:v60+s1+$0x0], $0xffff  }
0x2cb: {  	[tilespmem:s30+$0x1C760] =	vst v10;
	v6 =	vld.idx.msk [tilespmem:v61+s1+$0x0], $0xffff  }
0x2cc: {  	[tilespmem:s30+$0x1C770] =	vst v11;
	v7 =	vld.idx.msk [tilespmem:v62+s1+$0x0], $0xffff  }
0x2cd: {  	s26 =	simm.s32 $0x800;
	s0 =	simm.s32 $0x100;
	[tilespmem:s30+$0x1C780] =	vst v12;
	v8 =	vld.idx.msk [tilespmem:v63+s1+$0x0], $0xffff  }
.LBB2_14:
0x2ce: {  	p0 =	sne.s32 s26, $0x3C00;
	v9 =	vld [tilespmem:s0+$0x1A7F0];
	[tilespmem:s30+$0x1C790] =	vst v3  }
0x2cf: {  	v3 =	vld [tilespmem:s0+$0x1A700];
	[tilespmem:s30+$0x1C7A0] =	vst v4  }
0x2d0: {  	v4 =	vld [tilespmem:s0+$0x1A710];
	[tilespmem:s30+$0x1C7B0] =	vst v5  }
0x2d1: {  	v5 =	vld [tilespmem:s0+$0x1A720];
	[tilespmem:s30+$0x1C7C0] =	vst v6  }
0x2d2: {  	v6 =	vld [tilespmem:s0+$0x1A730];
	[tilespmem:s30+$0x1C7D0] =	vst v7  }
0x2d3: {  	v7 =	vld [tilespmem:s0+$0x1A740];
	[tilespmem:s30+$0x1C7E0] =	vst v8;
	s30 =	smov.u32 s0  }
0x2d4: {  	v8 =	vld [tilespmem:s30+$0x1A750]  }
0x2d5: {  	v10 =	vld [tilespmem:s30+$0x1A760]  }
0x2d6: {  	v9 =	vld.idx.msk [tilespmem:v9+s1+$0x0], $0xffff  }
0x2d7: {  	v11 =	vld [tilespmem:s30+$0x1A770]  }
0x2d8: {  	v12 =	vld [tilespmem:s30+$0x1A780]  }
0x2d9: {  	v13 =	vld [tilespmem:s30+$0x1A790]  }
0x2da: {  	v14 =	vld [tilespmem:s30+$0x1A7A0]  }
0x2db: {  	v15 =	vld [tilespmem:s30+$0x1A7B0]  }
0x2dc: {  	v16 =	vld [tilespmem:s30+$0x1A7C0];
	[tilespmem:s30+$0x1C7F0] =	vst v9  }
0x2dd: {  	v9 =	vld [tilespmem:s30+$0x1A7D0]  }
0x2de: {  	v17 =	vld [tilespmem:s30+$0x1A7E0]  }
0x2df: {  	v3 =	vld.idx.msk [tilespmem:v3+s1+$0x0], $0xffff  }
0x2e0: {  	v4 =	vld.idx.msk [tilespmem:v4+s1+$0x0], $0xffff  }
0x2e1: {  	v5 =	vld.idx.msk [tilespmem:v5+s1+$0x0], $0xffff  }
0x2e2: {  	v6 =	vld.idx.msk [tilespmem:v6+s1+$0x0], $0xffff  }
0x2e3: {  	v7 =	vld.idx.msk [tilespmem:v7+s1+$0x0], $0xffff  }
0x2e4: {  	v8 =	vld.idx.msk [tilespmem:v8+s1+$0x0], $0xffff  }
0x2e5: {  	[tilespmem:s30+$0x1C700] =	vst v3;
	v10 =	vld.idx.msk [tilespmem:v10+s1+$0x0], $0xffff  }
0x2e6: {  	[tilespmem:s30+$0x1C710] =	vst v4;
	v11 =	vld.idx.msk [tilespmem:v11+s1+$0x0], $0xffff  }
0x2e7: {  	[tilespmem:s30+$0x1C720] =	vst v5;
	v12 =	vld.idx.msk [tilespmem:v12+s1+$0x0], $0xffff  }
0x2e8: {  	[tilespmem:s30+$0x1C730] =	vst v6;
	v3 =	vld.idx.msk [tilespmem:v13+s1+$0x0], $0xffff  }
.Ltmp6:
0x2e9: {  	[tilespmem:s30+$0x1C740] =	vst v7;
	v4 =	vld.idx.msk [tilespmem:v14+s1+$0x0], $0xffff;
	(pc) =	sbr.rel @p0 .LBB2_14-.Ltmp6, $4  }
0x2ea: {  	[tilespmem:s30+$0x1C750] =	vst v8;
	v5 =	vld.idx.msk [tilespmem:v15+s1+$0x0], $0xffff  }
0x2eb: {  	[tilespmem:s30+$0x1C760] =	vst v10;
	v6 =	vld.idx.msk [tilespmem:v16+s1+$0x0], $0xffff  }
0x2ec: {  	[tilespmem:s30+$0x1C770] =	vst v11;
	v7 =	vld.idx.msk [tilespmem:v9+s1+$0x0], $0xffff  }
0x2ed: {  	s0 =	sshra.s32 s26, $0x2;
	s26 =	sadd.s32 $0x400, s26;
	[tilespmem:s30+$0x1C780] =	vst v12;
	v8 =	vld.idx.msk [tilespmem:v17+s1+$0x0], $0xffff  }
0x2ee: {  	v9 =	vld [tilespmem:s0+$0x1A7F0]  }
0x2ef: {  	v10 =	vld [tilespmem:s0+$0x1A700]  }
0x2f0: {  	v11 =	vld [tilespmem:s0+$0x1A710]  }
0x2f1: {  	v12 =	vld [tilespmem:s0+$0x1A720]  }
0x2f2: {  	v13 =	vld [tilespmem:s0+$0x1A730]  }
0x2f3: {  	v14 =	vld [tilespmem:s0+$0x1A740]  }
0x2f4: {  	v15 =	vld [tilespmem:s0+$0x1A750]  }
0x2f5: {  	v16 =	vld [tilespmem:s0+$0x1A760]  }
0x2f6: {  	v17 =	vld [tilespmem:s0+$0x1A770]  }
0x2f7: {  	v18 =	vld [tilespmem:s0+$0x1A780]  }
0x2f8: {  	v19 =	vld [tilespmem:s0+$0x1A790]  }
0x2f9: {  	v20 =	vld [tilespmem:s0+$0x1A7A0]  }
0x2fa: {  	v21 =	vld [tilespmem:s0+$0x1A7B0]  }
0x2fb: {  	v22 =	vld [tilespmem:s0+$0x1A7C0]  }
0x2fc: {  	[tilespmem:s30+$0x1C790] =	vst v3;
	v3 =	vld [tilespmem:s0+$0x1A7D0]  }
0x2fd: {  	[tilespmem:s30+$0x1C7A0] =	vst v4;
	v4 =	vld [tilespmem:s0+$0x1A7E0]  }
0x2fe: {  	v9 =	vld.idx.msk [tilespmem:v9+s1+$0x0], $0xffff  }
0x2ff: {  	[tilespmem:s30+$0x1C7B0] =	vst v5;
	v5 =	vld.idx.msk [tilespmem:v10+s1+$0x0], $0xffff  }
0x300: {  	[tilespmem:s30+$0x1C7C0] =	vst v6;
	v6 =	vld.idx.msk [tilespmem:v11+s1+$0x0], $0xffff  }
0x301: {  	[tilespmem:s30+$0x1C7D0] =	vst v7;
	v7 =	vld.idx.msk [tilespmem:v12+s1+$0x0], $0xffff  }
0x302: {  	[tilespmem:s30+$0x1C7E0] =	vst v8;
	v8 =	vld.idx.msk [tilespmem:v13+s1+$0x0], $0xffff  }
0x303: {  	v10 =	vld.idx.msk [tilespmem:v15+s1+$0x0], $0xffff;
	[tilespmem:s0+$0x1C7F0] =	vst v9  }
0x304: {  	v3 =	vld.idx.msk [tilespmem:v3+s1+$0x0], $0xffff;
	[tilespmem:s0+$0x1C700] =	vst v5  }
0x305: {  	v4 =	vld.idx.msk [tilespmem:v4+s1+$0x0], $0xffff;
	[tilespmem:s0+$0x1C710] =	vst v6  }
0x306: {  	v9 =	vld.idx.msk [tilespmem:v14+s1+$0x0], $0xffff;
	[tilespmem:s0+$0x1C720] =	vst v7  }
0x307: {  	v5 =	vld.idx.msk [tilespmem:v16+s1+$0x0], $0xffff;
	[tilespmem:s0+$0x1C730] =	vst v8  }
0x308: {  	v6 =	vld.idx.msk [tilespmem:v17+s1+$0x0], $0xffff;
	[tilespmem:s0+$0x1C750] =	vst v10  }
0x309: {  	v7 =	vld.idx.msk [tilespmem:v18+s1+$0x0], $0xffff;
	[tilespmem:s0+$0x1C7D0] =	vst v3  }
0x30a: {  	v8 =	vld.idx.msk [tilespmem:v19+s1+$0x0], $0xffff;
	[tilespmem:s0+$0x1C7E0] =	vst v4  }
0x30b: {  	v10 =	vld.idx.msk [tilespmem:v21+s1+$0x0], $0xffff;
	[tilespmem:s0+$0x1C740] =	vst v9  }
0x30c: {  	v9 =	vld.idx.msk [tilespmem:v20+s1+$0x0], $0xffff;
	[tilespmem:s0+$0x1C760] =	vst v5  }
0x30d: {  	v5 =	vld.idx.msk [tilespmem:v22+s1+$0x0], $0xffff;
	[tilespmem:s0+$0x1C770] =	vst v6  }
0x30e: {  	[tilespmem:s0+$0x1C780] =	vst v7  }
0x30f: {  	[tilespmem:s0+$0x1C790] =	vst v8  }
0x310: {  	[tilespmem:s0+$0x1C7B0] =	vst v10  }
0x311: {  	[tilespmem:s0+$0x1C7A0] =	vst v9  }
0x312: {  	s31 =	rddreg [dreg:$0x10];
	[tilespmem:s0+$0x1C7C0] =	vst v5  }
0x313: {  	[hbm4b:s31+s2] =	stream.strided.scatter [tilespmem:s6], [sflag:$0x2], $0x1000, s3, s2, $0x38;
	[tilespmem:$0x1E700] =	vst v63  }
0x314: {  	_ =	swait.ge [sflag:s8], $0x1000  }
0x315: {  	[sflag:s8] =	ssyncset.done $0x0  }
0x316: {  	s30 =	simm.s32 $0x0;
	[sflag:s8] =	ssyncadd.s32 $0xFFFFF000  }
0x317: {  	v3 =	vld [tilespmem:s30+$0x1B7F0]  }
0x318: {  	v4 =	vld [tilespmem:s30+$0x1B700]  }
0x319: {  	v5 =	vld [tilespmem:s30+$0x1B710]  }
0x31a: {  	v6 =	vld [tilespmem:s30+$0x1B720]  }
0x31b: {  	v7 =	vld [tilespmem:s30+$0x1B730]  }
0x31c: {  	v8 =	vld [tilespmem:s30+$0x1B740]  }
0x31d: {  	v9 =	vld [tilespmem:s30+$0x1B750]  }
0x31e: {  	v10 =	vld [tilespmem:s30+$0x1B760]  }
0x31f: {  	v11 =	vld [tilespmem:s30+$0x1B770]  }
0x320: {  	v57 =	vld [tilespmem:s30+$0x1B780]  }
0x321: {  	v58 =	vld [tilespmem:s30+$0x1B790]  }
0x322: {  	v59 =	vld [tilespmem:s30+$0x1B7A0]  }
0x323: {  	v60 =	vld [tilespmem:s30+$0x1B7B0]  }
0x324: {  	v61 =	vld [tilespmem:s30+$0x1B7C0]  }
0x325: {  	v62 =	vld [tilespmem:s30+$0x1B7D0]  }
0x326: {  	v63 =	vld [tilespmem:s30+$0x1B7E0]  }
0x327: {  	v3 =	vld.idx.msk [tilespmem:v3+s1+$0x0], $0xffff  }
0x328: {  	v4 =	vld.idx.msk [tilespmem:v4+s1+$0x0], $0xffff  }
0x329: {  	v5 =	vld.idx.msk [tilespmem:v5+s1+$0x0], $0xffff  }
0x32a: {  	v6 =	vld.idx.msk [tilespmem:v6+s1+$0x0], $0xffff  }
0x32b: {  	v7 =	vld.idx.msk [tilespmem:v7+s1+$0x0], $0xffff  }
0x32c: {  	v8 =	vld.idx.msk [tilespmem:v8+s1+$0x0], $0xffff  }
0x32d: {  	v9 =	vld.idx.msk [tilespmem:v9+s1+$0x0], $0xffff;
	[tilespmem:s30+$0x1D7F0] =	vst v3  }
0x32e: {  	v10 =	vld.idx.msk [tilespmem:v10+s1+$0x0], $0xffff;
	[tilespmem:s30+$0x1D700] =	vst v4  }
0x32f: {  	v11 =	vld.idx.msk [tilespmem:v11+s1+$0x0], $0xffff;
	[tilespmem:s30+$0x1D710] =	vst v5  }
0x330: {  	v12 =	vld.idx.msk [tilespmem:v57+s1+$0x0], $0xffff;
	[tilespmem:s30+$0x1D720] =	vst v6  }
0x331: {  	[tilespmem:s30+$0x1D730] =	vst v7;
	v3 =	vld.idx.msk [tilespmem:v58+s1+$0x0], $0xffff  }
0x332: {  	[tilespmem:s30+$0x1D740] =	vst v8;
	v4 =	vld.idx.msk [tilespmem:v59+s1+$0x0], $0xffff  }
0x333: {  	[tilespmem:s30+$0x1D750] =	vst v9;
	v5 =	vld.idx.msk [tilespmem:v60+s1+$0x0], $0xffff  }
0x334: {  	[tilespmem:s30+$0x1D760] =	vst v10;
	v6 =	vld.idx.msk [tilespmem:v61+s1+$0x0], $0xffff  }
0x335: {  	[tilespmem:s30+$0x1D770] =	vst v11;
	v7 =	vld.idx.msk [tilespmem:v62+s1+$0x0], $0xffff  }
0x336: {  	s26 =	simm.s32 $0x800;
	s0 =	simm.s32 $0x100;
	[tilespmem:s30+$0x1D780] =	vst v12;
	v8 =	vld.idx.msk [tilespmem:v63+s1+$0x0], $0xffff  }
.LBB2_16:
0x337: {  	p0 =	sne.s32 s26, $0x3C00;
	v9 =	vld [tilespmem:s0+$0x1B7F0];
	[tilespmem:s30+$0x1D790] =	vst v3  }
0x338: {  	v3 =	vld [tilespmem:s0+$0x1B700];
	[tilespmem:s30+$0x1D7A0] =	vst v4  }
0x339: {  	v4 =	vld [tilespmem:s0+$0x1B710];
	[tilespmem:s30+$0x1D7B0] =	vst v5  }
0x33a: {  	v5 =	vld [tilespmem:s0+$0x1B720];
	[tilespmem:s30+$0x1D7C0] =	vst v6  }
0x33b: {  	v6 =	vld [tilespmem:s0+$0x1B730];
	[tilespmem:s30+$0x1D7D0] =	vst v7  }
0x33c: {  	v7 =	vld [tilespmem:s0+$0x1B740];
	[tilespmem:s30+$0x1D7E0] =	vst v8;
	s30 =	smov.u32 s0  }
0x33d: {  	v8 =	vld [tilespmem:s30+$0x1B750]  }
0x33e: {  	v10 =	vld [tilespmem:s30+$0x1B760]  }
0x33f: {  	v9 =	vld.idx.msk [tilespmem:v9+s1+$0x0], $0xffff  }
0x340: {  	v11 =	vld [tilespmem:s30+$0x1B770]  }
0x341: {  	v12 =	vld [tilespmem:s30+$0x1B780]  }
0x342: {  	v13 =	vld [tilespmem:s30+$0x1B790]  }
0x343: {  	v14 =	vld [tilespmem:s30+$0x1B7A0]  }
0x344: {  	v15 =	vld [tilespmem:s30+$0x1B7B0]  }
0x345: {  	v16 =	vld [tilespmem:s30+$0x1B7C0];
	[tilespmem:s30+$0x1D7F0] =	vst v9  }
0x346: {  	v9 =	vld [tilespmem:s30+$0x1B7D0]  }
0x347: {  	v17 =	vld [tilespmem:s30+$0x1B7E0]  }
0x348: {  	v3 =	vld.idx.msk [tilespmem:v3+s1+$0x0], $0xffff  }
0x349: {  	v4 =	vld.idx.msk [tilespmem:v4+s1+$0x0], $0xffff  }
0x34a: {  	v5 =	vld.idx.msk [tilespmem:v5+s1+$0x0], $0xffff  }
0x34b: {  	v6 =	vld.idx.msk [tilespmem:v6+s1+$0x0], $0xffff  }
0x34c: {  	v7 =	vld.idx.msk [tilespmem:v7+s1+$0x0], $0xffff  }
0x34d: {  	v8 =	vld.idx.msk [tilespmem:v8+s1+$0x0], $0xffff  }
0x34e: {  	[tilespmem:s30+$0x1D700] =	vst v3;
	v10 =	vld.idx.msk [tilespmem:v10+s1+$0x0], $0xffff  }
0x34f: {  	[tilespmem:s30+$0x1D710] =	vst v4;
	v11 =	vld.idx.msk [tilespmem:v11+s1+$0x0], $0xffff  }
0x350: {  	[tilespmem:s30+$0x1D720] =	vst v5;
	v12 =	vld.idx.msk [tilespmem:v12+s1+$0x0], $0xffff  }
0x351: {  	[tilespmem:s30+$0x1D730] =	vst v6;
	v3 =	vld.idx.msk [tilespmem:v13+s1+$0x0], $0xffff  }
.Ltmp7:
0x352: {  	[tilespmem:s30+$0x1D740] =	vst v7;
	v4 =	vld.idx.msk [tilespmem:v14+s1+$0x0], $0xffff;
	(pc) =	sbr.rel @p0 .LBB2_16-.Ltmp7, $4  }
0x353: {  	[tilespmem:s30+$0x1D750] =	vst v8;
	v5 =	vld.idx.msk [tilespmem:v15+s1+$0x0], $0xffff  }
0x354: {  	[tilespmem:s30+$0x1D760] =	vst v10;
	v6 =	vld.idx.msk [tilespmem:v16+s1+$0x0], $0xffff  }
0x355: {  	[tilespmem:s30+$0x1D770] =	vst v11;
	v7 =	vld.idx.msk [tilespmem:v9+s1+$0x0], $0xffff  }
0x356: {  	s0 =	sshra.s32 s26, $0x2;
	s26 =	sadd.s32 $0x400, s26;
	[tilespmem:s30+$0x1D780] =	vst v12;
	v8 =	vld.idx.msk [tilespmem:v17+s1+$0x0], $0xffff  }
0x357: {  	v9 =	vld [tilespmem:s0+$0x1B7F0]  }
0x358: {  	v10 =	vld [tilespmem:s0+$0x1B700]  }
0x359: {  	v11 =	vld [tilespmem:s0+$0x1B710]  }
0x35a: {  	v12 =	vld [tilespmem:s0+$0x1B720]  }
0x35b: {  	v13 =	vld [tilespmem:s0+$0x1B730]  }
0x35c: {  	v14 =	vld [tilespmem:s0+$0x1B740]  }
0x35d: {  	v15 =	vld [tilespmem:s0+$0x1B750]  }
0x35e: {  	v16 =	vld [tilespmem:s0+$0x1B760]  }
0x35f: {  	v17 =	vld [tilespmem:s0+$0x1B770]  }
0x360: {  	v18 =	vld [tilespmem:s0+$0x1B780]  }
0x361: {  	v19 =	vld [tilespmem:s0+$0x1B790]  }
0x362: {  	v20 =	vld [tilespmem:s0+$0x1B7A0]  }
0x363: {  	v21 =	vld [tilespmem:s0+$0x1B7B0]  }
0x364: {  	v22 =	vld [tilespmem:s0+$0x1B7C0]  }
0x365: {  	[tilespmem:s30+$0x1D790] =	vst v3;
	v3 =	vld [tilespmem:s0+$0x1B7D0]  }
0x366: {  	v42 =	vld [tilespmem:s0+$0x1B7E0]  }
0x367: {  	[tilespmem:s30+$0x1D7A0] =	vst v4;
	v9 =	vld.idx.msk [tilespmem:v9+s1+$0x0], $0xffff  }
0x368: {  	[tilespmem:s30+$0x1D7B0] =	vst v5;
	v43 =	vld.idx.msk [tilespmem:v10+s1+$0x0], $0xffff  }
0x369: {  	[tilespmem:s30+$0x1D7C0] =	vst v6;
	v44 =	vld.idx.msk [tilespmem:v11+s1+$0x0], $0xffff  }
0x36a: {  	[tilespmem:s30+$0x1D7D0] =	vst v7;
	v45 =	vld.idx.msk [tilespmem:v12+s1+$0x0], $0xffff  }
0x36b: {  	[tilespmem:s30+$0x1D7E0] =	vst v8;
	v46 =	vld.idx.msk [tilespmem:v13+s1+$0x0], $0xffff  }
0x36c: {  	v47 =	vld.idx.msk [tilespmem:v14+s1+$0x0], $0xffff;
	[tilespmem:s0+$0x1D7F0] =	vst v9  }
0x36d: {  	v48 =	vld.idx.msk [tilespmem:v15+s1+$0x0], $0xffff;
	[tilespmem:s0+$0x1D700] =	vst v43  }
0x36e: {  	v49 =	vld.idx.msk [tilespmem:v16+s1+$0x0], $0xffff;
	[tilespmem:s0+$0x1D710] =	vst v44  }
0x36f: {  	v50 =	vld.idx.msk [tilespmem:v17+s1+$0x0], $0xffff;
	[tilespmem:s0+$0x1D720] =	vst v45  }
0x370: {  	v51 =	vld.idx.msk [tilespmem:v18+s1+$0x0], $0xffff;
	[tilespmem:s0+$0x1D730] =	vst v46  }
0x371: {  	v52 =	vld.idx.msk [tilespmem:v19+s1+$0x0], $0xffff;
	[tilespmem:s0+$0x1D740] =	vst v47  }
0x372: {  	v53 =	vld.idx.msk [tilespmem:v20+s1+$0x0], $0xffff;
	[tilespmem:s0+$0x1D750] =	vst v48  }
0x373: {  	v54 =	vld.idx.msk [tilespmem:v21+s1+$0x0], $0xffff;
	[tilespmem:s0+$0x1D760] =	vst v49  }
0x374: {  	v55 =	vld.idx.msk [tilespmem:v22+s1+$0x0], $0xffff;
	[tilespmem:s0+$0x1D770] =	vst v50  }
0x375: {  	v3 =	vld.idx.msk [tilespmem:v3+s1+$0x0], $0xffff;
	[tilespmem:s0+$0x1D780] =	vst v51  }
0x376: {  	v4 =	vld.idx.msk [tilespmem:v42+s1+$0x0], $0xffff;
	[tilespmem:s0+$0x1D790] =	vst v52  }
0x377: {  	[tilespmem:s0+$0x1D7A0] =	vst v53  }
0x378: {  	[tilespmem:s0+$0x1D7B0] =	vst v54  }
0x379: {  	[tilespmem:s0+$0x1D7C0] =	vst v55  }
0x37a: {  	[tilespmem:s0+$0x1D7D0] =	vst v3  }
0x37b: {  	s6 =	rddreg [dreg:$0x11];
	[tilespmem:s0+$0x1D7E0] =	vst v4  }
0x37c: {  	[hbm4b:s6+s2] =	stream.strided.scatter [tilespmem:s7], [sflag:$0x2], $0x1000, s3, s2, $0x38;
	[tilespmem:$0x1E700] =	vst v63  }
0x37d: {  	_ =	swait.ge [sflag:s8], $0x1000  }
0x37e: {  	[sflag:s8] =	ssyncset.done $0x0  }
0x37f: {  	[sflag:s8] =	ssyncadd.s32 $0xFFFFF000  }
0x380: {  	_ =	swait.ge [sflag:s8], $0x1000  }
0x381: {  	s7 =	sld [smem:$0x7FC]  }
0x382: {  	[sflag:s8] =	ssyncset.done $0x0  }
0x383: {  	[sflag:s8] =	ssyncadd.s32 $0xFFFFF000  }
0x384: {  	[tilespmem:s1], [sflag:$0x3] =	stream.linear.gather [hbm4b:s7+s1], $0x200, $0x38;
	[tilespmem:$0x1E700] =	vst v63  }
0x385: {  	_ =	swait.ge [sflag:s4], $0x200  }
0x386: {  	[sflag:s4] =	ssyncset.done $0x0  }
0x387: {  	[sflag:s4] =	ssyncadd.s32 $0xFFFFFE00  }
0x388: {  	v3 =	vld [tilespmem:$0x0];
	_ =	sdelay $0x4  }
0x389: {  	v56 =	vshll.u32 v3, $0x1  }
0x38a: {  	v3 =	vand.u32 $0x7, v3;
	v4 =	vand.u32 $0xFFFFFFF0, v56  }
0x38b: {  	v3 =	vor.u32 v3, v4  }
0x38c: {  	v4 =	vperm.xlane v3, v0;
	_ =	sdelay $0x1  }
0x38d: {  	v3 =	vperm.xlane v3, v2;
	v4 =	vadd.s32 v1, v4;
	_ =	sdelay $0x1  }
0x38e: {  	v3 =	vadd.s32 v1, v3;
	_ =	sdelay $0x2  }
0x38f: {  	[tilespmem:s19], [sflag:$0x1] =	stream.indirect_vreg.gather [hbm4b:s22+s1], $0x80, v4, vm0, $0xb8;
	[tilespmem:$0x1E700] =	vst v63  }
0x390: {  	s23 =	simm.s32 $0xA00  }
0x391: {  	[tilespmem:s23], [sflag:$0x1] =	stream.indirect_vreg.gather [hbm4b:s22+s1], $0x80, v3, vm0, $0xb8;
	[tilespmem:$0x1E700] =	vst v63  }
0x392: {  	v3 =	vld [tilespmem:$0x10];
	_ =	sdelay $0x4  }
0x393: {  	v57 =	vshll.u32 v3, $0x1  }
0x394: {  	v3 =	vand.u32 $0x7, v3;
	v4 =	vand.u32 $0xFFFFFFF0, v57  }
0x395: {  	v3 =	vor.u32 v3, v4  }
0x396: {  	v4 =	vperm.xlane v3, v0;
	_ =	sdelay $0x1  }
0x397: {  	v3 =	vperm.xlane v3, v2;
	v4 =	vadd.s32 v1, v4;
	_ =	sdelay $0x1  }
0x398: {  	v3 =	vadd.s32 v1, v3;
	_ =	sdelay $0x1  }
0x399: {  	s24 =	simm.s32 $0x1200  }
0x39a: {  	[tilespmem:s24], [sflag:$0x1] =	stream.indirect_vreg.gather [hbm4b:s22+s1], $0x80, v4, vm0, $0xb8;
	[tilespmem:$0x1E700] =	vst v63  }
0x39b: {  	s30 =	simm.s32 $0x1A00  }
0x39c: {  	[tilespmem:s30], [sflag:$0x1] =	stream.indirect_vreg.gather [hbm4b:s22+s1], $0x80, v3, vm0, $0xb8;
	[tilespmem:$0x1E700] =	vst v63  }
0x39d: {  	v3 =	vld [tilespmem:$0x20];
	_ =	sdelay $0x4  }
0x39e: {  	v58 =	vshll.u32 v3, $0x1  }
0x39f: {  	v3 =	vand.u32 $0x7, v3;
	v4 =	vand.u32 $0xFFFFFFF0, v58  }
0x3a0: {  	v3 =	vor.u32 v3, v4  }
0x3a1: {  	v4 =	vperm.xlane v3, v0;
	_ =	sdelay $0x1  }
0x3a2: {  	v3 =	vperm.xlane v3, v2;
	v4 =	vadd.s32 v1, v4;
	_ =	sdelay $0x1  }
0x3a3: {  	v3 =	vadd.s32 v1, v3;
	_ =	sdelay $0x1  }
0x3a4: {  	s2 =	simm.s32 $0x2200  }
0x3a5: {  	[tilespmem:s2], [sflag:$0x1] =	stream.indirect_vreg.gather [hbm4b:s22+s1], $0x80, v4, vm0, $0xb8;
	[tilespmem:$0x1E700] =	vst v63  }
0x3a6: {  	s3 =	simm.s32 $0x2A00  }
0x3a7: {  	[tilespmem:s3], [sflag:$0x1] =	stream.indirect_vreg.gather [hbm4b:s22+s1], $0x80, v3, vm0, $0xb8;
	[tilespmem:$0x1E700] =	vst v63  }
0x3a8: {  	v3 =	vld [tilespmem:$0x30];
	_ =	sdelay $0x4  }
0x3a9: {  	v59 =	vshll.u32 v3, $0x1  }
0x3aa: {  	v3 =	vand.u32 $0x7, v3;
	v4 =	vand.u32 $0xFFFFFFF0, v59  }
0x3ab: {  	v3 =	vor.u32 v3, v4  }
0x3ac: {  	v4 =	vperm.xlane v3, v0;
	_ =	sdelay $0x1  }
0x3ad: {  	v3 =	vperm.xlane v3, v2;
	v4 =	vadd.s32 v1, v4;
	_ =	sdelay $0x1  }
0x3ae: {  	v3 =	vadd.s32 v1, v3;
	_ =	sdelay $0x1  }
0x3af: {  	s4 =	simm.s32 $0x3200  }
0x3b0: {  	[tilespmem:s4], [sflag:$0x1] =	stream.indirect_vreg.gather [hbm4b:s22+s1], $0x80, v4, vm0, $0xb8;
	[tilespmem:$0x1E700] =	vst v63  }
0x3b1: {  	s6 =	simm.s32 $0x3A00  }
0x3b2: {  	[tilespmem:s6], [sflag:$0x1] =	stream.indirect_vreg.gather [hbm4b:s22+s1], $0x80, v3, vm0, $0xb8;
	[tilespmem:$0x1E700] =	vst v63  }
0x3b3: {  	v3 =	vld [tilespmem:$0x0];
	_ =	sdelay $0x4  }
0x3b4: {  	v60 =	vshll.u32 v3, $0x1  }
0x3b5: {  	v3 =	vand.u32 $0x7, v3;
	v4 =	vand.u32 $0xFFFFFFF0, v60  }
0x3b6: {  	v3 =	vor.u32 v3, v4  }
0x3b7: {  	v4 =	vperm.xlane v3, v0;
	_ =	sdelay $0x1  }
0x3b8: {  	v3 =	vperm.xlane v3, v2;
	v4 =	vadd.s32 v1, v4;
	_ =	sdelay $0x1  }
0x3b9: {  	v3 =	vadd.s32 v1, v3;
	_ =	sdelay $0x2  }
0x3ba: {  	[tilespmem:s29], [sflag:$0x1] =	stream.indirect_vreg.gather [hbm4b:s25+s1], $0x80, v4, vm0, $0xb8;
	[tilespmem:$0x1E700] =	vst v63  }
0x3bb: {  	s7 =	simm.s32 $0x4A00  }
0x3bc: {  	[tilespmem:s7], [sflag:$0x1] =	stream.indirect_vreg.gather [hbm4b:s25+s1], $0x80, v3, vm0, $0xb8;
	[tilespmem:$0x1E700] =	vst v63  }
0x3bd: {  	v3 =	vld [tilespmem:$0x10];
	_ =	sdelay $0x4  }
0x3be: {  	v61 =	vshll.u32 v3, $0x1  }
0x3bf: {  	v3 =	vand.u32 $0x7, v3;
	v4 =	vand.u32 $0xFFFFFFF0, v61  }
0x3c0: {  	v3 =	vor.u32 v3, v4  }
0x3c1: {  	v4 =	vperm.xlane v3, v0;
	_ =	sdelay $0x1  }
0x3c2: {  	v3 =	vperm.xlane v3, v2;
	v4 =	vadd.s32 v1, v4;
	_ =	sdelay $0x1  }
0x3c3: {  	v3 =	vadd.s32 v1, v3;
	_ =	sdelay $0x1  }
0x3c4: {  	s2 =	simm.s32 $0x5200  }
0x3c5: {  	[tilespmem:s2], [sflag:$0x1] =	stream.indirect_vreg.gather [hbm4b:s25+s1], $0x80, v4, vm0, $0xb8;
	[tilespmem:$0x1E700] =	vst v63  }
0x3c6: {  	s3 =	simm.s32 $0x5A00  }
0x3c7: {  	[tilespmem:s3], [sflag:$0x1] =	stream.indirect_vreg.gather [hbm4b:s25+s1], $0x80, v3, vm0, $0xb8;
	[tilespmem:$0x1E700] =	vst v63  }
0x3c8: {  	v3 =	vld [tilespmem:$0x20];
	_ =	sdelay $0x4  }
0x3c9: {  	v62 =	vshll.u32 v3, $0x1  }
0x3ca: {  	v3 =	vand.u32 $0x7, v3;
	v4 =	vand.u32 $0xFFFFFFF0, v62  }
0x3cb: {  	v3 =	vor.u32 v3, v4  }
0x3cc: {  	v4 =	vperm.xlane v3, v0;
	_ =	sdelay $0x1  }
0x3cd: {  	v3 =	vperm.xlane v3, v2;
	v4 =	vadd.s32 v1, v4;
	_ =	sdelay $0x1  }
0x3ce: {  	v3 =	vadd.s32 v1, v3;
	_ =	sdelay $0x1  }
0x3cf: {  	s4 =	simm.s32 $0x6200  }
0x3d0: {  	[tilespmem:s4], [sflag:$0x1] =	stream.indirect_vreg.gather [hbm4b:s25+s1], $0x80, v4, vm0, $0xb8;
	[tilespmem:$0x1E700] =	vst v63  }
0x3d1: {  	s6 =	simm.s32 $0x6A00  }
0x3d2: {  	[tilespmem:s6], [sflag:$0x1] =	stream.indirect_vreg.gather [hbm4b:s25+s1], $0x80, v3, vm0, $0xb8;
	[tilespmem:$0x1E700] =	vst v63  }
0x3d3: {  	v3 =	vld [tilespmem:$0x30];
	_ =	sdelay $0x4  }
0x3d4: {  	v63 =	vshll.u32 v3, $0x1  }
0x3d5: {  	v3 =	vand.u32 $0x7, v3;
	v4 =	vand.u32 $0xFFFFFFF0, v63  }
0x3d6: {  	v3 =	vor.u32 v3, v4  }
0x3d7: {  	v4 =	vperm.xlane v3, v0;
	_ =	sdelay $0x1  }
0x3d8: {  	v3 =	vperm.xlane v3, v2;
	v4 =	vadd.s32 v1, v4;
	_ =	sdelay $0x1  }
0x3d9: {  	v3 =	vadd.s32 v1, v3;
	_ =	sdelay $0x1  }
0x3da: {  	s7 =	simm.s32 $0x7200  }
0x3db: {  	[tilespmem:s7], [sflag:$0x1] =	stream.indirect_vreg.gather [hbm4b:s25+s1], $0x80, v4, vm0, $0xb8;
	[tilespmem:$0x1E700] =	vst v63  }
0x3dc: {  	s2 =	simm.s32 $0x7A00  }
0x3dd: {  	[tilespmem:s2], [sflag:$0x1] =	stream.indirect_vreg.gather [hbm4b:s25+s1], $0x80, v3, vm0, $0xb8;
	[tilespmem:$0x1E700] =	vst v63  }
0x3de: {  	v3 =	vld [tilespmem:$0x40];
	_ =	sdelay $0x4  }
0x3df: {  	v8 =	vshll.u32 v3, $0x1  }
0x3e0: {  	v3 =	vand.u32 $0x7, v3;
	v4 =	vand.u32 $0xFFFFFFF0, v8  }
0x3e1: {  	v3 =	vor.u32 v3, v4  }
0x3e2: {  	v4 =	vperm.xlane v3, v0;
	_ =	sdelay $0x1  }
0x3e3: {  	v3 =	vperm.xlane v3, v2;
	v4 =	vadd.s32 v1, v4;
	_ =	sdelay $0x1  }
0x3e4: {  	v3 =	vadd.s32 v1, v3;
	_ =	sdelay $0x2  }
0x3e5: {  	[tilespmem:s13], [sflag:$0x1] =	stream.indirect_vreg.gather [hbm4b:s22+s1], $0x80, v4, vm0, $0xb8;
	[tilespmem:$0x1E700] =	vst v63  }
0x3e6: {  	s3 =	simm.s32 $0x8A00  }
0x3e7: {  	[tilespmem:s3], [sflag:$0x1] =	stream.indirect_vreg.gather [hbm4b:s22+s1], $0x80, v3, vm0, $0xb8;
	[tilespmem:$0x1E700] =	vst v63  }
0x3e8: {  	v3 =	vld [tilespmem:$0x50];
	_ =	sdelay $0x4  }
0x3e9: {  	v9 =	vshll.u32 v3, $0x1  }
0x3ea: {  	v3 =	vand.u32 $0x7, v3;
	v4 =	vand.u32 $0xFFFFFFF0, v9  }
0x3eb: {  	v3 =	vor.u32 v3, v4  }
0x3ec: {  	v4 =	vperm.xlane v3, v0;
	_ =	sdelay $0x1  }
0x3ed: {  	v3 =	vperm.xlane v3, v2;
	v4 =	vadd.s32 v1, v4;
	_ =	sdelay $0x1  }
0x3ee: {  	v3 =	vadd.s32 v1, v3;
	_ =	sdelay $0x1  }
0x3ef: {  	s4 =	simm.s32 $0x9200  }
0x3f0: {  	[tilespmem:s4], [sflag:$0x1] =	stream.indirect_vreg.gather [hbm4b:s22+s1], $0x80, v4, vm0, $0xb8;
	[tilespmem:$0x1E700] =	vst v63  }
0x3f1: {  	s6 =	simm.s32 $0x9A00  }
0x3f2: {  	[tilespmem:s6], [sflag:$0x1] =	stream.indirect_vreg.gather [hbm4b:s22+s1], $0x80, v3, vm0, $0xb8;
	[tilespmem:$0x1E700] =	vst v63  }
0x3f3: {  	v3 =	vld [tilespmem:$0x60];
	_ =	sdelay $0x4  }
0x3f4: {  	v10 =	vshll.u32 v3, $0x1  }
0x3f5: {  	v3 =	vand.u32 $0x7, v3;
	v4 =	vand.u32 $0xFFFFFFF0, v10  }
0x3f6: {  	v3 =	vor.u32 v3, v4  }
0x3f7: {  	v4 =	vperm.xlane v3, v0;
	_ =	sdelay $0x1  }
0x3f8: {  	v3 =	vperm.xlane v3, v2;
	v4 =	vadd.s32 v1, v4;
	_ =	sdelay $0x1  }
0x3f9: {  	v3 =	vadd.s32 v1, v3;
	_ =	sdelay $0x1  }
0x3fa: {  	s7 =	simm.s32 $0xA200  }
0x3fb: {  	[tilespmem:s7], [sflag:$0x1] =	stream.indirect_vreg.gather [hbm4b:s22+s1], $0x80, v4, vm0, $0xb8;
	[tilespmem:$0x1E700] =	vst v63  }
0x3fc: {  	s2 =	simm.s32 $0xAA00  }
0x3fd: {  	[tilespmem:s2], [sflag:$0x1] =	stream.indirect_vreg.gather [hbm4b:s22+s1], $0x80, v3, vm0, $0xb8;
	[tilespmem:$0x1E700] =	vst v63  }
0x3fe: {  	v3 =	vld [tilespmem:$0x70];
	_ =	sdelay $0x4  }
0x3ff: {  	v11 =	vshll.u32 v3, $0x1  }
0x400: {  	v3 =	vand.u32 $0x7, v3;
	v4 =	vand.u32 $0xFFFFFFF0, v11  }
0x401: {  	v3 =	vor.u32 v3, v4  }
0x402: {  	v4 =	vperm.xlane v3, v0;
	_ =	sdelay $0x1  }
0x403: {  	v3 =	vperm.xlane v3, v2;
	v4 =	vadd.s32 v1, v4;
	_ =	sdelay $0x1  }
0x404: {  	v3 =	vadd.s32 v1, v3;
	_ =	sdelay $0x1  }
0x405: {  	s3 =	simm.s32 $0xB200  }
0x406: {  	[tilespmem:s3], [sflag:$0x1] =	stream.indirect_vreg.gather [hbm4b:s22+s1], $0x80, v4, vm0, $0xb8;
	[tilespmem:$0x1E700] =	vst v63  }
0x407: {  	s4 =	simm.s32 $0xBA00  }
0x408: {  	[tilespmem:s4], [sflag:$0x1] =	stream.indirect_vreg.gather [hbm4b:s22+s1], $0x80, v3, vm0, $0xb8;
	[tilespmem:$0x1E700] =	vst v63  }
0x409: {  	v3 =	vld [tilespmem:$0x40];
	_ =	sdelay $0x4  }
0x40a: {  	v12 =	vshll.u32 v3, $0x1  }
0x40b: {  	v3 =	vand.u32 $0x7, v3;
	v4 =	vand.u32 $0xFFFFFFF0, v12  }
0x40c: {  	v3 =	vor.u32 v3, v4  }
0x40d: {  	v4 =	vperm.xlane v3, v0;
	_ =	sdelay $0x1  }
0x40e: {  	v3 =	vperm.xlane v3, v2;
	v4 =	vadd.s32 v1, v4;
	_ =	sdelay $0x1  }
0x40f: {  	v3 =	vadd.s32 v1, v3;
	_ =	sdelay $0x2  }
0x410: {  	[tilespmem:s28], [sflag:$0x1] =	stream.indirect_vreg.gather [hbm4b:s25+s1], $0x80, v4, vm0, $0xb8;
	[tilespmem:$0x1E700] =	vst v63  }
0x411: {  	s6 =	simm.s32 $0xCA00  }
0x412: {  	[tilespmem:s6], [sflag:$0x1] =	stream.indirect_vreg.gather [hbm4b:s25+s1], $0x80, v3, vm0, $0xb8;
	[tilespmem:$0x1E700] =	vst v63  }
0x413: {  	v3 =	vld [tilespmem:$0x50];
	_ =	sdelay $0x4  }
0x414: {  	v13 =	vshll.u32 v3, $0x1  }
0x415: {  	v3 =	vand.u32 $0x7, v3;
	v4 =	vand.u32 $0xFFFFFFF0, v13  }
0x416: {  	v3 =	vor.u32 v3, v4  }
0x417: {  	v4 =	vperm.xlane v3, v0;
	_ =	sdelay $0x1  }
0x418: {  	v3 =	vperm.xlane v3, v2;
	v4 =	vadd.s32 v1, v4;
	_ =	sdelay $0x1  }
0x419: {  	v3 =	vadd.s32 v1, v3;
	_ =	sdelay $0x1  }
0x41a: {  	s7 =	simm.s32 $0xD200  }
0x41b: {  	[tilespmem:s7], [sflag:$0x1] =	stream.indirect_vreg.gather [hbm4b:s25+s1], $0x80, v4, vm0, $0xb8;
	[tilespmem:$0x1E700] =	vst v63  }
0x41c: {  	s2 =	simm.s32 $0xDA00  }
0x41d: {  	[tilespmem:s2], [sflag:$0x1] =	stream.indirect_vreg.gather [hbm4b:s25+s1], $0x80, v3, vm0, $0xb8;
	[tilespmem:$0x1E700] =	vst v63  }
0x41e: {  	v3 =	vld [tilespmem:$0x60];
	_ =	sdelay $0x4  }
0x41f: {  	v14 =	vshll.u32 v3, $0x1  }
0x420: {  	v3 =	vand.u32 $0x7, v3;
	v4 =	vand.u32 $0xFFFFFFF0, v14  }
0x421: {  	v3 =	vor.u32 v3, v4  }
0x422: {  	v4 =	vperm.xlane v3, v0;
	_ =	sdelay $0x1  }
0x423: {  	v3 =	vperm.xlane v3, v2;
	v4 =	vadd.s32 v1, v4;
	_ =	sdelay $0x1  }
0x424: {  	v3 =	vadd.s32 v1, v3;
	_ =	sdelay $0x1  }
0x425: {  	s3 =	simm.s32 $0xE200  }
0x426: {  	[tilespmem:s3], [sflag:$0x1] =	stream.indirect_vreg.gather [hbm4b:s25+s1], $0x80, v4, vm0, $0xb8;
	[tilespmem:$0x1E700] =	vst v63  }
0x427: {  	s4 =	simm.s32 $0xEA00  }
0x428: {  	[tilespmem:s4], [sflag:$0x1] =	stream.indirect_vreg.gather [hbm4b:s25+s1], $0x80, v3, vm0, $0xb8;
	[tilespmem:$0x1E700] =	vst v63  }
0x429: {  	v3 =	vld [tilespmem:$0x70];
	_ =	sdelay $0x4  }
0x42a: {  	v15 =	vshll.u32 v3, $0x1  }
0x42b: {  	v3 =	vand.u32 $0x7, v3;
	v4 =	vand.u32 $0xFFFFFFF0, v15  }
0x42c: {  	v3 =	vor.u32 v3, v4  }
0x42d: {  	v4 =	vperm.xlane v3, v0;
	_ =	sdelay $0x1  }
0x42e: {  	v3 =	vperm.xlane v3, v2;
	v4 =	vadd.s32 v1, v4;
	_ =	sdelay $0x1  }
0x42f: {  	v3 =	vadd.s32 v1, v3;
	_ =	sdelay $0x1  }
0x430: {  	s6 =	simm.s32 $0xF200  }
0x431: {  	[tilespmem:s6], [sflag:$0x1] =	stream.indirect_vreg.gather [hbm4b:s25+s1], $0x80, v4, vm0, $0xb8;
	[tilespmem:$0x1E700] =	vst v63  }
0x432: {  	s7 =	simm.s32 $0xFA00  }
0x433: {  	[tilespmem:s7], [sflag:$0x1] =	stream.indirect_vreg.gather [hbm4b:s25+s1], $0x80, v3, vm0, $0xb8;
	[tilespmem:$0x1E700] =	vst v63  }
0x434: {  	v3 =	vld [tilespmem:$0x80];
	_ =	sdelay $0x4  }
0x435: {  	v16 =	vshll.u32 v3, $0x1  }
0x436: {  	v3 =	vand.u32 $0x7, v3;
	v4 =	vand.u32 $0xFFFFFFF0, v16  }
0x437: {  	v3 =	vor.u32 v3, v4  }
0x438: {  	v4 =	vperm.xlane v3, v0;
	_ =	sdelay $0x1  }
0x439: {  	v3 =	vperm.xlane v3, v2;
	v4 =	vadd.s32 v1, v4;
	_ =	sdelay $0x1  }
0x43a: {  	v3 =	vadd.s32 v1, v3;
	_ =	sdelay $0x2  }
0x43b: {  	[tilespmem:s21], [sflag:$0x1] =	stream.indirect_vreg.gather [hbm4b:s22+s1], $0x80, v4, vm0, $0xb8;
	[tilespmem:$0x1E700] =	vst v63  }
0x43c: {  	s2 =	simm.s32 $0x10A00  }
0x43d: {  	[tilespmem:s2], [sflag:$0x1] =	stream.indirect_vreg.gather [hbm4b:s22+s1], $0x80, v3, vm0, $0xb8;
	[tilespmem:$0x1E700] =	vst v63  }
0x43e: {  	v3 =	vld [tilespmem:$0x90];
	_ =	sdelay $0x4  }
0x43f: {  	v17 =	vshll.u32 v3, $0x1  }
0x440: {  	v3 =	vand.u32 $0x7, v3;
	v4 =	vand.u32 $0xFFFFFFF0, v17  }
0x441: {  	v3 =	vor.u32 v3, v4  }
0x442: {  	v4 =	vperm.xlane v3, v0;
	_ =	sdelay $0x1  }
0x443: {  	v3 =	vperm.xlane v3, v2;
	v4 =	vadd.s32 v1, v4;
	_ =	sdelay $0x1  }
0x444: {  	v3 =	vadd.s32 v1, v3;
	_ =	sdelay $0x1  }
0x445: {  	s3 =	simm.s32 $0x11200  }
0x446: {  	[tilespmem:s3], [sflag:$0x1] =	stream.indirect_vreg.gather [hbm4b:s22+s1], $0x80, v4, vm0, $0xb8;
	[tilespmem:$0x1E700] =	vst v63  }
0x447: {  	s4 =	simm.s32 $0x11A00  }
0x448: {  	[tilespmem:s4], [sflag:$0x1] =	stream.indirect_vreg.gather [hbm4b:s22+s1], $0x80, v3, vm0, $0xb8;
	[tilespmem:$0x1E700] =	vst v63  }
0x449: {  	v3 =	vld [tilespmem:$0xA0];
	_ =	sdelay $0x4  }
0x44a: {  	v18 =	vshll.u32 v3, $0x1  }
0x44b: {  	v3 =	vand.u32 $0x7, v3;
	v4 =	vand.u32 $0xFFFFFFF0, v18  }
0x44c: {  	v3 =	vor.u32 v3, v4  }
0x44d: {  	v4 =	vperm.xlane v3, v0;
	_ =	sdelay $0x1  }
0x44e: {  	v3 =	vperm.xlane v3, v2;
	v4 =	vadd.s32 v1, v4;
	_ =	sdelay $0x1  }
0x44f: {  	v3 =	vadd.s32 v1, v3;
	_ =	sdelay $0x1  }
0x450: {  	s6 =	simm.s32 $0x12200  }
0x451: {  	[tilespmem:s6], [sflag:$0x1] =	stream.indirect_vreg.gather [hbm4b:s22+s1], $0x80, v4, vm0, $0xb8;
	[tilespmem:$0x1E700] =	vst v63  }
0x452: {  	s7 =	simm.s32 $0x12A00  }
0x453: {  	[tilespmem:s7], [sflag:$0x1] =	stream.indirect_vreg.gather [hbm4b:s22+s1], $0x80, v3, vm0, $0xb8;
	[tilespmem:$0x1E700] =	vst v63  }
0x454: {  	v3 =	vld [tilespmem:$0xB0];
	_ =	sdelay $0x4  }
0x455: {  	v19 =	vshll.u32 v3, $0x1  }
0x456: {  	v3 =	vand.u32 $0x7, v3;
	v4 =	vand.u32 $0xFFFFFFF0, v19  }
0x457: {  	v3 =	vor.u32 v3, v4  }
0x458: {  	v4 =	vperm.xlane v3, v0;
	_ =	sdelay $0x1  }
0x459: {  	v3 =	vperm.xlane v3, v2;
	v4 =	vadd.s32 v1, v4;
	_ =	sdelay $0x1  }
0x45a: {  	v3 =	vadd.s32 v1, v3;
	_ =	sdelay $0x2  }
0x45b: {  	[tilespmem:s9], [sflag:$0x1] =	stream.indirect_vreg.gather [hbm4b:s22+s1], $0x80, v4, vm0, $0xb8;
	[tilespmem:$0x1E700] =	vst v63  }
0x45c: {  	_ = 	snop  }
0x45d: {  	[tilespmem:s10], [sflag:$0x1] =	stream.indirect_vreg.gather [hbm4b:s22+s1], $0x80, v3, vm0, $0xb8;
	[tilespmem:$0x1E700] =	vst v63  }
0x45e: {  	v3 =	vld [tilespmem:$0x80];
	_ =	sdelay $0x4  }
0x45f: {  	v20 =	vshll.u32 v3, $0x1  }
0x460: {  	v3 =	vand.u32 $0x7, v3;
	v4 =	vand.u32 $0xFFFFFFF0, v20  }
0x461: {  	v3 =	vor.u32 v3, v4  }
0x462: {  	v4 =	vperm.xlane v3, v0;
	_ =	sdelay $0x1  }
0x463: {  	v3 =	vperm.xlane v3, v2;
	v4 =	vadd.s32 v1, v4;
	_ =	sdelay $0x1  }
0x464: {  	v3 =	vadd.s32 v1, v3;
	_ =	sdelay $0x2  }
0x465: {  	[tilespmem:s20], [sflag:$0x1] =	stream.indirect_vreg.gather [hbm4b:s25+s1], $0x80, v4, vm0, $0xb8;
	[tilespmem:$0x1E700] =	vst v63  }
0x466: {  	_ = 	snop  }
0x467: {  	[tilespmem:s11], [sflag:$0x1] =	stream.indirect_vreg.gather [hbm4b:s25+s1], $0x80, v3, vm0, $0xb8;
	[tilespmem:$0x1E700] =	vst v63  }
0x468: {  	v3 =	vld [tilespmem:$0x90];
	_ =	sdelay $0x4  }
0x469: {  	v21 =	vshll.u32 v3, $0x1  }
0x46a: {  	v3 =	vand.u32 $0x7, v3;
	v4 =	vand.u32 $0xFFFFFFF0, v21  }
0x46b: {  	v3 =	vor.u32 v3, v4  }
0x46c: {  	v4 =	vperm.xlane v3, v0;
	_ =	sdelay $0x1  }
0x46d: {  	v3 =	vperm.xlane v3, v2;
	v4 =	vadd.s32 v1, v4;
	_ =	sdelay $0x1  }
0x46e: {  	v3 =	vadd.s32 v1, v3;
	_ =	sdelay $0x2  }
0x46f: {  	[tilespmem:s12], [sflag:$0x1] =	stream.indirect_vreg.gather [hbm4b:s25+s1], $0x80, v4, vm0, $0xb8;
	[tilespmem:$0x1E700] =	vst v63  }
0x470: {  	_ = 	snop  }
0x471: {  	[tilespmem:s14], [sflag:$0x1] =	stream.indirect_vreg.gather [hbm4b:s25+s1], $0x80, v3, vm0, $0xb8;
	[tilespmem:$0x1E700] =	vst v63  }
0x472: {  	v3 =	vld [tilespmem:$0xA0];
	_ =	sdelay $0x4  }
0x473: {  	v22 =	vshll.u32 v3, $0x1  }
0x474: {  	v3 =	vand.u32 $0x7, v3;
	v4 =	vand.u32 $0xFFFFFFF0, v22  }
0x475: {  	v3 =	vor.u32 v3, v4  }
0x476: {  	v4 =	vperm.xlane v3, v0;
	_ =	sdelay $0x1  }
0x477: {  	v3 =	vperm.xlane v3, v2;
	v4 =	vadd.s32 v1, v4;
	_ =	sdelay $0x1  }
0x478: {  	v3 =	vadd.s32 v1, v3;
	_ =	sdelay $0x2  }
0x479: {  	[tilespmem:s15], [sflag:$0x1] =	stream.indirect_vreg.gather [hbm4b:s25+s1], $0x80, v4, vm0, $0xb8;
	[tilespmem:$0x1E700] =	vst v63  }
0x47a: {  	_ = 	snop  }
0x47b: {  	[tilespmem:s16], [sflag:$0x1] =	stream.indirect_vreg.gather [hbm4b:s25+s1], $0x80, v3, vm0, $0xb8;
	[tilespmem:$0x1E700] =	vst v63  }
0x47c: {  	v3 =	vld [tilespmem:$0xB0];
	_ =	sdelay $0x4  }
0x47d: {  	v23 =	vshll.u32 v3, $0x1  }
0x47e: {  	v3 =	vand.u32 $0x7, v3;
	v4 =	vand.u32 $0xFFFFFFF0, v23  }
0x47f: {  	v3 =	vor.u32 v3, v4  }
0x480: {  	v4 =	vperm.xlane v3, v0;
	_ =	sdelay $0x1  }
0x481: {  	v3 =	vperm.xlane v3, v2;
	v4 =	vadd.s32 v1, v4;
	_ =	sdelay $0x1  }
0x482: {  	v3 =	vadd.s32 v1, v3;
	_ =	sdelay $0x2  }
0x483: {  	[tilespmem:s17], [sflag:$0x1] =	stream.indirect_vreg.gather [hbm4b:s25+s1], $0x80, v4, vm0, $0xb8;
	[tilespmem:$0x1E700] =	vst v63  }
0x484: {  	_ = 	snop  }
0x485: {  	[tilespmem:s18], [sflag:$0x1] =	stream.indirect_vreg.gather [hbm4b:s25+s1], $0x80, v3, vm0, $0xb8;
	[tilespmem:$0x1E700] =	vst v63  }
0x486: {  	_ =	swait.ge [sflag:s5], $0x4000  }
0x487: {  	[sflag:s5] =	ssyncset.done $0x0  }
0x488: {  	s0 =	rddreg [dreg:$0x1c];
	[sflag:s5] =	ssyncadd.s32 $0xFFFFC000  }
0x489: {  	[hbm4b:s0+s1] =	stream.linear.scatter [tilespmem:s19], [sflag:$0x2], $0x4000, $0x38;
	[tilespmem:$0x1E700] =	vst v63  }
0x48a: {  	_ =	swait.ge [sflag:s8], $0x4000  }
0x48b: {  	[sflag:s8] =	ssyncset.done $0x0  }
0x48c: {  	[sflag:s8] =	ssyncadd.s32 $0xFFFFC000  }
0x48d: {  	v3 =	vld [tilespmem:$0xC0];
	_ =	sdelay $0x4  }
0x48e: {  	v24 =	vshll.u32 v3, $0x1  }
0x48f: {  	v3 =	vand.u32 $0x7, v3;
	v4 =	vand.u32 $0xFFFFFFF0, v24  }
0x490: {  	v3 =	vor.u32 v3, v4  }
0x491: {  	v4 =	vperm.xlane v3, v0;
	_ =	sdelay $0x1  }
0x492: {  	v3 =	vperm.xlane v3, v2;
	v4 =	vadd.s32 v1, v4;
	_ =	sdelay $0x1  }
0x493: {  	v3 =	vadd.s32 v1, v3;
	_ =	sdelay $0x2  }
0x494: {  	[tilespmem:s19], [sflag:$0x1] =	stream.indirect_vreg.gather [hbm4b:s22+s1], $0x80, v4, vm0, $0xb8;
	[tilespmem:$0x1E700] =	vst v63  }
0x495: {  	s26 =	simm.s32 $0xA00  }
0x496: {  	[tilespmem:s26], [sflag:$0x1] =	stream.indirect_vreg.gather [hbm4b:s22+s1], $0x80, v3, vm0, $0xb8;
	[tilespmem:$0x1E700] =	vst v63  }
0x497: {  	v3 =	vld [tilespmem:$0xD0];
	_ =	sdelay $0x4  }
0x498: {  	v25 =	vshll.u32 v3, $0x1  }
0x499: {  	v3 =	vand.u32 $0x7, v3;
	v4 =	vand.u32 $0xFFFFFFF0, v25  }
0x49a: {  	v3 =	vor.u32 v3, v4  }
0x49b: {  	v4 =	vperm.xlane v3, v0;
	_ =	sdelay $0x1  }
0x49c: {  	v3 =	vperm.xlane v3, v2;
	v4 =	vadd.s32 v1, v4;
	_ =	sdelay $0x1  }
0x49d: {  	v3 =	vadd.s32 v1, v3;
	_ =	sdelay $0x1  }
0x49e: {  	s31 =	simm.s32 $0x1200  }
0x49f: {  	[tilespmem:s31], [sflag:$0x1] =	stream.indirect_vreg.gather [hbm4b:s22+s1], $0x80, v4, vm0, $0xb8;
	[tilespmem:$0x1E700] =	vst v63  }
0x4a0: {  	s30 =	simm.s32 $0x1A00  }
0x4a1: {  	[tilespmem:s30], [sflag:$0x1] =	stream.indirect_vreg.gather [hbm4b:s22+s1], $0x80, v3, vm0, $0xb8;
	[tilespmem:$0x1E700] =	vst v63  }
0x4a2: {  	v3 =	vld [tilespmem:$0xE0];
	_ =	sdelay $0x4  }
0x4a3: {  	v26 =	vshll.u32 v3, $0x1  }
0x4a4: {  	v3 =	vand.u32 $0x7, v3;
	v4 =	vand.u32 $0xFFFFFFF0, v26  }
0x4a5: {  	v3 =	vor.u32 v3, v4  }
0x4a6: {  	v4 =	vperm.xlane v3, v0;
	_ =	sdelay $0x1  }
0x4a7: {  	v3 =	vperm.xlane v3, v2;
	v4 =	vadd.s32 v1, v4;
	_ =	sdelay $0x1  }
0x4a8: {  	v3 =	vadd.s32 v1, v3;
	_ =	sdelay $0x1  }
0x4a9: {  	s31 =	simm.s32 $0x2200  }
0x4aa: {  	[tilespmem:s31], [sflag:$0x1] =	stream.indirect_vreg.gather [hbm4b:s22+s1], $0x80, v4, vm0, $0xb8;
	[tilespmem:$0x1E700] =	vst v63  }
0x4ab: {  	s23 =	simm.s32 $0x2A00  }
0x4ac: {  	[tilespmem:s23], [sflag:$0x1] =	stream.indirect_vreg.gather [hbm4b:s22+s1], $0x80, v3, vm0, $0xb8;
	[tilespmem:$0x1E700] =	vst v63  }
0x4ad: {  	v3 =	vld [tilespmem:$0xF0];
	_ =	sdelay $0x4  }
0x4ae: {  	v27 =	vshll.u32 v3, $0x1  }
0x4af: {  	v3 =	vand.u32 $0x7, v3;
	v4 =	vand.u32 $0xFFFFFFF0, v27  }
0x4b0: {  	v3 =	vor.u32 v3, v4  }
0x4b1: {  	v4 =	vperm.xlane v3, v0;
	_ =	sdelay $0x1  }
0x4b2: {  	v3 =	vperm.xlane v3, v2;
	v4 =	vadd.s32 v1, v4;
	_ =	sdelay $0x1  }
0x4b3: {  	v3 =	vadd.s32 v1, v3;
	_ =	sdelay $0x1  }
0x4b4: {  	s23 =	simm.s32 $0x3200  }
0x4b5: {  	[tilespmem:s23], [sflag:$0x1] =	stream.indirect_vreg.gather [hbm4b:s22+s1], $0x80, v4, vm0, $0xb8;
	[tilespmem:$0x1E700] =	vst v63  }
0x4b6: {  	s24 =	simm.s32 $0x3A00  }
0x4b7: {  	[tilespmem:s24], [sflag:$0x1] =	stream.indirect_vreg.gather [hbm4b:s22+s1], $0x80, v3, vm0, $0xb8;
	[tilespmem:$0x1E700] =	vst v63  }
0x4b8: {  	_ =	swait.ge [sflag:s5], $0x4000  }
0x4b9: {  	[sflag:s5] =	ssyncset.done $0x0  }
0x4ba: {  	s30 =	rddreg [dreg:$0x1d];
	[sflag:s5] =	ssyncadd.s32 $0xFFFFC000  }
0x4bb: {  	[hbm4b:s30+s1] =	stream.linear.scatter [tilespmem:s29], [sflag:$0x2], $0x4000, $0x38;
	[tilespmem:$0x1E700] =	vst v63  }
0x4bc: {  	_ =	swait.ge [sflag:s8], $0x4000  }
0x4bd: {  	[sflag:s8] =	ssyncset.done $0x0  }
0x4be: {  	[sflag:s8] =	ssyncadd.s32 $0xFFFFC000  }
0x4bf: {  	v3 =	vld [tilespmem:$0xC0];
	_ =	sdelay $0x4  }
0x4c0: {  	v28 =	vshll.u32 v3, $0x1  }
0x4c1: {  	v3 =	vand.u32 $0x7, v3;
	v4 =	vand.u32 $0xFFFFFFF0, v28  }
0x4c2: {  	v3 =	vor.u32 v3, v4  }
0x4c3: {  	v4 =	vperm.xlane v3, v0;
	_ =	sdelay $0x1  }
0x4c4: {  	v3 =	vperm.xlane v3, v2;
	v4 =	vadd.s32 v1, v4;
	_ =	sdelay $0x1  }
0x4c5: {  	v3 =	vadd.s32 v1, v3;
	_ =	sdelay $0x2  }
0x4c6: {  	[tilespmem:s29], [sflag:$0x1] =	stream.indirect_vreg.gather [hbm4b:s25+s1], $0x80, v4, vm0, $0xb8;
	[tilespmem:$0x1E700] =	vst v63  }
0x4c7: {  	s31 =	simm.s32 $0x4A00  }
0x4c8: {  	[tilespmem:s31], [sflag:$0x1] =	stream.indirect_vreg.gather [hbm4b:s25+s1], $0x80, v3, vm0, $0xb8;
	[tilespmem:$0x1E700] =	vst v63  }
0x4c9: {  	v3 =	vld [tilespmem:$0xD0];
	_ =	sdelay $0x4  }
0x4ca: {  	v29 =	vshll.u32 v3, $0x1  }
0x4cb: {  	v3 =	vand.u32 $0x7, v3;
	v4 =	vand.u32 $0xFFFFFFF0, v29  }
0x4cc: {  	v3 =	vor.u32 v3, v4  }
0x4cd: {  	v4 =	vperm.xlane v3, v0;
	_ =	sdelay $0x1  }
0x4ce: {  	v3 =	vperm.xlane v3, v2;
	v4 =	vadd.s32 v1, v4;
	_ =	sdelay $0x1  }
0x4cf: {  	v3 =	vadd.s32 v1, v3;
	_ =	sdelay $0x1  }
0x4d0: {  	s30 =	simm.s32 $0x5200  }
0x4d1: {  	[tilespmem:s30], [sflag:$0x1] =	stream.indirect_vreg.gather [hbm4b:s25+s1], $0x80, v4, vm0, $0xb8;
	[tilespmem:$0x1E700] =	vst v63  }
0x4d2: {  	s31 =	simm.s32 $0x5A00  }
0x4d3: {  	[tilespmem:s31], [sflag:$0x1] =	stream.indirect_vreg.gather [hbm4b:s25+s1], $0x80, v3, vm0, $0xb8;
	[tilespmem:$0x1E700] =	vst v63  }
0x4d4: {  	v3 =	vld [tilespmem:$0xE0];
	_ =	sdelay $0x4  }
0x4d5: {  	v30 =	vshll.u32 v3, $0x1  }
0x4d6: {  	v3 =	vand.u32 $0x7, v3;
	v4 =	vand.u32 $0xFFFFFFF0, v30  }
0x4d7: {  	v3 =	vor.u32 v3, v4  }
0x4d8: {  	v4 =	vperm.xlane v3, v0;
	_ =	sdelay $0x1  }
0x4d9: {  	v3 =	vperm.xlane v3, v2;
	v4 =	vadd.s32 v1, v4;
	_ =	sdelay $0x1  }
0x4da: {  	v3 =	vadd.s32 v1, v3;
	_ =	sdelay $0x1  }
0x4db: {  	s30 =	simm.s32 $0x6200  }
0x4dc: {  	[tilespmem:s30], [sflag:$0x1] =	stream.indirect_vreg.gather [hbm4b:s25+s1], $0x80, v4, vm0, $0xb8;
	[tilespmem:$0x1E700] =	vst v63  }
0x4dd: {  	s31 =	simm.s32 $0x6A00  }
0x4de: {  	[tilespmem:s31], [sflag:$0x1] =	stream.indirect_vreg.gather [hbm4b:s25+s1], $0x80, v3, vm0, $0xb8;
	[tilespmem:$0x1E700] =	vst v63  }
0x4df: {  	v3 =	vld [tilespmem:$0xF0];
	_ =	sdelay $0x4  }
0x4e0: {  	v31 =	vshll.u32 v3, $0x1  }
0x4e1: {  	v3 =	vand.u32 $0x7, v3;
	v4 =	vand.u32 $0xFFFFFFF0, v31  }
0x4e2: {  	v3 =	vor.u32 v3, v4  }
0x4e3: {  	v4 =	vperm.xlane v3, v0;
	_ =	sdelay $0x1  }
0x4e4: {  	v3 =	vperm.xlane v3, v2;
	v4 =	vadd.s32 v1, v4;
	_ =	sdelay $0x1  }
0x4e5: {  	v3 =	vadd.s32 v1, v3;
	_ =	sdelay $0x1  }
0x4e6: {  	s30 =	simm.s32 $0x7200  }
0x4e7: {  	[tilespmem:s30], [sflag:$0x1] =	stream.indirect_vreg.gather [hbm4b:s25+s1], $0x80, v4, vm0, $0xb8;
	[tilespmem:$0x1E700] =	vst v63  }
0x4e8: {  	s31 =	simm.s32 $0x7A00  }
0x4e9: {  	[tilespmem:s31], [sflag:$0x1] =	stream.indirect_vreg.gather [hbm4b:s25+s1], $0x80, v3, vm0, $0xb8;
	[tilespmem:$0x1E700] =	vst v63  }
0x4ea: {  	_ =	swait.ge [sflag:s5], $0x4000  }
0x4eb: {  	[sflag:s5] =	ssyncset.done $0x0  }
0x4ec: {  	s30 =	rddreg [dreg:$0x12];
	[sflag:s5] =	ssyncadd.s32 $0xFFFFC000  }
0x4ed: {  	[hbm4b:s30+s1] =	stream.linear.scatter [tilespmem:s13], [sflag:$0x2], $0x4000, $0x38;
	[tilespmem:$0x1E700] =	vst v63  }
0x4ee: {  	_ =	swait.ge [sflag:s8], $0x4000  }
0x4ef: {  	[sflag:s8] =	ssyncset.done $0x0  }
0x4f0: {  	[sflag:s8] =	ssyncadd.s32 $0xFFFFC000  }
0x4f1: {  	v3 =	vld [tilespmem:$0x100];
	_ =	sdelay $0x4  }
0x4f2: {  	v32 =	vshll.u32 v3, $0x1  }
0x4f3: {  	v3 =	vand.u32 $0x7, v3;
	v4 =	vand.u32 $0xFFFFFFF0, v32  }
0x4f4: {  	v3 =	vor.u32 v3, v4  }
0x4f5: {  	v4 =	vperm.xlane v3, v0;
	_ =	sdelay $0x1  }
0x4f6: {  	v3 =	vperm.xlane v3, v2;
	v4 =	vadd.s32 v1, v4;
	_ =	sdelay $0x1  }
0x4f7: {  	v3 =	vadd.s32 v1, v3;
	_ =	sdelay $0x2  }
0x4f8: {  	[tilespmem:s13], [sflag:$0x1] =	stream.indirect_vreg.gather [hbm4b:s22+s1], $0x80, v4, vm0, $0xb8;
	[tilespmem:$0x1E700] =	vst v63  }
0x4f9: {  	s31 =	simm.s32 $0x8A00  }
0x4fa: {  	[tilespmem:s31], [sflag:$0x1] =	stream.indirect_vreg.gather [hbm4b:s22+s1], $0x80, v3, vm0, $0xb8;
	[tilespmem:$0x1E700] =	vst v63  }
0x4fb: {  	v3 =	vld [tilespmem:$0x110];
	_ =	sdelay $0x4  }
0x4fc: {  	v33 =	vshll.u32 v3, $0x1  }
0x4fd: {  	v3 =	vand.u32 $0x7, v3;
	v4 =	vand.u32 $0xFFFFFFF0, v33  }
0x4fe: {  	v3 =	vor.u32 v3, v4  }
0x4ff: {  	v4 =	vperm.xlane v3, v0;
	_ =	sdelay $0x1  }
0x500: {  	v3 =	vperm.xlane v3, v2;
	v4 =	vadd.s32 v1, v4;
	_ =	sdelay $0x1  }
0x501: {  	v3 =	vadd.s32 v1, v3;
	_ =	sdelay $0x1  }
0x502: {  	s30 =	simm.s32 $0x9200  }
0x503: {  	[tilespmem:s30], [sflag:$0x1] =	stream.indirect_vreg.gather [hbm4b:s22+s1], $0x80, v4, vm0, $0xb8;
	[tilespmem:$0x1E700] =	vst v63  }
0x504: {  	s31 =	simm.s32 $0x9A00  }
0x505: {  	[tilespmem:s31], [sflag:$0x1] =	stream.indirect_vreg.gather [hbm4b:s22+s1], $0x80, v3, vm0, $0xb8;
	[tilespmem:$0x1E700] =	vst v63  }
0x506: {  	v3 =	vld [tilespmem:$0x120];
	_ =	sdelay $0x4  }
0x507: {  	v34 =	vshll.u32 v3, $0x1  }
0x508: {  	v3 =	vand.u32 $0x7, v3;
	v4 =	vand.u32 $0xFFFFFFF0, v34  }
0x509: {  	v3 =	vor.u32 v3, v4  }
0x50a: {  	v4 =	vperm.xlane v3, v0;
	_ =	sdelay $0x1  }
0x50b: {  	v3 =	vperm.xlane v3, v2;
	v4 =	vadd.s32 v1, v4;
	_ =	sdelay $0x1  }
0x50c: {  	v3 =	vadd.s32 v1, v3;
	_ =	sdelay $0x1  }
0x50d: {  	s30 =	simm.s32 $0xA200  }
0x50e: {  	[tilespmem:s30], [sflag:$0x1] =	stream.indirect_vreg.gather [hbm4b:s22+s1], $0x80, v4, vm0, $0xb8;
	[tilespmem:$0x1E700] =	vst v63  }
0x50f: {  	s31 =	simm.s32 $0xAA00  }
0x510: {  	[tilespmem:s31], [sflag:$0x1] =	stream.indirect_vreg.gather [hbm4b:s22+s1], $0x80, v3, vm0, $0xb8;
	[tilespmem:$0x1E700] =	vst v63  }
0x511: {  	v3 =	vld [tilespmem:$0x130];
	_ =	sdelay $0x4  }
0x512: {  	v35 =	vshll.u32 v3, $0x1  }
0x513: {  	v3 =	vand.u32 $0x7, v3;
	v4 =	vand.u32 $0xFFFFFFF0, v35  }
0x514: {  	v3 =	vor.u32 v3, v4  }
0x515: {  	v4 =	vperm.xlane v3, v0;
	_ =	sdelay $0x1  }
0x516: {  	v3 =	vperm.xlane v3, v2;
	v4 =	vadd.s32 v1, v4;
	_ =	sdelay $0x1  }
0x517: {  	v3 =	vadd.s32 v1, v3;
	_ =	sdelay $0x1  }
0x518: {  	s30 =	simm.s32 $0xB200  }
0x519: {  	[tilespmem:s30], [sflag:$0x1] =	stream.indirect_vreg.gather [hbm4b:s22+s1], $0x80, v4, vm0, $0xb8;
	[tilespmem:$0x1E700] =	vst v63  }
0x51a: {  	s31 =	simm.s32 $0xBA00  }
0x51b: {  	[tilespmem:s31], [sflag:$0x1] =	stream.indirect_vreg.gather [hbm4b:s22+s1], $0x80, v3, vm0, $0xb8;
	[tilespmem:$0x1E700] =	vst v63  }
0x51c: {  	_ =	swait.ge [sflag:s5], $0x4000  }
0x51d: {  	[sflag:s5] =	ssyncset.done $0x0  }
0x51e: {  	s30 =	rddreg [dreg:$0x13];
	[sflag:s5] =	ssyncadd.s32 $0xFFFFC000  }
0x51f: {  	[hbm4b:s30+s1] =	stream.linear.scatter [tilespmem:s28], [sflag:$0x2], $0x4000, $0x38;
	[tilespmem:$0x1E700] =	vst v63  }
0x520: {  	_ =	swait.ge [sflag:s8], $0x4000  }
0x521: {  	[sflag:s8] =	ssyncset.done $0x0  }
0x522: {  	[sflag:s8] =	ssyncadd.s32 $0xFFFFC000  }
0x523: {  	v3 =	vld [tilespmem:$0x100];
	_ =	sdelay $0x4  }
0x524: {  	v36 =	vshll.u32 v3, $0x1  }
0x525: {  	v3 =	vand.u32 $0x7, v3;
	v4 =	vand.u32 $0xFFFFFFF0, v36  }
0x526: {  	v3 =	vor.u32 v3, v4  }
0x527: {  	v4 =	vperm.xlane v3, v0;
	_ =	sdelay $0x1  }
0x528: {  	v3 =	vperm.xlane v3, v2;
	v4 =	vadd.s32 v1, v4;
	_ =	sdelay $0x1  }
0x529: {  	v3 =	vadd.s32 v1, v3;
	_ =	sdelay $0x2  }
0x52a: {  	[tilespmem:s28], [sflag:$0x1] =	stream.indirect_vreg.gather [hbm4b:s25+s1], $0x80, v4, vm0, $0xb8;
	[tilespmem:$0x1E700] =	vst v63  }
0x52b: {  	s31 =	simm.s32 $0xCA00  }
0x52c: {  	[tilespmem:s31], [sflag:$0x1] =	stream.indirect_vreg.gather [hbm4b:s25+s1], $0x80, v3, vm0, $0xb8;
	[tilespmem:$0x1E700] =	vst v63  }
0x52d: {  	v3 =	vld [tilespmem:$0x110];
	_ =	sdelay $0x4  }
0x52e: {  	v37 =	vshll.u32 v3, $0x1  }
0x52f: {  	v3 =	vand.u32 $0x7, v3;
	v4 =	vand.u32 $0xFFFFFFF0, v37  }
0x530: {  	v3 =	vor.u32 v3, v4  }
0x531: {  	v4 =	vperm.xlane v3, v0;
	_ =	sdelay $0x1  }
0x532: {  	v3 =	vperm.xlane v3, v2;
	v4 =	vadd.s32 v1, v4;
	_ =	sdelay $0x1  }
0x533: {  	v3 =	vadd.s32 v1, v3;
	_ =	sdelay $0x1  }
0x534: {  	s30 =	simm.s32 $0xD200  }
0x535: {  	[tilespmem:s30], [sflag:$0x1] =	stream.indirect_vreg.gather [hbm4b:s25+s1], $0x80, v4, vm0, $0xb8;
	[tilespmem:$0x1E700] =	vst v63  }
0x536: {  	s31 =	simm.s32 $0xDA00  }
0x537: {  	[tilespmem:s31], [sflag:$0x1] =	stream.indirect_vreg.gather [hbm4b:s25+s1], $0x80, v3, vm0, $0xb8;
	[tilespmem:$0x1E700] =	vst v63  }
0x538: {  	v3 =	vld [tilespmem:$0x120];
	_ =	sdelay $0x4  }
0x539: {  	v38 =	vshll.u32 v3, $0x1  }
0x53a: {  	v3 =	vand.u32 $0x7, v3;
	v4 =	vand.u32 $0xFFFFFFF0, v38  }
0x53b: {  	v3 =	vor.u32 v3, v4  }
0x53c: {  	v4 =	vperm.xlane v3, v0;
	_ =	sdelay $0x1  }
0x53d: {  	v3 =	vperm.xlane v3, v2;
	v4 =	vadd.s32 v1, v4;
	_ =	sdelay $0x1  }
0x53e: {  	v3 =	vadd.s32 v1, v3;
	_ =	sdelay $0x1  }
0x53f: {  	s31 =	simm.s32 $0xE200  }
0x540: {  	[tilespmem:s31], [sflag:$0x1] =	stream.indirect_vreg.gather [hbm4b:s25+s1], $0x80, v4, vm0, $0xb8;
	[tilespmem:$0x1E700] =	vst v63  }
0x541: {  	s0 =	simm.s32 $0xEA00  }
0x542: {  	[tilespmem:s0], [sflag:$0x1] =	stream.indirect_vreg.gather [hbm4b:s25+s1], $0x80, v3, vm0, $0xb8;
	[tilespmem:$0x1E700] =	vst v63  }
0x543: {  	v3 =	vld [tilespmem:$0x130];
	_ =	sdelay $0x4  }
0x544: {  	v39 =	vshll.u32 v3, $0x1  }
0x545: {  	v3 =	vand.u32 $0x7, v3;
	v4 =	vand.u32 $0xFFFFFFF0, v39  }
0x546: {  	v3 =	vor.u32 v3, v4  }
0x547: {  	v4 =	vperm.xlane v3, v0;
	_ =	sdelay $0x1  }
0x548: {  	v3 =	vperm.xlane v3, v2;
	v4 =	vadd.s32 v1, v4;
	_ =	sdelay $0x1  }
0x549: {  	v3 =	vadd.s32 v1, v3;
	_ =	sdelay $0x1  }
0x54a: {  	s0 =	simm.s32 $0xF200  }
0x54b: {  	[tilespmem:s0], [sflag:$0x1] =	stream.indirect_vreg.gather [hbm4b:s25+s1], $0x80, v4, vm0, $0xb8;
	[tilespmem:$0x1E700] =	vst v63  }
0x54c: {  	s0 =	simm.s32 $0xFA00  }
0x54d: {  	[tilespmem:s0], [sflag:$0x1] =	stream.indirect_vreg.gather [hbm4b:s25+s1], $0x80, v3, vm0, $0xb8;
	[tilespmem:$0x1E700] =	vst v63  }
0x54e: {  	_ =	swait.ge [sflag:s5], $0x4000  }
0x54f: {  	[sflag:s5] =	ssyncset.done $0x0  }
0x550: {  	s0 =	rddreg [dreg:$0x14];
	[sflag:s5] =	ssyncadd.s32 $0xFFFFC000  }
0x551: {  	[hbm4b:s0+s1] =	stream.linear.scatter [tilespmem:s21], [sflag:$0x2], $0x4000, $0x38;
	[tilespmem:$0x1E700] =	vst v63  }
0x552: {  	_ =	swait.ge [sflag:s8], $0x4000  }
0x553: {  	[sflag:s8] =	ssyncset.done $0x0  }
0x554: {  	[sflag:s8] =	ssyncadd.s32 $0xFFFFC000  }
0x555: {  	v3 =	vld [tilespmem:$0x140];
	_ =	sdelay $0x4  }
0x556: {  	v40 =	vshll.u32 v3, $0x1  }
0x557: {  	v3 =	vand.u32 $0x7, v3;
	v4 =	vand.u32 $0xFFFFFFF0, v40  }
0x558: {  	v3 =	vor.u32 v3, v4  }
0x559: {  	v4 =	vperm.xlane v3, v0;
	_ =	sdelay $0x1  }
0x55a: {  	v3 =	vperm.xlane v3, v2;
	v4 =	vadd.s32 v1, v4;
	_ =	sdelay $0x1  }
0x55b: {  	v3 =	vadd.s32 v1, v3;
	_ =	sdelay $0x2  }
0x55c: {  	[tilespmem:s21], [sflag:$0x1] =	stream.indirect_vreg.gather [hbm4b:s22+s1], $0x80, v4, vm0, $0xb8;
	[tilespmem:$0x1E700] =	vst v63  }
0x55d: {  	_ = 	snop  }
0x55e: {  	[tilespmem:s2], [sflag:$0x1] =	stream.indirect_vreg.gather [hbm4b:s22+s1], $0x80, v3, vm0, $0xb8;
	[tilespmem:$0x1E700] =	vst v63  }
0x55f: {  	v3 =	vld [tilespmem:$0x150];
	_ =	sdelay $0x4  }
0x560: {  	v41 =	vshll.u32 v3, $0x1  }
0x561: {  	v3 =	vand.u32 $0x7, v3;
	v4 =	vand.u32 $0xFFFFFFF0, v41  }
0x562: {  	v3 =	vor.u32 v3, v4  }
0x563: {  	v4 =	vperm.xlane v3, v0;
	_ =	sdelay $0x1  }
0x564: {  	v3 =	vperm.xlane v3, v2;
	v4 =	vadd.s32 v1, v4;
	_ =	sdelay $0x1  }
0x565: {  	v3 =	vadd.s32 v1, v3;
	_ =	sdelay $0x2  }
0x566: {  	[tilespmem:s3], [sflag:$0x1] =	stream.indirect_vreg.gather [hbm4b:s22+s1], $0x80, v4, vm0, $0xb8;
	[tilespmem:$0x1E700] =	vst v63  }
0x567: {  	_ = 	snop  }
0x568: {  	[tilespmem:s4], [sflag:$0x1] =	stream.indirect_vreg.gather [hbm4b:s22+s1], $0x80, v3, vm0, $0xb8;
	[tilespmem:$0x1E700] =	vst v63  }
0x569: {  	v3 =	vld [tilespmem:$0x160];
	_ =	sdelay $0x4  }
0x56a: {  	v42 =	vshll.u32 v3, $0x1  }
0x56b: {  	v3 =	vand.u32 $0x7, v3;
	v4 =	vand.u32 $0xFFFFFFF0, v42  }
0x56c: {  	v3 =	vor.u32 v3, v4  }
0x56d: {  	v4 =	vperm.xlane v3, v0;
	_ =	sdelay $0x1  }
0x56e: {  	v3 =	vperm.xlane v3, v2;
	v4 =	vadd.s32 v1, v4;
	_ =	sdelay $0x1  }
0x56f: {  	v3 =	vadd.s32 v1, v3;
	_ =	sdelay $0x2  }
0x570: {  	[tilespmem:s6], [sflag:$0x1] =	stream.indirect_vreg.gather [hbm4b:s22+s1], $0x80, v4, vm0, $0xb8;
	[tilespmem:$0x1E700] =	vst v63  }
0x571: {  	_ = 	snop  }
0x572: {  	[tilespmem:s7], [sflag:$0x1] =	stream.indirect_vreg.gather [hbm4b:s22+s1], $0x80, v3, vm0, $0xb8;
	[tilespmem:$0x1E700] =	vst v63  }
0x573: {  	v3 =	vld [tilespmem:$0x170];
	_ =	sdelay $0x4  }
0x574: {  	v43 =	vshll.u32 v3, $0x1  }
0x575: {  	v3 =	vand.u32 $0x7, v3;
	v4 =	vand.u32 $0xFFFFFFF0, v43  }
0x576: {  	v3 =	vor.u32 v3, v4  }
0x577: {  	v4 =	vperm.xlane v3, v0;
	_ =	sdelay $0x1  }
0x578: {  	v3 =	vperm.xlane v3, v2;
	v4 =	vadd.s32 v1, v4;
	_ =	sdelay $0x1  }
0x579: {  	v3 =	vadd.s32 v1, v3;
	_ =	sdelay $0x2  }
0x57a: {  	[tilespmem:s9], [sflag:$0x1] =	stream.indirect_vreg.gather [hbm4b:s22+s1], $0x80, v4, vm0, $0xb8;
	[tilespmem:$0x1E700] =	vst v63  }
0x57b: {  	_ = 	snop  }
0x57c: {  	[tilespmem:s10], [sflag:$0x1] =	stream.indirect_vreg.gather [hbm4b:s22+s1], $0x80, v3, vm0, $0xb8;
	[tilespmem:$0x1E700] =	vst v63  }
0x57d: {  	_ =	swait.ge [sflag:s5], $0x4000  }
0x57e: {  	[sflag:s5] =	ssyncset.done $0x0  }
0x57f: {  	s3 =	rddreg [dreg:$0x15];
	[sflag:s5] =	ssyncadd.s32 $0xFFFFC000  }
0x580: {  	[hbm4b:s3+s1] =	stream.linear.scatter [tilespmem:s20], [sflag:$0x2], $0x4000, $0x38;
	[tilespmem:$0x1E700] =	vst v63  }
0x581: {  	_ =	swait.ge [sflag:s8], $0x4000  }
0x582: {  	[sflag:s8] =	ssyncset.done $0x0  }
0x583: {  	[sflag:s8] =	ssyncadd.s32 $0xFFFFC000  }
0x584: {  	v3 =	vld [tilespmem:$0x140];
	_ =	sdelay $0x4  }
0x585: {  	v44 =	vshll.u32 v3, $0x1  }
0x586: {  	v3 =	vand.u32 $0x7, v3;
	v4 =	vand.u32 $0xFFFFFFF0, v44  }
0x587: {  	v3 =	vor.u32 v3, v4  }
0x588: {  	v4 =	vperm.xlane v3, v0;
	_ =	sdelay $0x1  }
0x589: {  	v3 =	vperm.xlane v3, v2;
	v4 =	vadd.s32 v1, v4;
	_ =	sdelay $0x1  }
0x58a: {  	v3 =	vadd.s32 v1, v3;
	_ =	sdelay $0x2  }
0x58b: {  	[tilespmem:s20], [sflag:$0x1] =	stream.indirect_vreg.gather [hbm4b:s25+s1], $0x80, v4, vm0, $0xb8;
	[tilespmem:$0x1E700] =	vst v63  }
0x58c: {  	_ = 	snop  }
0x58d: {  	[tilespmem:s11], [sflag:$0x1] =	stream.indirect_vreg.gather [hbm4b:s25+s1], $0x80, v3, vm0, $0xb8;
	[tilespmem:$0x1E700] =	vst v63  }
0x58e: {  	v3 =	vld [tilespmem:$0x150];
	_ =	sdelay $0x4  }
0x58f: {  	v45 =	vshll.u32 v3, $0x1  }
0x590: {  	v3 =	vand.u32 $0x7, v3;
	v4 =	vand.u32 $0xFFFFFFF0, v45  }
0x591: {  	v3 =	vor.u32 v3, v4  }
0x592: {  	v4 =	vperm.xlane v3, v0;
	_ =	sdelay $0x1  }
0x593: {  	v3 =	vperm.xlane v3, v2;
	v4 =	vadd.s32 v1, v4;
	_ =	sdelay $0x1  }
0x594: {  	v3 =	vadd.s32 v1, v3;
	_ =	sdelay $0x2  }
0x595: {  	[tilespmem:s12], [sflag:$0x1] =	stream.indirect_vreg.gather [hbm4b:s25+s1], $0x80, v4, vm0, $0xb8;
	[tilespmem:$0x1E700] =	vst v63  }
0x596: {  	_ = 	snop  }
0x597: {  	[tilespmem:s14], [sflag:$0x1] =	stream.indirect_vreg.gather [hbm4b:s25+s1], $0x80, v3, vm0, $0xb8;
	[tilespmem:$0x1E700] =	vst v63  }
0x598: {  	v3 =	vld [tilespmem:$0x160];
	_ =	sdelay $0x4  }
0x599: {  	v46 =	vshll.u32 v3, $0x1  }
0x59a: {  	v3 =	vand.u32 $0x7, v3;
	v4 =	vand.u32 $0xFFFFFFF0, v46  }
0x59b: {  	v3 =	vor.u32 v3, v4  }
0x59c: {  	v4 =	vperm.xlane v3, v0;
	_ =	sdelay $0x1  }
0x59d: {  	v3 =	vperm.xlane v3, v2;
	v4 =	vadd.s32 v1, v4;
	_ =	sdelay $0x1  }
0x59e: {  	v3 =	vadd.s32 v1, v3;
	_ =	sdelay $0x2  }
0x59f: {  	[tilespmem:s15], [sflag:$0x1] =	stream.indirect_vreg.gather [hbm4b:s25+s1], $0x80, v4, vm0, $0xb8;
	[tilespmem:$0x1E700] =	vst v63  }
0x5a0: {  	_ = 	snop  }
0x5a1: {  	[tilespmem:s16], [sflag:$0x1] =	stream.indirect_vreg.gather [hbm4b:s25+s1], $0x80, v3, vm0, $0xb8;
	[tilespmem:$0x1E700] =	vst v63  }
0x5a2: {  	v3 =	vld [tilespmem:$0x170];
	_ =	sdelay $0x4  }
0x5a3: {  	v47 =	vshll.u32 v3, $0x1  }
0x5a4: {  	v3 =	vand.u32 $0x7, v3;
	v4 =	vand.u32 $0xFFFFFFF0, v47  }
0x5a5: {  	v3 =	vor.u32 v3, v4  }
0x5a6: {  	v4 =	vperm.xlane v3, v0;
	_ =	sdelay $0x1  }
0x5a7: {  	v3 =	vperm.xlane v3, v2;
	v4 =	vadd.s32 v1, v4;
	_ =	sdelay $0x1  }
0x5a8: {  	v3 =	vadd.s32 v1, v3;
	_ =	sdelay $0x2  }
0x5a9: {  	[tilespmem:s17], [sflag:$0x1] =	stream.indirect_vreg.gather [hbm4b:s25+s1], $0x80, v4, vm0, $0xb8;
	[tilespmem:$0x1E700] =	vst v63  }
0x5aa: {  	_ = 	snop  }
0x5ab: {  	[tilespmem:s18], [sflag:$0x1] =	stream.indirect_vreg.gather [hbm4b:s25+s1], $0x80, v3, vm0, $0xb8;
	[tilespmem:$0x1E700] =	vst v63  }
0x5ac: {  	_ =	swait.ge [sflag:s5], $0x4000  }
0x5ad: {  	[sflag:s5] =	ssyncset.done $0x0  }
0x5ae: {  	s4 =	rddreg [dreg:$0x16];
	[sflag:s5] =	ssyncadd.s32 $0xFFFFC000  }
0x5af: {  	[hbm4b:s4+s1] =	stream.linear.scatter [tilespmem:s19], [sflag:$0x2], $0x4000, $0x38;
	[tilespmem:$0x1E700] =	vst v63  }
0x5b0: {  	_ =	swait.ge [sflag:s8], $0x4000  }
0x5b1: {  	[sflag:s8] =	ssyncset.done $0x0  }
0x5b2: {  	[sflag:s8] =	ssyncadd.s32 $0xFFFFC000  }
0x5b3: {  	v3 =	vld [tilespmem:$0x180];
	_ =	sdelay $0x4  }
0x5b4: {  	v48 =	vshll.u32 v3, $0x1  }
0x5b5: {  	v3 =	vand.u32 $0x7, v3;
	v4 =	vand.u32 $0xFFFFFFF0, v48  }
0x5b6: {  	v3 =	vor.u32 v3, v4  }
0x5b7: {  	v4 =	vperm.xlane v3, v0;
	_ =	sdelay $0x1  }
0x5b8: {  	v3 =	vperm.xlane v3, v2;
	v4 =	vadd.s32 v1, v4;
	_ =	sdelay $0x1  }
0x5b9: {  	v3 =	vadd.s32 v1, v3;
	_ =	sdelay $0x2  }
0x5ba: {  	[tilespmem:s19], [sflag:$0x1] =	stream.indirect_vreg.gather [hbm4b:s22+s1], $0x80, v4, vm0, $0xb8;
	[tilespmem:$0x1E700] =	vst v63  }
0x5bb: {  	s6 =	simm.s32 $0xA00  }
0x5bc: {  	[tilespmem:s6], [sflag:$0x1] =	stream.indirect_vreg.gather [hbm4b:s22+s1], $0x80, v3, vm0, $0xb8;
	[tilespmem:$0x1E700] =	vst v63  }
0x5bd: {  	v3 =	vld [tilespmem:$0x190];
	_ =	sdelay $0x4  }
0x5be: {  	v49 =	vshll.u32 v3, $0x1  }
0x5bf: {  	v3 =	vand.u32 $0x7, v3;
	v4 =	vand.u32 $0xFFFFFFF0, v49  }
0x5c0: {  	v3 =	vor.u32 v3, v4  }
0x5c1: {  	v4 =	vperm.xlane v3, v0;
	_ =	sdelay $0x1  }
0x5c2: {  	v3 =	vperm.xlane v3, v2;
	v4 =	vadd.s32 v1, v4;
	_ =	sdelay $0x1  }
0x5c3: {  	v3 =	vadd.s32 v1, v3;
	_ =	sdelay $0x1  }
0x5c4: {  	s7 =	simm.s32 $0x1200  }
0x5c5: {  	[tilespmem:s7], [sflag:$0x1] =	stream.indirect_vreg.gather [hbm4b:s22+s1], $0x80, v4, vm0, $0xb8;
	[tilespmem:$0x1E700] =	vst v63  }
0x5c6: {  	s26 =	simm.s32 $0x1A00  }
0x5c7: {  	[tilespmem:s26], [sflag:$0x1] =	stream.indirect_vreg.gather [hbm4b:s22+s1], $0x80, v3, vm0, $0xb8;
	[tilespmem:$0x1E700] =	vst v63  }
0x5c8: {  	v3 =	vld [tilespmem:$0x1A0];
	_ =	sdelay $0x4  }
0x5c9: {  	v50 =	vshll.u32 v3, $0x1  }
0x5ca: {  	v3 =	vand.u32 $0x7, v3;
	v4 =	vand.u32 $0xFFFFFFF0, v50  }
0x5cb: {  	v3 =	vor.u32 v3, v4  }
0x5cc: {  	v4 =	vperm.xlane v3, v0;
	_ =	sdelay $0x1  }
0x5cd: {  	v3 =	vperm.xlane v3, v2;
	v4 =	vadd.s32 v1, v4;
	_ =	sdelay $0x1  }
0x5ce: {  	v3 =	vadd.s32 v1, v3;
	_ =	sdelay $0x1  }
0x5cf: {  	s2 =	simm.s32 $0x2200  }
0x5d0: {  	[tilespmem:s2], [sflag:$0x1] =	stream.indirect_vreg.gather [hbm4b:s22+s1], $0x80, v4, vm0, $0xb8;
	[tilespmem:$0x1E700] =	vst v63  }
0x5d1: {  	s3 =	simm.s32 $0x2A00  }
0x5d2: {  	[tilespmem:s3], [sflag:$0x1] =	stream.indirect_vreg.gather [hbm4b:s22+s1], $0x80, v3, vm0, $0xb8;
	[tilespmem:$0x1E700] =	vst v63  }
0x5d3: {  	v3 =	vld [tilespmem:$0x1B0];
	_ =	sdelay $0x4  }
0x5d4: {  	v51 =	vshll.u32 v3, $0x1  }
0x5d5: {  	v3 =	vand.u32 $0x7, v3;
	v4 =	vand.u32 $0xFFFFFFF0, v51  }
0x5d6: {  	v3 =	vor.u32 v3, v4  }
0x5d7: {  	v4 =	vperm.xlane v3, v0;
	_ =	sdelay $0x1  }
0x5d8: {  	v3 =	vperm.xlane v3, v2;
	v4 =	vadd.s32 v1, v4;
	_ =	sdelay $0x1  }
0x5d9: {  	v3 =	vadd.s32 v1, v3;
	_ =	sdelay $0x1  }
0x5da: {  	s23 =	simm.s32 $0x3200  }
0x5db: {  	[tilespmem:s23], [sflag:$0x1] =	stream.indirect_vreg.gather [hbm4b:s22+s1], $0x80, v4, vm0, $0xb8;
	[tilespmem:$0x1E700] =	vst v63  }
0x5dc: {  	s24 =	simm.s32 $0x3A00  }
0x5dd: {  	[tilespmem:s24], [sflag:$0x1] =	stream.indirect_vreg.gather [hbm4b:s22+s1], $0x80, v3, vm0, $0xb8;
	[tilespmem:$0x1E700] =	vst v63  }
0x5de: {  	_ =	swait.ge [sflag:s5], $0x4000  }
0x5df: {  	[sflag:s5] =	ssyncset.done $0x0  }
0x5e0: {  	s4 =	rddreg [dreg:$0x17];
	[sflag:s5] =	ssyncadd.s32 $0xFFFFC000  }
0x5e1: {  	[hbm4b:s4+s1] =	stream.linear.scatter [tilespmem:s29], [sflag:$0x2], $0x4000, $0x38;
	[tilespmem:$0x1E700] =	vst v63  }
0x5e2: {  	_ =	swait.ge [sflag:s8], $0x4000  }
0x5e3: {  	[sflag:s8] =	ssyncset.done $0x0  }
0x5e4: {  	[sflag:s8] =	ssyncadd.s32 $0xFFFFC000  }
0x5e5: {  	v3 =	vld [tilespmem:$0x180];
	_ =	sdelay $0x4  }
0x5e6: {  	v52 =	vshll.u32 v3, $0x1  }
0x5e7: {  	v3 =	vand.u32 $0x7, v3;
	v4 =	vand.u32 $0xFFFFFFF0, v52  }
0x5e8: {  	v3 =	vor.u32 v3, v4  }
0x5e9: {  	v4 =	vperm.xlane v3, v0;
	_ =	sdelay $0x1  }
0x5ea: {  	v3 =	vperm.xlane v3, v2;
	v4 =	vadd.s32 v1, v4;
	_ =	sdelay $0x1  }
0x5eb: {  	v3 =	vadd.s32 v1, v3;
	_ =	sdelay $0x2  }
0x5ec: {  	[tilespmem:s29], [sflag:$0x1] =	stream.indirect_vreg.gather [hbm4b:s25+s1], $0x80, v4, vm0, $0xb8;
	[tilespmem:$0x1E700] =	vst v63  }
0x5ed: {  	s6 =	simm.s32 $0x4A00  }
0x5ee: {  	[tilespmem:s6], [sflag:$0x1] =	stream.indirect_vreg.gather [hbm4b:s25+s1], $0x80, v3, vm0, $0xb8;
	[tilespmem:$0x1E700] =	vst v63  }
0x5ef: {  	v3 =	vld [tilespmem:$0x190];
	_ =	sdelay $0x4  }
0x5f0: {  	v53 =	vshll.u32 v3, $0x1  }
0x5f1: {  	v3 =	vand.u32 $0x7, v3;
	v4 =	vand.u32 $0xFFFFFFF0, v53  }
0x5f2: {  	v3 =	vor.u32 v3, v4  }
0x5f3: {  	v4 =	vperm.xlane v3, v0;
	_ =	sdelay $0x1  }
0x5f4: {  	v3 =	vperm.xlane v3, v2;
	v4 =	vadd.s32 v1, v4;
	_ =	sdelay $0x1  }
0x5f5: {  	v3 =	vadd.s32 v1, v3;
	_ =	sdelay $0x1  }
0x5f6: {  	s7 =	simm.s32 $0x5200  }
0x5f7: {  	[tilespmem:s7], [sflag:$0x1] =	stream.indirect_vreg.gather [hbm4b:s25+s1], $0x80, v4, vm0, $0xb8;
	[tilespmem:$0x1E700] =	vst v63  }
0x5f8: {  	s23 =	simm.s32 $0x5A00  }
0x5f9: {  	[tilespmem:s23], [sflag:$0x1] =	stream.indirect_vreg.gather [hbm4b:s25+s1], $0x80, v3, vm0, $0xb8;
	[tilespmem:$0x1E700] =	vst v63  }
0x5fa: {  	v3 =	vld [tilespmem:$0x1A0];
	_ =	sdelay $0x4  }
0x5fb: {  	v54 =	vshll.u32 v3, $0x1  }
0x5fc: {  	v3 =	vand.u32 $0x7, v3;
	v4 =	vand.u32 $0xFFFFFFF0, v54  }
0x5fd: {  	v3 =	vor.u32 v3, v4  }
0x5fe: {  	v4 =	vperm.xlane v3, v0;
	_ =	sdelay $0x1  }
0x5ff: {  	v3 =	vperm.xlane v3, v2;
	v4 =	vadd.s32 v1, v4;
	_ =	sdelay $0x1  }
0x600: {  	v3 =	vadd.s32 v1, v3;
	_ =	sdelay $0x1  }
0x601: {  	s24 =	simm.s32 $0x6200  }
0x602: {  	[tilespmem:s24], [sflag:$0x1] =	stream.indirect_vreg.gather [hbm4b:s25+s1], $0x80, v4, vm0, $0xb8;
	[tilespmem:$0x1E700] =	vst v63  }
0x603: {  	s26 =	simm.s32 $0x6A00  }
0x604: {  	[tilespmem:s26], [sflag:$0x1] =	stream.indirect_vreg.gather [hbm4b:s25+s1], $0x80, v3, vm0, $0xb8;
	[tilespmem:$0x1E700] =	vst v63  }
0x605: {  	v3 =	vld [tilespmem:$0x1B0];
	_ =	sdelay $0x4  }
0x606: {  	v55 =	vshll.u32 v3, $0x1  }
0x607: {  	v3 =	vand.u32 $0x7, v3;
	v4 =	vand.u32 $0xFFFFFFF0, v55  }
0x608: {  	v3 =	vor.u32 v3, v4  }
0x609: {  	v4 =	vperm.xlane v3, v0;
	_ =	sdelay $0x1  }
0x60a: {  	v3 =	vperm.xlane v3, v2;
	v4 =	vadd.s32 v1, v4;
	_ =	sdelay $0x1  }
0x60b: {  	v3 =	vadd.s32 v1, v3;
	_ =	sdelay $0x1  }
0x60c: {  	s2 =	simm.s32 $0x7200  }
0x60d: {  	[tilespmem:s2], [sflag:$0x1] =	stream.indirect_vreg.gather [hbm4b:s25+s1], $0x80, v4, vm0, $0xb8;
	[tilespmem:$0x1E700] =	vst v63  }
0x60e: {  	s3 =	simm.s32 $0x7A00  }
0x60f: {  	[tilespmem:s3], [sflag:$0x1] =	stream.indirect_vreg.gather [hbm4b:s25+s1], $0x80, v3, vm0, $0xb8;
	[tilespmem:$0x1E700] =	vst v63  }
0x610: {  	_ =	swait.ge [sflag:s5], $0x4000  }
0x611: {  	[sflag:s5] =	ssyncset.done $0x0  }
0x612: {  	s4 =	rddreg [dreg:$0x18];
	[sflag:s5] =	ssyncadd.s32 $0xFFFFC000  }
0x613: {  	[hbm4b:s4+s1] =	stream.linear.scatter [tilespmem:s13], [sflag:$0x2], $0x4000, $0x38;
	[tilespmem:$0x1E700] =	vst v63  }
0x614: {  	_ =	swait.ge [sflag:s8], $0x4000  }
0x615: {  	[sflag:s8] =	ssyncset.done $0x0  }
0x616: {  	[sflag:s8] =	ssyncadd.s32 $0xFFFFC000  }
0x617: {  	v3 =	vld [tilespmem:$0x1C0];
	_ =	sdelay $0x4  }
0x618: {  	v56 =	vshll.u32 v3, $0x1  }
0x619: {  	v3 =	vand.u32 $0x7, v3;
	v4 =	vand.u32 $0xFFFFFFF0, v56  }
0x61a: {  	v3 =	vor.u32 v3, v4  }
0x61b: {  	v4 =	vperm.xlane v3, v0;
	_ =	sdelay $0x1  }
0x61c: {  	v3 =	vperm.xlane v3, v2;
	v4 =	vadd.s32 v1, v4;
	_ =	sdelay $0x1  }
0x61d: {  	v3 =	vadd.s32 v1, v3;
	_ =	sdelay $0x2  }
0x61e: {  	[tilespmem:s13], [sflag:$0x1] =	stream.indirect_vreg.gather [hbm4b:s22+s1], $0x80, v4, vm0, $0xb8;
	[tilespmem:$0x1E700] =	vst v63  }
0x61f: {  	s6 =	simm.s32 $0x8A00  }
0x620: {  	[tilespmem:s6], [sflag:$0x1] =	stream.indirect_vreg.gather [hbm4b:s22+s1], $0x80, v3, vm0, $0xb8;
	[tilespmem:$0x1E700] =	vst v63  }
0x621: {  	v3 =	vld [tilespmem:$0x1D0];
	_ =	sdelay $0x4  }
0x622: {  	v57 =	vshll.u32 v3, $0x1  }
0x623: {  	v3 =	vand.u32 $0x7, v3;
	v4 =	vand.u32 $0xFFFFFFF0, v57  }
0x624: {  	v3 =	vor.u32 v3, v4  }
0x625: {  	v4 =	vperm.xlane v3, v0;
	_ =	sdelay $0x1  }
0x626: {  	v3 =	vperm.xlane v3, v2;
	v4 =	vadd.s32 v1, v4;
	_ =	sdelay $0x1  }
0x627: {  	v3 =	vadd.s32 v1, v3;
	_ =	sdelay $0x1  }
0x628: {  	s7 =	simm.s32 $0x9200  }
0x629: {  	[tilespmem:s7], [sflag:$0x1] =	stream.indirect_vreg.gather [hbm4b:s22+s1], $0x80, v4, vm0, $0xb8;
	[tilespmem:$0x1E700] =	vst v63  }
0x62a: {  	s23 =	simm.s32 $0x9A00  }
0x62b: {  	[tilespmem:s23], [sflag:$0x1] =	stream.indirect_vreg.gather [hbm4b:s22+s1], $0x80, v3, vm0, $0xb8;
	[tilespmem:$0x1E700] =	vst v63  }
0x62c: {  	v3 =	vld [tilespmem:$0x1E0];
	_ =	sdelay $0x4  }
0x62d: {  	v58 =	vshll.u32 v3, $0x1  }
0x62e: {  	v3 =	vand.u32 $0x7, v3;
	v4 =	vand.u32 $0xFFFFFFF0, v58  }
0x62f: {  	v3 =	vor.u32 v3, v4  }
0x630: {  	v4 =	vperm.xlane v3, v0;
	_ =	sdelay $0x1  }
0x631: {  	v3 =	vperm.xlane v3, v2;
	v4 =	vadd.s32 v1, v4;
	_ =	sdelay $0x1  }
0x632: {  	v3 =	vadd.s32 v1, v3;
	_ =	sdelay $0x1  }
0x633: {  	s24 =	simm.s32 $0xA200  }
0x634: {  	[tilespmem:s24], [sflag:$0x1] =	stream.indirect_vreg.gather [hbm4b:s22+s1], $0x80, v4, vm0, $0xb8;
	[tilespmem:$0x1E700] =	vst v63  }
0x635: {  	s26 =	simm.s32 $0xAA00  }
0x636: {  	[tilespmem:s26], [sflag:$0x1] =	stream.indirect_vreg.gather [hbm4b:s22+s1], $0x80, v3, vm0, $0xb8;
	[tilespmem:$0x1E700] =	vst v63  }
0x637: {  	v3 =	vld [tilespmem:$0x1F0];
	_ =	sdelay $0x4  }
0x638: {  	v59 =	vshll.u32 v3, $0x1  }
0x639: {  	v3 =	vand.u32 $0x7, v3;
	v4 =	vand.u32 $0xFFFFFFF0, v59  }
0x63a: {  	v3 =	vor.u32 v3, v4  }
0x63b: {  	v4 =	vperm.xlane v3, v0;
	_ =	sdelay $0x1  }
0x63c: {  	v3 =	vperm.xlane v3, v2;
	v4 =	vadd.s32 v1, v4;
	_ =	sdelay $0x1  }
0x63d: {  	v3 =	vadd.s32 v1, v3;
	_ =	sdelay $0x1  }
0x63e: {  	s2 =	simm.s32 $0xB200  }
0x63f: {  	[tilespmem:s2], [sflag:$0x1] =	stream.indirect_vreg.gather [hbm4b:s22+s1], $0x80, v4, vm0, $0xb8;
	[tilespmem:$0x1E700] =	vst v63  }
0x640: {  	s3 =	simm.s32 $0xBA00  }
0x641: {  	[tilespmem:s3], [sflag:$0x1] =	stream.indirect_vreg.gather [hbm4b:s22+s1], $0x80, v3, vm0, $0xb8;
	[tilespmem:$0x1E700] =	vst v63  }
0x642: {  	_ =	swait.ge [sflag:s5], $0x4000  }
0x643: {  	[sflag:s5] =	ssyncset.done $0x0  }
0x644: {  	s6 =	rddreg [dreg:$0x19];
	[sflag:s5] =	ssyncadd.s32 $0xFFFFC000  }
0x645: {  	[hbm4b:s6+s1] =	stream.linear.scatter [tilespmem:s28], [sflag:$0x2], $0x4000, $0x38;
	[tilespmem:$0x1E700] =	vst v63  }
0x646: {  	_ =	swait.ge [sflag:s8], $0x4000  }
0x647: {  	[sflag:s8] =	ssyncset.done $0x0  }
0x648: {  	[sflag:s8] =	ssyncadd.s32 $0xFFFFC000  }
0x649: {  	v3 =	vld [tilespmem:$0x1C0];
	_ =	sdelay $0x4  }
0x64a: {  	v60 =	vshll.u32 v3, $0x1  }
0x64b: {  	v3 =	vand.u32 $0x7, v3;
	v4 =	vand.u32 $0xFFFFFFF0, v60  }
0x64c: {  	v3 =	vor.u32 v3, v4  }
0x64d: {  	v4 =	vperm.xlane v3, v0;
	_ =	sdelay $0x1  }
0x64e: {  	v3 =	vperm.xlane v3, v2;
	v4 =	vadd.s32 v1, v4;
	_ =	sdelay $0x1  }
0x64f: {  	v3 =	vadd.s32 v1, v3;
	_ =	sdelay $0x2  }
0x650: {  	[tilespmem:s28], [sflag:$0x1] =	stream.indirect_vreg.gather [hbm4b:s25+s1], $0x80, v4, vm0, $0xb8;
	[tilespmem:$0x1E700] =	vst v63  }
0x651: {  	s7 =	simm.s32 $0xCA00  }
0x652: {  	[tilespmem:s7], [sflag:$0x1] =	stream.indirect_vreg.gather [hbm4b:s25+s1], $0x80, v3, vm0, $0xb8;
	[tilespmem:$0x1E700] =	vst v63  }
0x653: {  	v3 =	vld [tilespmem:$0x1D0];
	_ =	sdelay $0x4  }
0x654: {  	v61 =	vshll.u32 v3, $0x1  }
0x655: {  	v3 =	vand.u32 $0x7, v3;
	v4 =	vand.u32 $0xFFFFFFF0, v61  }
0x656: {  	v3 =	vor.u32 v3, v4  }
0x657: {  	v4 =	vperm.xlane v3, v0;
	_ =	sdelay $0x1  }
0x658: {  	v3 =	vperm.xlane v3, v2;
	v4 =	vadd.s32 v1, v4;
	_ =	sdelay $0x1  }
0x659: {  	v3 =	vadd.s32 v1, v3;
	_ =	sdelay $0x1  }
0x65a: {  	s30 =	simm.s32 $0xD200  }
0x65b: {  	[tilespmem:s30], [sflag:$0x1] =	stream.indirect_vreg.gather [hbm4b:s25+s1], $0x80, v4, vm0, $0xb8;
	[tilespmem:$0x1E700] =	vst v63  }
0x65c: {  	s23 =	simm.s32 $0xDA00  }
0x65d: {  	[tilespmem:s23], [sflag:$0x1] =	stream.indirect_vreg.gather [hbm4b:s25+s1], $0x80, v3, vm0, $0xb8;
	[tilespmem:$0x1E700] =	vst v63  }
0x65e: {  	v3 =	vld [tilespmem:$0x1E0];
	_ =	sdelay $0x4  }
0x65f: {  	v62 =	vshll.u32 v3, $0x1  }
0x660: {  	v3 =	vand.u32 $0x7, v3;
	v4 =	vand.u32 $0xFFFFFFF0, v62  }
0x661: {  	v3 =	vor.u32 v3, v4  }
0x662: {  	v4 =	vperm.xlane v3, v0;
	_ =	sdelay $0x1  }
0x663: {  	v3 =	vperm.xlane v3, v2;
	v4 =	vadd.s32 v1, v4;
	_ =	sdelay $0x1  }
0x664: {  	v3 =	vadd.s32 v1, v3;
	_ =	sdelay $0x1  }
0x665: {  	s31 =	simm.s32 $0xE200  }
0x666: {  	[tilespmem:s31], [sflag:$0x1] =	stream.indirect_vreg.gather [hbm4b:s25+s1], $0x80, v4, vm0, $0xb8;
	[tilespmem:$0x1E700] =	vst v63  }
0x667: {  	s24 =	simm.s32 $0xEA00  }
0x668: {  	[tilespmem:s24], [sflag:$0x1] =	stream.indirect_vreg.gather [hbm4b:s25+s1], $0x80, v3, vm0, $0xb8;
	[tilespmem:$0x1E700] =	vst v63  }
0x669: {  	v3 =	vld [tilespmem:$0x1F0];
	_ =	sdelay $0x4  }
0x66a: {  	v63 =	vshll.u32 v3, $0x1  }
0x66b: {  	v3 =	vand.u32 $0x7, v3;
	v4 =	vand.u32 $0xFFFFFFF0, v63  }
0x66c: {  	v3 =	vor.u32 v3, v4  }
0x66d: {  	v4 =	vperm.xlane v3, v0;
	_ =	sdelay $0x1  }
0x66e: {  	v3 =	vperm.xlane v3, v2;
	v4 =	vadd.s32 v1, v4;
	_ =	sdelay $0x1  }
0x66f: {  	v3 =	vadd.s32 v1, v3;
	_ =	sdelay $0x1  }
0x670: {  	s26 =	simm.s32 $0xF200  }
0x671: {  	[tilespmem:s26], [sflag:$0x1] =	stream.indirect_vreg.gather [hbm4b:s25+s1], $0x80, v4, vm0, $0xb8;
	[tilespmem:$0x1E700] =	vst v63  }
0x672: {  	s30 =	simm.s32 $0xFA00  }
0x673: {  	[tilespmem:s30], [sflag:$0x1] =	stream.indirect_vreg.gather [hbm4b:s25+s1], $0x80, v3, vm0, $0xb8;
	[tilespmem:$0x1E700] =	vst v63  }
0x674: {  	_ =	swait.ge [sflag:s5], $0x4000  }
0x675: {  	[sflag:s5] =	ssyncset.done $0x0  }
0x676: {  	s31 =	rddreg [dreg:$0x1a];
	[sflag:s5] =	ssyncadd.s32 $0xFFFFC000  }
0x677: {  	[hbm4b:s31+s1] =	stream.linear.scatter [tilespmem:s21], [sflag:$0x2], $0x4000, $0x38;
	[tilespmem:$0x1E700] =	vst v63  }
0x678: {  	_ =	swait.ge [sflag:s5], $0x4000  }
0x679: {  	[sflag:s5] =	ssyncset.done $0x0  }
0x67a: {  	s6 =	rddreg [dreg:$0x1b];
	[sflag:s5] =	ssyncadd.s32 $0xFFFFC000  }
0x67b: {  	[hbm4b:s6+s1] =	stream.linear.scatter [tilespmem:s20], [sflag:$0x2], $0x4000, $0x38;
	[tilespmem:$0x1E700] =	vst v63  }
0x67c: {  	_ =	swait.ge [sflag:s5], $0x4000  }
0x67d: {  	[sflag:s5] =	ssyncset.done $0x0  }
0x67e: {  	s7 =	rddreg [dreg:$0x1e];
	[sflag:s5] =	ssyncadd.s32 $0xFFFFC000  }
0x67f: {  	[hbm4b:s7+s1] =	stream.linear.scatter [tilespmem:s19], [sflag:$0x2], $0x4000, $0x38;
	[tilespmem:$0x1E700] =	vst v63  }
0x680: {  	_ =	swait.ge [sflag:s5], $0x4000  }
0x681: {  	[sflag:s5] =	ssyncset.done $0x0  }
0x682: {  	s23 =	rddreg [dreg:$0x1f];
	[sflag:s5] =	ssyncadd.s32 $0xFFFFC000  }
0x683: {  	[hbm4b:s23+s1] =	stream.linear.scatter [tilespmem:s29], [sflag:$0x2], $0x4000, $0x38;
	[tilespmem:$0x1E700] =	vst v63  }
0x684: {  	_ =	swait.ge [sflag:s5], $0x4000  }
0x685: {  	s24 =	sld [smem:$0x7FA]  }
0x686: {  	[sflag:s5] =	ssyncset.done $0x0  }
0x687: {  	[sflag:s5] =	ssyncadd.s32 $0xFFFFC000  }
0x688: {  	[hbm4b:s24+s1] =	stream.linear.scatter [tilespmem:s13], [sflag:$0x2], $0x4000, $0x38;
	[tilespmem:$0x1E700] =	vst v63  }
0x689: {  	_ =	swait.ge [sflag:s5], $0x4000  }
0x68a: {  	s26 =	sld [smem:$0x7FB]  }
0x68b: {  	[sflag:s5] =	ssyncset.done $0x0  }
0x68c: {  	[sflag:s5] =	ssyncadd.s32 $0xFFFFC000  }
0x68d: {  	[hbm4b:s26+s1] =	stream.linear.scatter [tilespmem:s28], [sflag:$0x2], $0x4000, $0x38;
	[tilespmem:$0x1E700] =	vst v63  }
0x68e: {  	_ =	swait.ge [sflag:s8], $0x4000  }
0x68f: {  	[sflag:s8] =	ssyncset.done $0x0  }
0x690: {  	[sflag:s8] =	ssyncadd.s32 $0xFFFFC000  }
0x691: {  	_ =	swait.ge [sflag:s8], $0x4000  }
0x692: {  	[sflag:s8] =	ssyncset.done $0x0  }
0x693: {  	[sflag:s8] =	ssyncadd.s32 $0xFFFFC000  }
0x694: {  	_ =	swait.ge [sflag:s8], $0x4000  }
0x695: {  	[sflag:s8] =	ssyncset.done $0x0  }
0x696: {  	[sflag:s8] =	ssyncadd.s32 $0xFFFFC000  }
0x697: {  	_ =	swait.ge [sflag:s8], $0x4000  }
0x698: {  	[sflag:s8] =	ssyncset.done $0x0  }
0x699: {  	[sflag:s8] =	ssyncadd.s32 $0xFFFFC000  }
0x69a: {  	_ =	swait.ge [sflag:s8], $0x4000  }
0x69b: {  	[sflag:s8] =	ssyncset.done $0x0  }
0x69c: {  	[sflag:s8] =	ssyncadd.s32 $0xFFFFC000  }
0x69d: {  	_ =	swait.ge [sflag:s8], $0x4000  }
0x69e: {  	s30 =	sld [smem:$0x7F9]  }
0x69f: {  	s31 =	sld [smem:$0x7FD];
	_ =	sdelay $0x1  }
0x6a0: {  	s7 =	sadd.s32 $0x1, s30  }
0x6a1: {  	p0 =	sne.s32 s7, s31  }
.Ltmp8:
0x6a2: {  	_ = 	snop;
	(pc) =	sbr.rel @p0 .LBB2_1-.Ltmp8, $3  }
0x6a3: {  	_ =	sdelay $0x1  }
0x6a4: {  	s4 =	simm.s32 $0x3;
	s2 =	simm.s32 $0x80;
	[sflag:s8] =	ssyncset.done $0x0  }
0x6a5: {  	s3 =	simm.s32 $0x400;
	s6 =	simm.s32 $0x1C700;
	[sflag:s8] =	ssyncadd.s32 $0xFFFFC000  }
0x6a6: {  	_ =	sfence.sel $0x180000  }
0x6a7: {  	[bflag:$0x0] =	sbarrier.arrive $0xFFFF  }
0x6a8: {  	_ =	strace $0x90000047  }
0x6a9: {  	s0 =	stileid.u32;
	[bflag:$0x2] =	sbarrier.arrive $0xFFFF  }
0x6aa: {  	p0 =	sne.s32 s0, $0x0;
	s0 =	rddreg [dreg:$0x7]  }
0x6ab: {  	s0 =	sadd.s32 @!p0 $0x100000, s0  }
0x6ac: {  	[sflag:s0] =	ssyncadd.tile.s32 @!p0 $0x1;
	_ =	shalt  }
.Lfunc_end2:
_tile_overlayer_lowered:
.L_overlay_start_2:
0x6ad: {  	(tag) =	ssettag $0x2  }
0x6ae: {  	s0 =	rddreg [dreg:$0x0];
	s2 =	stileid.u32  }
0x6af: {  	s1 =	rddreg [dreg:$0x1];
	p0 =	sne.s32 s2, $0x0  }
0x6b0: {  	s3 =	rddreg [dreg:$0x2];
	[bflag:$0x3] =	sbarrier.arrive $0xFFFF;
	s2 =	simm.s32 @!p0 $0x1C01  }
0x6b1: {  	[timem:s3], [sflag:s2] =	dma.local @!p0 [hbm:s0], s1  }
0x6b2: {  	s0 =	simm.s32 @!p0 $0x1  }
0x6b3: {  	_ =	swait.ge @!p0 [sflag:s0], s1  }
0x6b4: {  	s1 =	ssub.s32 @!p0 $0x0, s1;
	[sflag:s0] =	ssyncset.done @!p0 $0x0  }
0x6b5: {  	[sflag:s0] =	ssyncadd.s32 @!p0 s1  }
0x6b6: {  	[bflag:$0x3] =	sbarrier.arrive $0xFFFF  }
0x6b7: {  	_ =	shalt  }

</sc_bundles>
